<compile_context>
chip_gen: v7x
topology: tpu7x:2x2x1
jax: 0.10.2.dev20260603
libtpu: 0.0.44.dev20260713+nightly
codegen_flags: <defaults>
</compile_context>

<pallas_src>
import numpy as np
import jax
import jax.numpy as jnp
from jax import lax
from jax.experimental import pallas as pl
from jax.experimental.pallas import tpu as pltpu
from jax.experimental.pallas import tpu_sc as plsc


_N = 26
_P = 120
_F = 640
_B = 1024
_NC, _NS = 2, 16
_NW = _NC * _NS
_BPW = _B // _NW
_ROW_IN = _N * _F
_ROW_OUT = _P * _F
_K = 4
_D = 2
_DRAIN_CHUNK = 15360


def _src_row(p):
    r = lax.div(p, 3)
    k = p - 3 * r
    q = p - 60
    qd = lax.div(q, 3)
    j_mid = jnp.where(k == 0, 6, jnp.where(k == 1, 7, r + 6))
    j_cross = (q - 3 * qd) * 3 + qd
    j_tail = jnp.where(k == 0, 2, jnp.where(k == 1, 5, r - 14))
    return jnp.where(
        p < 6, p,
        jnp.where(p < 60, j_mid, jnp.where(p < 66, j_cross, j_tail)))


def _fire_batch(in_buf, slot, out_hbm, b, sem):
    def fire_one(p, carry):
        j = _src_row(p)
        src_off = pl.multiple_of(j * _F, 128)
        dst_off = pl.multiple_of(p * _F, 128)
        pltpu.make_async_copy(
            in_buf.at[slot, pl.ds(src_off, _F)],
            out_hbm.at[b, pl.ds(dst_off, _F)],
            sem,
        ).start()
        return carry

    lax.fori_loop(0, _P, fire_one, 0)


def _drain_batch(in_buf, out_hbm, sem):
    for _ in range(_ROW_OUT // _DRAIN_CHUNK):
        pltpu.make_async_copy(
            out_hbm.at[0, pl.ds(0, _DRAIN_CHUNK)],
            in_buf.at[0, pl.ds(0, _DRAIN_CHUNK)],
            sem,
        ).wait()


def _sc_body(x_hbm, out_hbm, in_buf, *sems):
    sem_in = sems[:_K]
    sem_out = sems[_K:]
    wid = lax.axis_index("s") * _NC + lax.axis_index("c")
    base = wid * _BPW
    pltpu.make_async_copy(x_hbm.at[base], in_buf.at[0], sem_in[0]).start()
    pltpu.make_async_copy(x_hbm.at[base], in_buf.at[0], sem_in[0]).wait()

    def group(g, carry):
        for s in range(_K):
            i = _K * g + s
            b = base + i
            sd = (s + _D) % _K

            _fire_batch(in_buf, 0, out_hbm, b, sem_out[s])
        return carry

    lax.fori_loop(0, _BPW // _K, group, 0)
    for s in range(_K):
        for _ in range(_BPW // _K):
            _drain_batch(in_buf, out_hbm, sem_out[s])


def kernel(x):
    b, n, s, d = x.shape
    assert n == _N and s * d == _F and b == _B
    x2 = x.reshape(b, n * s * d)
    mesh = plsc.VectorSubcoreMesh(
        core_axis_name="c", subcore_axis_name="s",
        num_cores=_NC, num_subcores=_NS,
    )
    out2 = pl.kernel(
        _sc_body,
        out_type=jax.ShapeDtypeStruct((b, _ROW_OUT), jnp.float32),
        mesh=mesh,
        scratch_types=(
            [pltpu.VMEM((_K, _ROW_IN), jnp.float32)]
            + [pltpu.SemaphoreType.DMA] * (2 * _K)
        ),
    )(x2)
    return out2.reshape(b, _P // 3, 3, s, d)

# --- scband reference (transcript-rebuilt; emitter-appended) ---
"""Pipeline reference for scband-recat-70703751626844 (READ-ONLY COPY).

The authoritative reference and input builder live on the scoring server;
editing this copy changes nothing except your own understanding.
"""

import jax, jax.numpy as jnp
import numpy as np


def _build_idx(n):
    idx = [[0, 1, 2], [3, 4, 5]]
    idx += [[6, 7, i] for i in range(8, n)]
    idx += [[0, 3, 6], [1, 4, 7]]
    idx += [[2, 5, i] for i in range(8, n)]
    return np.array(idx, dtype=np.int32)


def setup_inputs(seed: int = 0) -> dict:
    key = jax.random.key(seed)
    x = jax.random.normal(key, (1024, 26, 20, 32), dtype=jnp.float32)
    return {"x": x}


def reference(x):
    b, n, s, d = x.shape
    m = n - 8
    idx = jnp.asarray(_build_idx(n))
    out = jnp.take(x, idx, axis=1)  # [b, 2m+4, 3, s, d]
    return out.reshape(b, int(2 * m + 4), 3, s, d)

if __name__ == "__main__":
    import jax
    _d = setup_inputs()
    print(jax.jit(kernel)(*tuple(_d.values())))

</pallas_src>

<mosaic_0001>
#map = affine_map<(d0, d1) -> (0, 0)>
module attributes {stable_mosaic.version = 14 : i64} {
  func.func @_sc_body(%arg0: i32, %arg1: i32, %arg2: memref<1024x16640xf32, #tpu.memory_space<hbm>>, %arg3: memref<1024x76800xf32, #tpu.memory_space<hbm>>, %arg4: memref<4x16640xf32, #tpu.memory_space<vmem>>, %arg5: memref<!tpu.dma_semaphore, #tpu.memory_space<semaphore_mem>>, %arg6: memref<!tpu.dma_semaphore, #tpu.memory_space<semaphore_mem>>, %arg7: memref<!tpu.dma_semaphore, #tpu.memory_space<semaphore_mem>>, %arg8: memref<!tpu.dma_semaphore, #tpu.memory_space<semaphore_mem>>, %arg9: memref<!tpu.dma_semaphore, #tpu.memory_space<semaphore_mem>>, %arg10: memref<!tpu.dma_semaphore, #tpu.memory_space<semaphore_mem>>, %arg11: memref<!tpu.dma_semaphore, #tpu.memory_space<semaphore_mem>>, %arg12: memref<!tpu.dma_semaphore, #tpu.memory_space<semaphore_mem>>) attributes {dimension_semantics = [#tpu.dimension_semantics<core_parallel>, #tpu.dimension_semantics<subcore_parallel>], iteration_bounds = array<i64: 2, 16>, scalar_prefetch = 0 : i64, scratch_operands = 9 : i64, tpu.core_type = #tpu.core_type<sc_vector_subcore>, window_params = [{transform_indices = #map}, {transform_indices = #map}]} {
    %mul3A = arith.constant 2 : i32
    %mul3A_0 = arith.muli %arg1, %mul3A : i32
    %add3A = arith.addi %mul3A_0, %arg0 : i32
    %mul3A_1 = arith.constant 32 : i32
    %mul3A_2 = arith.muli %add3A, %mul3A_1 : i32
    %dma_start3A = arith.constant 0 : i32
    %dma_start3A_3 = arith.constant 0 : i32
    %dma_start3A_4 = tpu.memref_slice %arg4[%dma_start3A, %dma_start3A_3] : memref<4x16640xf32, #tpu.memory_space<vmem>> -> memref<1x16640xf32, #tpu.memory_space<vmem>>
    %dma_start3A_5 = tpu.memref_squeeze %dma_start3A_4 : memref<1x16640xf32, #tpu.memory_space<vmem>> -> memref<16640xf32, #tpu.memory_space<vmem>>
    %dma_start3A_6 = arith.constant 0 : i32
    %dma_start3A_7 = tpu.memref_slice %arg2[%mul3A_2, %dma_start3A_6] : memref<1024x16640xf32, #tpu.memory_space<hbm>> -> memref<1x16640xf32, #tpu.memory_space<hbm>>
    %dma_start3A_8 = tpu.memref_squeeze %dma_start3A_7 : memref<1x16640xf32, #tpu.memory_space<hbm>> -> memref<16640xf32, #tpu.memory_space<hbm>>
    %dma_start3A_9 = arith.constant 0 : i32
    %dma_start3A_10 = tpu.memref_slice %arg4[%dma_start3A, %dma_start3A_9] : memref<4x16640xf32, #tpu.memory_space<vmem>> -> memref<1x16640xf32, #tpu.memory_space<vmem>>
    %dma_start3A_11 = tpu.memref_squeeze %dma_start3A_10 : memref<1x16640xf32, #tpu.memory_space<vmem>> -> memref<16640xf32, #tpu.memory_space<vmem>>
    %dma_start3A_12 = arith.constant 0 : i32
    %dma_start3A_13 = tpu.memref_slice %arg2[%mul3A_2, %dma_start3A_12] : memref<1024x16640xf32, #tpu.memory_space<hbm>> -> memref<1x16640xf32, #tpu.memory_space<hbm>>
    %dma_start3A_14 = tpu.memref_squeeze %dma_start3A_13 : memref<1x16640xf32, #tpu.memory_space<hbm>> -> memref<16640xf32, #tpu.memory_space<hbm>>
    tpu.enqueue_dma source(%dma_start3A_14 : memref<16640xf32, #tpu.memory_space<hbm>>) target(%dma_start3A_11 : memref<16640xf32, #tpu.memory_space<vmem>>) target_semaphore(%arg5 : memref<!tpu.dma_semaphore, #tpu.memory_space<semaphore_mem>>)
    %dma_wait3A = arith.constant 0 : i32
    %dma_wait3A_15 = arith.constant 0 : i32
    %dma_wait3A_16 = tpu.memref_slice %arg4[%dma_wait3A, %dma_wait3A_15] : memref<4x16640xf32, #tpu.memory_space<vmem>> -> memref<1x16640xf32, #tpu.memory_space<vmem>>
    %dma_wait3A_17 = tpu.memref_squeeze %dma_wait3A_16 : memref<1x16640xf32, #tpu.memory_space<vmem>> -> memref<16640xf32, #tpu.memory_space<vmem>>
    %dma_wait3A_18 = arith.constant 0 : i32
    %dma_wait3A_19 = tpu.memref_slice %arg2[%mul3A_2, %dma_wait3A_18] : memref<1024x16640xf32, #tpu.memory_space<hbm>> -> memref<1x16640xf32, #tpu.memory_space<hbm>>
    %dma_wait3A_20 = tpu.memref_squeeze %dma_wait3A_19 : memref<1x16640xf32, #tpu.memory_space<hbm>> -> memref<16640xf32, #tpu.memory_space<hbm>>
    %dma_wait3A_21 = arith.constant 0 : i32
    %dma_wait3A_22 = tpu.memref_slice %arg4[%dma_wait3A, %dma_wait3A_21] : memref<4x16640xf32, #tpu.memory_space<vmem>> -> memref<1x16640xf32, #tpu.memory_space<vmem>>
    %dma_wait3A_23 = tpu.memref_squeeze %dma_wait3A_22 : memref<1x16640xf32, #tpu.memory_space<vmem>> -> memref<16640xf32, #tpu.memory_space<vmem>>
    %dma_wait3A_24 = arith.constant 0 : i32
    %dma_wait3A_25 = tpu.memref_slice %arg2[%mul3A_2, %dma_wait3A_24] : memref<1024x16640xf32, #tpu.memory_space<hbm>> -> memref<1x16640xf32, #tpu.memory_space<hbm>>
    %dma_wait3A_26 = tpu.memref_squeeze %dma_wait3A_25 : memref<1x16640xf32, #tpu.memory_space<hbm>> -> memref<16640xf32, #tpu.memory_space<hbm>>
    tpu.wait_dma2 semaphore(%arg5 : memref<!tpu.dma_semaphore, #tpu.memory_space<semaphore_mem>>) src(%dma_wait3A_26 : memref<16640xf32, #tpu.memory_space<hbm>>) dst(%dma_wait3A_23 : memref<16640xf32, #tpu.memory_space<vmem>>)
    %scan3A = arith.constant 0 : i32
    %scan3A_27 = arith.constant 0 : i32
    %scan3A_28 = arith.constant 8 : i32
    %scan3A_29 = arith.addi %scan3A_27, %scan3A_28 : i32
    %scan3A_30 = arith.constant 1 : i32
    scf.for %scan3A_2272 = %scan3A_27 to %scan3A_29 step %scan3A_30  : i32 {
      %mul3A_2273 = arith.constant 4 : i32
      %mul3A_2274 = arith.muli %mul3A_2273, %scan3A_2272 : i32
      %add3A_2275 = arith.constant 0 : i32
      %add3A_2276 = arith.addi %mul3A_2274, %add3A_2275 : i32
      %add3A_2277 = arith.addi %mul3A_2, %add3A_2276 : i32
      %scan3A_2278 = arith.constant 0 : i32
      %scan3A_2279 = arith.constant 0 : i32
      %scan3A_2280 = arith.constant 120 : i32
      %scan3A_2281 = arith.addi %scan3A_2279, %scan3A_2280 : i32
      %scan3A_2282 = arith.constant 1 : i32
      scf.for %scan3A_2317 = %scan3A_2279 to %scan3A_2281 step %scan3A_2282  : i32 {
        %div3A = arith.constant 3 : i32
        %div3A_2318 = arith.divsi %scan3A_2317, %div3A : i32
        %mul3A_2319 = arith.constant 3 : i32
        %mul3A_2320 = arith.muli %mul3A_2319, %div3A_2318 : i32
        %sub3A = arith.subi %scan3A_2317, %mul3A_2320 : i32
        %sub3A_2321 = arith.constant 60 : i32
        %sub3A_2322 = arith.subi %scan3A_2317, %sub3A_2321 : i32
        %div3A_2323 = arith.constant 3 : i32
        %div3A_2324 = arith.divsi %sub3A_2322, %div3A_2323 : i32
        %eq3A = arith.constant 0 : i32
        %eq3A_2325 = arith.cmpi eq, %sub3A, %eq3A : i32
        %eq3A_2326 = arith.constant 1 : i32
        %eq3A_2327 = arith.cmpi eq, %sub3A, %eq3A_2326 : i32
        %add3A_2328 = arith.constant 6 : i32
        %add3A_2329 = arith.addi %div3A_2318, %add3A_2328 : i32
        %jit3A = arith.constant 7 : i32
        %select_n3A = arith.select %eq3A_2327, %jit3A, %add3A_2329 : i32
        %jit3A_2330 = arith.constant 6 : i32
        %select_n3A_2331 = arith.select %eq3A_2325, %jit3A_2330, %select_n3A : i32
        %mul3A_2332 = arith.constant 3 : i32
        %mul3A_2333 = arith.muli %mul3A_2332, %div3A_2324 : i32
        %sub3A_2334 = arith.subi %sub3A_2322, %mul3A_2333 : i32
        %mul3A_2335 = arith.constant 3 : i32
        %mul3A_2336 = arith.muli %sub3A_2334, %mul3A_2335 : i32
        %add3A_2337 = arith.addi %mul3A_2336, %div3A_2324 : i32
        %eq3A_2338 = arith.constant 0 : i32
        %eq3A_2339 = arith.cmpi eq, %sub3A, %eq3A_2338 : i32
        %eq3A_2340 = arith.constant 1 : i32
        %eq3A_2341 = arith.cmpi eq, %sub3A, %eq3A_2340 : i32
        %sub3A_2342 = arith.constant 14 : i32
        %sub3A_2343 = arith.subi %div3A_2318, %sub3A_2342 : i32
        %jit3A_2344 = arith.constant 5 : i32
        %select_n3A_2345 = arith.select %eq3A_2341, %jit3A_2344, %sub3A_2343 : i32
        %jit3A_2346 = arith.constant 2 : i32
        %select_n3A_2347 = arith.select %eq3A_2339, %jit3A_2346, %select_n3A_2345 : i32
        %lt3A = arith.constant 6 : i32
        %lt3A_2348 = arith.cmpi slt, %scan3A_2317, %lt3A : i32
        %lt3A_2349 = arith.constant 60 : i32
        %lt3A_2350 = arith.cmpi slt, %scan3A_2317, %lt3A_2349 : i32
        %lt3A_2351 = arith.constant 66 : i32
        %lt3A_2352 = arith.cmpi slt, %scan3A_2317, %lt3A_2351 : i32
        %select_n3A_2353 = arith.select %lt3A_2352, %add3A_2337, %select_n3A_2347 : i32
        %select_n3A_2354 = arith.select %lt3A_2350, %select_n3A_2331, %select_n3A_2353 : i32
        %select_n3A_2355 = arith.select %lt3A_2348, %scan3A_2317, %select_n3A_2354 : i32
        %mul3A_2356 = arith.constant 640 : i32
        %mul3A_2357 = arith.muli %select_n3A_2355, %mul3A_2356 : i32
        %multiple_of3A = tpu.assume_multiple %mul3A_2357, 128 : i32
        %mul3A_2358 = arith.constant 640 : i32
        %mul3A_2359 = arith.muli %scan3A_2317, %mul3A_2358 : i32
        %multiple_of3A_2360 = tpu.assume_multiple %mul3A_2359, 128 : i32
        %dma_start3A_2361 = arith.constant 0 : i32
        %dma_start3A_2362 = tpu.memref_slice %arg4[%dma_start3A_2361, %multiple_of3A] : memref<4x16640xf32, #tpu.memory_space<vmem>> -> memref<1x640xf32, #tpu.memory_space<vmem>>
        %dma_start3A_2363 = tpu.memref_squeeze %dma_start3A_2362 : memref<1x640xf32, #tpu.memory_space<vmem>> -> memref<640xf32, #tpu.memory_space<vmem>>
        %dma_start3A_2364 = tpu.memref_slice %arg3[%add3A_2277, %multiple_of3A_2360] : memref<1024x76800xf32, #tpu.memory_space<hbm>> -> memref<1x640xf32, #tpu.memory_space<hbm>>
        %dma_start3A_2365 = tpu.memref_squeeze %dma_start3A_2364 : memref<1x640xf32, #tpu.memory_space<hbm>> -> memref<640xf32, #tpu.memory_space<hbm>>
        %dma_start3A_2366 = tpu.memref_slice %arg3[%add3A_2277, %multiple_of3A_2360] : memref<1024x76800xf32, #tpu.memory_space<hbm>> -> memref<1x640xf32, #tpu.memory_space<hbm>>
        %dma_start3A_2367 = tpu.memref_squeeze %dma_start3A_2366 : memref<1x640xf32, #tpu.memory_space<hbm>> -> memref<640xf32, #tpu.memory_space<hbm>>
        %dma_start3A_2368 = tpu.memref_slice %arg4[%dma_start3A_2361, %multiple_of3A] : memref<4x16640xf32, #tpu.memory_space<vmem>> -> memref<1x640xf32, #tpu.memory_space<vmem>>
        %dma_start3A_2369 = tpu.memref_squeeze %dma_start3A_2368 : memref<1x640xf32, #tpu.memory_space<vmem>> -> memref<640xf32, #tpu.memory_space<vmem>>
        tpu.enqueue_dma source(%dma_start3A_2369 : memref<640xf32, #tpu.memory_space<vmem>>) target(%dma_start3A_2367 : memref<640xf32, #tpu.memory_space<hbm>>) target_semaphore(%arg9 : memref<!tpu.dma_semaphore, #tpu.memory_space<semaphore_mem>>)
      }
      %scan3A_2283 = arith.constant 120 : i32
      %mul3A_2284 = arith.constant 4 : i32
      %mul3A_2285 = arith.muli %mul3A_2284, %scan3A_2272 : i32
      %add3A_2286 = arith.constant 1 : i32
      %add3A_2287 = arith.addi %mul3A_2285, %add3A_2286 : i32
      %add3A_2288 = arith.addi %mul3A_2, %add3A_2287 : i32
      %scan3A_2289 = arith.constant 0 : i32
      %scan3A_2290 = arith.constant 0 : i32
      %scan3A_2291 = arith.constant 120 : i32
      %scan3A_2292 = arith.addi %scan3A_2290, %scan3A_2291 : i32
      %scan3A_2293 = arith.constant 1 : i32
      scf.for %scan3A_2317 = %scan3A_2290 to %scan3A_2292 step %scan3A_2293  : i32 {
        %div3A = arith.constant 3 : i32
        %div3A_2318 = arith.divsi %scan3A_2317, %div3A : i32
        %mul3A_2319 = arith.constant 3 : i32
        %mul3A_2320 = arith.muli %mul3A_2319, %div3A_2318 : i32
        %sub3A = arith.subi %scan3A_2317, %mul3A_2320 : i32
        %sub3A_2321 = arith.constant 60 : i32
        %sub3A_2322 = arith.subi %scan3A_2317, %sub3A_2321 : i32
        %div3A_2323 = arith.constant 3 : i32
        %div3A_2324 = arith.divsi %sub3A_2322, %div3A_2323 : i32
        %eq3A = arith.constant 0 : i32
        %eq3A_2325 = arith.cmpi eq, %sub3A, %eq3A : i32
        %eq3A_2326 = arith.constant 1 : i32
        %eq3A_2327 = arith.cmpi eq, %sub3A, %eq3A_2326 : i32
        %add3A_2328 = arith.constant 6 : i32
        %add3A_2329 = arith.addi %div3A_2318, %add3A_2328 : i32
        %jit3A = arith.constant 7 : i32
        %select_n3A = arith.select %eq3A_2327, %jit3A, %add3A_2329 : i32
        %jit3A_2330 = arith.constant 6 : i32
        %select_n3A_2331 = arith.select %eq3A_2325, %jit3A_2330, %select_n3A : i32
        %mul3A_2332 = arith.constant 3 : i32
        %mul3A_2333 = arith.muli %mul3A_2332, %div3A_2324 : i32
        %sub3A_2334 = arith.subi %sub3A_2322, %mul3A_2333 : i32
        %mul3A_2335 = arith.constant 3 : i32
        %mul3A_2336 = arith.muli %sub3A_2334, %mul3A_2335 : i32
        %add3A_2337 = arith.addi %mul3A_2336, %div3A_2324 : i32
        %eq3A_2338 = arith.constant 0 : i32
        %eq3A_2339 = arith.cmpi eq, %sub3A, %eq3A_2338 : i32
        %eq3A_2340 = arith.constant 1 : i32
        %eq3A_2341 = arith.cmpi eq, %sub3A, %eq3A_2340 : i32
        %sub3A_2342 = arith.constant 14 : i32
        %sub3A_2343 = arith.subi %div3A_2318, %sub3A_2342 : i32
        %jit3A_2344 = arith.constant 5 : i32
        %select_n3A_2345 = arith.select %eq3A_2341, %jit3A_2344, %sub3A_2343 : i32
        %jit3A_2346 = arith.constant 2 : i32
        %select_n3A_2347 = arith.select %eq3A_2339, %jit3A_2346, %select_n3A_2345 : i32
        %lt3A = arith.constant 6 : i32
        %lt3A_2348 = arith.cmpi slt, %scan3A_2317, %lt3A : i32
        %lt3A_2349 = arith.constant 60 : i32
        %lt3A_2350 = arith.cmpi slt, %scan3A_2317, %lt3A_2349 : i32
        %lt3A_2351 = arith.constant 66 : i32
        %lt3A_2352 = arith.cmpi slt, %scan3A_2317, %lt3A_2351 : i32
        %select_n3A_2353 = arith.select %lt3A_2352, %add3A_2337, %select_n3A_2347 : i32
        %select_n3A_2354 = arith.select %lt3A_2350, %select_n3A_2331, %select_n3A_2353 : i32
        %select_n3A_2355 = arith.select %lt3A_2348, %scan3A_2317, %select_n3A_2354 : i32
        %mul3A_2356 = arith.constant 640 : i32
        %mul3A_2357 = arith.muli %select_n3A_2355, %mul3A_2356 : i32
        %multiple_of3A = tpu.assume_multiple %mul3A_2357, 128 : i32
        %mul3A_2358 = arith.constant 640 : i32
        %mul3A_2359 = arith.muli %scan3A_2317, %mul3A_2358 : i32
        %multiple_of3A_2360 = tpu.assume_multiple %mul3A_2359, 128 : i32
        %dma_start3A_2361 = arith.constant 0 : i32
        %dma_start3A_2362 = tpu.memref_slice %arg4[%dma_start3A_2361, %multiple_of3A] : memref<4x16640xf32, #tpu.memory_space<vmem>> -> memref<1x640xf32, #tpu.memory_space<vmem>>
        %dma_start3A_2363 = tpu.memref_squeeze %dma_start3A_2362 : memref<1x640xf32, #tpu.memory_space<vmem>> -> memref<640xf32, #tpu.memory_space<vmem>>
        %dma_start3A_2364 = tpu.memref_slice %arg3[%add3A_2288, %multiple_of3A_2360] : memref<1024x76800xf32, #tpu.memory_space<hbm>> -> memref<1x640xf32, #tpu.memory_space<hbm>>
        %dma_start3A_2365 = tpu.memref_squeeze %dma_start3A_2364 : memref<1x640xf32, #tpu.memory_space<hbm>> -> memref<640xf32, #tpu.memory_space<hbm>>
        %dma_start3A_2366 = tpu.memref_slice %arg3[%add3A_2288, %multiple_of3A_2360] : memref<1024x76800xf32, #tpu.memory_space<hbm>> -> memref<1x640xf32, #tpu.memory_space<hbm>>
        %dma_start3A_2367 = tpu.memref_squeeze %dma_start3A_2366 : memref<1x640xf32, #tpu.memory_space<hbm>> -> memref<640xf32, #tpu.memory_space<hbm>>
        %dma_start3A_2368 = tpu.memref_slice %arg4[%dma_start3A_2361, %multiple_of3A] : memref<4x16640xf32, #tpu.memory_space<vmem>> -> memref<1x640xf32, #tpu.memory_space<vmem>>
        %dma_start3A_2369 = tpu.memref_squeeze %dma_start3A_2368 : memref<1x640xf32, #tpu.memory_space<vmem>> -> memref<640xf32, #tpu.memory_space<vmem>>
        tpu.enqueue_dma source(%dma_start3A_2369 : memref<640xf32, #tpu.memory_space<vmem>>) target(%dma_start3A_2367 : memref<640xf32, #tpu.memory_space<hbm>>) target_semaphore(%arg10 : memref<!tpu.dma_semaphore, #tpu.memory_space<semaphore_mem>>)
      }
      %scan3A_2294 = arith.constant 120 : i32
      %mul3A_2295 = arith.constant 4 : i32
      %mul3A_2296 = arith.muli %mul3A_2295, %scan3A_2272 : i32
      %add3A_2297 = arith.constant 2 : i32
      %add3A_2298 = arith.addi %mul3A_2296, %add3A_2297 : i32
      %add3A_2299 = arith.addi %mul3A_2, %add3A_2298 : i32
      %scan3A_2300 = arith.constant 0 : i32
      %scan3A_2301 = arith.constant 0 : i32
      %scan3A_2302 = arith.constant 120 : i32
      %scan3A_2303 = arith.addi %scan3A_2301, %scan3A_2302 : i32
      %scan3A_2304 = arith.constant 1 : i32
      scf.for %scan3A_2317 = %scan3A_2301 to %scan3A_2303 step %scan3A_2304  : i32 {
        %div3A = arith.constant 3 : i32
        %div3A_2318 = arith.divsi %scan3A_2317, %div3A : i32
        %mul3A_2319 = arith.constant 3 : i32
        %mul3A_2320 = arith.muli %mul3A_2319, %div3A_2318 : i32
        %sub3A = arith.subi %scan3A_2317, %mul3A_2320 : i32
        %sub3A_2321 = arith.constant 60 : i32
        %sub3A_2322 = arith.subi %scan3A_2317, %sub3A_2321 : i32
        %div3A_2323 = arith.constant 3 : i32
        %div3A_2324 = arith.divsi %sub3A_2322, %div3A_2323 : i32
        %eq3A = arith.constant 0 : i32
        %eq3A_2325 = arith.cmpi eq, %sub3A, %eq3A : i32
        %eq3A_2326 = arith.constant 1 : i32
        %eq3A_2327 = arith.cmpi eq, %sub3A, %eq3A_2326 : i32
        %add3A_2328 = arith.constant 6 : i32
        %add3A_2329 = arith.addi %div3A_2318, %add3A_2328 : i32
        %jit3A = arith.constant 7 : i32
        %select_n3A = arith.select %eq3A_2327, %jit3A, %add3A_2329 : i32
        %jit3A_2330 = arith.constant 6 : i32
        %select_n3A_2331 = arith.select %eq3A_2325, %jit3A_2330, %select_n3A : i32
        %mul3A_2332 = arith.constant 3 : i32
        %mul3A_2333 = arith.muli %mul3A_2332, %div3A_2324 : i32
        %sub3A_2334 = arith.subi %sub3A_2322, %mul3A_2333 : i32
        %mul3A_2335 = arith.constant 3 : i32
        %mul3A_2336 = arith.muli %sub3A_2334, %mul3A_2335 : i32
        %add3A_2337 = arith.addi %mul3A_2336, %div3A_2324 : i32
        %eq3A_2338 = arith.constant 0 : i32
        %eq3A_2339 = arith.cmpi eq, %sub3A, %eq3A_2338 : i32
        %eq3A_2340 = arith.constant 1 : i32
        %eq3A_2341 = arith.cmpi eq, %sub3A, %eq3A_2340 : i32
        %sub3A_2342 = arith.constant 14 : i32
        %sub3A_2343 = arith.subi %div3A_2318, %sub3A_2342 : i32
        %jit3A_2344 = arith.constant 5 : i32
        %select_n3A_2345 = arith.select %eq3A_2341, %jit3A_2344, %sub3A_2343 : i32
        %jit3A_2346 = arith.constant 2 : i32
        %select_n3A_2347 = arith.select %eq3A_2339, %jit3A_2346, %select_n3A_2345 : i32
        %lt3A = arith.constant 6 : i32
        %lt3A_2348 = arith.cmpi slt, %scan3A_2317, %lt3A : i32
        %lt3A_2349 = arith.constant 60 : i32
        %lt3A_2350 = arith.cmpi slt, %scan3A_2317, %lt3A_2349 : i32
        %lt3A_2351 = arith.constant 66 : i32
        %lt3A_2352 = arith.cmpi slt, %scan3A_2317, %lt3A_2351 : i32
        %select_n3A_2353 = arith.select %lt3A_2352, %add3A_2337, %select_n3A_2347 : i32
        %select_n3A_2354 = arith.select %lt3A_2350, %select_n3A_2331, %select_n3A_2353 : i32
        %select_n3A_2355 = arith.select %lt3A_2348, %scan3A_2317, %select_n3A_2354 : i32
        %mul3A_2356 = arith.constant 640 : i32
        %mul3A_2357 = arith.muli %select_n3A_2355, %mul3A_2356 : i32
        %multiple_of3A = tpu.assume_multiple %mul3A_2357, 128 : i32
        %mul3A_2358 = arith.constant 640 : i32
        %mul3A_2359 = arith.muli %scan3A_2317, %mul3A_2358 : i32
        %multiple_of3A_2360 = tpu.assume_multiple %mul3A_2359, 128 : i32
        %dma_start3A_2361 = arith.constant 0 : i32
        %dma_start3A_2362 = tpu.memref_slice %arg4[%dma_start3A_2361, %multiple_of3A] : memref<4x16640xf32, #tpu.memory_space<vmem>> -> memref<1x640xf32, #tpu.memory_space<vmem>>
        %dma_start3A_2363 = tpu.memref_squeeze %dma_start3A_2362 : memref<1x640xf32, #tpu.memory_space<vmem>> -> memref<640xf32, #tpu.memory_space<vmem>>
        %dma_start3A_2364 = tpu.memref_slice %arg3[%add3A_2299, %multiple_of3A_2360] : memref<1024x76800xf32, #tpu.memory_space<hbm>> -> memref<1x640xf32, #tpu.memory_space<hbm>>
        %dma_start3A_2365 = tpu.memref_squeeze %dma_start3A_2364 : memref<1x640xf32, #tpu.memory_space<hbm>> -> memref<640xf32, #tpu.memory_space<hbm>>
        %dma_start3A_2366 = tpu.memref_slice %arg3[%add3A_2299, %multiple_of3A_2360] : memref<1024x76800xf32, #tpu.memory_space<hbm>> -> memref<1x640xf32, #tpu.memory_space<hbm>>
        %dma_start3A_2367 = tpu.memref_squeeze %dma_start3A_2366 : memref<1x640xf32, #tpu.memory_space<hbm>> -> memref<640xf32, #tpu.memory_space<hbm>>
        %dma_start3A_2368 = tpu.memref_slice %arg4[%dma_start3A_2361, %multiple_of3A] : memref<4x16640xf32, #tpu.memory_space<vmem>> -> memref<1x640xf32, #tpu.memory_space<vmem>>
        %dma_start3A_2369 = tpu.memref_squeeze %dma_start3A_2368 : memref<1x640xf32, #tpu.memory_space<vmem>> -> memref<640xf32, #tpu.memory_space<vmem>>
        tpu.enqueue_dma source(%dma_start3A_2369 : memref<640xf32, #tpu.memory_space<vmem>>) target(%dma_start3A_2367 : memref<640xf32, #tpu.memory_space<hbm>>) target_semaphore(%arg11 : memref<!tpu.dma_semaphore, #tpu.memory_space<semaphore_mem>>)
      }
      %scan3A_2305 = arith.constant 120 : i32
      %mul3A_2306 = arith.constant 4 : i32
      %mul3A_2307 = arith.muli %mul3A_2306, %scan3A_2272 : i32
      %add3A_2308 = arith.constant 3 : i32
      %add3A_2309 = arith.addi %mul3A_2307, %add3A_2308 : i32
      %add3A_2310 = arith.addi %mul3A_2, %add3A_2309 : i32
      %scan3A_2311 = arith.constant 0 : i32
      %scan3A_2312 = arith.constant 0 : i32
      %scan3A_2313 = arith.constant 120 : i32
      %scan3A_2314 = arith.addi %scan3A_2312, %scan3A_2313 : i32
      %scan3A_2315 = arith.constant 1 : i32
      scf.for %scan3A_2317 = %scan3A_2312 to %scan3A_2314 step %scan3A_2315  : i32 {
        %div3A = arith.constant 3 : i32
        %div3A_2318 = arith.divsi %scan3A_2317, %div3A : i32
        %mul3A_2319 = arith.constant 3 : i32
        %mul3A_2320 = arith.muli %mul3A_2319, %div3A_2318 : i32
        %sub3A = arith.subi %scan3A_2317, %mul3A_2320 : i32
        %sub3A_2321 = arith.constant 60 : i32
        %sub3A_2322 = arith.subi %scan3A_2317, %sub3A_2321 : i32
        %div3A_2323 = arith.constant 3 : i32
        %div3A_2324 = arith.divsi %sub3A_2322, %div3A_2323 : i32
        %eq3A = arith.constant 0 : i32
        %eq3A_2325 = arith.cmpi eq, %sub3A, %eq3A : i32
        %eq3A_2326 = arith.constant 1 : i32
        %eq3A_2327 = arith.cmpi eq, %sub3A, %eq3A_2326 : i32
        %add3A_2328 = arith.constant 6 : i32
        %add3A_2329 = arith.addi %div3A_2318, %add3A_2328 : i32
        %jit3A = arith.constant 7 : i32
        %select_n3A = arith.select %eq3A_2327, %jit3A, %add3A_2329 : i32
        %jit3A_2330 = arith.constant 6 : i32
        %select_n3A_2331 = arith.select %eq3A_2325, %jit3A_2330, %select_n3A : i32
        %mul3A_2332 = arith.constant 3 : i32
        %mul3A_2333 = arith.muli %mul3A_2332, %div3A_2324 : i32
        %sub3A_2334 = arith.subi %sub3A_2322, %mul3A_2333 : i32
        %mul3A_2335 = arith.constant 3 : i32
        %mul3A_2336 = arith.muli %sub3A_2334, %mul3A_2335 : i32
        %add3A_2337 = arith.addi %mul3A_2336, %div3A_2324 : i32
        %eq3A_2338 = arith.constant 0 : i32
        %eq3A_2339 = arith.cmpi eq, %sub3A, %eq3A_2338 : i32
        %eq3A_2340 = arith.constant 1 : i32
        %eq3A_2341 = arith.cmpi eq, %sub3A, %eq3A_2340 : i32
        %sub3A_2342 = arith.constant 14 : i32
        %sub3A_2343 = arith.subi %div3A_2318, %sub3A_2342 : i32
        %jit3A_2344 = arith.constant 5 : i32
        %select_n3A_2345 = arith.select %eq3A_2341, %jit3A_2344, %sub3A_2343 : i32
        %jit3A_2346 = arith.constant 2 : i32
        %select_n3A_2347 = arith.select %eq3A_2339, %jit3A_2346, %select_n3A_2345 : i32
        %lt3A = arith.constant 6 : i32
        %lt3A_2348 = arith.cmpi slt, %scan3A_2317, %lt3A : i32
        %lt3A_2349 = arith.constant 60 : i32
        %lt3A_2350 = arith.cmpi slt, %scan3A_2317, %lt3A_2349 : i32
        %lt3A_2351 = arith.constant 66 : i32
        %lt3A_2352 = arith.cmpi slt, %scan3A_2317, %lt3A_2351 : i32
        %select_n3A_2353 = arith.select %lt3A_2352, %add3A_2337, %select_n3A_2347 : i32
        %select_n3A_2354 = arith.select %lt3A_2350, %select_n3A_2331, %select_n3A_2353 : i32
        %select_n3A_2355 = arith.select %lt3A_2348, %scan3A_2317, %select_n3A_2354 : i32
        %mul3A_2356 = arith.constant 640 : i32
        %mul3A_2357 = arith.muli %select_n3A_2355, %mul3A_2356 : i32
        %multiple_of3A = tpu.assume_multiple %mul3A_2357, 128 : i32
        %mul3A_2358 = arith.constant 640 : i32
        %mul3A_2359 = arith.muli %scan3A_2317, %mul3A_2358 : i32
        %multiple_of3A_2360 = tpu.assume_multiple %mul3A_2359, 128 : i32
        %dma_start3A_2361 = arith.constant 0 : i32
        %dma_start3A_2362 = tpu.memref_slice %arg4[%dma_start3A_2361, %multiple_of3A] : memref<4x16640xf32, #tpu.memory_space<vmem>> -> memref<1x640xf32, #tpu.memory_space<vmem>>
        %dma_start3A_2363 = tpu.memref_squeeze %dma_start3A_2362 : memref<1x640xf32, #tpu.memory_space<vmem>> -> memref<640xf32, #tpu.memory_space<vmem>>
        %dma_start3A_2364 = tpu.memref_slice %arg3[%add3A_2310, %multiple_of3A_2360] : memref<1024x76800xf32, #tpu.memory_space<hbm>> -> memref<1x640xf32, #tpu.memory_space<hbm>>
        %dma_start3A_2365 = tpu.memref_squeeze %dma_start3A_2364 : memref<1x640xf32, #tpu.memory_space<hbm>> -> memref<640xf32, #tpu.memory_space<hbm>>
        %dma_start3A_2366 = tpu.memref_slice %arg3[%add3A_2310, %multiple_of3A_2360] : memref<1024x76800xf32, #tpu.memory_space<hbm>> -> memref<1x640xf32, #tpu.memory_space<hbm>>
        %dma_start3A_2367 = tpu.memref_squeeze %dma_start3A_2366 : memref<1x640xf32, #tpu.memory_space<hbm>> -> memref<640xf32, #tpu.memory_space<hbm>>
        %dma_start3A_2368 = tpu.memref_slice %arg4[%dma_start3A_2361, %multiple_of3A] : memref<4x16640xf32, #tpu.memory_space<vmem>> -> memref<1x640xf32, #tpu.memory_space<vmem>>
        %dma_start3A_2369 = tpu.memref_squeeze %dma_start3A_2368 : memref<1x640xf32, #tpu.memory_space<vmem>> -> memref<640xf32, #tpu.memory_space<vmem>>
        tpu.enqueue_dma source(%dma_start3A_2369 : memref<640xf32, #tpu.memory_space<vmem>>) target(%dma_start3A_2367 : memref<640xf32, #tpu.memory_space<hbm>>) target_semaphore(%arg12 : memref<!tpu.dma_semaphore, #tpu.memory_space<semaphore_mem>>)
      }
      %scan3A_2316 = arith.constant 120 : i32
    }
    %scan3A_31 = arith.constant 8 : i32
    %dma_wait3A_32 = arith.constant 0 : i32
    %dma_wait3A_33 = arith.constant 0 : i32
    %dma_wait3A_34 = arith.constant 0 : i32
    %dma_wait3A_35 = tpu.memref_slice %arg4[%dma_wait3A_33, %dma_wait3A_34] : memref<4x16640xf32, #tpu.memory_space<vmem>> -> memref<1x15360xf32, #tpu.memory_space<vmem>>
    %dma_wait3A_36 = tpu.memref_squeeze %dma_wait3A_35 : memref<1x15360xf32, #tpu.memory_space<vmem>> -> memref<15360xf32, #tpu.memory_space<vmem>>
    %dma_wait3A_37 = arith.constant 0 : i32
    %dma_wait3A_38 = tpu.memref_slice %arg3[%dma_wait3A_32, %dma_wait3A_37] : memref<1024x76800xf32, #tpu.memory_space<hbm>> -> memref<1x15360xf32, #tpu.memory_space<hbm>>
    %dma_wait3A_39 = tpu.memref_squeeze %dma_wait3A_38 : memref<1x15360xf32, #tpu.memory_space<hbm>> -> memref<15360xf32, #tpu.memory_space<hbm>>
    %dma_wait3A_40 = arith.constant 0 : i32
    %dma_wait3A_41 = tpu.memref_slice %arg4[%dma_wait3A_33, %dma_wait3A_40] : memref<4x16640xf32, #tpu.memory_space<vmem>> -> memref<1x15360xf32, #tpu.memory_space<vmem>>
    %dma_wait3A_42 = tpu.memref_squeeze %dma_wait3A_41 : memref<1x15360xf32, #tpu.memory_space<vmem>> -> memref<15360xf32, #tpu.memory_space<vmem>>
    %dma_wait3A_43 = arith.constant 0 : i32
    %dma_wait3A_44 = tpu.memref_slice %arg3[%dma_wait3A_32, %dma_wait3A_43] : memref<1024x76800xf32, #tpu.memory_space<hbm>> -> memref<1x15360xf32, #tpu.memory_space<hbm>>
    %dma_wait3A_45 = tpu.memref_squeeze %dma_wait3A_44 : memref<1x15360xf32, #tpu.memory_space<hbm>> -> memref<15360xf32, #tpu.memory_space<hbm>>
    tpu.wait_dma2 semaphore(%arg9 : memref<!tpu.dma_semaphore, #tpu.memory_space<semaphore_mem>>) src(%dma_wait3A_45 : memref<15360xf32, #tpu.memory_space<hbm>>) dst(%dma_wait3A_42 : memref<15360xf32, #tpu.memory_space<vmem>>)
    %dma_wait3A_46 = arith.constant 0 : i32
    %dma_wait3A_47 = arith.constant 0 : i32
    %dma_wait3A_48 = arith.constant 0 : i32
    %dma_wait3A_49 = tpu.memref_slice %arg4[%dma_wait3A_47, %dma_wait3A_48] : memref<4x16640xf32, #tpu.memory_space<vmem>> -> memref<1x15360xf32, #tpu.memory_space<vmem>>
    %dma_wait3A_50 = tpu.memref_squeeze %dma_wait3A_49 : memref<1x15360xf32, #tpu.memory_space<vmem>> -> memref<15360xf32, #tpu.memory_space<vmem>>
    %dma_wait3A_51 = arith.constant 0 : i32
    %dma_wait3A_52 = tpu.memref_slice %arg3[%dma_wait3A_46, %dma_wait3A_51] : memref<1024x76800xf32, #tpu.memory_space<hbm>> -> memref<1x15360xf32, #tpu.memory_space<hbm>>
    %dma_wait3A_53 = tpu.memref_squeeze %dma_wait3A_52 : memref<1x15360xf32, #tpu.memory_space<hbm>> -> memref<15360xf32, #tpu.memory_space<hbm>>
    %dma_wait3A_54 = arith.constant 0 : i32
    %dma_wait3A_55 = tpu.memref_slice %arg4[%dma_wait3A_47, %dma_wait3A_54] : memref<4x16640xf32, #tpu.memory_space<vmem>> -> memref<1x15360xf32, #tpu.memory_space<vmem>>
    %dma_wait3A_56 = tpu.memref_squeeze %dma_wait3A_55 : memref<1x15360xf32, #tpu.memory_space<vmem>> -> memref<15360xf32, #tpu.memory_space<vmem>>
    %dma_wait3A_57 = arith.constant 0 : i32
    %dma_wait3A_58 = tpu.memref_slice %arg3[%dma_wait3A_46, %dma_wait3A_57] : memref<1024x76800xf32, #tpu.memory_space<hbm>> -> memref<1x15360xf32, #tpu.memory_space<hbm>>
    %dma_wait3A_59 = tpu.memref_squeeze %dma_wait3A_58 : memref<1x15360xf32, #tpu.memory_space<hbm>> -> memref<15360xf32, #tpu.memory_space<hbm>>
    tpu.wait_dma2 semaphore(%arg9 : memref<!tpu.dma_semaphore, #tpu.memory_space<semaphore_mem>>) src(%dma_wait3A_59 : memref<15360xf32, #tpu.memory_space<hbm>>) dst(%dma_wait3A_56 : memref<15360xf32, #tpu.memory_space<vmem>>)
    %dma_wait3A_60 = arith.constant 0 : i32
    %dma_wait3A_61 = arith.constant 0 : i32
    %dma_wait3A_62 = arith.constant 0 : i32
    %dma_wait3A_63 = tpu.memref_slice %arg4[%dma_wait3A_61, %dma_wait3A_62] : memref<4x16640xf32, #tpu.memory_space<vmem>> -> memref<1x15360xf32, #tpu.memory_space<vmem>>
    %dma_wait3A_64 = tpu.memref_squeeze %dma_wait3A_63 : memref<1x15360xf32, #tpu.memory_space<vmem>> -> memref<15360xf32, #tpu.memory_space<vmem>>
    %dma_wait3A_65 = arith.constant 0 : i32
    %dma_wait3A_66 = tpu.memref_slice %arg3[%dma_wait3A_60, %dma_wait3A_65] : memref<1024x76800xf32, #tpu.memory_space<hbm>> -> memref<1x15360xf32, #tpu.memory_space<hbm>>
    %dma_wait3A_67 = tpu.memref_squeeze %dma_wait3A_66 : memref<1x15360xf32, #tpu.memory_space<hbm>> -> memref<15360xf32, #tpu.memory_space<hbm>>
    %dma_wait3A_68 = arith.constant 0 : i32
    %dma_wait3A_69 = tpu.memref_slice %arg4[%dma_wait3A_61, %dma_wait3A_68] : memref<4x16640xf32, #tpu.memory_space<vmem>> -> memref<1x15360xf32, #tpu.memory_space<vmem>>
    %dma_wait3A_70 = tpu.memref_squeeze %dma_wait3A_69 : memref<1x15360xf32, #tpu.memory_space<vmem>> -> memref<15360xf32, #tpu.memory_space<vmem>>
    %dma_wait3A_71 = arith.constant 0 : i32
    %dma_wait3A_72 = tpu.memref_slice %arg3[%dma_wait3A_60, %dma_wait3A_71] : memref<1024x76800xf32, #tpu.memory_space<hbm>> -> memref<1x15360xf32, #tpu.memory_space<hbm>>
    %dma_wait3A_73 = tpu.memref_squeeze %dma_wait3A_72 : memref<1x15360xf32, #tpu.memory_space<hbm>> -> memref<15360xf32, #tpu.memory_space<hbm>>
    tpu.wait_dma2 semaphore(%arg9 : memref<!tpu.dma_semaphore, #tpu.memory_space<semaphore_mem>>) src(%dma_wait3A_73 : memref<15360xf32, #tpu.memory_space<hbm>>) dst(%dma_wait3A_70 : memref<15360xf32, #tpu.memory_space<vmem>>)
    %dma_wait3A_74 = arith.constant 0 : i32
    %dma_wait3A_75 = arith.constant 0 : i32
    %dma_wait3A_76 = arith.constant 0 : i32
    %dma_wait3A_77 = tpu.memref_slice %arg4[%dma_wait3A_75, %dma_wait3A_76] : memref<4x16640xf32, #tpu.memory_space<vmem>> -> memref<1x15360xf32, #tpu.memory_space<vmem>>
    %dma_wait3A_78 = tpu.memref_squeeze %dma_wait3A_77 : memref<1x15360xf32, #tpu.memory_space<vmem>> -> memref<15360xf32, #tpu.memory_space<vmem>>
    %dma_wait3A_79 = arith.constant 0 : i32
    %dma_wait3A_80 = tpu.memref_slice %arg3[%dma_wait3A_74, %dma_wait3A_79] : memref<1024x76800xf32, #tpu.memory_space<hbm>> -> memref<1x15360xf32, #tpu.memory_space<hbm>>
    %dma_wait3A_81 = tpu.memref_squeeze %dma_wait3A_80 : memref<1x15360xf32, #tpu.memory_space<hbm>> -> memref<15360xf32, #tpu.memory_space<hbm>>
    %dma_wait3A_82 = arith.constant 0 : i32
    %dma_wait3A_83 = tpu.memref_slice %arg4[%dma_wait3A_75, %dma_wait3A_82] : memref<4x16640xf32, #tpu.memory_space<vmem>> -> memref<1x15360xf32, #tpu.memory_space<vmem>>
    %dma_wait3A_84 = tpu.memref_squeeze %dma_wait3A_83 : memref<1x15360xf32, #tpu.memory_space<vmem>> -> memref<15360xf32, #tpu.memory_space<vmem>>
    %dma_wait3A_85 = arith.constant 0 : i32
    %dma_wait3A_86 = tpu.memref_slice %arg3[%dma_wait3A_74, %dma_wait3A_85] : memref<1024x76800xf32, #tpu.memory_space<hbm>> -> memref<1x15360xf32, #tpu.memory_space<hbm>>
    %dma_wait3A_87 = tpu.memref_squeeze %dma_wait3A_86 : memref<1x15360xf32, #tpu.memory_space<hbm>> -> memref<15360xf32, #tpu.memory_space<hbm>>
    tpu.wait_dma2 semaphore(%arg9 : memref<!tpu.dma_semaphore, #tpu.memory_space<semaphore_mem>>) src(%dma_wait3A_87 : memref<15360xf32, #tpu.memory_space<hbm>>) dst(%dma_wait3A_84 : memref<15360xf32, #tpu.memory_space<vmem>>)
    %dma_wait3A_88 = arith.constant 0 : i32
    %dma_wait3A_89 = arith.constant 0 : i32
    %dma_wait3A_90 = arith.constant 0 : i32
    %dma_wait3A_91 = tpu.memref_slice %arg4[%dma_wait3A_89, %dma_wait3A_90] : memref<4x16640xf32, #tpu.memory_space<vmem>> -> memref<1x15360xf32, #tpu.memory_space<vmem>>
    %dma_wait3A_92 = tpu.memref_squeeze %dma_wait3A_91 : memref<1x15360xf32, #tpu.memory_space<vmem>> -> memref<15360xf32, #tpu.memory_space<vmem>>
    %dma_wait3A_93 = arith.constant 0 : i32
    %dma_wait3A_94 = tpu.memref_slice %arg3[%dma_wait3A_88, %dma_wait3A_93] : memref<1024x76800xf32, #tpu.memory_space<hbm>> -> memref<1x15360xf32, #tpu.memory_space<hbm>>
    %dma_wait3A_95 = tpu.memref_squeeze %dma_wait3A_94 : memref<1x15360xf32, #tpu.memory_space<hbm>> -> memref<15360xf32, #tpu.memory_space<hbm>>
    %dma_wait3A_96 = arith.constant 0 : i32
    %dma_wait3A_97 = tpu.memref_slice %arg4[%dma_wait3A_89, %dma_wait3A_96] : memref<4x16640xf32, #tpu.memory_space<vmem>> -> memref<1x15360xf32, #tpu.memory_space<vmem>>
    %dma_wait3A_98 = tpu.memref_squeeze %dma_wait3A_97 : memref<1x15360xf32, #tpu.memory_space<vmem>> -> memref<15360xf32, #tpu.memory_space<vmem>>
    %dma_wait3A_99 = arith.constant 0 : i32
    %dma_wait3A_100 = tpu.memref_slice %arg3[%dma_wait3A_88, %dma_wait3A_99] : memref<1024x76800xf32, #tpu.memory_space<hbm>> -> memref<1x15360xf32, #tpu.memory_space<hbm>>
    %dma_wait3A_101 = tpu.memref_squeeze %dma_wait3A_100 : memref<1x15360xf32, #tpu.memory_space<hbm>> -> memref<15360xf32, #tpu.memory_space<hbm>>
    tpu.wait_dma2 semaphore(%arg9 : memref<!tpu.dma_semaphore, #tpu.memory_space<semaphore_mem>>) src(%dma_wait3A_101 : memref<15360xf32, #tpu.memory_space<hbm>>) dst(%dma_wait3A_98 : memref<15360xf32, #tpu.memory_space<vmem>>)
    %dma_wait3A_102 = arith.constant 0 : i32
    %dma_wait3A_103 = arith.constant 0 : i32
    %dma_wait3A_104 = arith.constant 0 : i32
    %dma_wait3A_105 = tpu.memref_slice %arg4[%dma_wait3A_103, %dma_wait3A_104] : memref<4x16640xf32, #tpu.memory_space<vmem>> -> memref<1x15360xf32, #tpu.memory_space<vmem>>
    %dma_wait3A_106 = tpu.memref_squeeze %dma_wait3A_105 : memref<1x15360xf32, #tpu.memory_space<vmem>> -> memref<15360xf32, #tpu.memory_space<vmem>>
    %dma_wait3A_107 = arith.constant 0 : i32
    %dma_wait3A_108 = tpu.memref_slice %arg3[%dma_wait3A_102, %dma_wait3A_107] : memref<1024x76800xf32, #tpu.memory_space<hbm>> -> memref<1x15360xf32, #tpu.memory_space<hbm>>
    %dma_wait3A_109 = tpu.memref_squeeze %dma_wait3A_108 : memref<1x15360xf32, #tpu.memory_space<hbm>> -> memref<15360xf32, #tpu.memory_space<hbm>>
    %dma_wait3A_110 = arith.constant 0 : i32
    %dma_wait3A_111 = tpu.memref_slice %arg4[%dma_wait3A_103, %dma_wait3A_110] : memref<4x16640xf32, #tpu.memory_space<vmem>> -> memref<1x15360xf32, #tpu.memory_space<vmem>>
    %dma_wait3A_112 = tpu.memref_squeeze %dma_wait3A_111 : memref<1x15360xf32, #tpu.memory_space<vmem>> -> memref<15360xf32, #tpu.memory_space<vmem>>
    %dma_wait3A_113 = arith.constant 0 : i32
    %dma_wait3A_114 = tpu.memref_slice %arg3[%dma_wait3A_102, %dma_wait3A_113] : memref<1024x76800xf32, #tpu.memory_space<hbm>> -> memref<1x15360xf32, #tpu.memory_space<hbm>>
    %dma_wait3A_115 = tpu.memref_squeeze %dma_wait3A_114 : memref<1x15360xf32, #tpu.memory_space<hbm>> -> memref<15360xf32, #tpu.memory_space<hbm>>
    tpu.wait_dma2 semaphore(%arg9 : memref<!tpu.dma_semaphore, #tpu.memory_space<semaphore_mem>>) src(%dma_wait3A_115 : memref<15360xf32, #tpu.memory_space<hbm>>) dst(%dma_wait3A_112 : memref<15360xf32, #tpu.memory_space<vmem>>)
    %dma_wait3A_116 = arith.constant 0 : i32
    %dma_wait3A_117 = arith.constant 0 : i32
    %dma_wait3A_118 = arith.constant 0 : i32
    %dma_wait3A_119 = tpu.memref_slice %arg4[%dma_wait3A_117, %dma_wait3A_118] : memref<4x16640xf32, #tpu.memory_space<vmem>> -> memref<1x15360xf32, #tpu.memory_space<vmem>>
    %dma_wait3A_120 = tpu.memref_squeeze %dma_wait3A_119 : memref<1x15360xf32, #tpu.memory_space<vmem>> -> memref<15360xf32, #tpu.memory_space<vmem>>
    %dma_wait3A_121 = arith.constant 0 : i32
    %dma_wait3A_122 = tpu.memref_slice %arg3[%dma_wait3A_116, %dma_wait3A_121] : memref<1024x76800xf32, #tpu.memory_space<hbm>> -> memref<1x15360xf32, #tpu.memory_space<hbm>>
    %dma_wait3A_123 = tpu.memref_squeeze %dma_wait3A_122 : memref<1x15360xf32, #tpu.memory_space<hbm>> -> memref<15360xf32, #tpu.memory_space<hbm>>
    %dma_wait3A_124 = arith.constant 0 : i32
    %dma_wait3A_125 = tpu.memref_slice %arg4[%dma_wait3A_117, %dma_wait3A_124] : memref<4x16640xf32, #tpu.memory_space<vmem>> -> memref<1x15360xf32, #tpu.memory_space<vmem>>
    %dma_wait3A_126 = tpu.memref_squeeze %dma_wait3A_125 : memref<1x15360xf32, #tpu.memory_space<vmem>> -> memref<15360xf32, #tpu.memory_space<vmem>>
    %dma_wait3A_127 = arith.constant 0 : i32
    %dma_wait3A_128 = tpu.memref_slice %arg3[%dma_wait3A_116, %dma_wait3A_127] : memref<1024x76800xf32, #tpu.memory_space<hbm>> -> memref<1x15360xf32, #tpu.memory_space<hbm>>
    %dma_wait3A_129 = tpu.memref_squeeze %dma_wait3A_128 : memref<1x15360xf32, #tpu.memory_space<hbm>> -> memref<15360xf32, #tpu.memory_space<hbm>>
    tpu.wait_dma2 semaphore(%arg9 : memref<!tpu.dma_semaphore, #tpu.memory_space<semaphore_mem>>) src(%dma_wait3A_129 : memref<15360xf32, #tpu.memory_space<hbm>>) dst(%dma_wait3A_126 : memref<15360xf32, #tpu.memory_space<vmem>>)
    %dma_wait3A_130 = arith.constant 0 : i32
    %dma_wait3A_131 = arith.constant 0 : i32
    %dma_wait3A_132 = arith.constant 0 : i32
    %dma_wait3A_133 = tpu.memref_slice %arg4[%dma_wait3A_131, %dma_wait3A_132] : memref<4x16640xf32, #tpu.memory_space<vmem>> -> memref<1x15360xf32, #tpu.memory_space<vmem>>
    %dma_wait3A_134 = tpu.memref_squeeze %dma_wait3A_133 : memref<1x15360xf32, #tpu.memory_space<vmem>> -> memref<15360xf32, #tpu.memory_space<vmem>>
    %dma_wait3A_135 = arith.constant 0 : i32
    %dma_wait3A_136 = tpu.memref_slice %arg3[%dma_wait3A_130, %dma_wait3A_135] : memref<1024x76800xf32, #tpu.memory_space<hbm>> -> memref<1x15360xf32, #tpu.memory_space<hbm>>
    %dma_wait3A_137 = tpu.memref_squeeze %dma_wait3A_136 : memref<1x15360xf32, #tpu.memory_space<hbm>> -> memref<15360xf32, #tpu.memory_space<hbm>>
    %dma_wait3A_138 = arith.constant 0 : i32
    %dma_wait3A_139 = tpu.memref_slice %arg4[%dma_wait3A_131, %dma_wait3A_138] : memref<4x16640xf32, #tpu.memory_space<vmem>> -> memref<1x15360xf32, #tpu.memory_space<vmem>>
    %dma_wait3A_140 = tpu.memref_squeeze %dma_wait3A_139 : memref<1x15360xf32, #tpu.memory_space<vmem>> -> memref<15360xf32, #tpu.memory_space<vmem>>
    %dma_wait3A_141 = arith.constant 0 : i32
    %dma_wait3A_142 = tpu.memref_slice %arg3[%dma_wait3A_130, %dma_wait3A_141] : memref<1024x76800xf32, #tpu.memory_space<hbm>> -> memref<1x15360xf32, #tpu.memory_space<hbm>>
    %dma_wait3A_143 = tpu.memref_squeeze %dma_wait3A_142 : memref<1x15360xf32, #tpu.memory_space<hbm>> -> memref<15360xf32, #tpu.memory_space<hbm>>
    tpu.wait_dma2 semaphore(%arg9 : memref<!tpu.dma_semaphore, #tpu.memory_space<semaphore_mem>>) src(%dma_wait3A_143 : memref<15360xf32, #tpu.memory_space<hbm>>) dst(%dma_wait3A_140 : memref<15360xf32, #tpu.memory_space<vmem>>)
    %dma_wait3A_144 = arith.constant 0 : i32
    %dma_wait3A_145 = arith.constant 0 : i32
    %dma_wait3A_146 = arith.constant 0 : i32
    %dma_wait3A_147 = tpu.memref_slice %arg4[%dma_wait3A_145, %dma_wait3A_146] : memref<4x16640xf32, #tpu.memory_space<vmem>> -> memref<1x15360xf32, #tpu.memory_space<vmem>>
    %dma_wait3A_148 = tpu.memref_squeeze %dma_wait3A_147 : memref<1x15360xf32, #tpu.memory_space<vmem>> -> memref<15360xf32, #tpu.memory_space<vmem>>
    %dma_wait3A_149 = arith.constant 0 : i32
    %dma_wait3A_150 = tpu.memref_slice %arg3[%dma_wait3A_144, %dma_wait3A_149] : memref<1024x76800xf32, #tpu.memory_space<hbm>> -> memref<1x15360xf32, #tpu.memory_space<hbm>>
    %dma_wait3A_151 = tpu.memref_squeeze %dma_wait3A_150 : memref<1x15360xf32, #tpu.memory_space<hbm>> -> memref<15360xf32, #tpu.memory_space<hbm>>
    %dma_wait3A_152 = arith.constant 0 : i32
    %dma_wait3A_153 = tpu.memref_slice %arg4[%dma_wait3A_145, %dma_wait3A_152] : memref<4x16640xf32, #tpu.memory_space<vmem>> -> memref<1x15360xf32, #tpu.memory_space<vmem>>
    %dma_wait3A_154 = tpu.memref_squeeze %dma_wait3A_153 : memref<1x15360xf32, #tpu.memory_space<vmem>> -> memref<15360xf32, #tpu.memory_space<vmem>>
    %dma_wait3A_155 = arith.constant 0 : i32
    %dma_wait3A_156 = tpu.memref_slice %arg3[%dma_wait3A_144, %dma_wait3A_155] : memref<1024x76800xf32, #tpu.memory_space<hbm>> -> memref<1x15360xf32, #tpu.memory_space<hbm>>
    %dma_wait3A_157 = tpu.memref_squeeze %dma_wait3A_156 : memref<1x15360xf32, #tpu.memory_space<hbm>> -> memref<15360xf32, #tpu.memory_space<hbm>>
    tpu.wait_dma2 semaphore(%arg9 : memref<!tpu.dma_semaphore, #tpu.memory_space<semaphore_mem>>) src(%dma_wait3A_157 : memref<15360xf32, #tpu.memory_space<hbm>>) dst(%dma_wait3A_154 : memref<15360xf32, #tpu.memory_space<vmem>>)
    %dma_wait3A_158 = arith.constant 0 : i32
    %dma_wait3A_159 = arith.constant 0 : i32
    %dma_wait3A_160 = arith.constant 0 : i32
    %dma_wait3A_161 = tpu.memref_slice %arg4[%dma_wait3A_159, %dma_wait3A_160] : memref<4x16640xf32, #tpu.memory_space<vmem>> -> memref<1x15360xf32, #tpu.memory_space<vmem>>
    %dma_wait3A_162 = tpu.memref_squeeze %dma_wait3A_161 : memref<1x15360xf32, #tpu.memory_space<vmem>> -> memref<15360xf32, #tpu.memory_space<vmem>>
    %dma_wait3A_163 = arith.constant 0 : i32
    %dma_wait3A_164 = tpu.memref_slice %arg3[%dma_wait3A_158, %dma_wait3A_163] : memref<1024x76800xf32, #tpu.memory_space<hbm>> -> memref<1x15360xf32, #tpu.memory_space<hbm>>
    %dma_wait3A_165 = tpu.memref_squeeze %dma_wait3A_164 : memref<1x15360xf32, #tpu.memory_space<hbm>> -> memref<15360xf32, #tpu.memory_space<hbm>>
    %dma_wait3A_166 = arith.constant 0 : i32
    %dma_wait3A_167 = tpu.memref_slice %arg4[%dma_wait3A_159, %dma_wait3A_166] : memref<4x16640xf32, #tpu.memory_space<vmem>> -> memref<1x15360xf32, #tpu.memory_space<vmem>>
    %dma_wait3A_168 = tpu.memref_squeeze %dma_wait3A_167 : memref<1x15360xf32, #tpu.memory_space<vmem>> -> memref<15360xf32, #tpu.memory_space<vmem>>
    %dma_wait3A_169 = arith.constant 0 : i32
    %dma_wait3A_170 = tpu.memref_slice %arg3[%dma_wait3A_158, %dma_wait3A_169] : memref<1024x76800xf32, #tpu.memory_space<hbm>> -> memref<1x15360xf32, #tpu.memory_space<hbm>>
    %dma_wait3A_171 = tpu.memref_squeeze %dma_wait3A_170 : memref<1x15360xf32, #tpu.memory_space<hbm>> -> memref<15360xf32, #tpu.memory_space<hbm>>
    tpu.wait_dma2 semaphore(%arg9 : memref<!tpu.dma_semaphore, #tpu.memory_space<semaphore_mem>>) src(%dma_wait3A_171 : memref<15360xf32, #tpu.memory_space<hbm>>) dst(%dma_wait3A_168 : memref<15360xf32, #tpu.memory_space<vmem>>)
    %dma_wait3A_172 = arith.constant 0 : i32
    %dma_wait3A_173 = arith.constant 0 : i32
    %dma_wait3A_174 = arith.constant 0 : i32
    %dma_wait3A_175 = tpu.memref_slice %arg4[%dma_wait3A_173, %dma_wait3A_174] : memref<4x16640xf32, #tpu.memory_space<vmem>> -> memref<1x15360xf32, #tpu.memory_space<vmem>>
    %dma_wait3A_176 = tpu.memref_squeeze %dma_wait3A_175 : memref<1x15360xf32, #tpu.memory_space<vmem>> -> memref<15360xf32, #tpu.memory_space<vmem>>
    %dma_wait3A_177 = arith.constant 0 : i32
    %dma_wait3A_178 = tpu.memref_slice %arg3[%dma_wait3A_172, %dma_wait3A_177] : memref<1024x76800xf32, #tpu.memory_space<hbm>> -> memref<1x15360xf32, #tpu.memory_space<hbm>>
    %dma_wait3A_179 = tpu.memref_squeeze %dma_wait3A_178 : memref<1x15360xf32, #tpu.memory_space<hbm>> -> memref<15360xf32, #tpu.memory_space<hbm>>
    %dma_wait3A_180 = arith.constant 0 : i32
    %dma_wait3A_181 = tpu.memref_slice %arg4[%dma_wait3A_173, %dma_wait3A_180] : memref<4x16640xf32, #tpu.memory_space<vmem>> -> memref<1x15360xf32, #tpu.memory_space<vmem>>
    %dma_wait3A_182 = tpu.memref_squeeze %dma_wait3A_181 : memref<1x15360xf32, #tpu.memory_space<vmem>> -> memref<15360xf32, #tpu.memory_space<vmem>>
    %dma_wait3A_183 = arith.constant 0 : i32
    %dma_wait3A_184 = tpu.memref_slice %arg3[%dma_wait3A_172, %dma_wait3A_183] : memref<1024x76800xf32, #tpu.memory_space<hbm>> -> memref<1x15360xf32, #tpu.memory_space<hbm>>
    %dma_wait3A_185 = tpu.memref_squeeze %dma_wait3A_184 : memref<1x15360xf32, #tpu.memory_space<hbm>> -> memref<15360xf32, #tpu.memory_space<hbm>>
    tpu.wait_dma2 semaphore(%arg9 : memref<!tpu.dma_semaphore, #tpu.memory_space<semaphore_mem>>) src(%dma_wait3A_185 : memref<15360xf32, #tpu.memory_space<hbm>>) dst(%dma_wait3A_182 : memref<15360xf32, #tpu.memory_space<vmem>>)
    %dma_wait3A_186 = arith.constant 0 : i32
    %dma_wait3A_187 = arith.constant 0 : i32
    %dma_wait3A_188 = arith.constant 0 : i32
    %dma_wait3A_189 = tpu.memref_slice %arg4[%dma_wait3A_187, %dma_wait3A_188] : memref<4x16640xf32, #tpu.memory_space<vmem>> -> memref<1x15360xf32, #tpu.memory_space<vmem>>
    %dma_wait3A_190 = tpu.memref_squeeze %dma_wait3A_189 : memref<1x15360xf32, #tpu.memory_space<vmem>> -> memref<15360xf32, #tpu.memory_space<vmem>>
    %dma_wait3A_191 = arith.constant 0 : i32
    %dma_wait3A_192 = tpu.memref_slice %arg3[%dma_wait3A_186, %dma_wait3A_191] : memref<1024x76800xf32, #tpu.memory_space<hbm>> -> memref<1x15360xf32, #tpu.memory_space<hbm>>
    %dma_wait3A_193 = tpu.memref_squeeze %dma_wait3A_192 : memref<1x15360xf32, #tpu.memory_space<hbm>> -> memref<15360xf32, #tpu.memory_space<hbm>>
    %dma_wait3A_194 = arith.constant 0 : i32
    %dma_wait3A_195 = tpu.memref_slice %arg4[%dma_wait3A_187, %dma_wait3A_194] : memref<4x16640xf32, #tpu.memory_space<vmem>> -> memref<1x15360xf32, #tpu.memory_space<vmem>>
    %dma_wait3A_196 = tpu.memref_squeeze %dma_wait3A_195 : memref<1x15360xf32, #tpu.memory_space<vmem>> -> memref<15360xf32, #tpu.memory_space<vmem>>
    %dma_wait3A_197 = arith.constant 0 : i32
    %dma_wait3A_198 = tpu.memref_slice %arg3[%dma_wait3A_186, %dma_wait3A_197] : memref<1024x76800xf32, #tpu.memory_space<hbm>> -> memref<1x15360xf32, #tpu.memory_space<hbm>>
    %dma_wait3A_199 = tpu.memref_squeeze %dma_wait3A_198 : memref<1x15360xf32, #tpu.memory_space<hbm>> -> memref<15360xf32, #tpu.memory_space<hbm>>
    tpu.wait_dma2 semaphore(%arg9 : memref<!tpu.dma_semaphore, #tpu.memory_space<semaphore_mem>>) src(%dma_wait3A_199 : memref<15360xf32, #tpu.memory_space<hbm>>) dst(%dma_wait3A_196 : memref<15360xf32, #tpu.memory_space<vmem>>)
    %dma_wait3A_200 = arith.constant 0 : i32
    %dma_wait3A_201 = arith.constant 0 : i32
    %dma_wait3A_202 = arith.constant 0 : i32
    %dma_wait3A_203 = tpu.memref_slice %arg4[%dma_wait3A_201, %dma_wait3A_202] : memref<4x16640xf32, #tpu.memory_space<vmem>> -> memref<1x15360xf32, #tpu.memory_space<vmem>>
    %dma_wait3A_204 = tpu.memref_squeeze %dma_wait3A_203 : memref<1x15360xf32, #tpu.memory_space<vmem>> -> memref<15360xf32, #tpu.memory_space<vmem>>
    %dma_wait3A_205 = arith.constant 0 : i32
    %dma_wait3A_206 = tpu.memref_slice %arg3[%dma_wait3A_200, %dma_wait3A_205] : memref<1024x76800xf32, #tpu.memory_space<hbm>> -> memref<1x15360xf32, #tpu.memory_space<hbm>>
    %dma_wait3A_207 = tpu.memref_squeeze %dma_wait3A_206 : memref<1x15360xf32, #tpu.memory_space<hbm>> -> memref<15360xf32, #tpu.memory_space<hbm>>
    %dma_wait3A_208 = arith.constant 0 : i32
    %dma_wait3A_209 = tpu.memref_slice %arg4[%dma_wait3A_201, %dma_wait3A_208] : memref<4x16640xf32, #tpu.memory_space<vmem>> -> memref<1x15360xf32, #tpu.memory_space<vmem>>
    %dma_wait3A_210 = tpu.memref_squeeze %dma_wait3A_209 : memref<1x15360xf32, #tpu.memory_space<vmem>> -> memref<15360xf32, #tpu.memory_space<vmem>>
    %dma_wait3A_211 = arith.constant 0 : i32
    %dma_wait3A_212 = tpu.memref_slice %arg3[%dma_wait3A_200, %dma_wait3A_211] : memref<1024x76800xf32, #tpu.memory_space<hbm>> -> memref<1x15360xf32, #tpu.memory_space<hbm>>
    %dma_wait3A_213 = tpu.memref_squeeze %dma_wait3A_212 : memref<1x15360xf32, #tpu.memory_space<hbm>> -> memref<15360xf32, #tpu.memory_space<hbm>>
    tpu.wait_dma2 semaphore(%arg9 : memref<!tpu.dma_semaphore, #tpu.memory_space<semaphore_mem>>) src(%dma_wait3A_213 : memref<15360xf32, #tpu.memory_space<hbm>>) dst(%dma_wait3A_210 : memref<15360xf32, #tpu.memory_space<vmem>>)
    %dma_wait3A_214 = arith.constant 0 : i32
    %dma_wait3A_215 = arith.constant 0 : i32
    %dma_wait3A_216 = arith.constant 0 : i32
    %dma_wait3A_217 = tpu.memref_slice %arg4[%dma_wait3A_215, %dma_wait3A_216] : memref<4x16640xf32, #tpu.memory_space<vmem>> -> memref<1x15360xf32, #tpu.memory_space<vmem>>
    %dma_wait3A_218 = tpu.memref_squeeze %dma_wait3A_217 : memref<1x15360xf32, #tpu.memory_space<vmem>> -> memref<15360xf32, #tpu.memory_space<vmem>>
    %dma_wait3A_219 = arith.constant 0 : i32
    %dma_wait3A_220 = tpu.memref_slice %arg3[%dma_wait3A_214, %dma_wait3A_219] : memref<1024x76800xf32, #tpu.memory_space<hbm>> -> memref<1x15360xf32, #tpu.memory_space<hbm>>
    %dma_wait3A_221 = tpu.memref_squeeze %dma_wait3A_220 : memref<1x15360xf32, #tpu.memory_space<hbm>> -> memref<15360xf32, #tpu.memory_space<hbm>>
    %dma_wait3A_222 = arith.constant 0 : i32
    %dma_wait3A_223 = tpu.memref_slice %arg4[%dma_wait3A_215, %dma_wait3A_222] : memref<4x16640xf32, #tpu.memory_space<vmem>> -> memref<1x15360xf32, #tpu.memory_space<vmem>>
    %dma_wait3A_224 = tpu.memref_squeeze %dma_wait3A_223 : memref<1x15360xf32, #tpu.memory_space<vmem>> -> memref<15360xf32, #tpu.memory_space<vmem>>
    %dma_wait3A_225 = arith.constant 0 : i32
    %dma_wait3A_226 = tpu.memref_slice %arg3[%dma_wait3A_214, %dma_wait3A_225] : memref<1024x76800xf32, #tpu.memory_space<hbm>> -> memref<1x15360xf32, #tpu.memory_space<hbm>>
    %dma_wait3A_227 = tpu.memref_squeeze %dma_wait3A_226 : memref<1x15360xf32, #tpu.memory_space<hbm>> -> memref<15360xf32, #tpu.memory_space<hbm>>
    tpu.wait_dma2 semaphore(%arg9 : memref<!tpu.dma_semaphore, #tpu.memory_space<semaphore_mem>>) src(%dma_wait3A_227 : memref<15360xf32, #tpu.memory_space<hbm>>) dst(%dma_wait3A_224 : memref<15360xf32, #tpu.memory_space<vmem>>)
    %dma_wait3A_228 = arith.constant 0 : i32
    %dma_wait3A_229 = arith.constant 0 : i32
    %dma_wait3A_230 = arith.constant 0 : i32
    %dma_wait3A_231 = tpu.memref_slice %arg4[%dma_wait3A_229, %dma_wait3A_230] : memref<4x16640xf32, #tpu.memory_space<vmem>> -> memref<1x15360xf32, #tpu.memory_space<vmem>>
    %dma_wait3A_232 = tpu.memref_squeeze %dma_wait3A_231 : memref<1x15360xf32, #tpu.memory_space<vmem>> -> memref<15360xf32, #tpu.memory_space<vmem>>
    %dma_wait3A_233 = arith.constant 0 : i32
    %dma_wait3A_234 = tpu.memref_slice %arg3[%dma_wait3A_228, %dma_wait3A_233] : memref<1024x76800xf32, #tpu.memory_space<hbm>> -> memref<1x15360xf32, #tpu.memory_space<hbm>>
    %dma_wait3A_235 = tpu.memref_squeeze %dma_wait3A_234 : memref<1x15360xf32, #tpu.memory_space<hbm>> -> memref<15360xf32, #tpu.memory_space<hbm>>
    %dma_wait3A_236 = arith.constant 0 : i32
    %dma_wait3A_237 = tpu.memref_slice %arg4[%dma_wait3A_229, %dma_wait3A_236] : memref<4x16640xf32, #tpu.memory_space<vmem>> -> memref<1x15360xf32, #tpu.memory_space<vmem>>
    %dma_wait3A_238 = tpu.memref_squeeze %dma_wait3A_237 : memref<1x15360xf32, #tpu.memory_space<vmem>> -> memref<15360xf32, #tpu.memory_space<vmem>>
    %dma_wait3A_239 = arith.constant 0 : i32
    %dma_wait3A_240 = tpu.memref_slice %arg3[%dma_wait3A_228, %dma_wait3A_239] : memref<1024x76800xf32, #tpu.memory_space<hbm>> -> memref<1x15360xf32, #tpu.memory_space<hbm>>
    %dma_wait3A_241 = tpu.memref_squeeze %dma_wait3A_240 : memref<1x15360xf32, #tpu.memory_space<hbm>> -> memref<15360xf32, #tpu.memory_space<hbm>>
    tpu.wait_dma2 semaphore(%arg9 : memref<!tpu.dma_semaphore, #tpu.memory_space<semaphore_mem>>) src(%dma_wait3A_241 : memref<15360xf32, #tpu.memory_space<hbm>>) dst(%dma_wait3A_238 : memref<15360xf32, #tpu.memory_space<vmem>>)
    %dma_wait3A_242 = arith.constant 0 : i32
    %dma_wait3A_243 = arith.constant 0 : i32
    %dma_wait3A_244 = arith.constant 0 : i32
    %dma_wait3A_245 = tpu.memref_slice %arg4[%dma_wait3A_243, %dma_wait3A_244] : memref<4x16640xf32, #tpu.memory_space<vmem>> -> memref<1x15360xf32, #tpu.memory_space<vmem>>
    %dma_wait3A_246 = tpu.memref_squeeze %dma_wait3A_245 : memref<1x15360xf32, #tpu.memory_space<vmem>> -> memref<15360xf32, #tpu.memory_space<vmem>>
    %dma_wait3A_247 = arith.constant 0 : i32
    %dma_wait3A_248 = tpu.memref_slice %arg3[%dma_wait3A_242, %dma_wait3A_247] : memref<1024x76800xf32, #tpu.memory_space<hbm>> -> memref<1x15360xf32, #tpu.memory_space<hbm>>
    %dma_wait3A_249 = tpu.memref_squeeze %dma_wait3A_248 : memref<1x15360xf32, #tpu.memory_space<hbm>> -> memref<15360xf32, #tpu.memory_space<hbm>>
    %dma_wait3A_250 = arith.constant 0 : i32
    %dma_wait3A_251 = tpu.memref_slice %arg4[%dma_wait3A_243, %dma_wait3A_250] : memref<4x16640xf32, #tpu.memory_space<vmem>> -> memref<1x15360xf32, #tpu.memory_space<vmem>>
    %dma_wait3A_252 = tpu.memref_squeeze %dma_wait3A_251 : memref<1x15360xf32, #tpu.memory_space<vmem>> -> memref<15360xf32, #tpu.memory_space<vmem>>
    %dma_wait3A_253 = arith.constant 0 : i32
    %dma_wait3A_254 = tpu.memref_slice %arg3[%dma_wait3A_242, %dma_wait3A_253] : memref<1024x76800xf32, #tpu.memory_space<hbm>> -> memref<1x15360xf32, #tpu.memory_space<hbm>>
    %dma_wait3A_255 = tpu.memref_squeeze %dma_wait3A_254 : memref<1x15360xf32, #tpu.memory_space<hbm>> -> memref<15360xf32, #tpu.memory_space<hbm>>
    tpu.wait_dma2 semaphore(%arg9 : memref<!tpu.dma_semaphore, #tpu.memory_space<semaphore_mem>>) src(%dma_wait3A_255 : memref<15360xf32, #tpu.memory_space<hbm>>) dst(%dma_wait3A_252 : memref<15360xf32, #tpu.memory_space<vmem>>)
    %dma_wait3A_256 = arith.constant 0 : i32
    %dma_wait3A_257 = arith.constant 0 : i32
    %dma_wait3A_258 = arith.constant 0 : i32
    %dma_wait3A_259 = tpu.memref_slice %arg4[%dma_wait3A_257, %dma_wait3A_258] : memref<4x16640xf32, #tpu.memory_space<vmem>> -> memref<1x15360xf32, #tpu.memory_space<vmem>>
    %dma_wait3A_260 = tpu.memref_squeeze %dma_wait3A_259 : memref<1x15360xf32, #tpu.memory_space<vmem>> -> memref<15360xf32, #tpu.memory_space<vmem>>
    %dma_wait3A_261 = arith.constant 0 : i32
    %dma_wait3A_262 = tpu.memref_slice %arg3[%dma_wait3A_256, %dma_wait3A_261] : memref<1024x76800xf32, #tpu.memory_space<hbm>> -> memref<1x15360xf32, #tpu.memory_space<hbm>>
    %dma_wait3A_263 = tpu.memref_squeeze %dma_wait3A_262 : memref<1x15360xf32, #tpu.memory_space<hbm>> -> memref<15360xf32, #tpu.memory_space<hbm>>
    %dma_wait3A_264 = arith.constant 0 : i32
    %dma_wait3A_265 = tpu.memref_slice %arg4[%dma_wait3A_257, %dma_wait3A_264] : memref<4x16640xf32, #tpu.memory_space<vmem>> -> memref<1x15360xf32, #tpu.memory_space<vmem>>
    %dma_wait3A_266 = tpu.memref_squeeze %dma_wait3A_265 : memref<1x15360xf32, #tpu.memory_space<vmem>> -> memref<15360xf32, #tpu.memory_space<vmem>>
    %dma_wait3A_267 = arith.constant 0 : i32
    %dma_wait3A_268 = tpu.memref_slice %arg3[%dma_wait3A_256, %dma_wait3A_267] : memref<1024x76800xf32, #tpu.memory_space<hbm>> -> memref<1x15360xf32, #tpu.memory_space<hbm>>
    %dma_wait3A_269 = tpu.memref_squeeze %dma_wait3A_268 : memref<1x15360xf32, #tpu.memory_space<hbm>> -> memref<15360xf32, #tpu.memory_space<hbm>>
    tpu.wait_dma2 semaphore(%arg9 : memref<!tpu.dma_semaphore, #tpu.memory_space<semaphore_mem>>) src(%dma_wait3A_269 : memref<15360xf32, #tpu.memory_space<hbm>>) dst(%dma_wait3A_266 : memref<15360xf32, #tpu.memory_space<vmem>>)
    %dma_wait3A_270 = arith.constant 0 : i32
    %dma_wait3A_271 = arith.constant 0 : i32
    %dma_wait3A_272 = arith.constant 0 : i32
    %dma_wait3A_273 = tpu.memref_slice %arg4[%dma_wait3A_271, %dma_wait3A_272] : memref<4x16640xf32, #tpu.memory_space<vmem>> -> memref<1x15360xf32, #tpu.memory_space<vmem>>
    %dma_wait3A_274 = tpu.memref_squeeze %dma_wait3A_273 : memref<1x15360xf32, #tpu.memory_space<vmem>> -> memref<15360xf32, #tpu.memory_space<vmem>>
    %dma_wait3A_275 = arith.constant 0 : i32
    %dma_wait3A_276 = tpu.memref_slice %arg3[%dma_wait3A_270, %dma_wait3A_275] : memref<1024x76800xf32, #tpu.memory_space<hbm>> -> memref<1x15360xf32, #tpu.memory_space<hbm>>
    %dma_wait3A_277 = tpu.memref_squeeze %dma_wait3A_276 : memref<1x15360xf32, #tpu.memory_space<hbm>> -> memref<15360xf32, #tpu.memory_space<hbm>>
    %dma_wait3A_278 = arith.constant 0 : i32
    %dma_wait3A_279 = tpu.memref_slice %arg4[%dma_wait3A_271, %dma_wait3A_278] : memref<4x16640xf32, #tpu.memory_space<vmem>> -> memref<1x15360xf32, #tpu.memory_space<vmem>>
    %dma_wait3A_280 = tpu.memref_squeeze %dma_wait3A_279 : memref<1x15360xf32, #tpu.memory_space<vmem>> -> memref<15360xf32, #tpu.memory_space<vmem>>
    %dma_wait3A_281 = arith.constant 0 : i32
    %dma_wait3A_282 = tpu.memref_slice %arg3[%dma_wait3A_270, %dma_wait3A_281] : memref<1024x76800xf32, #tpu.memory_space<hbm>> -> memref<1x15360xf32, #tpu.memory_space<hbm>>
    %dma_wait3A_283 = tpu.memref_squeeze %dma_wait3A_282 : memref<1x15360xf32, #tpu.memory_space<hbm>> -> memref<15360xf32, #tpu.memory_space<hbm>>
    tpu.wait_dma2 semaphore(%arg9 : memref<!tpu.dma_semaphore, #tpu.memory_space<semaphore_mem>>) src(%dma_wait3A_283 : memref<15360xf32, #tpu.memory_space<hbm>>) dst(%dma_wait3A_280 : memref<15360xf32, #tpu.memory_space<vmem>>)
    %dma_wait3A_284 = arith.constant 0 : i32
    %dma_wait3A_285 = arith.constant 0 : i32
    %dma_wait3A_286 = arith.constant 0 : i32
    %dma_wait3A_287 = tpu.memref_slice %arg4[%dma_wait3A_285, %dma_wait3A_286] : memref<4x16640xf32, #tpu.memory_space<vmem>> -> memref<1x15360xf32, #tpu.memory_space<vmem>>
    %dma_wait3A_288 = tpu.memref_squeeze %dma_wait3A_287 : memref<1x15360xf32, #tpu.memory_space<vmem>> -> memref<15360xf32, #tpu.memory_space<vmem>>
    %dma_wait3A_289 = arith.constant 0 : i32
    %dma_wait3A_290 = tpu.memref_slice %arg3[%dma_wait3A_284, %dma_wait3A_289] : memref<1024x76800xf32, #tpu.memory_space<hbm>> -> memref<1x15360xf32, #tpu.memory_space<hbm>>
    %dma_wait3A_291 = tpu.memref_squeeze %dma_wait3A_290 : memref<1x15360xf32, #tpu.memory_space<hbm>> -> memref<15360xf32, #tpu.memory_space<hbm>>
    %dma_wait3A_292 = arith.constant 0 : i32
    %dma_wait3A_293 = tpu.memref_slice %arg4[%dma_wait3A_285, %dma_wait3A_292] : memref<4x16640xf32, #tpu.memory_space<vmem>> -> memref<1x15360xf32, #tpu.memory_space<vmem>>
    %dma_wait3A_294 = tpu.memref_squeeze %dma_wait3A_293 : memref<1x15360xf32, #tpu.memory_space<vmem>> -> memref<15360xf32, #tpu.memory_space<vmem>>
    %dma_wait3A_295 = arith.constant 0 : i32
    %dma_wait3A_296 = tpu.memref_slice %arg3[%dma_wait3A_284, %dma_wait3A_295] : memref<1024x76800xf32, #tpu.memory_space<hbm>> -> memref<1x15360xf32, #tpu.memory_space<hbm>>
    %dma_wait3A_297 = tpu.memref_squeeze %dma_wait3A_296 : memref<1x15360xf32, #tpu.memory_space<hbm>> -> memref<15360xf32, #tpu.memory_space<hbm>>
    tpu.wait_dma2 semaphore(%arg9 : memref<!tpu.dma_semaphore, #tpu.memory_space<semaphore_mem>>) src(%dma_wait3A_297 : memref<15360xf32, #tpu.memory_space<hbm>>) dst(%dma_wait3A_294 : memref<15360xf32, #tpu.memory_space<vmem>>)
    %dma_wait3A_298 = arith.constant 0 : i32
    %dma_wait3A_299 = arith.constant 0 : i32
    %dma_wait3A_300 = arith.constant 0 : i32
    %dma_wait3A_301 = tpu.memref_slice %arg4[%dma_wait3A_299, %dma_wait3A_300] : memref<4x16640xf32, #tpu.memory_space<vmem>> -> memref<1x15360xf32, #tpu.memory_space<vmem>>
    %dma_wait3A_302 = tpu.memref_squeeze %dma_wait3A_301 : memref<1x15360xf32, #tpu.memory_space<vmem>> -> memref<15360xf32, #tpu.memory_space<vmem>>
    %dma_wait3A_303 = arith.constant 0 : i32
    %dma_wait3A_304 = tpu.memref_slice %arg3[%dma_wait3A_298, %dma_wait3A_303] : memref<1024x76800xf32, #tpu.memory_space<hbm>> -> memref<1x15360xf32, #tpu.memory_space<hbm>>
    %dma_wait3A_305 = tpu.memref_squeeze %dma_wait3A_304 : memref<1x15360xf32, #tpu.memory_space<hbm>> -> memref<15360xf32, #tpu.memory_space<hbm>>
    %dma_wait3A_306 = arith.constant 0 : i32
    %dma_wait3A_307 = tpu.memref_slice %arg4[%dma_wait3A_299, %dma_wait3A_306] : memref<4x16640xf32, #tpu.memory_space<vmem>> -> memref<1x15360xf32, #tpu.memory_space<vmem>>
    %dma_wait3A_308 = tpu.memref_squeeze %dma_wait3A_307 : memref<1x15360xf32, #tpu.memory_space<vmem>> -> memref<15360xf32, #tpu.memory_space<vmem>>
    %dma_wait3A_309 = arith.constant 0 : i32
    %dma_wait3A_310 = tpu.memref_slice %arg3[%dma_wait3A_298, %dma_wait3A_309] : memref<1024x76800xf32, #tpu.memory_space<hbm>> -> memref<1x15360xf32, #tpu.memory_space<hbm>>
    %dma_wait3A_311 = tpu.memref_squeeze %dma_wait3A_310 : memref<1x15360xf32, #tpu.memory_space<hbm>> -> memref<15360xf32, #tpu.memory_space<hbm>>
    tpu.wait_dma2 semaphore(%arg9 : memref<!tpu.dma_semaphore, #tpu.memory_space<semaphore_mem>>) src(%dma_wait3A_311 : memref<15360xf32, #tpu.memory_space<hbm>>) dst(%dma_wait3A_308 : memref<15360xf32, #tpu.memory_space<vmem>>)
    %dma_wait3A_312 = arith.constant 0 : i32
    %dma_wait3A_313 = arith.constant 0 : i32
    %dma_wait3A_314 = arith.constant 0 : i32
    %dma_wait3A_315 = tpu.memref_slice %arg4[%dma_wait3A_313, %dma_wait3A_314] : memref<4x16640xf32, #tpu.memory_space<vmem>> -> memref<1x15360xf32, #tpu.memory_space<vmem>>
    %dma_wait3A_316 = tpu.memref_squeeze %dma_wait3A_315 : memref<1x15360xf32, #tpu.memory_space<vmem>> -> memref<15360xf32, #tpu.memory_space<vmem>>
    %dma_wait3A_317 = arith.constant 0 : i32
    %dma_wait3A_318 = tpu.memref_slice %arg3[%dma_wait3A_312, %dma_wait3A_317] : memref<1024x76800xf32, #tpu.memory_space<hbm>> -> memref<1x15360xf32, #tpu.memory_space<hbm>>
    %dma_wait3A_319 = tpu.memref_squeeze %dma_wait3A_318 : memref<1x15360xf32, #tpu.memory_space<hbm>> -> memref<15360xf32, #tpu.memory_space<hbm>>
    %dma_wait3A_320 = arith.constant 0 : i32
    %dma_wait3A_321 = tpu.memref_slice %arg4[%dma_wait3A_313, %dma_wait3A_320] : memref<4x16640xf32, #tpu.memory_space<vmem>> -> memref<1x15360xf32, #tpu.memory_space<vmem>>
    %dma_wait3A_322 = tpu.memref_squeeze %dma_wait3A_321 : memref<1x15360xf32, #tpu.memory_space<vmem>> -> memref<15360xf32, #tpu.memory_space<vmem>>
    %dma_wait3A_323 = arith.constant 0 : i32
    %dma_wait3A_324 = tpu.memref_slice %arg3[%dma_wait3A_312, %dma_wait3A_323] : memref<1024x76800xf32, #tpu.memory_space<hbm>> -> memref<1x15360xf32, #tpu.memory_space<hbm>>
    %dma_wait3A_325 = tpu.memref_squeeze %dma_wait3A_324 : memref<1x15360xf32, #tpu.memory_space<hbm>> -> memref<15360xf32, #tpu.memory_space<hbm>>
    tpu.wait_dma2 semaphore(%arg9 : memref<!tpu.dma_semaphore, #tpu.memory_space<semaphore_mem>>) src(%dma_wait3A_325 : memref<15360xf32, #tpu.memory_space<hbm>>) dst(%dma_wait3A_322 : memref<15360xf32, #tpu.memory_space<vmem>>)
    %dma_wait3A_326 = arith.constant 0 : i32
    %dma_wait3A_327 = arith.constant 0 : i32
    %dma_wait3A_328 = arith.constant 0 : i32
    %dma_wait3A_329 = tpu.memref_slice %arg4[%dma_wait3A_327, %dma_wait3A_328] : memref<4x16640xf32, #tpu.memory_space<vmem>> -> memref<1x15360xf32, #tpu.memory_space<vmem>>
    %dma_wait3A_330 = tpu.memref_squeeze %dma_wait3A_329 : memref<1x15360xf32, #tpu.memory_space<vmem>> -> memref<15360xf32, #tpu.memory_space<vmem>>
    %dma_wait3A_331 = arith.constant 0 : i32
    %dma_wait3A_332 = tpu.memref_slice %arg3[%dma_wait3A_326, %dma_wait3A_331] : memref<1024x76800xf32, #tpu.memory_space<hbm>> -> memref<1x15360xf32, #tpu.memory_space<hbm>>
    %dma_wait3A_333 = tpu.memref_squeeze %dma_wait3A_332 : memref<1x15360xf32, #tpu.memory_space<hbm>> -> memref<15360xf32, #tpu.memory_space<hbm>>
    %dma_wait3A_334 = arith.constant 0 : i32
    %dma_wait3A_335 = tpu.memref_slice %arg4[%dma_wait3A_327, %dma_wait3A_334] : memref<4x16640xf32, #tpu.memory_space<vmem>> -> memref<1x15360xf32, #tpu.memory_space<vmem>>
    %dma_wait3A_336 = tpu.memref_squeeze %dma_wait3A_335 : memref<1x15360xf32, #tpu.memory_space<vmem>> -> memref<15360xf32, #tpu.memory_space<vmem>>
    %dma_wait3A_337 = arith.constant 0 : i32
    %dma_wait3A_338 = tpu.memref_slice %arg3[%dma_wait3A_326, %dma_wait3A_337] : memref<1024x76800xf32, #tpu.memory_space<hbm>> -> memref<1x15360xf32, #tpu.memory_space<hbm>>
    %dma_wait3A_339 = tpu.memref_squeeze %dma_wait3A_338 : memref<1x15360xf32, #tpu.memory_space<hbm>> -> memref<15360xf32, #tpu.memory_space<hbm>>
    tpu.wait_dma2 semaphore(%arg9 : memref<!tpu.dma_semaphore, #tpu.memory_space<semaphore_mem>>) src(%dma_wait3A_339 : memref<15360xf32, #tpu.memory_space<hbm>>) dst(%dma_wait3A_336 : memref<15360xf32, #tpu.memory_space<vmem>>)
    %dma_wait3A_340 = arith.constant 0 : i32
    %dma_wait3A_341 = arith.constant 0 : i32
    %dma_wait3A_342 = arith.constant 0 : i32
    %dma_wait3A_343 = tpu.memref_slice %arg4[%dma_wait3A_341, %dma_wait3A_342] : memref<4x16640xf32, #tpu.memory_space<vmem>> -> memref<1x15360xf32, #tpu.memory_space<vmem>>
    %dma_wait3A_344 = tpu.memref_squeeze %dma_wait3A_343 : memref<1x15360xf32, #tpu.memory_space<vmem>> -> memref<15360xf32, #tpu.memory_space<vmem>>
    %dma_wait3A_345 = arith.constant 0 : i32
    %dma_wait3A_346 = tpu.memref_slice %arg3[%dma_wait3A_340, %dma_wait3A_345] : memref<1024x76800xf32, #tpu.memory_space<hbm>> -> memref<1x15360xf32, #tpu.memory_space<hbm>>
    %dma_wait3A_347 = tpu.memref_squeeze %dma_wait3A_346 : memref<1x15360xf32, #tpu.memory_space<hbm>> -> memref<15360xf32, #tpu.memory_space<hbm>>
    %dma_wait3A_348 = arith.constant 0 : i32
    %dma_wait3A_349 = tpu.memref_slice %arg4[%dma_wait3A_341, %dma_wait3A_348] : memref<4x16640xf32, #tpu.memory_space<vmem>> -> memref<1x15360xf32, #tpu.memory_space<vmem>>
    %dma_wait3A_350 = tpu.memref_squeeze %dma_wait3A_349 : memref<1x15360xf32, #tpu.memory_space<vmem>> -> memref<15360xf32, #tpu.memory_space<vmem>>
    %dma_wait3A_351 = arith.constant 0 : i32
    %dma_wait3A_352 = tpu.memref_slice %arg3[%dma_wait3A_340, %dma_wait3A_351] : memref<1024x76800xf32, #tpu.memory_space<hbm>> -> memref<1x15360xf32, #tpu.memory_space<hbm>>
    %dma_wait3A_353 = tpu.memref_squeeze %dma_wait3A_352 : memref<1x15360xf32, #tpu.memory_space<hbm>> -> memref<15360xf32, #tpu.memory_space<hbm>>
    tpu.wait_dma2 semaphore(%arg9 : memref<!tpu.dma_semaphore, #tpu.memory_space<semaphore_mem>>) src(%dma_wait3A_353 : memref<15360xf32, #tpu.memory_space<hbm>>) dst(%dma_wait3A_350 : memref<15360xf32, #tpu.memory_space<vmem>>)
    %dma_wait3A_354 = arith.constant 0 : i32
    %dma_wait3A_355 = arith.constant 0 : i32
    %dma_wait3A_356 = arith.constant 0 : i32
    %dma_wait3A_357 = tpu.memref_slice %arg4[%dma_wait3A_355, %dma_wait3A_356] : memref<4x16640xf32, #tpu.memory_space<vmem>> -> memref<1x15360xf32, #tpu.memory_space<vmem>>
    %dma_wait3A_358 = tpu.memref_squeeze %dma_wait3A_357 : memref<1x15360xf32, #tpu.memory_space<vmem>> -> memref<15360xf32, #tpu.memory_space<vmem>>
    %dma_wait3A_359 = arith.constant 0 : i32
    %dma_wait3A_360 = tpu.memref_slice %arg3[%dma_wait3A_354, %dma_wait3A_359] : memref<1024x76800xf32, #tpu.memory_space<hbm>> -> memref<1x15360xf32, #tpu.memory_space<hbm>>
    %dma_wait3A_361 = tpu.memref_squeeze %dma_wait3A_360 : memref<1x15360xf32, #tpu.memory_space<hbm>> -> memref<15360xf32, #tpu.memory_space<hbm>>
    %dma_wait3A_362 = arith.constant 0 : i32
    %dma_wait3A_363 = tpu.memref_slice %arg4[%dma_wait3A_355, %dma_wait3A_362] : memref<4x16640xf32, #tpu.memory_space<vmem>> -> memref<1x15360xf32, #tpu.memory_space<vmem>>
    %dma_wait3A_364 = tpu.memref_squeeze %dma_wait3A_363 : memref<1x15360xf32, #tpu.memory_space<vmem>> -> memref<15360xf32, #tpu.memory_space<vmem>>
    %dma_wait3A_365 = arith.constant 0 : i32
    %dma_wait3A_366 = tpu.memref_slice %arg3[%dma_wait3A_354, %dma_wait3A_365] : memref<1024x76800xf32, #tpu.memory_space<hbm>> -> memref<1x15360xf32, #tpu.memory_space<hbm>>
    %dma_wait3A_367 = tpu.memref_squeeze %dma_wait3A_366 : memref<1x15360xf32, #tpu.memory_space<hbm>> -> memref<15360xf32, #tpu.memory_space<hbm>>
    tpu.wait_dma2 semaphore(%arg9 : memref<!tpu.dma_semaphore, #tpu.memory_space<semaphore_mem>>) src(%dma_wait3A_367 : memref<15360xf32, #tpu.memory_space<hbm>>) dst(%dma_wait3A_364 : memref<15360xf32, #tpu.memory_space<vmem>>)
    %dma_wait3A_368 = arith.constant 0 : i32
    %dma_wait3A_369 = arith.constant 0 : i32
    %dma_wait3A_370 = arith.constant 0 : i32
    %dma_wait3A_371 = tpu.memref_slice %arg4[%dma_wait3A_369, %dma_wait3A_370] : memref<4x16640xf32, #tpu.memory_space<vmem>> -> memref<1x15360xf32, #tpu.memory_space<vmem>>
    %dma_wait3A_372 = tpu.memref_squeeze %dma_wait3A_371 : memref<1x15360xf32, #tpu.memory_space<vmem>> -> memref<15360xf32, #tpu.memory_space<vmem>>
    %dma_wait3A_373 = arith.constant 0 : i32
    %dma_wait3A_374 = tpu.memref_slice %arg3[%dma_wait3A_368, %dma_wait3A_373] : memref<1024x76800xf32, #tpu.memory_space<hbm>> -> memref<1x15360xf32, #tpu.memory_space<hbm>>
    %dma_wait3A_375 = tpu.memref_squeeze %dma_wait3A_374 : memref<1x15360xf32, #tpu.memory_space<hbm>> -> memref<15360xf32, #tpu.memory_space<hbm>>
    %dma_wait3A_376 = arith.constant 0 : i32
    %dma_wait3A_377 = tpu.memref_slice %arg4[%dma_wait3A_369, %dma_wait3A_376] : memref<4x16640xf32, #tpu.memory_space<vmem>> -> memref<1x15360xf32, #tpu.memory_space<vmem>>
    %dma_wait3A_378 = tpu.memref_squeeze %dma_wait3A_377 : memref<1x15360xf32, #tpu.memory_space<vmem>> -> memref<15360xf32, #tpu.memory_space<vmem>>
    %dma_wait3A_379 = arith.constant 0 : i32
    %dma_wait3A_380 = tpu.memref_slice %arg3[%dma_wait3A_368, %dma_wait3A_379] : memref<1024x76800xf32, #tpu.memory_space<hbm>> -> memref<1x15360xf32, #tpu.memory_space<hbm>>
    %dma_wait3A_381 = tpu.memref_squeeze %dma_wait3A_380 : memref<1x15360xf32, #tpu.memory_space<hbm>> -> memref<15360xf32, #tpu.memory_space<hbm>>
    tpu.wait_dma2 semaphore(%arg9 : memref<!tpu.dma_semaphore, #tpu.memory_space<semaphore_mem>>) src(%dma_wait3A_381 : memref<15360xf32, #tpu.memory_space<hbm>>) dst(%dma_wait3A_378 : memref<15360xf32, #tpu.memory_space<vmem>>)
    %dma_wait3A_382 = arith.constant 0 : i32
    %dma_wait3A_383 = arith.constant 0 : i32
    %dma_wait3A_384 = arith.constant 0 : i32
    %dma_wait3A_385 = tpu.memref_slice %arg4[%dma_wait3A_383, %dma_wait3A_384] : memref<4x16640xf32, #tpu.memory_space<vmem>> -> memref<1x15360xf32, #tpu.memory_space<vmem>>
    %dma_wait3A_386 = tpu.memref_squeeze %dma_wait3A_385 : memref<1x15360xf32, #tpu.memory_space<vmem>> -> memref<15360xf32, #tpu.memory_space<vmem>>
    %dma_wait3A_387 = arith.constant 0 : i32
    %dma_wait3A_388 = tpu.memref_slice %arg3[%dma_wait3A_382, %dma_wait3A_387] : memref<1024x76800xf32, #tpu.memory_space<hbm>> -> memref<1x15360xf32, #tpu.memory_space<hbm>>
    %dma_wait3A_389 = tpu.memref_squeeze %dma_wait3A_388 : memref<1x15360xf32, #tpu.memory_space<hbm>> -> memref<15360xf32, #tpu.memory_space<hbm>>
    %dma_wait3A_390 = arith.constant 0 : i32
    %dma_wait3A_391 = tpu.memref_slice %arg4[%dma_wait3A_383, %dma_wait3A_390] : memref<4x16640xf32, #tpu.memory_space<vmem>> -> memref<1x15360xf32, #tpu.memory_space<vmem>>
    %dma_wait3A_392 = tpu.memref_squeeze %dma_wait3A_391 : memref<1x15360xf32, #tpu.memory_space<vmem>> -> memref<15360xf32, #tpu.memory_space<vmem>>
    %dma_wait3A_393 = arith.constant 0 : i32
    %dma_wait3A_394 = tpu.memref_slice %arg3[%dma_wait3A_382, %dma_wait3A_393] : memref<1024x76800xf32, #tpu.memory_space<hbm>> -> memref<1x15360xf32, #tpu.memory_space<hbm>>
    %dma_wait3A_395 = tpu.memref_squeeze %dma_wait3A_394 : memref<1x15360xf32, #tpu.memory_space<hbm>> -> memref<15360xf32, #tpu.memory_space<hbm>>
    tpu.wait_dma2 semaphore(%arg9 : memref<!tpu.dma_semaphore, #tpu.memory_space<semaphore_mem>>) src(%dma_wait3A_395 : memref<15360xf32, #tpu.memory_space<hbm>>) dst(%dma_wait3A_392 : memref<15360xf32, #tpu.memory_space<vmem>>)
    %dma_wait3A_396 = arith.constant 0 : i32
    %dma_wait3A_397 = arith.constant 0 : i32
    %dma_wait3A_398 = arith.constant 0 : i32
    %dma_wait3A_399 = tpu.memref_slice %arg4[%dma_wait3A_397, %dma_wait3A_398] : memref<4x16640xf32, #tpu.memory_space<vmem>> -> memref<1x15360xf32, #tpu.memory_space<vmem>>
    %dma_wait3A_400 = tpu.memref_squeeze %dma_wait3A_399 : memref<1x15360xf32, #tpu.memory_space<vmem>> -> memref<15360xf32, #tpu.memory_space<vmem>>
    %dma_wait3A_401 = arith.constant 0 : i32
    %dma_wait3A_402 = tpu.memref_slice %arg3[%dma_wait3A_396, %dma_wait3A_401] : memref<1024x76800xf32, #tpu.memory_space<hbm>> -> memref<1x15360xf32, #tpu.memory_space<hbm>>
    %dma_wait3A_403 = tpu.memref_squeeze %dma_wait3A_402 : memref<1x15360xf32, #tpu.memory_space<hbm>> -> memref<15360xf32, #tpu.memory_space<hbm>>
    %dma_wait3A_404 = arith.constant 0 : i32
    %dma_wait3A_405 = tpu.memref_slice %arg4[%dma_wait3A_397, %dma_wait3A_404] : memref<4x16640xf32, #tpu.memory_space<vmem>> -> memref<1x15360xf32, #tpu.memory_space<vmem>>
    %dma_wait3A_406 = tpu.memref_squeeze %dma_wait3A_405 : memref<1x15360xf32, #tpu.memory_space<vmem>> -> memref<15360xf32, #tpu.memory_space<vmem>>
    %dma_wait3A_407 = arith.constant 0 : i32
    %dma_wait3A_408 = tpu.memref_slice %arg3[%dma_wait3A_396, %dma_wait3A_407] : memref<1024x76800xf32, #tpu.memory_space<hbm>> -> memref<1x15360xf32, #tpu.memory_space<hbm>>
    %dma_wait3A_409 = tpu.memref_squeeze %dma_wait3A_408 : memref<1x15360xf32, #tpu.memory_space<hbm>> -> memref<15360xf32, #tpu.memory_space<hbm>>
    tpu.wait_dma2 semaphore(%arg9 : memref<!tpu.dma_semaphore, #tpu.memory_space<semaphore_mem>>) src(%dma_wait3A_409 : memref<15360xf32, #tpu.memory_space<hbm>>) dst(%dma_wait3A_406 : memref<15360xf32, #tpu.memory_space<vmem>>)
    %dma_wait3A_410 = arith.constant 0 : i32
    %dma_wait3A_411 = arith.constant 0 : i32
    %dma_wait3A_412 = arith.constant 0 : i32
    %dma_wait3A_413 = tpu.memref_slice %arg4[%dma_wait3A_411, %dma_wait3A_412] : memref<4x16640xf32, #tpu.memory_space<vmem>> -> memref<1x15360xf32, #tpu.memory_space<vmem>>
    %dma_wait3A_414 = tpu.memref_squeeze %dma_wait3A_413 : memref<1x15360xf32, #tpu.memory_space<vmem>> -> memref<15360xf32, #tpu.memory_space<vmem>>
    %dma_wait3A_415 = arith.constant 0 : i32
    %dma_wait3A_416 = tpu.memref_slice %arg3[%dma_wait3A_410, %dma_wait3A_415] : memref<1024x76800xf32, #tpu.memory_space<hbm>> -> memref<1x15360xf32, #tpu.memory_space<hbm>>
    %dma_wait3A_417 = tpu.memref_squeeze %dma_wait3A_416 : memref<1x15360xf32, #tpu.memory_space<hbm>> -> memref<15360xf32, #tpu.memory_space<hbm>>
    %dma_wait3A_418 = arith.constant 0 : i32
    %dma_wait3A_419 = tpu.memref_slice %arg4[%dma_wait3A_411, %dma_wait3A_418] : memref<4x16640xf32, #tpu.memory_space<vmem>> -> memref<1x15360xf32, #tpu.memory_space<vmem>>
    %dma_wait3A_420 = tpu.memref_squeeze %dma_wait3A_419 : memref<1x15360xf32, #tpu.memory_space<vmem>> -> memref<15360xf32, #tpu.memory_space<vmem>>
    %dma_wait3A_421 = arith.constant 0 : i32
    %dma_wait3A_422 = tpu.memref_slice %arg3[%dma_wait3A_410, %dma_wait3A_421] : memref<1024x76800xf32, #tpu.memory_space<hbm>> -> memref<1x15360xf32, #tpu.memory_space<hbm>>
    %dma_wait3A_423 = tpu.memref_squeeze %dma_wait3A_422 : memref<1x15360xf32, #tpu.memory_space<hbm>> -> memref<15360xf32, #tpu.memory_space<hbm>>
    tpu.wait_dma2 semaphore(%arg9 : memref<!tpu.dma_semaphore, #tpu.memory_space<semaphore_mem>>) src(%dma_wait3A_423 : memref<15360xf32, #tpu.memory_space<hbm>>) dst(%dma_wait3A_420 : memref<15360xf32, #tpu.memory_space<vmem>>)
    %dma_wait3A_424 = arith.constant 0 : i32
    %dma_wait3A_425 = arith.constant 0 : i32
    %dma_wait3A_426 = arith.constant 0 : i32
    %dma_wait3A_427 = tpu.memref_slice %arg4[%dma_wait3A_425, %dma_wait3A_426] : memref<4x16640xf32, #tpu.memory_space<vmem>> -> memref<1x15360xf32, #tpu.memory_space<vmem>>
    %dma_wait3A_428 = tpu.memref_squeeze %dma_wait3A_427 : memref<1x15360xf32, #tpu.memory_space<vmem>> -> memref<15360xf32, #tpu.memory_space<vmem>>
    %dma_wait3A_429 = arith.constant 0 : i32
    %dma_wait3A_430 = tpu.memref_slice %arg3[%dma_wait3A_424, %dma_wait3A_429] : memref<1024x76800xf32, #tpu.memory_space<hbm>> -> memref<1x15360xf32, #tpu.memory_space<hbm>>
    %dma_wait3A_431 = tpu.memref_squeeze %dma_wait3A_430 : memref<1x15360xf32, #tpu.memory_space<hbm>> -> memref<15360xf32, #tpu.memory_space<hbm>>
    %dma_wait3A_432 = arith.constant 0 : i32
    %dma_wait3A_433 = tpu.memref_slice %arg4[%dma_wait3A_425, %dma_wait3A_432] : memref<4x16640xf32, #tpu.memory_space<vmem>> -> memref<1x15360xf32, #tpu.memory_space<vmem>>
    %dma_wait3A_434 = tpu.memref_squeeze %dma_wait3A_433 : memref<1x15360xf32, #tpu.memory_space<vmem>> -> memref<15360xf32, #tpu.memory_space<vmem>>
    %dma_wait3A_435 = arith.constant 0 : i32
    %dma_wait3A_436 = tpu.memref_slice %arg3[%dma_wait3A_424, %dma_wait3A_435] : memref<1024x76800xf32, #tpu.memory_space<hbm>> -> memref<1x15360xf32, #tpu.memory_space<hbm>>
    %dma_wait3A_437 = tpu.memref_squeeze %dma_wait3A_436 : memref<1x15360xf32, #tpu.memory_space<hbm>> -> memref<15360xf32, #tpu.memory_space<hbm>>
    tpu.wait_dma2 semaphore(%arg9 : memref<!tpu.dma_semaphore, #tpu.memory_space<semaphore_mem>>) src(%dma_wait3A_437 : memref<15360xf32, #tpu.memory_space<hbm>>) dst(%dma_wait3A_434 : memref<15360xf32, #tpu.memory_space<vmem>>)
    %dma_wait3A_438 = arith.constant 0 : i32
    %dma_wait3A_439 = arith.constant 0 : i32
    %dma_wait3A_440 = arith.constant 0 : i32
    %dma_wait3A_441 = tpu.memref_slice %arg4[%dma_wait3A_439, %dma_wait3A_440] : memref<4x16640xf32, #tpu.memory_space<vmem>> -> memref<1x15360xf32, #tpu.memory_space<vmem>>
    %dma_wait3A_442 = tpu.memref_squeeze %dma_wait3A_441 : memref<1x15360xf32, #tpu.memory_space<vmem>> -> memref<15360xf32, #tpu.memory_space<vmem>>
    %dma_wait3A_443 = arith.constant 0 : i32
    %dma_wait3A_444 = tpu.memref_slice %arg3[%dma_wait3A_438, %dma_wait3A_443] : memref<1024x76800xf32, #tpu.memory_space<hbm>> -> memref<1x15360xf32, #tpu.memory_space<hbm>>
    %dma_wait3A_445 = tpu.memref_squeeze %dma_wait3A_444 : memref<1x15360xf32, #tpu.memory_space<hbm>> -> memref<15360xf32, #tpu.memory_space<hbm>>
    %dma_wait3A_446 = arith.constant 0 : i32
    %dma_wait3A_447 = tpu.memref_slice %arg4[%dma_wait3A_439, %dma_wait3A_446] : memref<4x16640xf32, #tpu.memory_space<vmem>> -> memref<1x15360xf32, #tpu.memory_space<vmem>>
    %dma_wait3A_448 = tpu.memref_squeeze %dma_wait3A_447 : memref<1x15360xf32, #tpu.memory_space<vmem>> -> memref<15360xf32, #tpu.memory_space<vmem>>
    %dma_wait3A_449 = arith.constant 0 : i32
    %dma_wait3A_450 = tpu.memref_slice %arg3[%dma_wait3A_438, %dma_wait3A_449] : memref<1024x76800xf32, #tpu.memory_space<hbm>> -> memref<1x15360xf32, #tpu.memory_space<hbm>>
    %dma_wait3A_451 = tpu.memref_squeeze %dma_wait3A_450 : memref<1x15360xf32, #tpu.memory_space<hbm>> -> memref<15360xf32, #tpu.memory_space<hbm>>
    tpu.wait_dma2 semaphore(%arg9 : memref<!tpu.dma_semaphore, #tpu.memory_space<semaphore_mem>>) src(%dma_wait3A_451 : memref<15360xf32, #tpu.memory_space<hbm>>) dst(%dma_wait3A_448 : memref<15360xf32, #tpu.memory_space<vmem>>)
    %dma_wait3A_452 = arith.constant 0 : i32
    %dma_wait3A_453 = arith.constant 0 : i32
    %dma_wait3A_454 = arith.constant 0 : i32
    %dma_wait3A_455 = tpu.memref_slice %arg4[%dma_wait3A_453, %dma_wait3A_454] : memref<4x16640xf32, #tpu.memory_space<vmem>> -> memref<1x15360xf32, #tpu.memory_space<vmem>>
    %dma_wait3A_456 = tpu.memref_squeeze %dma_wait3A_455 : memref<1x15360xf32, #tpu.memory_space<vmem>> -> memref<15360xf32, #tpu.memory_space<vmem>>
    %dma_wait3A_457 = arith.constant 0 : i32
    %dma_wait3A_458 = tpu.memref_slice %arg3[%dma_wait3A_452, %dma_wait3A_457] : memref<1024x76800xf32, #tpu.memory_space<hbm>> -> memref<1x15360xf32, #tpu.memory_space<hbm>>
    %dma_wait3A_459 = tpu.memref_squeeze %dma_wait3A_458 : memref<1x15360xf32, #tpu.memory_space<hbm>> -> memref<15360xf32, #tpu.memory_space<hbm>>
    %dma_wait3A_460 = arith.constant 0 : i32
    %dma_wait3A_461 = tpu.memref_slice %arg4[%dma_wait3A_453, %dma_wait3A_460] : memref<4x16640xf32, #tpu.memory_space<vmem>> -> memref<1x15360xf32, #tpu.memory_space<vmem>>
    %dma_wait3A_462 = tpu.memref_squeeze %dma_wait3A_461 : memref<1x15360xf32, #tpu.memory_space<vmem>> -> memref<15360xf32, #tpu.memory_space<vmem>>
    %dma_wait3A_463 = arith.constant 0 : i32
    %dma_wait3A_464 = tpu.memref_slice %arg3[%dma_wait3A_452, %dma_wait3A_463] : memref<1024x76800xf32, #tpu.memory_space<hbm>> -> memref<1x15360xf32, #tpu.memory_space<hbm>>
    %dma_wait3A_465 = tpu.memref_squeeze %dma_wait3A_464 : memref<1x15360xf32, #tpu.memory_space<hbm>> -> memref<15360xf32, #tpu.memory_space<hbm>>
    tpu.wait_dma2 semaphore(%arg9 : memref<!tpu.dma_semaphore, #tpu.memory_space<semaphore_mem>>) src(%dma_wait3A_465 : memref<15360xf32, #tpu.memory_space<hbm>>) dst(%dma_wait3A_462 : memref<15360xf32, #tpu.memory_space<vmem>>)
    %dma_wait3A_466 = arith.constant 0 : i32
    %dma_wait3A_467 = arith.constant 0 : i32
    %dma_wait3A_468 = arith.constant 0 : i32
    %dma_wait3A_469 = tpu.memref_slice %arg4[%dma_wait3A_467, %dma_wait3A_468] : memref<4x16640xf32, #tpu.memory_space<vmem>> -> memref<1x15360xf32, #tpu.memory_space<vmem>>
    %dma_wait3A_470 = tpu.memref_squeeze %dma_wait3A_469 : memref<1x15360xf32, #tpu.memory_space<vmem>> -> memref<15360xf32, #tpu.memory_space<vmem>>
    %dma_wait3A_471 = arith.constant 0 : i32
    %dma_wait3A_472 = tpu.memref_slice %arg3[%dma_wait3A_466, %dma_wait3A_471] : memref<1024x76800xf32, #tpu.memory_space<hbm>> -> memref<1x15360xf32, #tpu.memory_space<hbm>>
    %dma_wait3A_473 = tpu.memref_squeeze %dma_wait3A_472 : memref<1x15360xf32, #tpu.memory_space<hbm>> -> memref<15360xf32, #tpu.memory_space<hbm>>
    %dma_wait3A_474 = arith.constant 0 : i32
    %dma_wait3A_475 = tpu.memref_slice %arg4[%dma_wait3A_467, %dma_wait3A_474] : memref<4x16640xf32, #tpu.memory_space<vmem>> -> memref<1x15360xf32, #tpu.memory_space<vmem>>
    %dma_wait3A_476 = tpu.memref_squeeze %dma_wait3A_475 : memref<1x15360xf32, #tpu.memory_space<vmem>> -> memref<15360xf32, #tpu.memory_space<vmem>>
    %dma_wait3A_477 = arith.constant 0 : i32
    %dma_wait3A_478 = tpu.memref_slice %arg3[%dma_wait3A_466, %dma_wait3A_477] : memref<1024x76800xf32, #tpu.memory_space<hbm>> -> memref<1x15360xf32, #tpu.memory_space<hbm>>
    %dma_wait3A_479 = tpu.memref_squeeze %dma_wait3A_478 : memref<1x15360xf32, #tpu.memory_space<hbm>> -> memref<15360xf32, #tpu.memory_space<hbm>>
    tpu.wait_dma2 semaphore(%arg9 : memref<!tpu.dma_semaphore, #tpu.memory_space<semaphore_mem>>) src(%dma_wait3A_479 : memref<15360xf32, #tpu.memory_space<hbm>>) dst(%dma_wait3A_476 : memref<15360xf32, #tpu.memory_space<vmem>>)
    %dma_wait3A_480 = arith.constant 0 : i32
    %dma_wait3A_481 = arith.constant 0 : i32
    %dma_wait3A_482 = arith.constant 0 : i32
    %dma_wait3A_483 = tpu.memref_slice %arg4[%dma_wait3A_481, %dma_wait3A_482] : memref<4x16640xf32, #tpu.memory_space<vmem>> -> memref<1x15360xf32, #tpu.memory_space<vmem>>
    %dma_wait3A_484 = tpu.memref_squeeze %dma_wait3A_483 : memref<1x15360xf32, #tpu.memory_space<vmem>> -> memref<15360xf32, #tpu.memory_space<vmem>>
    %dma_wait3A_485 = arith.constant 0 : i32
    %dma_wait3A_486 = tpu.memref_slice %arg3[%dma_wait3A_480, %dma_wait3A_485] : memref<1024x76800xf32, #tpu.memory_space<hbm>> -> memref<1x15360xf32, #tpu.memory_space<hbm>>
    %dma_wait3A_487 = tpu.memref_squeeze %dma_wait3A_486 : memref<1x15360xf32, #tpu.memory_space<hbm>> -> memref<15360xf32, #tpu.memory_space<hbm>>
    %dma_wait3A_488 = arith.constant 0 : i32
    %dma_wait3A_489 = tpu.memref_slice %arg4[%dma_wait3A_481, %dma_wait3A_488] : memref<4x16640xf32, #tpu.memory_space<vmem>> -> memref<1x15360xf32, #tpu.memory_space<vmem>>
    %dma_wait3A_490 = tpu.memref_squeeze %dma_wait3A_489 : memref<1x15360xf32, #tpu.memory_space<vmem>> -> memref<15360xf32, #tpu.memory_space<vmem>>
    %dma_wait3A_491 = arith.constant 0 : i32
    %dma_wait3A_492 = tpu.memref_slice %arg3[%dma_wait3A_480, %dma_wait3A_491] : memref<1024x76800xf32, #tpu.memory_space<hbm>> -> memref<1x15360xf32, #tpu.memory_space<hbm>>
    %dma_wait3A_493 = tpu.memref_squeeze %dma_wait3A_492 : memref<1x15360xf32, #tpu.memory_space<hbm>> -> memref<15360xf32, #tpu.memory_space<hbm>>
    tpu.wait_dma2 semaphore(%arg9 : memref<!tpu.dma_semaphore, #tpu.memory_space<semaphore_mem>>) src(%dma_wait3A_493 : memref<15360xf32, #tpu.memory_space<hbm>>) dst(%dma_wait3A_490 : memref<15360xf32, #tpu.memory_space<vmem>>)
    %dma_wait3A_494 = arith.constant 0 : i32
    %dma_wait3A_495 = arith.constant 0 : i32
    %dma_wait3A_496 = arith.constant 0 : i32
    %dma_wait3A_497 = tpu.memref_slice %arg4[%dma_wait3A_495, %dma_wait3A_496] : memref<4x16640xf32, #tpu.memory_space<vmem>> -> memref<1x15360xf32, #tpu.memory_space<vmem>>
    %dma_wait3A_498 = tpu.memref_squeeze %dma_wait3A_497 : memref<1x15360xf32, #tpu.memory_space<vmem>> -> memref<15360xf32, #tpu.memory_space<vmem>>
    %dma_wait3A_499 = arith.constant 0 : i32
    %dma_wait3A_500 = tpu.memref_slice %arg3[%dma_wait3A_494, %dma_wait3A_499] : memref<1024x76800xf32, #tpu.memory_space<hbm>> -> memref<1x15360xf32, #tpu.memory_space<hbm>>
    %dma_wait3A_501 = tpu.memref_squeeze %dma_wait3A_500 : memref<1x15360xf32, #tpu.memory_space<hbm>> -> memref<15360xf32, #tpu.memory_space<hbm>>
    %dma_wait3A_502 = arith.constant 0 : i32
    %dma_wait3A_503 = tpu.memref_slice %arg4[%dma_wait3A_495, %dma_wait3A_502] : memref<4x16640xf32, #tpu.memory_space<vmem>> -> memref<1x15360xf32, #tpu.memory_space<vmem>>
    %dma_wait3A_504 = tpu.memref_squeeze %dma_wait3A_503 : memref<1x15360xf32, #tpu.memory_space<vmem>> -> memref<15360xf32, #tpu.memory_space<vmem>>
    %dma_wait3A_505 = arith.constant 0 : i32
    %dma_wait3A_506 = tpu.memref_slice %arg3[%dma_wait3A_494, %dma_wait3A_505] : memref<1024x76800xf32, #tpu.memory_space<hbm>> -> memref<1x15360xf32, #tpu.memory_space<hbm>>
    %dma_wait3A_507 = tpu.memref_squeeze %dma_wait3A_506 : memref<1x15360xf32, #tpu.memory_space<hbm>> -> memref<15360xf32, #tpu.memory_space<hbm>>
    tpu.wait_dma2 semaphore(%arg9 : memref<!tpu.dma_semaphore, #tpu.memory_space<semaphore_mem>>) src(%dma_wait3A_507 : memref<15360xf32, #tpu.memory_space<hbm>>) dst(%dma_wait3A_504 : memref<15360xf32, #tpu.memory_space<vmem>>)
    %dma_wait3A_508 = arith.constant 0 : i32
    %dma_wait3A_509 = arith.constant 0 : i32
    %dma_wait3A_510 = arith.constant 0 : i32
    %dma_wait3A_511 = tpu.memref_slice %arg4[%dma_wait3A_509, %dma_wait3A_510] : memref<4x16640xf32, #tpu.memory_space<vmem>> -> memref<1x15360xf32, #tpu.memory_space<vmem>>
    %dma_wait3A_512 = tpu.memref_squeeze %dma_wait3A_511 : memref<1x15360xf32, #tpu.memory_space<vmem>> -> memref<15360xf32, #tpu.memory_space<vmem>>
    %dma_wait3A_513 = arith.constant 0 : i32
    %dma_wait3A_514 = tpu.memref_slice %arg3[%dma_wait3A_508, %dma_wait3A_513] : memref<1024x76800xf32, #tpu.memory_space<hbm>> -> memref<1x15360xf32, #tpu.memory_space<hbm>>
    %dma_wait3A_515 = tpu.memref_squeeze %dma_wait3A_514 : memref<1x15360xf32, #tpu.memory_space<hbm>> -> memref<15360xf32, #tpu.memory_space<hbm>>
    %dma_wait3A_516 = arith.constant 0 : i32
    %dma_wait3A_517 = tpu.memref_slice %arg4[%dma_wait3A_509, %dma_wait3A_516] : memref<4x16640xf32, #tpu.memory_space<vmem>> -> memref<1x15360xf32, #tpu.memory_space<vmem>>
    %dma_wait3A_518 = tpu.memref_squeeze %dma_wait3A_517 : memref<1x15360xf32, #tpu.memory_space<vmem>> -> memref<15360xf32, #tpu.memory_space<vmem>>
    %dma_wait3A_519 = arith.constant 0 : i32
    %dma_wait3A_520 = tpu.memref_slice %arg3[%dma_wait3A_508, %dma_wait3A_519] : memref<1024x76800xf32, #tpu.memory_space<hbm>> -> memref<1x15360xf32, #tpu.memory_space<hbm>>
    %dma_wait3A_521 = tpu.memref_squeeze %dma_wait3A_520 : memref<1x15360xf32, #tpu.memory_space<hbm>> -> memref<15360xf32, #tpu.memory_space<hbm>>
    tpu.wait_dma2 semaphore(%arg9 : memref<!tpu.dma_semaphore, #tpu.memory_space<semaphore_mem>>) src(%dma_wait3A_521 : memref<15360xf32, #tpu.memory_space<hbm>>) dst(%dma_wait3A_518 : memref<15360xf32, #tpu.memory_space<vmem>>)
    %dma_wait3A_522 = arith.constant 0 : i32
    %dma_wait3A_523 = arith.constant 0 : i32
    %dma_wait3A_524 = arith.constant 0 : i32
    %dma_wait3A_525 = tpu.memref_slice %arg4[%dma_wait3A_523, %dma_wait3A_524] : memref<4x16640xf32, #tpu.memory_space<vmem>> -> memref<1x15360xf32, #tpu.memory_space<vmem>>
    %dma_wait3A_526 = tpu.memref_squeeze %dma_wait3A_525 : memref<1x15360xf32, #tpu.memory_space<vmem>> -> memref<15360xf32, #tpu.memory_space<vmem>>
    %dma_wait3A_527 = arith.constant 0 : i32
    %dma_wait3A_528 = tpu.memref_slice %arg3[%dma_wait3A_522, %dma_wait3A_527] : memref<1024x76800xf32, #tpu.memory_space<hbm>> -> memref<1x15360xf32, #tpu.memory_space<hbm>>
    %dma_wait3A_529 = tpu.memref_squeeze %dma_wait3A_528 : memref<1x15360xf32, #tpu.memory_space<hbm>> -> memref<15360xf32, #tpu.memory_space<hbm>>
    %dma_wait3A_530 = arith.constant 0 : i32
    %dma_wait3A_531 = tpu.memref_slice %arg4[%dma_wait3A_523, %dma_wait3A_530] : memref<4x16640xf32, #tpu.memory_space<vmem>> -> memref<1x15360xf32, #tpu.memory_space<vmem>>
    %dma_wait3A_532 = tpu.memref_squeeze %dma_wait3A_531 : memref<1x15360xf32, #tpu.memory_space<vmem>> -> memref<15360xf32, #tpu.memory_space<vmem>>
    %dma_wait3A_533 = arith.constant 0 : i32
    %dma_wait3A_534 = tpu.memref_slice %arg3[%dma_wait3A_522, %dma_wait3A_533] : memref<1024x76800xf32, #tpu.memory_space<hbm>> -> memref<1x15360xf32, #tpu.memory_space<hbm>>
    %dma_wait3A_535 = tpu.memref_squeeze %dma_wait3A_534 : memref<1x15360xf32, #tpu.memory_space<hbm>> -> memref<15360xf32, #tpu.memory_space<hbm>>
    tpu.wait_dma2 semaphore(%arg9 : memref<!tpu.dma_semaphore, #tpu.memory_space<semaphore_mem>>) src(%dma_wait3A_535 : memref<15360xf32, #tpu.memory_space<hbm>>) dst(%dma_wait3A_532 : memref<15360xf32, #tpu.memory_space<vmem>>)
    %dma_wait3A_536 = arith.constant 0 : i32
    %dma_wait3A_537 = arith.constant 0 : i32
    %dma_wait3A_538 = arith.constant 0 : i32
    %dma_wait3A_539 = tpu.memref_slice %arg4[%dma_wait3A_537, %dma_wait3A_538] : memref<4x16640xf32, #tpu.memory_space<vmem>> -> memref<1x15360xf32, #tpu.memory_space<vmem>>
    %dma_wait3A_540 = tpu.memref_squeeze %dma_wait3A_539 : memref<1x15360xf32, #tpu.memory_space<vmem>> -> memref<15360xf32, #tpu.memory_space<vmem>>
    %dma_wait3A_541 = arith.constant 0 : i32
    %dma_wait3A_542 = tpu.memref_slice %arg3[%dma_wait3A_536, %dma_wait3A_541] : memref<1024x76800xf32, #tpu.memory_space<hbm>> -> memref<1x15360xf32, #tpu.memory_space<hbm>>
    %dma_wait3A_543 = tpu.memref_squeeze %dma_wait3A_542 : memref<1x15360xf32, #tpu.memory_space<hbm>> -> memref<15360xf32, #tpu.memory_space<hbm>>
    %dma_wait3A_544 = arith.constant 0 : i32
    %dma_wait3A_545 = tpu.memref_slice %arg4[%dma_wait3A_537, %dma_wait3A_544] : memref<4x16640xf32, #tpu.memory_space<vmem>> -> memref<1x15360xf32, #tpu.memory_space<vmem>>
    %dma_wait3A_546 = tpu.memref_squeeze %dma_wait3A_545 : memref<1x15360xf32, #tpu.memory_space<vmem>> -> memref<15360xf32, #tpu.memory_space<vmem>>
    %dma_wait3A_547 = arith.constant 0 : i32
    %dma_wait3A_548 = tpu.memref_slice %arg3[%dma_wait3A_536, %dma_wait3A_547] : memref<1024x76800xf32, #tpu.memory_space<hbm>> -> memref<1x15360xf32, #tpu.memory_space<hbm>>
    %dma_wait3A_549 = tpu.memref_squeeze %dma_wait3A_548 : memref<1x15360xf32, #tpu.memory_space<hbm>> -> memref<15360xf32, #tpu.memory_space<hbm>>
    tpu.wait_dma2 semaphore(%arg9 : memref<!tpu.dma_semaphore, #tpu.memory_space<semaphore_mem>>) src(%dma_wait3A_549 : memref<15360xf32, #tpu.memory_space<hbm>>) dst(%dma_wait3A_546 : memref<15360xf32, #tpu.memory_space<vmem>>)
    %dma_wait3A_550 = arith.constant 0 : i32
    %dma_wait3A_551 = arith.constant 0 : i32
    %dma_wait3A_552 = arith.constant 0 : i32
    %dma_wait3A_553 = tpu.memref_slice %arg4[%dma_wait3A_551, %dma_wait3A_552] : memref<4x16640xf32, #tpu.memory_space<vmem>> -> memref<1x15360xf32, #tpu.memory_space<vmem>>
    %dma_wait3A_554 = tpu.memref_squeeze %dma_wait3A_553 : memref<1x15360xf32, #tpu.memory_space<vmem>> -> memref<15360xf32, #tpu.memory_space<vmem>>
    %dma_wait3A_555 = arith.constant 0 : i32
    %dma_wait3A_556 = tpu.memref_slice %arg3[%dma_wait3A_550, %dma_wait3A_555] : memref<1024x76800xf32, #tpu.memory_space<hbm>> -> memref<1x15360xf32, #tpu.memory_space<hbm>>
    %dma_wait3A_557 = tpu.memref_squeeze %dma_wait3A_556 : memref<1x15360xf32, #tpu.memory_space<hbm>> -> memref<15360xf32, #tpu.memory_space<hbm>>
    %dma_wait3A_558 = arith.constant 0 : i32
    %dma_wait3A_559 = tpu.memref_slice %arg4[%dma_wait3A_551, %dma_wait3A_558] : memref<4x16640xf32, #tpu.memory_space<vmem>> -> memref<1x15360xf32, #tpu.memory_space<vmem>>
    %dma_wait3A_560 = tpu.memref_squeeze %dma_wait3A_559 : memref<1x15360xf32, #tpu.memory_space<vmem>> -> memref<15360xf32, #tpu.memory_space<vmem>>
    %dma_wait3A_561 = arith.constant 0 : i32
    %dma_wait3A_562 = tpu.memref_slice %arg3[%dma_wait3A_550, %dma_wait3A_561] : memref<1024x76800xf32, #tpu.memory_space<hbm>> -> memref<1x15360xf32, #tpu.memory_space<hbm>>
    %dma_wait3A_563 = tpu.memref_squeeze %dma_wait3A_562 : memref<1x15360xf32, #tpu.memory_space<hbm>> -> memref<15360xf32, #tpu.memory_space<hbm>>
    tpu.wait_dma2 semaphore(%arg9 : memref<!tpu.dma_semaphore, #tpu.memory_space<semaphore_mem>>) src(%dma_wait3A_563 : memref<15360xf32, #tpu.memory_space<hbm>>) dst(%dma_wait3A_560 : memref<15360xf32, #tpu.memory_space<vmem>>)
    %dma_wait3A_564 = arith.constant 0 : i32
    %dma_wait3A_565 = arith.constant 0 : i32
    %dma_wait3A_566 = arith.constant 0 : i32
    %dma_wait3A_567 = tpu.memref_slice %arg4[%dma_wait3A_565, %dma_wait3A_566] : memref<4x16640xf32, #tpu.memory_space<vmem>> -> memref<1x15360xf32, #tpu.memory_space<vmem>>
    %dma_wait3A_568 = tpu.memref_squeeze %dma_wait3A_567 : memref<1x15360xf32, #tpu.memory_space<vmem>> -> memref<15360xf32, #tpu.memory_space<vmem>>
    %dma_wait3A_569 = arith.constant 0 : i32
    %dma_wait3A_570 = tpu.memref_slice %arg3[%dma_wait3A_564, %dma_wait3A_569] : memref<1024x76800xf32, #tpu.memory_space<hbm>> -> memref<1x15360xf32, #tpu.memory_space<hbm>>
    %dma_wait3A_571 = tpu.memref_squeeze %dma_wait3A_570 : memref<1x15360xf32, #tpu.memory_space<hbm>> -> memref<15360xf32, #tpu.memory_space<hbm>>
    %dma_wait3A_572 = arith.constant 0 : i32
    %dma_wait3A_573 = tpu.memref_slice %arg4[%dma_wait3A_565, %dma_wait3A_572] : memref<4x16640xf32, #tpu.memory_space<vmem>> -> memref<1x15360xf32, #tpu.memory_space<vmem>>
    %dma_wait3A_574 = tpu.memref_squeeze %dma_wait3A_573 : memref<1x15360xf32, #tpu.memory_space<vmem>> -> memref<15360xf32, #tpu.memory_space<vmem>>
    %dma_wait3A_575 = arith.constant 0 : i32
    %dma_wait3A_576 = tpu.memref_slice %arg3[%dma_wait3A_564, %dma_wait3A_575] : memref<1024x76800xf32, #tpu.memory_space<hbm>> -> memref<1x15360xf32, #tpu.memory_space<hbm>>
    %dma_wait3A_577 = tpu.memref_squeeze %dma_wait3A_576 : memref<1x15360xf32, #tpu.memory_space<hbm>> -> memref<15360xf32, #tpu.memory_space<hbm>>
    tpu.wait_dma2 semaphore(%arg9 : memref<!tpu.dma_semaphore, #tpu.memory_space<semaphore_mem>>) src(%dma_wait3A_577 : memref<15360xf32, #tpu.memory_space<hbm>>) dst(%dma_wait3A_574 : memref<15360xf32, #tpu.memory_space<vmem>>)
    %dma_wait3A_578 = arith.constant 0 : i32
    %dma_wait3A_579 = arith.constant 0 : i32
    %dma_wait3A_580 = arith.constant 0 : i32
    %dma_wait3A_581 = tpu.memref_slice %arg4[%dma_wait3A_579, %dma_wait3A_580] : memref<4x16640xf32, #tpu.memory_space<vmem>> -> memref<1x15360xf32, #tpu.memory_space<vmem>>
    %dma_wait3A_582 = tpu.memref_squeeze %dma_wait3A_581 : memref<1x15360xf32, #tpu.memory_space<vmem>> -> memref<15360xf32, #tpu.memory_space<vmem>>
    %dma_wait3A_583 = arith.constant 0 : i32
    %dma_wait3A_584 = tpu.memref_slice %arg3[%dma_wait3A_578, %dma_wait3A_583] : memref<1024x76800xf32, #tpu.memory_space<hbm>> -> memref<1x15360xf32, #tpu.memory_space<hbm>>
    %dma_wait3A_585 = tpu.memref_squeeze %dma_wait3A_584 : memref<1x15360xf32, #tpu.memory_space<hbm>> -> memref<15360xf32, #tpu.memory_space<hbm>>
    %dma_wait3A_586 = arith.constant 0 : i32
    %dma_wait3A_587 = tpu.memref_slice %arg4[%dma_wait3A_579, %dma_wait3A_586] : memref<4x16640xf32, #tpu.memory_space<vmem>> -> memref<1x15360xf32, #tpu.memory_space<vmem>>
    %dma_wait3A_588 = tpu.memref_squeeze %dma_wait3A_587 : memref<1x15360xf32, #tpu.memory_space<vmem>> -> memref<15360xf32, #tpu.memory_space<vmem>>
    %dma_wait3A_589 = arith.constant 0 : i32
    %dma_wait3A_590 = tpu.memref_slice %arg3[%dma_wait3A_578, %dma_wait3A_589] : memref<1024x76800xf32, #tpu.memory_space<hbm>> -> memref<1x15360xf32, #tpu.memory_space<hbm>>
    %dma_wait3A_591 = tpu.memref_squeeze %dma_wait3A_590 : memref<1x15360xf32, #tpu.memory_space<hbm>> -> memref<15360xf32, #tpu.memory_space<hbm>>
    tpu.wait_dma2 semaphore(%arg9 : memref<!tpu.dma_semaphore, #tpu.memory_space<semaphore_mem>>) src(%dma_wait3A_591 : memref<15360xf32, #tpu.memory_space<hbm>>) dst(%dma_wait3A_588 : memref<15360xf32, #tpu.memory_space<vmem>>)
    %dma_wait3A_592 = arith.constant 0 : i32
    %dma_wait3A_593 = arith.constant 0 : i32
    %dma_wait3A_594 = arith.constant 0 : i32
    %dma_wait3A_595 = tpu.memref_slice %arg4[%dma_wait3A_593, %dma_wait3A_594] : memref<4x16640xf32, #tpu.memory_space<vmem>> -> memref<1x15360xf32, #tpu.memory_space<vmem>>
    %dma_wait3A_596 = tpu.memref_squeeze %dma_wait3A_595 : memref<1x15360xf32, #tpu.memory_space<vmem>> -> memref<15360xf32, #tpu.memory_space<vmem>>
    %dma_wait3A_597 = arith.constant 0 : i32
    %dma_wait3A_598 = tpu.memref_slice %arg3[%dma_wait3A_592, %dma_wait3A_597] : memref<1024x76800xf32, #tpu.memory_space<hbm>> -> memref<1x15360xf32, #tpu.memory_space<hbm>>
    %dma_wait3A_599 = tpu.memref_squeeze %dma_wait3A_598 : memref<1x15360xf32, #tpu.memory_space<hbm>> -> memref<15360xf32, #tpu.memory_space<hbm>>
    %dma_wait3A_600 = arith.constant 0 : i32
    %dma_wait3A_601 = tpu.memref_slice %arg4[%dma_wait3A_593, %dma_wait3A_600] : memref<4x16640xf32, #tpu.memory_space<vmem>> -> memref<1x15360xf32, #tpu.memory_space<vmem>>
    %dma_wait3A_602 = tpu.memref_squeeze %dma_wait3A_601 : memref<1x15360xf32, #tpu.memory_space<vmem>> -> memref<15360xf32, #tpu.memory_space<vmem>>
    %dma_wait3A_603 = arith.constant 0 : i32
    %dma_wait3A_604 = tpu.memref_slice %arg3[%dma_wait3A_592, %dma_wait3A_603] : memref<1024x76800xf32, #tpu.memory_space<hbm>> -> memref<1x15360xf32, #tpu.memory_space<hbm>>
    %dma_wait3A_605 = tpu.memref_squeeze %dma_wait3A_604 : memref<1x15360xf32, #tpu.memory_space<hbm>> -> memref<15360xf32, #tpu.memory_space<hbm>>
    tpu.wait_dma2 semaphore(%arg10 : memref<!tpu.dma_semaphore, #tpu.memory_space<semaphore_mem>>) src(%dma_wait3A_605 : memref<15360xf32, #tpu.memory_space<hbm>>) dst(%dma_wait3A_602 : memref<15360xf32, #tpu.memory_space<vmem>>)
    %dma_wait3A_606 = arith.constant 0 : i32
    %dma_wait3A_607 = arith.constant 0 : i32
    %dma_wait3A_608 = arith.constant 0 : i32
    %dma_wait3A_609 = tpu.memref_slice %arg4[%dma_wait3A_607, %dma_wait3A_608] : memref<4x16640xf32, #tpu.memory_space<vmem>> -> memref<1x15360xf32, #tpu.memory_space<vmem>>
    %dma_wait3A_610 = tpu.memref_squeeze %dma_wait3A_609 : memref<1x15360xf32, #tpu.memory_space<vmem>> -> memref<15360xf32, #tpu.memory_space<vmem>>
    %dma_wait3A_611 = arith.constant 0 : i32
    %dma_wait3A_612 = tpu.memref_slice %arg3[%dma_wait3A_606, %dma_wait3A_611] : memref<1024x76800xf32, #tpu.memory_space<hbm>> -> memref<1x15360xf32, #tpu.memory_space<hbm>>
    %dma_wait3A_613 = tpu.memref_squeeze %dma_wait3A_612 : memref<1x15360xf32, #tpu.memory_space<hbm>> -> memref<15360xf32, #tpu.memory_space<hbm>>
    %dma_wait3A_614 = arith.constant 0 : i32
    %dma_wait3A_615 = tpu.memref_slice %arg4[%dma_wait3A_607, %dma_wait3A_614] : memref<4x16640xf32, #tpu.memory_space<vmem>> -> memref<1x15360xf32, #tpu.memory_space<vmem>>
    %dma_wait3A_616 = tpu.memref_squeeze %dma_wait3A_615 : memref<1x15360xf32, #tpu.memory_space<vmem>> -> memref<15360xf32, #tpu.memory_space<vmem>>
    %dma_wait3A_617 = arith.constant 0 : i32
    %dma_wait3A_618 = tpu.memref_slice %arg3[%dma_wait3A_606, %dma_wait3A_617] : memref<1024x76800xf32, #tpu.memory_space<hbm>> -> memref<1x15360xf32, #tpu.memory_space<hbm>>
    %dma_wait3A_619 = tpu.memref_squeeze %dma_wait3A_618 : memref<1x15360xf32, #tpu.memory_space<hbm>> -> memref<15360xf32, #tpu.memory_space<hbm>>
    tpu.wait_dma2 semaphore(%arg10 : memref<!tpu.dma_semaphore, #tpu.memory_space<semaphore_mem>>) src(%dma_wait3A_619 : memref<15360xf32, #tpu.memory_space<hbm>>) dst(%dma_wait3A_616 : memref<15360xf32, #tpu.memory_space<vmem>>)
    %dma_wait3A_620 = arith.constant 0 : i32
    %dma_wait3A_621 = arith.constant 0 : i32
    %dma_wait3A_622 = arith.constant 0 : i32
    %dma_wait3A_623 = tpu.memref_slice %arg4[%dma_wait3A_621, %dma_wait3A_622] : memref<4x16640xf32, #tpu.memory_space<vmem>> -> memref<1x15360xf32, #tpu.memory_space<vmem>>
    %dma_wait3A_624 = tpu.memref_squeeze %dma_wait3A_623 : memref<1x15360xf32, #tpu.memory_space<vmem>> -> memref<15360xf32, #tpu.memory_space<vmem>>
    %dma_wait3A_625 = arith.constant 0 : i32
    %dma_wait3A_626 = tpu.memref_slice %arg3[%dma_wait3A_620, %dma_wait3A_625] : memref<1024x76800xf32, #tpu.memory_space<hbm>> -> memref<1x15360xf32, #tpu.memory_space<hbm>>
    %dma_wait3A_627 = tpu.memref_squeeze %dma_wait3A_626 : memref<1x15360xf32, #tpu.memory_space<hbm>> -> memref<15360xf32, #tpu.memory_space<hbm>>
    %dma_wait3A_628 = arith.constant 0 : i32
    %dma_wait3A_629 = tpu.memref_slice %arg4[%dma_wait3A_621, %dma_wait3A_628] : memref<4x16640xf32, #tpu.memory_space<vmem>> -> memref<1x15360xf32, #tpu.memory_space<vmem>>
    %dma_wait3A_630 = tpu.memref_squeeze %dma_wait3A_629 : memref<1x15360xf32, #tpu.memory_space<vmem>> -> memref<15360xf32, #tpu.memory_space<vmem>>
    %dma_wait3A_631 = arith.constant 0 : i32
    %dma_wait3A_632 = tpu.memref_slice %arg3[%dma_wait3A_620, %dma_wait3A_631] : memref<1024x76800xf32, #tpu.memory_space<hbm>> -> memref<1x15360xf32, #tpu.memory_space<hbm>>
    %dma_wait3A_633 = tpu.memref_squeeze %dma_wait3A_632 : memref<1x15360xf32, #tpu.memory_space<hbm>> -> memref<15360xf32, #tpu.memory_space<hbm>>
    tpu.wait_dma2 semaphore(%arg10 : memref<!tpu.dma_semaphore, #tpu.memory_space<semaphore_mem>>) src(%dma_wait3A_633 : memref<15360xf32, #tpu.memory_space<hbm>>) dst(%dma_wait3A_630 : memref<15360xf32, #tpu.memory_space<vmem>>)
    %dma_wait3A_634 = arith.constant 0 : i32
    %dma_wait3A_635 = arith.constant 0 : i32
    %dma_wait3A_636 = arith.constant 0 : i32
    %dma_wait3A_637 = tpu.memref_slice %arg4[%dma_wait3A_635, %dma_wait3A_636] : memref<4x16640xf32, #tpu.memory_space<vmem>> -> memref<1x15360xf32, #tpu.memory_space<vmem>>
    %dma_wait3A_638 = tpu.memref_squeeze %dma_wait3A_637 : memref<1x15360xf32, #tpu.memory_space<vmem>> -> memref<15360xf32, #tpu.memory_space<vmem>>
    %dma_wait3A_639 = arith.constant 0 : i32
    %dma_wait3A_640 = tpu.memref_slice %arg3[%dma_wait3A_634, %dma_wait3A_639] : memref<1024x76800xf32, #tpu.memory_space<hbm>> -> memref<1x15360xf32, #tpu.memory_space<hbm>>
    %dma_wait3A_641 = tpu.memref_squeeze %dma_wait3A_640 : memref<1x15360xf32, #tpu.memory_space<hbm>> -> memref<15360xf32, #tpu.memory_space<hbm>>
    %dma_wait3A_642 = arith.constant 0 : i32
    %dma_wait3A_643 = tpu.memref_slice %arg4[%dma_wait3A_635, %dma_wait3A_642] : memref<4x16640xf32, #tpu.memory_space<vmem>> -> memref<1x15360xf32, #tpu.memory_space<vmem>>
    %dma_wait3A_644 = tpu.memref_squeeze %dma_wait3A_643 : memref<1x15360xf32, #tpu.memory_space<vmem>> -> memref<15360xf32, #tpu.memory_space<vmem>>
    %dma_wait3A_645 = arith.constant 0 : i32
    %dma_wait3A_646 = tpu.memref_slice %arg3[%dma_wait3A_634, %dma_wait3A_645] : memref<1024x76800xf32, #tpu.memory_space<hbm>> -> memref<1x15360xf32, #tpu.memory_space<hbm>>
    %dma_wait3A_647 = tpu.memref_squeeze %dma_wait3A_646 : memref<1x15360xf32, #tpu.memory_space<hbm>> -> memref<15360xf32, #tpu.memory_space<hbm>>
    tpu.wait_dma2 semaphore(%arg10 : memref<!tpu.dma_semaphore, #tpu.memory_space<semaphore_mem>>) src(%dma_wait3A_647 : memref<15360xf32, #tpu.memory_space<hbm>>) dst(%dma_wait3A_644 : memref<15360xf32, #tpu.memory_space<vmem>>)
    %dma_wait3A_648 = arith.constant 0 : i32
    %dma_wait3A_649 = arith.constant 0 : i32
    %dma_wait3A_650 = arith.constant 0 : i32
    %dma_wait3A_651 = tpu.memref_slice %arg4[%dma_wait3A_649, %dma_wait3A_650] : memref<4x16640xf32, #tpu.memory_space<vmem>> -> memref<1x15360xf32, #tpu.memory_space<vmem>>
    %dma_wait3A_652 = tpu.memref_squeeze %dma_wait3A_651 : memref<1x15360xf32, #tpu.memory_space<vmem>> -> memref<15360xf32, #tpu.memory_space<vmem>>
    %dma_wait3A_653 = arith.constant 0 : i32
    %dma_wait3A_654 = tpu.memref_slice %arg3[%dma_wait3A_648, %dma_wait3A_653] : memref<1024x76800xf32, #tpu.memory_space<hbm>> -> memref<1x15360xf32, #tpu.memory_space<hbm>>
    %dma_wait3A_655 = tpu.memref_squeeze %dma_wait3A_654 : memref<1x15360xf32, #tpu.memory_space<hbm>> -> memref<15360xf32, #tpu.memory_space<hbm>>
    %dma_wait3A_656 = arith.constant 0 : i32
    %dma_wait3A_657 = tpu.memref_slice %arg4[%dma_wait3A_649, %dma_wait3A_656] : memref<4x16640xf32, #tpu.memory_space<vmem>> -> memref<1x15360xf32, #tpu.memory_space<vmem>>
    %dma_wait3A_658 = tpu.memref_squeeze %dma_wait3A_657 : memref<1x15360xf32, #tpu.memory_space<vmem>> -> memref<15360xf32, #tpu.memory_space<vmem>>
    %dma_wait3A_659 = arith.constant 0 : i32
    %dma_wait3A_660 = tpu.memref_slice %arg3[%dma_wait3A_648, %dma_wait3A_659] : memref<1024x76800xf32, #tpu.memory_space<hbm>> -> memref<1x15360xf32, #tpu.memory_space<hbm>>
    %dma_wait3A_661 = tpu.memref_squeeze %dma_wait3A_660 : memref<1x15360xf32, #tpu.memory_space<hbm>> -> memref<15360xf32, #tpu.memory_space<hbm>>
    tpu.wait_dma2 semaphore(%arg10 : memref<!tpu.dma_semaphore, #tpu.memory_space<semaphore_mem>>) src(%dma_wait3A_661 : memref<15360xf32, #tpu.memory_space<hbm>>) dst(%dma_wait3A_658 : memref<15360xf32, #tpu.memory_space<vmem>>)
    %dma_wait3A_662 = arith.constant 0 : i32
    %dma_wait3A_663 = arith.constant 0 : i32
    %dma_wait3A_664 = arith.constant 0 : i32
    %dma_wait3A_665 = tpu.memref_slice %arg4[%dma_wait3A_663, %dma_wait3A_664] : memref<4x16640xf32, #tpu.memory_space<vmem>> -> memref<1x15360xf32, #tpu.memory_space<vmem>>
    %dma_wait3A_666 = tpu.memref_squeeze %dma_wait3A_665 : memref<1x15360xf32, #tpu.memory_space<vmem>> -> memref<15360xf32, #tpu.memory_space<vmem>>
    %dma_wait3A_667 = arith.constant 0 : i32
    %dma_wait3A_668 = tpu.memref_slice %arg3[%dma_wait3A_662, %dma_wait3A_667] : memref<1024x76800xf32, #tpu.memory_space<hbm>> -> memref<1x15360xf32, #tpu.memory_space<hbm>>
    %dma_wait3A_669 = tpu.memref_squeeze %dma_wait3A_668 : memref<1x15360xf32, #tpu.memory_space<hbm>> -> memref<15360xf32, #tpu.memory_space<hbm>>
    %dma_wait3A_670 = arith.constant 0 : i32
    %dma_wait3A_671 = tpu.memref_slice %arg4[%dma_wait3A_663, %dma_wait3A_670] : memref<4x16640xf32, #tpu.memory_space<vmem>> -> memref<1x15360xf32, #tpu.memory_space<vmem>>
    %dma_wait3A_672 = tpu.memref_squeeze %dma_wait3A_671 : memref<1x15360xf32, #tpu.memory_space<vmem>> -> memref<15360xf32, #tpu.memory_space<vmem>>
    %dma_wait3A_673 = arith.constant 0 : i32
    %dma_wait3A_674 = tpu.memref_slice %arg3[%dma_wait3A_662, %dma_wait3A_673] : memref<1024x76800xf32, #tpu.memory_space<hbm>> -> memref<1x15360xf32, #tpu.memory_space<hbm>>
    %dma_wait3A_675 = tpu.memref_squeeze %dma_wait3A_674 : memref<1x15360xf32, #tpu.memory_space<hbm>> -> memref<15360xf32, #tpu.memory_space<hbm>>
    tpu.wait_dma2 semaphore(%arg10 : memref<!tpu.dma_semaphore, #tpu.memory_space<semaphore_mem>>) src(%dma_wait3A_675 : memref<15360xf32, #tpu.memory_space<hbm>>) dst(%dma_wait3A_672 : memref<15360xf32, #tpu.memory_space<vmem>>)
    %dma_wait3A_676 = arith.constant 0 : i32
    %dma_wait3A_677 = arith.constant 0 : i32
    %dma_wait3A_678 = arith.constant 0 : i32
    %dma_wait3A_679 = tpu.memref_slice %arg4[%dma_wait3A_677, %dma_wait3A_678] : memref<4x16640xf32, #tpu.memory_space<vmem>> -> memref<1x15360xf32, #tpu.memory_space<vmem>>
    %dma_wait3A_680 = tpu.memref_squeeze %dma_wait3A_679 : memref<1x15360xf32, #tpu.memory_space<vmem>> -> memref<15360xf32, #tpu.memory_space<vmem>>
    %dma_wait3A_681 = arith.constant 0 : i32
    %dma_wait3A_682 = tpu.memref_slice %arg3[%dma_wait3A_676, %dma_wait3A_681] : memref<1024x76800xf32, #tpu.memory_space<hbm>> -> memref<1x15360xf32, #tpu.memory_space<hbm>>
    %dma_wait3A_683 = tpu.memref_squeeze %dma_wait3A_682 : memref<1x15360xf32, #tpu.memory_space<hbm>> -> memref<15360xf32, #tpu.memory_space<hbm>>
    %dma_wait3A_684 = arith.constant 0 : i32
    %dma_wait3A_685 = tpu.memref_slice %arg4[%dma_wait3A_677, %dma_wait3A_684] : memref<4x16640xf32, #tpu.memory_space<vmem>> -> memref<1x15360xf32, #tpu.memory_space<vmem>>
    %dma_wait3A_686 = tpu.memref_squeeze %dma_wait3A_685 : memref<1x15360xf32, #tpu.memory_space<vmem>> -> memref<15360xf32, #tpu.memory_space<vmem>>
    %dma_wait3A_687 = arith.constant 0 : i32
    %dma_wait3A_688 = tpu.memref_slice %arg3[%dma_wait3A_676, %dma_wait3A_687] : memref<1024x76800xf32, #tpu.memory_space<hbm>> -> memref<1x15360xf32, #tpu.memory_space<hbm>>
    %dma_wait3A_689 = tpu.memref_squeeze %dma_wait3A_688 : memref<1x15360xf32, #tpu.memory_space<hbm>> -> memref<15360xf32, #tpu.memory_space<hbm>>
    tpu.wait_dma2 semaphore(%arg10 : memref<!tpu.dma_semaphore, #tpu.memory_space<semaphore_mem>>) src(%dma_wait3A_689 : memref<15360xf32, #tpu.memory_space<hbm>>) dst(%dma_wait3A_686 : memref<15360xf32, #tpu.memory_space<vmem>>)
    %dma_wait3A_690 = arith.constant 0 : i32
    %dma_wait3A_691 = arith.constant 0 : i32
    %dma_wait3A_692 = arith.constant 0 : i32
    %dma_wait3A_693 = tpu.memref_slice %arg4[%dma_wait3A_691, %dma_wait3A_692] : memref<4x16640xf32, #tpu.memory_space<vmem>> -> memref<1x15360xf32, #tpu.memory_space<vmem>>
    %dma_wait3A_694 = tpu.memref_squeeze %dma_wait3A_693 : memref<1x15360xf32, #tpu.memory_space<vmem>> -> memref<15360xf32, #tpu.memory_space<vmem>>
    %dma_wait3A_695 = arith.constant 0 : i32
    %dma_wait3A_696 = tpu.memref_slice %arg3[%dma_wait3A_690, %dma_wait3A_695] : memref<1024x76800xf32, #tpu.memory_space<hbm>> -> memref<1x15360xf32, #tpu.memory_space<hbm>>
    %dma_wait3A_697 = tpu.memref_squeeze %dma_wait3A_696 : memref<1x15360xf32, #tpu.memory_space<hbm>> -> memref<15360xf32, #tpu.memory_space<hbm>>
    %dma_wait3A_698 = arith.constant 0 : i32
    %dma_wait3A_699 = tpu.memref_slice %arg4[%dma_wait3A_691, %dma_wait3A_698] : memref<4x16640xf32, #tpu.memory_space<vmem>> -> memref<1x15360xf32, #tpu.memory_space<vmem>>
    %dma_wait3A_700 = tpu.memref_squeeze %dma_wait3A_699 : memref<1x15360xf32, #tpu.memory_space<vmem>> -> memref<15360xf32, #tpu.memory_space<vmem>>
    %dma_wait3A_701 = arith.constant 0 : i32
    %dma_wait3A_702 = tpu.memref_slice %arg3[%dma_wait3A_690, %dma_wait3A_701] : memref<1024x76800xf32, #tpu.memory_space<hbm>> -> memref<1x15360xf32, #tpu.memory_space<hbm>>
    %dma_wait3A_703 = tpu.memref_squeeze %dma_wait3A_702 : memref<1x15360xf32, #tpu.memory_space<hbm>> -> memref<15360xf32, #tpu.memory_space<hbm>>
    tpu.wait_dma2 semaphore(%arg10 : memref<!tpu.dma_semaphore, #tpu.memory_space<semaphore_mem>>) src(%dma_wait3A_703 : memref<15360xf32, #tpu.memory_space<hbm>>) dst(%dma_wait3A_700 : memref<15360xf32, #tpu.memory_space<vmem>>)
    %dma_wait3A_704 = arith.constant 0 : i32
    %dma_wait3A_705 = arith.constant 0 : i32
    %dma_wait3A_706 = arith.constant 0 : i32
    %dma_wait3A_707 = tpu.memref_slice %arg4[%dma_wait3A_705, %dma_wait3A_706] : memref<4x16640xf32, #tpu.memory_space<vmem>> -> memref<1x15360xf32, #tpu.memory_space<vmem>>
    %dma_wait3A_708 = tpu.memref_squeeze %dma_wait3A_707 : memref<1x15360xf32, #tpu.memory_space<vmem>> -> memref<15360xf32, #tpu.memory_space<vmem>>
    %dma_wait3A_709 = arith.constant 0 : i32
    %dma_wait3A_710 = tpu.memref_slice %arg3[%dma_wait3A_704, %dma_wait3A_709] : memref<1024x76800xf32, #tpu.memory_space<hbm>> -> memref<1x15360xf32, #tpu.memory_space<hbm>>
    %dma_wait3A_711 = tpu.memref_squeeze %dma_wait3A_710 : memref<1x15360xf32, #tpu.memory_space<hbm>> -> memref<15360xf32, #tpu.memory_space<hbm>>
    %dma_wait3A_712 = arith.constant 0 : i32
    %dma_wait3A_713 = tpu.memref_slice %arg4[%dma_wait3A_705, %dma_wait3A_712] : memref<4x16640xf32, #tpu.memory_space<vmem>> -> memref<1x15360xf32, #tpu.memory_space<vmem>>
    %dma_wait3A_714 = tpu.memref_squeeze %dma_wait3A_713 : memref<1x15360xf32, #tpu.memory_space<vmem>> -> memref<15360xf32, #tpu.memory_space<vmem>>
    %dma_wait3A_715 = arith.constant 0 : i32
    %dma_wait3A_716 = tpu.memref_slice %arg3[%dma_wait3A_704, %dma_wait3A_715] : memref<1024x76800xf32, #tpu.memory_space<hbm>> -> memref<1x15360xf32, #tpu.memory_space<hbm>>
    %dma_wait3A_717 = tpu.memref_squeeze %dma_wait3A_716 : memref<1x15360xf32, #tpu.memory_space<hbm>> -> memref<15360xf32, #tpu.memory_space<hbm>>
    tpu.wait_dma2 semaphore(%arg10 : memref<!tpu.dma_semaphore, #tpu.memory_space<semaphore_mem>>) src(%dma_wait3A_717 : memref<15360xf32, #tpu.memory_space<hbm>>) dst(%dma_wait3A_714 : memref<15360xf32, #tpu.memory_space<vmem>>)
    %dma_wait3A_718 = arith.constant 0 : i32
    %dma_wait3A_719 = arith.constant 0 : i32
    %dma_wait3A_720 = arith.constant 0 : i32
    %dma_wait3A_721 = tpu.memref_slice %arg4[%dma_wait3A_719, %dma_wait3A_720] : memref<4x16640xf32, #tpu.memory_space<vmem>> -> memref<1x15360xf32, #tpu.memory_space<vmem>>
    %dma_wait3A_722 = tpu.memref_squeeze %dma_wait3A_721 : memref<1x15360xf32, #tpu.memory_space<vmem>> -> memref<15360xf32, #tpu.memory_space<vmem>>
    %dma_wait3A_723 = arith.constant 0 : i32
    %dma_wait3A_724 = tpu.memref_slice %arg3[%dma_wait3A_718, %dma_wait3A_723] : memref<1024x76800xf32, #tpu.memory_space<hbm>> -> memref<1x15360xf32, #tpu.memory_space<hbm>>
    %dma_wait3A_725 = tpu.memref_squeeze %dma_wait3A_724 : memref<1x15360xf32, #tpu.memory_space<hbm>> -> memref<15360xf32, #tpu.memory_space<hbm>>
    %dma_wait3A_726 = arith.constant 0 : i32
    %dma_wait3A_727 = tpu.memref_slice %arg4[%dma_wait3A_719, %dma_wait3A_726] : memref<4x16640xf32, #tpu.memory_space<vmem>> -> memref<1x15360xf32, #tpu.memory_space<vmem>>
    %dma_wait3A_728 = tpu.memref_squeeze %dma_wait3A_727 : memref<1x15360xf32, #tpu.memory_space<vmem>> -> memref<15360xf32, #tpu.memory_space<vmem>>
    %dma_wait3A_729 = arith.constant 0 : i32
    %dma_wait3A_730 = tpu.memref_slice %arg3[%dma_wait3A_718, %dma_wait3A_729] : memref<1024x76800xf32, #tpu.memory_space<hbm>> -> memref<1x15360xf32, #tpu.memory_space<hbm>>
    %dma_wait3A_731 = tpu.memref_squeeze %dma_wait3A_730 : memref<1x15360xf32, #tpu.memory_space<hbm>> -> memref<15360xf32, #tpu.memory_space<hbm>>
    tpu.wait_dma2 semaphore(%arg10 : memref<!tpu.dma_semaphore, #tpu.memory_space<semaphore_mem>>) src(%dma_wait3A_731 : memref<15360xf32, #tpu.memory_space<hbm>>) dst(%dma_wait3A_728 : memref<15360xf32, #tpu.memory_space<vmem>>)
    %dma_wait3A_732 = arith.constant 0 : i32
    %dma_wait3A_733 = arith.constant 0 : i32
    %dma_wait3A_734 = arith.constant 0 : i32
    %dma_wait3A_735 = tpu.memref_slice %arg4[%dma_wait3A_733, %dma_wait3A_734] : memref<4x16640xf32, #tpu.memory_space<vmem>> -> memref<1x15360xf32, #tpu.memory_space<vmem>>
    %dma_wait3A_736 = tpu.memref_squeeze %dma_wait3A_735 : memref<1x15360xf32, #tpu.memory_space<vmem>> -> memref<15360xf32, #tpu.memory_space<vmem>>
    %dma_wait3A_737 = arith.constant 0 : i32
    %dma_wait3A_738 = tpu.memref_slice %arg3[%dma_wait3A_732, %dma_wait3A_737] : memref<1024x76800xf32, #tpu.memory_space<hbm>> -> memref<1x15360xf32, #tpu.memory_space<hbm>>
    %dma_wait3A_739 = tpu.memref_squeeze %dma_wait3A_738 : memref<1x15360xf32, #tpu.memory_space<hbm>> -> memref<15360xf32, #tpu.memory_space<hbm>>
    %dma_wait3A_740 = arith.constant 0 : i32
    %dma_wait3A_741 = tpu.memref_slice %arg4[%dma_wait3A_733, %dma_wait3A_740] : memref<4x16640xf32, #tpu.memory_space<vmem>> -> memref<1x15360xf32, #tpu.memory_space<vmem>>
    %dma_wait3A_742 = tpu.memref_squeeze %dma_wait3A_741 : memref<1x15360xf32, #tpu.memory_space<vmem>> -> memref<15360xf32, #tpu.memory_space<vmem>>
    %dma_wait3A_743 = arith.constant 0 : i32
    %dma_wait3A_744 = tpu.memref_slice %arg3[%dma_wait3A_732, %dma_wait3A_743] : memref<1024x76800xf32, #tpu.memory_space<hbm>> -> memref<1x15360xf32, #tpu.memory_space<hbm>>
    %dma_wait3A_745 = tpu.memref_squeeze %dma_wait3A_744 : memref<1x15360xf32, #tpu.memory_space<hbm>> -> memref<15360xf32, #tpu.memory_space<hbm>>
    tpu.wait_dma2 semaphore(%arg10 : memref<!tpu.dma_semaphore, #tpu.memory_space<semaphore_mem>>) src(%dma_wait3A_745 : memref<15360xf32, #tpu.memory_space<hbm>>) dst(%dma_wait3A_742 : memref<15360xf32, #tpu.memory_space<vmem>>)
    %dma_wait3A_746 = arith.constant 0 : i32
    %dma_wait3A_747 = arith.constant 0 : i32
    %dma_wait3A_748 = arith.constant 0 : i32
    %dma_wait3A_749 = tpu.memref_slice %arg4[%dma_wait3A_747, %dma_wait3A_748] : memref<4x16640xf32, #tpu.memory_space<vmem>> -> memref<1x15360xf32, #tpu.memory_space<vmem>>
    %dma_wait3A_750 = tpu.memref_squeeze %dma_wait3A_749 : memref<1x15360xf32, #tpu.memory_space<vmem>> -> memref<15360xf32, #tpu.memory_space<vmem>>
    %dma_wait3A_751 = arith.constant 0 : i32
    %dma_wait3A_752 = tpu.memref_slice %arg3[%dma_wait3A_746, %dma_wait3A_751] : memref<1024x76800xf32, #tpu.memory_space<hbm>> -> memref<1x15360xf32, #tpu.memory_space<hbm>>
    %dma_wait3A_753 = tpu.memref_squeeze %dma_wait3A_752 : memref<1x15360xf32, #tpu.memory_space<hbm>> -> memref<15360xf32, #tpu.memory_space<hbm>>
    %dma_wait3A_754 = arith.constant 0 : i32
    %dma_wait3A_755 = tpu.memref_slice %arg4[%dma_wait3A_747, %dma_wait3A_754] : memref<4x16640xf32, #tpu.memory_space<vmem>> -> memref<1x15360xf32, #tpu.memory_space<vmem>>
    %dma_wait3A_756 = tpu.memref_squeeze %dma_wait3A_755 : memref<1x15360xf32, #tpu.memory_space<vmem>> -> memref<15360xf32, #tpu.memory_space<vmem>>
    %dma_wait3A_757 = arith.constant 0 : i32
    %dma_wait3A_758 = tpu.memref_slice %arg3[%dma_wait3A_746, %dma_wait3A_757] : memref<1024x76800xf32, #tpu.memory_space<hbm>> -> memref<1x15360xf32, #tpu.memory_space<hbm>>
    %dma_wait3A_759 = tpu.memref_squeeze %dma_wait3A_758 : memref<1x15360xf32, #tpu.memory_space<hbm>> -> memref<15360xf32, #tpu.memory_space<hbm>>
    tpu.wait_dma2 semaphore(%arg10 : memref<!tpu.dma_semaphore, #tpu.memory_space<semaphore_mem>>) src(%dma_wait3A_759 : memref<15360xf32, #tpu.memory_space<hbm>>) dst(%dma_wait3A_756 : memref<15360xf32, #tpu.memory_space<vmem>>)
    %dma_wait3A_760 = arith.constant 0 : i32
    %dma_wait3A_761 = arith.constant 0 : i32
    %dma_wait3A_762 = arith.constant 0 : i32
    %dma_wait3A_763 = tpu.memref_slice %arg4[%dma_wait3A_761, %dma_wait3A_762] : memref<4x16640xf32, #tpu.memory_space<vmem>> -> memref<1x15360xf32, #tpu.memory_space<vmem>>
    %dma_wait3A_764 = tpu.memref_squeeze %dma_wait3A_763 : memref<1x15360xf32, #tpu.memory_space<vmem>> -> memref<15360xf32, #tpu.memory_space<vmem>>
    %dma_wait3A_765 = arith.constant 0 : i32
    %dma_wait3A_766 = tpu.memref_slice %arg3[%dma_wait3A_760, %dma_wait3A_765] : memref<1024x76800xf32, #tpu.memory_space<hbm>> -> memref<1x15360xf32, #tpu.memory_space<hbm>>
    %dma_wait3A_767 = tpu.memref_squeeze %dma_wait3A_766 : memref<1x15360xf32, #tpu.memory_space<hbm>> -> memref<15360xf32, #tpu.memory_space<hbm>>
    %dma_wait3A_768 = arith.constant 0 : i32
    %dma_wait3A_769 = tpu.memref_slice %arg4[%dma_wait3A_761, %dma_wait3A_768] : memref<4x16640xf32, #tpu.memory_space<vmem>> -> memref<1x15360xf32, #tpu.memory_space<vmem>>
    %dma_wait3A_770 = tpu.memref_squeeze %dma_wait3A_769 : memref<1x15360xf32, #tpu.memory_space<vmem>> -> memref<15360xf32, #tpu.memory_space<vmem>>
    %dma_wait3A_771 = arith.constant 0 : i32
    %dma_wait3A_772 = tpu.memref_slice %arg3[%dma_wait3A_760, %dma_wait3A_771] : memref<1024x76800xf32, #tpu.memory_space<hbm>> -> memref<1x15360xf32, #tpu.memory_space<hbm>>
    %dma_wait3A_773 = tpu.memref_squeeze %dma_wait3A_772 : memref<1x15360xf32, #tpu.memory_space<hbm>> -> memref<15360xf32, #tpu.memory_space<hbm>>
    tpu.wait_dma2 semaphore(%arg10 : memref<!tpu.dma_semaphore, #tpu.memory_space<semaphore_mem>>) src(%dma_wait3A_773 : memref<15360xf32, #tpu.memory_space<hbm>>) dst(%dma_wait3A_770 : memref<15360xf32, #tpu.memory_space<vmem>>)
    %dma_wait3A_774 = arith.constant 0 : i32
    %dma_wait3A_775 = arith.constant 0 : i32
    %dma_wait3A_776 = arith.constant 0 : i32
    %dma_wait3A_777 = tpu.memref_slice %arg4[%dma_wait3A_775, %dma_wait3A_776] : memref<4x16640xf32, #tpu.memory_space<vmem>> -> memref<1x15360xf32, #tpu.memory_space<vmem>>
    %dma_wait3A_778 = tpu.memref_squeeze %dma_wait3A_777 : memref<1x15360xf32, #tpu.memory_space<vmem>> -> memref<15360xf32, #tpu.memory_space<vmem>>
    %dma_wait3A_779 = arith.constant 0 : i32
    %dma_wait3A_780 = tpu.memref_slice %arg3[%dma_wait3A_774, %dma_wait3A_779] : memref<1024x76800xf32, #tpu.memory_space<hbm>> -> memref<1x15360xf32, #tpu.memory_space<hbm>>
    %dma_wait3A_781 = tpu.memref_squeeze %dma_wait3A_780 : memref<1x15360xf32, #tpu.memory_space<hbm>> -> memref<15360xf32, #tpu.memory_space<hbm>>
    %dma_wait3A_782 = arith.constant 0 : i32
    %dma_wait3A_783 = tpu.memref_slice %arg4[%dma_wait3A_775, %dma_wait3A_782] : memref<4x16640xf32, #tpu.memory_space<vmem>> -> memref<1x15360xf32, #tpu.memory_space<vmem>>
    %dma_wait3A_784 = tpu.memref_squeeze %dma_wait3A_783 : memref<1x15360xf32, #tpu.memory_space<vmem>> -> memref<15360xf32, #tpu.memory_space<vmem>>
    %dma_wait3A_785 = arith.constant 0 : i32
    %dma_wait3A_786 = tpu.memref_slice %arg3[%dma_wait3A_774, %dma_wait3A_785] : memref<1024x76800xf32, #tpu.memory_space<hbm>> -> memref<1x15360xf32, #tpu.memory_space<hbm>>
    %dma_wait3A_787 = tpu.memref_squeeze %dma_wait3A_786 : memref<1x15360xf32, #tpu.memory_space<hbm>> -> memref<15360xf32, #tpu.memory_space<hbm>>
    tpu.wait_dma2 semaphore(%arg10 : memref<!tpu.dma_semaphore, #tpu.memory_space<semaphore_mem>>) src(%dma_wait3A_787 : memref<15360xf32, #tpu.memory_space<hbm>>) dst(%dma_wait3A_784 : memref<15360xf32, #tpu.memory_space<vmem>>)
    %dma_wait3A_788 = arith.constant 0 : i32
    %dma_wait3A_789 = arith.constant 0 : i32
    %dma_wait3A_790 = arith.constant 0 : i32
    %dma_wait3A_791 = tpu.memref_slice %arg4[%dma_wait3A_789, %dma_wait3A_790] : memref<4x16640xf32, #tpu.memory_space<vmem>> -> memref<1x15360xf32, #tpu.memory_space<vmem>>
    %dma_wait3A_792 = tpu.memref_squeeze %dma_wait3A_791 : memref<1x15360xf32, #tpu.memory_space<vmem>> -> memref<15360xf32, #tpu.memory_space<vmem>>
    %dma_wait3A_793 = arith.constant 0 : i32
    %dma_wait3A_794 = tpu.memref_slice %arg3[%dma_wait3A_788, %dma_wait3A_793] : memref<1024x76800xf32, #tpu.memory_space<hbm>> -> memref<1x15360xf32, #tpu.memory_space<hbm>>
    %dma_wait3A_795 = tpu.memref_squeeze %dma_wait3A_794 : memref<1x15360xf32, #tpu.memory_space<hbm>> -> memref<15360xf32, #tpu.memory_space<hbm>>
    %dma_wait3A_796 = arith.constant 0 : i32
    %dma_wait3A_797 = tpu.memref_slice %arg4[%dma_wait3A_789, %dma_wait3A_796] : memref<4x16640xf32, #tpu.memory_space<vmem>> -> memref<1x15360xf32, #tpu.memory_space<vmem>>
    %dma_wait3A_798 = tpu.memref_squeeze %dma_wait3A_797 : memref<1x15360xf32, #tpu.memory_space<vmem>> -> memref<15360xf32, #tpu.memory_space<vmem>>
    %dma_wait3A_799 = arith.constant 0 : i32
    %dma_wait3A_800 = tpu.memref_slice %arg3[%dma_wait3A_788, %dma_wait3A_799] : memref<1024x76800xf32, #tpu.memory_space<hbm>> -> memref<1x15360xf32, #tpu.memory_space<hbm>>
    %dma_wait3A_801 = tpu.memref_squeeze %dma_wait3A_800 : memref<1x15360xf32, #tpu.memory_space<hbm>> -> memref<15360xf32, #tpu.memory_space<hbm>>
    tpu.wait_dma2 semaphore(%arg10 : memref<!tpu.dma_semaphore, #tpu.memory_space<semaphore_mem>>) src(%dma_wait3A_801 : memref<15360xf32, #tpu.memory_space<hbm>>) dst(%dma_wait3A_798 : memref<15360xf32, #tpu.memory_space<vmem>>)
    %dma_wait3A_802 = arith.constant 0 : i32
    %dma_wait3A_803 = arith.constant 0 : i32
    %dma_wait3A_804 = arith.constant 0 : i32
    %dma_wait3A_805 = tpu.memref_slice %arg4[%dma_wait3A_803, %dma_wait3A_804] : memref<4x16640xf32, #tpu.memory_space<vmem>> -> memref<1x15360xf32, #tpu.memory_space<vmem>>
    %dma_wait3A_806 = tpu.memref_squeeze %dma_wait3A_805 : memref<1x15360xf32, #tpu.memory_space<vmem>> -> memref<15360xf32, #tpu.memory_space<vmem>>
    %dma_wait3A_807 = arith.constant 0 : i32
    %dma_wait3A_808 = tpu.memref_slice %arg3[%dma_wait3A_802, %dma_wait3A_807] : memref<1024x76800xf32, #tpu.memory_space<hbm>> -> memref<1x15360xf32, #tpu.memory_space<hbm>>
    %dma_wait3A_809 = tpu.memref_squeeze %dma_wait3A_808 : memref<1x15360xf32, #tpu.memory_space<hbm>> -> memref<15360xf32, #tpu.memory_space<hbm>>
    %dma_wait3A_810 = arith.constant 0 : i32
    %dma_wait3A_811 = tpu.memref_slice %arg4[%dma_wait3A_803, %dma_wait3A_810] : memref<4x16640xf32, #tpu.memory_space<vmem>> -> memref<1x15360xf32, #tpu.memory_space<vmem>>
    %dma_wait3A_812 = tpu.memref_squeeze %dma_wait3A_811 : memref<1x15360xf32, #tpu.memory_space<vmem>> -> memref<15360xf32, #tpu.memory_space<vmem>>
    %dma_wait3A_813 = arith.constant 0 : i32
    %dma_wait3A_814 = tpu.memref_slice %arg3[%dma_wait3A_802, %dma_wait3A_813] : memref<1024x76800xf32, #tpu.memory_space<hbm>> -> memref<1x15360xf32, #tpu.memory_space<hbm>>
    %dma_wait3A_815 = tpu.memref_squeeze %dma_wait3A_814 : memref<1x15360xf32, #tpu.memory_space<hbm>> -> memref<15360xf32, #tpu.memory_space<hbm>>
    tpu.wait_dma2 semaphore(%arg10 : memref<!tpu.dma_semaphore, #tpu.memory_space<semaphore_mem>>) src(%dma_wait3A_815 : memref<15360xf32, #tpu.memory_space<hbm>>) dst(%dma_wait3A_812 : memref<15360xf32, #tpu.memory_space<vmem>>)
    %dma_wait3A_816 = arith.constant 0 : i32
    %dma_wait3A_817 = arith.constant 0 : i32
    %dma_wait3A_818 = arith.constant 0 : i32
    %dma_wait3A_819 = tpu.memref_slice %arg4[%dma_wait3A_817, %dma_wait3A_818] : memref<4x16640xf32, #tpu.memory_space<vmem>> -> memref<1x15360xf32, #tpu.memory_space<vmem>>
    %dma_wait3A_820 = tpu.memref_squeeze %dma_wait3A_819 : memref<1x15360xf32, #tpu.memory_space<vmem>> -> memref<15360xf32, #tpu.memory_space<vmem>>
    %dma_wait3A_821 = arith.constant 0 : i32
    %dma_wait3A_822 = tpu.memref_slice %arg3[%dma_wait3A_816, %dma_wait3A_821] : memref<1024x76800xf32, #tpu.memory_space<hbm>> -> memref<1x15360xf32, #tpu.memory_space<hbm>>
    %dma_wait3A_823 = tpu.memref_squeeze %dma_wait3A_822 : memref<1x15360xf32, #tpu.memory_space<hbm>> -> memref<15360xf32, #tpu.memory_space<hbm>>
    %dma_wait3A_824 = arith.constant 0 : i32
    %dma_wait3A_825 = tpu.memref_slice %arg4[%dma_wait3A_817, %dma_wait3A_824] : memref<4x16640xf32, #tpu.memory_space<vmem>> -> memref<1x15360xf32, #tpu.memory_space<vmem>>
    %dma_wait3A_826 = tpu.memref_squeeze %dma_wait3A_825 : memref<1x15360xf32, #tpu.memory_space<vmem>> -> memref<15360xf32, #tpu.memory_space<vmem>>
    %dma_wait3A_827 = arith.constant 0 : i32
    %dma_wait3A_828 = tpu.memref_slice %arg3[%dma_wait3A_816, %dma_wait3A_827] : memref<1024x76800xf32, #tpu.memory_space<hbm>> -> memref<1x15360xf32, #tpu.memory_space<hbm>>
    %dma_wait3A_829 = tpu.memref_squeeze %dma_wait3A_828 : memref<1x15360xf32, #tpu.memory_space<hbm>> -> memref<15360xf32, #tpu.memory_space<hbm>>
    tpu.wait_dma2 semaphore(%arg10 : memref<!tpu.dma_semaphore, #tpu.memory_space<semaphore_mem>>) src(%dma_wait3A_829 : memref<15360xf32, #tpu.memory_space<hbm>>) dst(%dma_wait3A_826 : memref<15360xf32, #tpu.memory_space<vmem>>)
    %dma_wait3A_830 = arith.constant 0 : i32
    %dma_wait3A_831 = arith.constant 0 : i32
    %dma_wait3A_832 = arith.constant 0 : i32
    %dma_wait3A_833 = tpu.memref_slice %arg4[%dma_wait3A_831, %dma_wait3A_832] : memref<4x16640xf32, #tpu.memory_space<vmem>> -> memref<1x15360xf32, #tpu.memory_space<vmem>>
    %dma_wait3A_834 = tpu.memref_squeeze %dma_wait3A_833 : memref<1x15360xf32, #tpu.memory_space<vmem>> -> memref<15360xf32, #tpu.memory_space<vmem>>
    %dma_wait3A_835 = arith.constant 0 : i32
    %dma_wait3A_836 = tpu.memref_slice %arg3[%dma_wait3A_830, %dma_wait3A_835] : memref<1024x76800xf32, #tpu.memory_space<hbm>> -> memref<1x15360xf32, #tpu.memory_space<hbm>>
    %dma_wait3A_837 = tpu.memref_squeeze %dma_wait3A_836 : memref<1x15360xf32, #tpu.memory_space<hbm>> -> memref<15360xf32, #tpu.memory_space<hbm>>
    %dma_wait3A_838 = arith.constant 0 : i32
    %dma_wait3A_839 = tpu.memref_slice %arg4[%dma_wait3A_831, %dma_wait3A_838] : memref<4x16640xf32, #tpu.memory_space<vmem>> -> memref<1x15360xf32, #tpu.memory_space<vmem>>
    %dma_wait3A_840 = tpu.memref_squeeze %dma_wait3A_839 : memref<1x15360xf32, #tpu.memory_space<vmem>> -> memref<15360xf32, #tpu.memory_space<vmem>>
    %dma_wait3A_841 = arith.constant 0 : i32
    %dma_wait3A_842 = tpu.memref_slice %arg3[%dma_wait3A_830, %dma_wait3A_841] : memref<1024x76800xf32, #tpu.memory_space<hbm>> -> memref<1x15360xf32, #tpu.memory_space<hbm>>
    %dma_wait3A_843 = tpu.memref_squeeze %dma_wait3A_842 : memref<1x15360xf32, #tpu.memory_space<hbm>> -> memref<15360xf32, #tpu.memory_space<hbm>>
    tpu.wait_dma2 semaphore(%arg10 : memref<!tpu.dma_semaphore, #tpu.memory_space<semaphore_mem>>) src(%dma_wait3A_843 : memref<15360xf32, #tpu.memory_space<hbm>>) dst(%dma_wait3A_840 : memref<15360xf32, #tpu.memory_space<vmem>>)
    %dma_wait3A_844 = arith.constant 0 : i32
    %dma_wait3A_845 = arith.constant 0 : i32
    %dma_wait3A_846 = arith.constant 0 : i32
    %dma_wait3A_847 = tpu.memref_slice %arg4[%dma_wait3A_845, %dma_wait3A_846] : memref<4x16640xf32, #tpu.memory_space<vmem>> -> memref<1x15360xf32, #tpu.memory_space<vmem>>
    %dma_wait3A_848 = tpu.memref_squeeze %dma_wait3A_847 : memref<1x15360xf32, #tpu.memory_space<vmem>> -> memref<15360xf32, #tpu.memory_space<vmem>>
    %dma_wait3A_849 = arith.constant 0 : i32
    %dma_wait3A_850 = tpu.memref_slice %arg3[%dma_wait3A_844, %dma_wait3A_849] : memref<1024x76800xf32, #tpu.memory_space<hbm>> -> memref<1x15360xf32, #tpu.memory_space<hbm>>
    %dma_wait3A_851 = tpu.memref_squeeze %dma_wait3A_850 : memref<1x15360xf32, #tpu.memory_space<hbm>> -> memref<15360xf32, #tpu.memory_space<hbm>>
    %dma_wait3A_852 = arith.constant 0 : i32
    %dma_wait3A_853 = tpu.memref_slice %arg4[%dma_wait3A_845, %dma_wait3A_852] : memref<4x16640xf32, #tpu.memory_space<vmem>> -> memref<1x15360xf32, #tpu.memory_space<vmem>>
    %dma_wait3A_854 = tpu.memref_squeeze %dma_wait3A_853 : memref<1x15360xf32, #tpu.memory_space<vmem>> -> memref<15360xf32, #tpu.memory_space<vmem>>
    %dma_wait3A_855 = arith.constant 0 : i32
    %dma_wait3A_856 = tpu.memref_slice %arg3[%dma_wait3A_844, %dma_wait3A_855] : memref<1024x76800xf32, #tpu.memory_space<hbm>> -> memref<1x15360xf32, #tpu.memory_space<hbm>>
    %dma_wait3A_857 = tpu.memref_squeeze %dma_wait3A_856 : memref<1x15360xf32, #tpu.memory_space<hbm>> -> memref<15360xf32, #tpu.memory_space<hbm>>
    tpu.wait_dma2 semaphore(%arg10 : memref<!tpu.dma_semaphore, #tpu.memory_space<semaphore_mem>>) src(%dma_wait3A_857 : memref<15360xf32, #tpu.memory_space<hbm>>) dst(%dma_wait3A_854 : memref<15360xf32, #tpu.memory_space<vmem>>)
    %dma_wait3A_858 = arith.constant 0 : i32
    %dma_wait3A_859 = arith.constant 0 : i32
    %dma_wait3A_860 = arith.constant 0 : i32
    %dma_wait3A_861 = tpu.memref_slice %arg4[%dma_wait3A_859, %dma_wait3A_860] : memref<4x16640xf32, #tpu.memory_space<vmem>> -> memref<1x15360xf32, #tpu.memory_space<vmem>>
    %dma_wait3A_862 = tpu.memref_squeeze %dma_wait3A_861 : memref<1x15360xf32, #tpu.memory_space<vmem>> -> memref<15360xf32, #tpu.memory_space<vmem>>
    %dma_wait3A_863 = arith.constant 0 : i32
    %dma_wait3A_864 = tpu.memref_slice %arg3[%dma_wait3A_858, %dma_wait3A_863] : memref<1024x76800xf32, #tpu.memory_space<hbm>> -> memref<1x15360xf32, #tpu.memory_space<hbm>>
    %dma_wait3A_865 = tpu.memref_squeeze %dma_wait3A_864 : memref<1x15360xf32, #tpu.memory_space<hbm>> -> memref<15360xf32, #tpu.memory_space<hbm>>
    %dma_wait3A_866 = arith.constant 0 : i32
    %dma_wait3A_867 = tpu.memref_slice %arg4[%dma_wait3A_859, %dma_wait3A_866] : memref<4x16640xf32, #tpu.memory_space<vmem>> -> memref<1x15360xf32, #tpu.memory_space<vmem>>
    %dma_wait3A_868 = tpu.memref_squeeze %dma_wait3A_867 : memref<1x15360xf32, #tpu.memory_space<vmem>> -> memref<15360xf32, #tpu.memory_space<vmem>>
    %dma_wait3A_869 = arith.constant 0 : i32
    %dma_wait3A_870 = tpu.memref_slice %arg3[%dma_wait3A_858, %dma_wait3A_869] : memref<1024x76800xf32, #tpu.memory_space<hbm>> -> memref<1x15360xf32, #tpu.memory_space<hbm>>
    %dma_wait3A_871 = tpu.memref_squeeze %dma_wait3A_870 : memref<1x15360xf32, #tpu.memory_space<hbm>> -> memref<15360xf32, #tpu.memory_space<hbm>>
    tpu.wait_dma2 semaphore(%arg10 : memref<!tpu.dma_semaphore, #tpu.memory_space<semaphore_mem>>) src(%dma_wait3A_871 : memref<15360xf32, #tpu.memory_space<hbm>>) dst(%dma_wait3A_868 : memref<15360xf32, #tpu.memory_space<vmem>>)
    %dma_wait3A_872 = arith.constant 0 : i32
    %dma_wait3A_873 = arith.constant 0 : i32
    %dma_wait3A_874 = arith.constant 0 : i32
    %dma_wait3A_875 = tpu.memref_slice %arg4[%dma_wait3A_873, %dma_wait3A_874] : memref<4x16640xf32, #tpu.memory_space<vmem>> -> memref<1x15360xf32, #tpu.memory_space<vmem>>
    %dma_wait3A_876 = tpu.memref_squeeze %dma_wait3A_875 : memref<1x15360xf32, #tpu.memory_space<vmem>> -> memref<15360xf32, #tpu.memory_space<vmem>>
    %dma_wait3A_877 = arith.constant 0 : i32
    %dma_wait3A_878 = tpu.memref_slice %arg3[%dma_wait3A_872, %dma_wait3A_877] : memref<1024x76800xf32, #tpu.memory_space<hbm>> -> memref<1x15360xf32, #tpu.memory_space<hbm>>
    %dma_wait3A_879 = tpu.memref_squeeze %dma_wait3A_878 : memref<1x15360xf32, #tpu.memory_space<hbm>> -> memref<15360xf32, #tpu.memory_space<hbm>>
    %dma_wait3A_880 = arith.constant 0 : i32
    %dma_wait3A_881 = tpu.memref_slice %arg4[%dma_wait3A_873, %dma_wait3A_880] : memref<4x16640xf32, #tpu.memory_space<vmem>> -> memref<1x15360xf32, #tpu.memory_space<vmem>>
    %dma_wait3A_882 = tpu.memref_squeeze %dma_wait3A_881 : memref<1x15360xf32, #tpu.memory_space<vmem>> -> memref<15360xf32, #tpu.memory_space<vmem>>
    %dma_wait3A_883 = arith.constant 0 : i32
    %dma_wait3A_884 = tpu.memref_slice %arg3[%dma_wait3A_872, %dma_wait3A_883] : memref<1024x76800xf32, #tpu.memory_space<hbm>> -> memref<1x15360xf32, #tpu.memory_space<hbm>>
    %dma_wait3A_885 = tpu.memref_squeeze %dma_wait3A_884 : memref<1x15360xf32, #tpu.memory_space<hbm>> -> memref<15360xf32, #tpu.memory_space<hbm>>
    tpu.wait_dma2 semaphore(%arg10 : memref<!tpu.dma_semaphore, #tpu.memory_space<semaphore_mem>>) src(%dma_wait3A_885 : memref<15360xf32, #tpu.memory_space<hbm>>) dst(%dma_wait3A_882 : memref<15360xf32, #tpu.memory_space<vmem>>)
    %dma_wait3A_886 = arith.constant 0 : i32
    %dma_wait3A_887 = arith.constant 0 : i32
    %dma_wait3A_888 = arith.constant 0 : i32
    %dma_wait3A_889 = tpu.memref_slice %arg4[%dma_wait3A_887, %dma_wait3A_888] : memref<4x16640xf32, #tpu.memory_space<vmem>> -> memref<1x15360xf32, #tpu.memory_space<vmem>>
    %dma_wait3A_890 = tpu.memref_squeeze %dma_wait3A_889 : memref<1x15360xf32, #tpu.memory_space<vmem>> -> memref<15360xf32, #tpu.memory_space<vmem>>
    %dma_wait3A_891 = arith.constant 0 : i32
    %dma_wait3A_892 = tpu.memref_slice %arg3[%dma_wait3A_886, %dma_wait3A_891] : memref<1024x76800xf32, #tpu.memory_space<hbm>> -> memref<1x15360xf32, #tpu.memory_space<hbm>>
    %dma_wait3A_893 = tpu.memref_squeeze %dma_wait3A_892 : memref<1x15360xf32, #tpu.memory_space<hbm>> -> memref<15360xf32, #tpu.memory_space<hbm>>
    %dma_wait3A_894 = arith.constant 0 : i32
    %dma_wait3A_895 = tpu.memref_slice %arg4[%dma_wait3A_887, %dma_wait3A_894] : memref<4x16640xf32, #tpu.memory_space<vmem>> -> memref<1x15360xf32, #tpu.memory_space<vmem>>
    %dma_wait3A_896 = tpu.memref_squeeze %dma_wait3A_895 : memref<1x15360xf32, #tpu.memory_space<vmem>> -> memref<15360xf32, #tpu.memory_space<vmem>>
    %dma_wait3A_897 = arith.constant 0 : i32
    %dma_wait3A_898 = tpu.memref_slice %arg3[%dma_wait3A_886, %dma_wait3A_897] : memref<1024x76800xf32, #tpu.memory_space<hbm>> -> memref<1x15360xf32, #tpu.memory_space<hbm>>
    %dma_wait3A_899 = tpu.memref_squeeze %dma_wait3A_898 : memref<1x15360xf32, #tpu.memory_space<hbm>> -> memref<15360xf32, #tpu.memory_space<hbm>>
    tpu.wait_dma2 semaphore(%arg10 : memref<!tpu.dma_semaphore, #tpu.memory_space<semaphore_mem>>) src(%dma_wait3A_899 : memref<15360xf32, #tpu.memory_space<hbm>>) dst(%dma_wait3A_896 : memref<15360xf32, #tpu.memory_space<vmem>>)
    %dma_wait3A_900 = arith.constant 0 : i32
    %dma_wait3A_901 = arith.constant 0 : i32
    %dma_wait3A_902 = arith.constant 0 : i32
    %dma_wait3A_903 = tpu.memref_slice %arg4[%dma_wait3A_901, %dma_wait3A_902] : memref<4x16640xf32, #tpu.memory_space<vmem>> -> memref<1x15360xf32, #tpu.memory_space<vmem>>
    %dma_wait3A_904 = tpu.memref_squeeze %dma_wait3A_903 : memref<1x15360xf32, #tpu.memory_space<vmem>> -> memref<15360xf32, #tpu.memory_space<vmem>>
    %dma_wait3A_905 = arith.constant 0 : i32
    %dma_wait3A_906 = tpu.memref_slice %arg3[%dma_wait3A_900, %dma_wait3A_905] : memref<1024x76800xf32, #tpu.memory_space<hbm>> -> memref<1x15360xf32, #tpu.memory_space<hbm>>
    %dma_wait3A_907 = tpu.memref_squeeze %dma_wait3A_906 : memref<1x15360xf32, #tpu.memory_space<hbm>> -> memref<15360xf32, #tpu.memory_space<hbm>>
    %dma_wait3A_908 = arith.constant 0 : i32
    %dma_wait3A_909 = tpu.memref_slice %arg4[%dma_wait3A_901, %dma_wait3A_908] : memref<4x16640xf32, #tpu.memory_space<vmem>> -> memref<1x15360xf32, #tpu.memory_space<vmem>>
    %dma_wait3A_910 = tpu.memref_squeeze %dma_wait3A_909 : memref<1x15360xf32, #tpu.memory_space<vmem>> -> memref<15360xf32, #tpu.memory_space<vmem>>
    %dma_wait3A_911 = arith.constant 0 : i32
    %dma_wait3A_912 = tpu.memref_slice %arg3[%dma_wait3A_900, %dma_wait3A_911] : memref<1024x76800xf32, #tpu.memory_space<hbm>> -> memref<1x15360xf32, #tpu.memory_space<hbm>>
    %dma_wait3A_913 = tpu.memref_squeeze %dma_wait3A_912 : memref<1x15360xf32, #tpu.memory_space<hbm>> -> memref<15360xf32, #tpu.memory_space<hbm>>
    tpu.wait_dma2 semaphore(%arg10 : memref<!tpu.dma_semaphore, #tpu.memory_space<semaphore_mem>>) src(%dma_wait3A_913 : memref<15360xf32, #tpu.memory_space<hbm>>) dst(%dma_wait3A_910 : memref<15360xf32, #tpu.memory_space<vmem>>)
    %dma_wait3A_914 = arith.constant 0 : i32
    %dma_wait3A_915 = arith.constant 0 : i32
    %dma_wait3A_916 = arith.constant 0 : i32
    %dma_wait3A_917 = tpu.memref_slice %arg4[%dma_wait3A_915, %dma_wait3A_916] : memref<4x16640xf32, #tpu.memory_space<vmem>> -> memref<1x15360xf32, #tpu.memory_space<vmem>>
    %dma_wait3A_918 = tpu.memref_squeeze %dma_wait3A_917 : memref<1x15360xf32, #tpu.memory_space<vmem>> -> memref<15360xf32, #tpu.memory_space<vmem>>
    %dma_wait3A_919 = arith.constant 0 : i32
    %dma_wait3A_920 = tpu.memref_slice %arg3[%dma_wait3A_914, %dma_wait3A_919] : memref<1024x76800xf32, #tpu.memory_space<hbm>> -> memref<1x15360xf32, #tpu.memory_space<hbm>>
    %dma_wait3A_921 = tpu.memref_squeeze %dma_wait3A_920 : memref<1x15360xf32, #tpu.memory_space<hbm>> -> memref<15360xf32, #tpu.memory_space<hbm>>
    %dma_wait3A_922 = arith.constant 0 : i32
    %dma_wait3A_923 = tpu.memref_slice %arg4[%dma_wait3A_915, %dma_wait3A_922] : memref<4x16640xf32, #tpu.memory_space<vmem>> -> memref<1x15360xf32, #tpu.memory_space<vmem>>
    %dma_wait3A_924 = tpu.memref_squeeze %dma_wait3A_923 : memref<1x15360xf32, #tpu.memory_space<vmem>> -> memref<15360xf32, #tpu.memory_space<vmem>>
    %dma_wait3A_925 = arith.constant 0 : i32
    %dma_wait3A_926 = tpu.memref_slice %arg3[%dma_wait3A_914, %dma_wait3A_925] : memref<1024x76800xf32, #tpu.memory_space<hbm>> -> memref<1x15360xf32, #tpu.memory_space<hbm>>
    %dma_wait3A_927 = tpu.memref_squeeze %dma_wait3A_926 : memref<1x15360xf32, #tpu.memory_space<hbm>> -> memref<15360xf32, #tpu.memory_space<hbm>>
    tpu.wait_dma2 semaphore(%arg10 : memref<!tpu.dma_semaphore, #tpu.memory_space<semaphore_mem>>) src(%dma_wait3A_927 : memref<15360xf32, #tpu.memory_space<hbm>>) dst(%dma_wait3A_924 : memref<15360xf32, #tpu.memory_space<vmem>>)
    %dma_wait3A_928 = arith.constant 0 : i32
    %dma_wait3A_929 = arith.constant 0 : i32
    %dma_wait3A_930 = arith.constant 0 : i32
    %dma_wait3A_931 = tpu.memref_slice %arg4[%dma_wait3A_929, %dma_wait3A_930] : memref<4x16640xf32, #tpu.memory_space<vmem>> -> memref<1x15360xf32, #tpu.memory_space<vmem>>
    %dma_wait3A_932 = tpu.memref_squeeze %dma_wait3A_931 : memref<1x15360xf32, #tpu.memory_space<vmem>> -> memref<15360xf32, #tpu.memory_space<vmem>>
    %dma_wait3A_933 = arith.constant 0 : i32
    %dma_wait3A_934 = tpu.memref_slice %arg3[%dma_wait3A_928, %dma_wait3A_933] : memref<1024x76800xf32, #tpu.memory_space<hbm>> -> memref<1x15360xf32, #tpu.memory_space<hbm>>
    %dma_wait3A_935 = tpu.memref_squeeze %dma_wait3A_934 : memref<1x15360xf32, #tpu.memory_space<hbm>> -> memref<15360xf32, #tpu.memory_space<hbm>>
    %dma_wait3A_936 = arith.constant 0 : i32
    %dma_wait3A_937 = tpu.memref_slice %arg4[%dma_wait3A_929, %dma_wait3A_936] : memref<4x16640xf32, #tpu.memory_space<vmem>> -> memref<1x15360xf32, #tpu.memory_space<vmem>>
    %dma_wait3A_938 = tpu.memref_squeeze %dma_wait3A_937 : memref<1x15360xf32, #tpu.memory_space<vmem>> -> memref<15360xf32, #tpu.memory_space<vmem>>
    %dma_wait3A_939 = arith.constant 0 : i32
    %dma_wait3A_940 = tpu.memref_slice %arg3[%dma_wait3A_928, %dma_wait3A_939] : memref<1024x76800xf32, #tpu.memory_space<hbm>> -> memref<1x15360xf32, #tpu.memory_space<hbm>>
    %dma_wait3A_941 = tpu.memref_squeeze %dma_wait3A_940 : memref<1x15360xf32, #tpu.memory_space<hbm>> -> memref<15360xf32, #tpu.memory_space<hbm>>
    tpu.wait_dma2 semaphore(%arg10 : memref<!tpu.dma_semaphore, #tpu.memory_space<semaphore_mem>>) src(%dma_wait3A_941 : memref<15360xf32, #tpu.memory_space<hbm>>) dst(%dma_wait3A_938 : memref<15360xf32, #tpu.memory_space<vmem>>)
    %dma_wait3A_942 = arith.constant 0 : i32
    %dma_wait3A_943 = arith.constant 0 : i32
    %dma_wait3A_944 = arith.constant 0 : i32
    %dma_wait3A_945 = tpu.memref_slice %arg4[%dma_wait3A_943, %dma_wait3A_944] : memref<4x16640xf32, #tpu.memory_space<vmem>> -> memref<1x15360xf32, #tpu.memory_space<vmem>>
    %dma_wait3A_946 = tpu.memref_squeeze %dma_wait3A_945 : memref<1x15360xf32, #tpu.memory_space<vmem>> -> memref<15360xf32, #tpu.memory_space<vmem>>
    %dma_wait3A_947 = arith.constant 0 : i32
    %dma_wait3A_948 = tpu.memref_slice %arg3[%dma_wait3A_942, %dma_wait3A_947] : memref<1024x76800xf32, #tpu.memory_space<hbm>> -> memref<1x15360xf32, #tpu.memory_space<hbm>>
    %dma_wait3A_949 = tpu.memref_squeeze %dma_wait3A_948 : memref<1x15360xf32, #tpu.memory_space<hbm>> -> memref<15360xf32, #tpu.memory_space<hbm>>
    %dma_wait3A_950 = arith.constant 0 : i32
    %dma_wait3A_951 = tpu.memref_slice %arg4[%dma_wait3A_943, %dma_wait3A_950] : memref<4x16640xf32, #tpu.memory_space<vmem>> -> memref<1x15360xf32, #tpu.memory_space<vmem>>
    %dma_wait3A_952 = tpu.memref_squeeze %dma_wait3A_951 : memref<1x15360xf32, #tpu.memory_space<vmem>> -> memref<15360xf32, #tpu.memory_space<vmem>>
    %dma_wait3A_953 = arith.constant 0 : i32
    %dma_wait3A_954 = tpu.memref_slice %arg3[%dma_wait3A_942, %dma_wait3A_953] : memref<1024x76800xf32, #tpu.memory_space<hbm>> -> memref<1x15360xf32, #tpu.memory_space<hbm>>
    %dma_wait3A_955 = tpu.memref_squeeze %dma_wait3A_954 : memref<1x15360xf32, #tpu.memory_space<hbm>> -> memref<15360xf32, #tpu.memory_space<hbm>>
    tpu.wait_dma2 semaphore(%arg10 : memref<!tpu.dma_semaphore, #tpu.memory_space<semaphore_mem>>) src(%dma_wait3A_955 : memref<15360xf32, #tpu.memory_space<hbm>>) dst(%dma_wait3A_952 : memref<15360xf32, #tpu.memory_space<vmem>>)
    %dma_wait3A_956 = arith.constant 0 : i32
    %dma_wait3A_957 = arith.constant 0 : i32
    %dma_wait3A_958 = arith.constant 0 : i32
    %dma_wait3A_959 = tpu.memref_slice %arg4[%dma_wait3A_957, %dma_wait3A_958] : memref<4x16640xf32, #tpu.memory_space<vmem>> -> memref<1x15360xf32, #tpu.memory_space<vmem>>
    %dma_wait3A_960 = tpu.memref_squeeze %dma_wait3A_959 : memref<1x15360xf32, #tpu.memory_space<vmem>> -> memref<15360xf32, #tpu.memory_space<vmem>>
    %dma_wait3A_961 = arith.constant 0 : i32
    %dma_wait3A_962 = tpu.memref_slice %arg3[%dma_wait3A_956, %dma_wait3A_961] : memref<1024x76800xf32, #tpu.memory_space<hbm>> -> memref<1x15360xf32, #tpu.memory_space<hbm>>
    %dma_wait3A_963 = tpu.memref_squeeze %dma_wait3A_962 : memref<1x15360xf32, #tpu.memory_space<hbm>> -> memref<15360xf32, #tpu.memory_space<hbm>>
    %dma_wait3A_964 = arith.constant 0 : i32
    %dma_wait3A_965 = tpu.memref_slice %arg4[%dma_wait3A_957, %dma_wait3A_964] : memref<4x16640xf32, #tpu.memory_space<vmem>> -> memref<1x15360xf32, #tpu.memory_space<vmem>>
    %dma_wait3A_966 = tpu.memref_squeeze %dma_wait3A_965 : memref<1x15360xf32, #tpu.memory_space<vmem>> -> memref<15360xf32, #tpu.memory_space<vmem>>
    %dma_wait3A_967 = arith.constant 0 : i32
    %dma_wait3A_968 = tpu.memref_slice %arg3[%dma_wait3A_956, %dma_wait3A_967] : memref<1024x76800xf32, #tpu.memory_space<hbm>> -> memref<1x15360xf32, #tpu.memory_space<hbm>>
    %dma_wait3A_969 = tpu.memref_squeeze %dma_wait3A_968 : memref<1x15360xf32, #tpu.memory_space<hbm>> -> memref<15360xf32, #tpu.memory_space<hbm>>
    tpu.wait_dma2 semaphore(%arg10 : memref<!tpu.dma_semaphore, #tpu.memory_space<semaphore_mem>>) src(%dma_wait3A_969 : memref<15360xf32, #tpu.memory_space<hbm>>) dst(%dma_wait3A_966 : memref<15360xf32, #tpu.memory_space<vmem>>)
    %dma_wait3A_970 = arith.constant 0 : i32
    %dma_wait3A_971 = arith.constant 0 : i32
    %dma_wait3A_972 = arith.constant 0 : i32
    %dma_wait3A_973 = tpu.memref_slice %arg4[%dma_wait3A_971, %dma_wait3A_972] : memref<4x16640xf32, #tpu.memory_space<vmem>> -> memref<1x15360xf32, #tpu.memory_space<vmem>>
    %dma_wait3A_974 = tpu.memref_squeeze %dma_wait3A_973 : memref<1x15360xf32, #tpu.memory_space<vmem>> -> memref<15360xf32, #tpu.memory_space<vmem>>
    %dma_wait3A_975 = arith.constant 0 : i32
    %dma_wait3A_976 = tpu.memref_slice %arg3[%dma_wait3A_970, %dma_wait3A_975] : memref<1024x76800xf32, #tpu.memory_space<hbm>> -> memref<1x15360xf32, #tpu.memory_space<hbm>>
    %dma_wait3A_977 = tpu.memref_squeeze %dma_wait3A_976 : memref<1x15360xf32, #tpu.memory_space<hbm>> -> memref<15360xf32, #tpu.memory_space<hbm>>
    %dma_wait3A_978 = arith.constant 0 : i32
    %dma_wait3A_979 = tpu.memref_slice %arg4[%dma_wait3A_971, %dma_wait3A_978] : memref<4x16640xf32, #tpu.memory_space<vmem>> -> memref<1x15360xf32, #tpu.memory_space<vmem>>
    %dma_wait3A_980 = tpu.memref_squeeze %dma_wait3A_979 : memref<1x15360xf32, #tpu.memory_space<vmem>> -> memref<15360xf32, #tpu.memory_space<vmem>>
    %dma_wait3A_981 = arith.constant 0 : i32
    %dma_wait3A_982 = tpu.memref_slice %arg3[%dma_wait3A_970, %dma_wait3A_981] : memref<1024x76800xf32, #tpu.memory_space<hbm>> -> memref<1x15360xf32, #tpu.memory_space<hbm>>
    %dma_wait3A_983 = tpu.memref_squeeze %dma_wait3A_982 : memref<1x15360xf32, #tpu.memory_space<hbm>> -> memref<15360xf32, #tpu.memory_space<hbm>>
    tpu.wait_dma2 semaphore(%arg10 : memref<!tpu.dma_semaphore, #tpu.memory_space<semaphore_mem>>) src(%dma_wait3A_983 : memref<15360xf32, #tpu.memory_space<hbm>>) dst(%dma_wait3A_980 : memref<15360xf32, #tpu.memory_space<vmem>>)
    %dma_wait3A_984 = arith.constant 0 : i32
    %dma_wait3A_985 = arith.constant 0 : i32
    %dma_wait3A_986 = arith.constant 0 : i32
    %dma_wait3A_987 = tpu.memref_slice %arg4[%dma_wait3A_985, %dma_wait3A_986] : memref<4x16640xf32, #tpu.memory_space<vmem>> -> memref<1x15360xf32, #tpu.memory_space<vmem>>
    %dma_wait3A_988 = tpu.memref_squeeze %dma_wait3A_987 : memref<1x15360xf32, #tpu.memory_space<vmem>> -> memref<15360xf32, #tpu.memory_space<vmem>>
    %dma_wait3A_989 = arith.constant 0 : i32
    %dma_wait3A_990 = tpu.memref_slice %arg3[%dma_wait3A_984, %dma_wait3A_989] : memref<1024x76800xf32, #tpu.memory_space<hbm>> -> memref<1x15360xf32, #tpu.memory_space<hbm>>
    %dma_wait3A_991 = tpu.memref_squeeze %dma_wait3A_990 : memref<1x15360xf32, #tpu.memory_space<hbm>> -> memref<15360xf32, #tpu.memory_space<hbm>>
    %dma_wait3A_992 = arith.constant 0 : i32
    %dma_wait3A_993 = tpu.memref_slice %arg4[%dma_wait3A_985, %dma_wait3A_992] : memref<4x16640xf32, #tpu.memory_space<vmem>> -> memref<1x15360xf32, #tpu.memory_space<vmem>>
    %dma_wait3A_994 = tpu.memref_squeeze %dma_wait3A_993 : memref<1x15360xf32, #tpu.memory_space<vmem>> -> memref<15360xf32, #tpu.memory_space<vmem>>
    %dma_wait3A_995 = arith.constant 0 : i32
    %dma_wait3A_996 = tpu.memref_slice %arg3[%dma_wait3A_984, %dma_wait3A_995] : memref<1024x76800xf32, #tpu.memory_space<hbm>> -> memref<1x15360xf32, #tpu.memory_space<hbm>>
    %dma_wait3A_997 = tpu.memref_squeeze %dma_wait3A_996 : memref<1x15360xf32, #tpu.memory_space<hbm>> -> memref<15360xf32, #tpu.memory_space<hbm>>
    tpu.wait_dma2 semaphore(%arg10 : memref<!tpu.dma_semaphore, #tpu.memory_space<semaphore_mem>>) src(%dma_wait3A_997 : memref<15360xf32, #tpu.memory_space<hbm>>) dst(%dma_wait3A_994 : memref<15360xf32, #tpu.memory_space<vmem>>)
    %dma_wait3A_998 = arith.constant 0 : i32
    %dma_wait3A_999 = arith.constant 0 : i32
    %dma_wait3A_1000 = arith.constant 0 : i32
    %dma_wait3A_1001 = tpu.memref_slice %arg4[%dma_wait3A_999, %dma_wait3A_1000] : memref<4x16640xf32, #tpu.memory_space<vmem>> -> memref<1x15360xf32, #tpu.memory_space<vmem>>
    %dma_wait3A_1002 = tpu.memref_squeeze %dma_wait3A_1001 : memref<1x15360xf32, #tpu.memory_space<vmem>> -> memref<15360xf32, #tpu.memory_space<vmem>>
    %dma_wait3A_1003 = arith.constant 0 : i32
    %dma_wait3A_1004 = tpu.memref_slice %arg3[%dma_wait3A_998, %dma_wait3A_1003] : memref<1024x76800xf32, #tpu.memory_space<hbm>> -> memref<1x15360xf32, #tpu.memory_space<hbm>>
    %dma_wait3A_1005 = tpu.memref_squeeze %dma_wait3A_1004 : memref<1x15360xf32, #tpu.memory_space<hbm>> -> memref<15360xf32, #tpu.memory_space<hbm>>
    %dma_wait3A_1006 = arith.constant 0 : i32
    %dma_wait3A_1007 = tpu.memref_slice %arg4[%dma_wait3A_999, %dma_wait3A_1006] : memref<4x16640xf32, #tpu.memory_space<vmem>> -> memref<1x15360xf32, #tpu.memory_space<vmem>>
    %dma_wait3A_1008 = tpu.memref_squeeze %dma_wait3A_1007 : memref<1x15360xf32, #tpu.memory_space<vmem>> -> memref<15360xf32, #tpu.memory_space<vmem>>
    %dma_wait3A_1009 = arith.constant 0 : i32
    %dma_wait3A_1010 = tpu.memref_slice %arg3[%dma_wait3A_998, %dma_wait3A_1009] : memref<1024x76800xf32, #tpu.memory_space<hbm>> -> memref<1x15360xf32, #tpu.memory_space<hbm>>
    %dma_wait3A_1011 = tpu.memref_squeeze %dma_wait3A_1010 : memref<1x15360xf32, #tpu.memory_space<hbm>> -> memref<15360xf32, #tpu.memory_space<hbm>>
    tpu.wait_dma2 semaphore(%arg10 : memref<!tpu.dma_semaphore, #tpu.memory_space<semaphore_mem>>) src(%dma_wait3A_1011 : memref<15360xf32, #tpu.memory_space<hbm>>) dst(%dma_wait3A_1008 : memref<15360xf32, #tpu.memory_space<vmem>>)
    %dma_wait3A_1012 = arith.constant 0 : i32
    %dma_wait3A_1013 = arith.constant 0 : i32
    %dma_wait3A_1014 = arith.constant 0 : i32
    %dma_wait3A_1015 = tpu.memref_slice %arg4[%dma_wait3A_1013, %dma_wait3A_1014] : memref<4x16640xf32, #tpu.memory_space<vmem>> -> memref<1x15360xf32, #tpu.memory_space<vmem>>
    %dma_wait3A_1016 = tpu.memref_squeeze %dma_wait3A_1015 : memref<1x15360xf32, #tpu.memory_space<vmem>> -> memref<15360xf32, #tpu.memory_space<vmem>>
    %dma_wait3A_1017 = arith.constant 0 : i32
    %dma_wait3A_1018 = tpu.memref_slice %arg3[%dma_wait3A_1012, %dma_wait3A_1017] : memref<1024x76800xf32, #tpu.memory_space<hbm>> -> memref<1x15360xf32, #tpu.memory_space<hbm>>
    %dma_wait3A_1019 = tpu.memref_squeeze %dma_wait3A_1018 : memref<1x15360xf32, #tpu.memory_space<hbm>> -> memref<15360xf32, #tpu.memory_space<hbm>>
    %dma_wait3A_1020 = arith.constant 0 : i32
    %dma_wait3A_1021 = tpu.memref_slice %arg4[%dma_wait3A_1013, %dma_wait3A_1020] : memref<4x16640xf32, #tpu.memory_space<vmem>> -> memref<1x15360xf32, #tpu.memory_space<vmem>>
    %dma_wait3A_1022 = tpu.memref_squeeze %dma_wait3A_1021 : memref<1x15360xf32, #tpu.memory_space<vmem>> -> memref<15360xf32, #tpu.memory_space<vmem>>
    %dma_wait3A_1023 = arith.constant 0 : i32
    %dma_wait3A_1024 = tpu.memref_slice %arg3[%dma_wait3A_1012, %dma_wait3A_1023] : memref<1024x76800xf32, #tpu.memory_space<hbm>> -> memref<1x15360xf32, #tpu.memory_space<hbm>>
    %dma_wait3A_1025 = tpu.memref_squeeze %dma_wait3A_1024 : memref<1x15360xf32, #tpu.memory_space<hbm>> -> memref<15360xf32, #tpu.memory_space<hbm>>
    tpu.wait_dma2 semaphore(%arg10 : memref<!tpu.dma_semaphore, #tpu.memory_space<semaphore_mem>>) src(%dma_wait3A_1025 : memref<15360xf32, #tpu.memory_space<hbm>>) dst(%dma_wait3A_1022 : memref<15360xf32, #tpu.memory_space<vmem>>)
    %dma_wait3A_1026 = arith.constant 0 : i32
    %dma_wait3A_1027 = arith.constant 0 : i32
    %dma_wait3A_1028 = arith.constant 0 : i32
    %dma_wait3A_1029 = tpu.memref_slice %arg4[%dma_wait3A_1027, %dma_wait3A_1028] : memref<4x16640xf32, #tpu.memory_space<vmem>> -> memref<1x15360xf32, #tpu.memory_space<vmem>>
    %dma_wait3A_1030 = tpu.memref_squeeze %dma_wait3A_1029 : memref<1x15360xf32, #tpu.memory_space<vmem>> -> memref<15360xf32, #tpu.memory_space<vmem>>
    %dma_wait3A_1031 = arith.constant 0 : i32
    %dma_wait3A_1032 = tpu.memref_slice %arg3[%dma_wait3A_1026, %dma_wait3A_1031] : memref<1024x76800xf32, #tpu.memory_space<hbm>> -> memref<1x15360xf32, #tpu.memory_space<hbm>>
    %dma_wait3A_1033 = tpu.memref_squeeze %dma_wait3A_1032 : memref<1x15360xf32, #tpu.memory_space<hbm>> -> memref<15360xf32, #tpu.memory_space<hbm>>
    %dma_wait3A_1034 = arith.constant 0 : i32
    %dma_wait3A_1035 = tpu.memref_slice %arg4[%dma_wait3A_1027, %dma_wait3A_1034] : memref<4x16640xf32, #tpu.memory_space<vmem>> -> memref<1x15360xf32, #tpu.memory_space<vmem>>
    %dma_wait3A_1036 = tpu.memref_squeeze %dma_wait3A_1035 : memref<1x15360xf32, #tpu.memory_space<vmem>> -> memref<15360xf32, #tpu.memory_space<vmem>>
    %dma_wait3A_1037 = arith.constant 0 : i32
    %dma_wait3A_1038 = tpu.memref_slice %arg3[%dma_wait3A_1026, %dma_wait3A_1037] : memref<1024x76800xf32, #tpu.memory_space<hbm>> -> memref<1x15360xf32, #tpu.memory_space<hbm>>
    %dma_wait3A_1039 = tpu.memref_squeeze %dma_wait3A_1038 : memref<1x15360xf32, #tpu.memory_space<hbm>> -> memref<15360xf32, #tpu.memory_space<hbm>>
    tpu.wait_dma2 semaphore(%arg10 : memref<!tpu.dma_semaphore, #tpu.memory_space<semaphore_mem>>) src(%dma_wait3A_1039 : memref<15360xf32, #tpu.memory_space<hbm>>) dst(%dma_wait3A_1036 : memref<15360xf32, #tpu.memory_space<vmem>>)
    %dma_wait3A_1040 = arith.constant 0 : i32
    %dma_wait3A_1041 = arith.constant 0 : i32
    %dma_wait3A_1042 = arith.constant 0 : i32
    %dma_wait3A_1043 = tpu.memref_slice %arg4[%dma_wait3A_1041, %dma_wait3A_1042] : memref<4x16640xf32, #tpu.memory_space<vmem>> -> memref<1x15360xf32, #tpu.memory_space<vmem>>
    %dma_wait3A_1044 = tpu.memref_squeeze %dma_wait3A_1043 : memref<1x15360xf32, #tpu.memory_space<vmem>> -> memref<15360xf32, #tpu.memory_space<vmem>>
    %dma_wait3A_1045 = arith.constant 0 : i32
    %dma_wait3A_1046 = tpu.memref_slice %arg3[%dma_wait3A_1040, %dma_wait3A_1045] : memref<1024x76800xf32, #tpu.memory_space<hbm>> -> memref<1x15360xf32, #tpu.memory_space<hbm>>
    %dma_wait3A_1047 = tpu.memref_squeeze %dma_wait3A_1046 : memref<1x15360xf32, #tpu.memory_space<hbm>> -> memref<15360xf32, #tpu.memory_space<hbm>>
    %dma_wait3A_1048 = arith.constant 0 : i32
    %dma_wait3A_1049 = tpu.memref_slice %arg4[%dma_wait3A_1041, %dma_wait3A_1048] : memref<4x16640xf32, #tpu.memory_space<vmem>> -> memref<1x15360xf32, #tpu.memory_space<vmem>>
    %dma_wait3A_1050 = tpu.memref_squeeze %dma_wait3A_1049 : memref<1x15360xf32, #tpu.memory_space<vmem>> -> memref<15360xf32, #tpu.memory_space<vmem>>
    %dma_wait3A_1051 = arith.constant 0 : i32
    %dma_wait3A_1052 = tpu.memref_slice %arg3[%dma_wait3A_1040, %dma_wait3A_1051] : memref<1024x76800xf32, #tpu.memory_space<hbm>> -> memref<1x15360xf32, #tpu.memory_space<hbm>>
    %dma_wait3A_1053 = tpu.memref_squeeze %dma_wait3A_1052 : memref<1x15360xf32, #tpu.memory_space<hbm>> -> memref<15360xf32, #tpu.memory_space<hbm>>
    tpu.wait_dma2 semaphore(%arg10 : memref<!tpu.dma_semaphore, #tpu.memory_space<semaphore_mem>>) src(%dma_wait3A_1053 : memref<15360xf32, #tpu.memory_space<hbm>>) dst(%dma_wait3A_1050 : memref<15360xf32, #tpu.memory_space<vmem>>)
    %dma_wait3A_1054 = arith.constant 0 : i32
    %dma_wait3A_1055 = arith.constant 0 : i32
    %dma_wait3A_1056 = arith.constant 0 : i32
    %dma_wait3A_1057 = tpu.memref_slice %arg4[%dma_wait3A_1055, %dma_wait3A_1056] : memref<4x16640xf32, #tpu.memory_space<vmem>> -> memref<1x15360xf32, #tpu.memory_space<vmem>>
    %dma_wait3A_1058 = tpu.memref_squeeze %dma_wait3A_1057 : memref<1x15360xf32, #tpu.memory_space<vmem>> -> memref<15360xf32, #tpu.memory_space<vmem>>
    %dma_wait3A_1059 = arith.constant 0 : i32
    %dma_wait3A_1060 = tpu.memref_slice %arg3[%dma_wait3A_1054, %dma_wait3A_1059] : memref<1024x76800xf32, #tpu.memory_space<hbm>> -> memref<1x15360xf32, #tpu.memory_space<hbm>>
    %dma_wait3A_1061 = tpu.memref_squeeze %dma_wait3A_1060 : memref<1x15360xf32, #tpu.memory_space<hbm>> -> memref<15360xf32, #tpu.memory_space<hbm>>
    %dma_wait3A_1062 = arith.constant 0 : i32
    %dma_wait3A_1063 = tpu.memref_slice %arg4[%dma_wait3A_1055, %dma_wait3A_1062] : memref<4x16640xf32, #tpu.memory_space<vmem>> -> memref<1x15360xf32, #tpu.memory_space<vmem>>
    %dma_wait3A_1064 = tpu.memref_squeeze %dma_wait3A_1063 : memref<1x15360xf32, #tpu.memory_space<vmem>> -> memref<15360xf32, #tpu.memory_space<vmem>>
    %dma_wait3A_1065 = arith.constant 0 : i32
    %dma_wait3A_1066 = tpu.memref_slice %arg3[%dma_wait3A_1054, %dma_wait3A_1065] : memref<1024x76800xf32, #tpu.memory_space<hbm>> -> memref<1x15360xf32, #tpu.memory_space<hbm>>
    %dma_wait3A_1067 = tpu.memref_squeeze %dma_wait3A_1066 : memref<1x15360xf32, #tpu.memory_space<hbm>> -> memref<15360xf32, #tpu.memory_space<hbm>>
    tpu.wait_dma2 semaphore(%arg10 : memref<!tpu.dma_semaphore, #tpu.memory_space<semaphore_mem>>) src(%dma_wait3A_1067 : memref<15360xf32, #tpu.memory_space<hbm>>) dst(%dma_wait3A_1064 : memref<15360xf32, #tpu.memory_space<vmem>>)
    %dma_wait3A_1068 = arith.constant 0 : i32
    %dma_wait3A_1069 = arith.constant 0 : i32
    %dma_wait3A_1070 = arith.constant 0 : i32
    %dma_wait3A_1071 = tpu.memref_slice %arg4[%dma_wait3A_1069, %dma_wait3A_1070] : memref<4x16640xf32, #tpu.memory_space<vmem>> -> memref<1x15360xf32, #tpu.memory_space<vmem>>
    %dma_wait3A_1072 = tpu.memref_squeeze %dma_wait3A_1071 : memref<1x15360xf32, #tpu.memory_space<vmem>> -> memref<15360xf32, #tpu.memory_space<vmem>>
    %dma_wait3A_1073 = arith.constant 0 : i32
    %dma_wait3A_1074 = tpu.memref_slice %arg3[%dma_wait3A_1068, %dma_wait3A_1073] : memref<1024x76800xf32, #tpu.memory_space<hbm>> -> memref<1x15360xf32, #tpu.memory_space<hbm>>
    %dma_wait3A_1075 = tpu.memref_squeeze %dma_wait3A_1074 : memref<1x15360xf32, #tpu.memory_space<hbm>> -> memref<15360xf32, #tpu.memory_space<hbm>>
    %dma_wait3A_1076 = arith.constant 0 : i32
    %dma_wait3A_1077 = tpu.memref_slice %arg4[%dma_wait3A_1069, %dma_wait3A_1076] : memref<4x16640xf32, #tpu.memory_space<vmem>> -> memref<1x15360xf32, #tpu.memory_space<vmem>>
    %dma_wait3A_1078 = tpu.memref_squeeze %dma_wait3A_1077 : memref<1x15360xf32, #tpu.memory_space<vmem>> -> memref<15360xf32, #tpu.memory_space<vmem>>
    %dma_wait3A_1079 = arith.constant 0 : i32
    %dma_wait3A_1080 = tpu.memref_slice %arg3[%dma_wait3A_1068, %dma_wait3A_1079] : memref<1024x76800xf32, #tpu.memory_space<hbm>> -> memref<1x15360xf32, #tpu.memory_space<hbm>>
    %dma_wait3A_1081 = tpu.memref_squeeze %dma_wait3A_1080 : memref<1x15360xf32, #tpu.memory_space<hbm>> -> memref<15360xf32, #tpu.memory_space<hbm>>
    tpu.wait_dma2 semaphore(%arg10 : memref<!tpu.dma_semaphore, #tpu.memory_space<semaphore_mem>>) src(%dma_wait3A_1081 : memref<15360xf32, #tpu.memory_space<hbm>>) dst(%dma_wait3A_1078 : memref<15360xf32, #tpu.memory_space<vmem>>)
    %dma_wait3A_1082 = arith.constant 0 : i32
    %dma_wait3A_1083 = arith.constant 0 : i32
    %dma_wait3A_1084 = arith.constant 0 : i32
    %dma_wait3A_1085 = tpu.memref_slice %arg4[%dma_wait3A_1083, %dma_wait3A_1084] : memref<4x16640xf32, #tpu.memory_space<vmem>> -> memref<1x15360xf32, #tpu.memory_space<vmem>>
    %dma_wait3A_1086 = tpu.memref_squeeze %dma_wait3A_1085 : memref<1x15360xf32, #tpu.memory_space<vmem>> -> memref<15360xf32, #tpu.memory_space<vmem>>
    %dma_wait3A_1087 = arith.constant 0 : i32
    %dma_wait3A_1088 = tpu.memref_slice %arg3[%dma_wait3A_1082, %dma_wait3A_1087] : memref<1024x76800xf32, #tpu.memory_space<hbm>> -> memref<1x15360xf32, #tpu.memory_space<hbm>>
    %dma_wait3A_1089 = tpu.memref_squeeze %dma_wait3A_1088 : memref<1x15360xf32, #tpu.memory_space<hbm>> -> memref<15360xf32, #tpu.memory_space<hbm>>
    %dma_wait3A_1090 = arith.constant 0 : i32
    %dma_wait3A_1091 = tpu.memref_slice %arg4[%dma_wait3A_1083, %dma_wait3A_1090] : memref<4x16640xf32, #tpu.memory_space<vmem>> -> memref<1x15360xf32, #tpu.memory_space<vmem>>
    %dma_wait3A_1092 = tpu.memref_squeeze %dma_wait3A_1091 : memref<1x15360xf32, #tpu.memory_space<vmem>> -> memref<15360xf32, #tpu.memory_space<vmem>>
    %dma_wait3A_1093 = arith.constant 0 : i32
    %dma_wait3A_1094 = tpu.memref_slice %arg3[%dma_wait3A_1082, %dma_wait3A_1093] : memref<1024x76800xf32, #tpu.memory_space<hbm>> -> memref<1x15360xf32, #tpu.memory_space<hbm>>
    %dma_wait3A_1095 = tpu.memref_squeeze %dma_wait3A_1094 : memref<1x15360xf32, #tpu.memory_space<hbm>> -> memref<15360xf32, #tpu.memory_space<hbm>>
    tpu.wait_dma2 semaphore(%arg10 : memref<!tpu.dma_semaphore, #tpu.memory_space<semaphore_mem>>) src(%dma_wait3A_1095 : memref<15360xf32, #tpu.memory_space<hbm>>) dst(%dma_wait3A_1092 : memref<15360xf32, #tpu.memory_space<vmem>>)
    %dma_wait3A_1096 = arith.constant 0 : i32
    %dma_wait3A_1097 = arith.constant 0 : i32
    %dma_wait3A_1098 = arith.constant 0 : i32
    %dma_wait3A_1099 = tpu.memref_slice %arg4[%dma_wait3A_1097, %dma_wait3A_1098] : memref<4x16640xf32, #tpu.memory_space<vmem>> -> memref<1x15360xf32, #tpu.memory_space<vmem>>
    %dma_wait3A_1100 = tpu.memref_squeeze %dma_wait3A_1099 : memref<1x15360xf32, #tpu.memory_space<vmem>> -> memref<15360xf32, #tpu.memory_space<vmem>>
    %dma_wait3A_1101 = arith.constant 0 : i32
    %dma_wait3A_1102 = tpu.memref_slice %arg3[%dma_wait3A_1096, %dma_wait3A_1101] : memref<1024x76800xf32, #tpu.memory_space<hbm>> -> memref<1x15360xf32, #tpu.memory_space<hbm>>
    %dma_wait3A_1103 = tpu.memref_squeeze %dma_wait3A_1102 : memref<1x15360xf32, #tpu.memory_space<hbm>> -> memref<15360xf32, #tpu.memory_space<hbm>>
    %dma_wait3A_1104 = arith.constant 0 : i32
    %dma_wait3A_1105 = tpu.memref_slice %arg4[%dma_wait3A_1097, %dma_wait3A_1104] : memref<4x16640xf32, #tpu.memory_space<vmem>> -> memref<1x15360xf32, #tpu.memory_space<vmem>>
    %dma_wait3A_1106 = tpu.memref_squeeze %dma_wait3A_1105 : memref<1x15360xf32, #tpu.memory_space<vmem>> -> memref<15360xf32, #tpu.memory_space<vmem>>
    %dma_wait3A_1107 = arith.constant 0 : i32
    %dma_wait3A_1108 = tpu.memref_slice %arg3[%dma_wait3A_1096, %dma_wait3A_1107] : memref<1024x76800xf32, #tpu.memory_space<hbm>> -> memref<1x15360xf32, #tpu.memory_space<hbm>>
    %dma_wait3A_1109 = tpu.memref_squeeze %dma_wait3A_1108 : memref<1x15360xf32, #tpu.memory_space<hbm>> -> memref<15360xf32, #tpu.memory_space<hbm>>
    tpu.wait_dma2 semaphore(%arg10 : memref<!tpu.dma_semaphore, #tpu.memory_space<semaphore_mem>>) src(%dma_wait3A_1109 : memref<15360xf32, #tpu.memory_space<hbm>>) dst(%dma_wait3A_1106 : memref<15360xf32, #tpu.memory_space<vmem>>)
    %dma_wait3A_1110 = arith.constant 0 : i32
    %dma_wait3A_1111 = arith.constant 0 : i32
    %dma_wait3A_1112 = arith.constant 0 : i32
    %dma_wait3A_1113 = tpu.memref_slice %arg4[%dma_wait3A_1111, %dma_wait3A_1112] : memref<4x16640xf32, #tpu.memory_space<vmem>> -> memref<1x15360xf32, #tpu.memory_space<vmem>>
    %dma_wait3A_1114 = tpu.memref_squeeze %dma_wait3A_1113 : memref<1x15360xf32, #tpu.memory_space<vmem>> -> memref<15360xf32, #tpu.memory_space<vmem>>
    %dma_wait3A_1115 = arith.constant 0 : i32
    %dma_wait3A_1116 = tpu.memref_slice %arg3[%dma_wait3A_1110, %dma_wait3A_1115] : memref<1024x76800xf32, #tpu.memory_space<hbm>> -> memref<1x15360xf32, #tpu.memory_space<hbm>>
    %dma_wait3A_1117 = tpu.memref_squeeze %dma_wait3A_1116 : memref<1x15360xf32, #tpu.memory_space<hbm>> -> memref<15360xf32, #tpu.memory_space<hbm>>
    %dma_wait3A_1118 = arith.constant 0 : i32
    %dma_wait3A_1119 = tpu.memref_slice %arg4[%dma_wait3A_1111, %dma_wait3A_1118] : memref<4x16640xf32, #tpu.memory_space<vmem>> -> memref<1x15360xf32, #tpu.memory_space<vmem>>
    %dma_wait3A_1120 = tpu.memref_squeeze %dma_wait3A_1119 : memref<1x15360xf32, #tpu.memory_space<vmem>> -> memref<15360xf32, #tpu.memory_space<vmem>>
    %dma_wait3A_1121 = arith.constant 0 : i32
    %dma_wait3A_1122 = tpu.memref_slice %arg3[%dma_wait3A_1110, %dma_wait3A_1121] : memref<1024x76800xf32, #tpu.memory_space<hbm>> -> memref<1x15360xf32, #tpu.memory_space<hbm>>
    %dma_wait3A_1123 = tpu.memref_squeeze %dma_wait3A_1122 : memref<1x15360xf32, #tpu.memory_space<hbm>> -> memref<15360xf32, #tpu.memory_space<hbm>>
    tpu.wait_dma2 semaphore(%arg10 : memref<!tpu.dma_semaphore, #tpu.memory_space<semaphore_mem>>) src(%dma_wait3A_1123 : memref<15360xf32, #tpu.memory_space<hbm>>) dst(%dma_wait3A_1120 : memref<15360xf32, #tpu.memory_space<vmem>>)
    %dma_wait3A_1124 = arith.constant 0 : i32
    %dma_wait3A_1125 = arith.constant 0 : i32
    %dma_wait3A_1126 = arith.constant 0 : i32
    %dma_wait3A_1127 = tpu.memref_slice %arg4[%dma_wait3A_1125, %dma_wait3A_1126] : memref<4x16640xf32, #tpu.memory_space<vmem>> -> memref<1x15360xf32, #tpu.memory_space<vmem>>
    %dma_wait3A_1128 = tpu.memref_squeeze %dma_wait3A_1127 : memref<1x15360xf32, #tpu.memory_space<vmem>> -> memref<15360xf32, #tpu.memory_space<vmem>>
    %dma_wait3A_1129 = arith.constant 0 : i32
    %dma_wait3A_1130 = tpu.memref_slice %arg3[%dma_wait3A_1124, %dma_wait3A_1129] : memref<1024x76800xf32, #tpu.memory_space<hbm>> -> memref<1x15360xf32, #tpu.memory_space<hbm>>
    %dma_wait3A_1131 = tpu.memref_squeeze %dma_wait3A_1130 : memref<1x15360xf32, #tpu.memory_space<hbm>> -> memref<15360xf32, #tpu.memory_space<hbm>>
    %dma_wait3A_1132 = arith.constant 0 : i32
    %dma_wait3A_1133 = tpu.memref_slice %arg4[%dma_wait3A_1125, %dma_wait3A_1132] : memref<4x16640xf32, #tpu.memory_space<vmem>> -> memref<1x15360xf32, #tpu.memory_space<vmem>>
    %dma_wait3A_1134 = tpu.memref_squeeze %dma_wait3A_1133 : memref<1x15360xf32, #tpu.memory_space<vmem>> -> memref<15360xf32, #tpu.memory_space<vmem>>
    %dma_wait3A_1135 = arith.constant 0 : i32
    %dma_wait3A_1136 = tpu.memref_slice %arg3[%dma_wait3A_1124, %dma_wait3A_1135] : memref<1024x76800xf32, #tpu.memory_space<hbm>> -> memref<1x15360xf32, #tpu.memory_space<hbm>>
    %dma_wait3A_1137 = tpu.memref_squeeze %dma_wait3A_1136 : memref<1x15360xf32, #tpu.memory_space<hbm>> -> memref<15360xf32, #tpu.memory_space<hbm>>
    tpu.wait_dma2 semaphore(%arg10 : memref<!tpu.dma_semaphore, #tpu.memory_space<semaphore_mem>>) src(%dma_wait3A_1137 : memref<15360xf32, #tpu.memory_space<hbm>>) dst(%dma_wait3A_1134 : memref<15360xf32, #tpu.memory_space<vmem>>)
    %dma_wait3A_1138 = arith.constant 0 : i32
    %dma_wait3A_1139 = arith.constant 0 : i32
    %dma_wait3A_1140 = arith.constant 0 : i32
    %dma_wait3A_1141 = tpu.memref_slice %arg4[%dma_wait3A_1139, %dma_wait3A_1140] : memref<4x16640xf32, #tpu.memory_space<vmem>> -> memref<1x15360xf32, #tpu.memory_space<vmem>>
    %dma_wait3A_1142 = tpu.memref_squeeze %dma_wait3A_1141 : memref<1x15360xf32, #tpu.memory_space<vmem>> -> memref<15360xf32, #tpu.memory_space<vmem>>
    %dma_wait3A_1143 = arith.constant 0 : i32
    %dma_wait3A_1144 = tpu.memref_slice %arg3[%dma_wait3A_1138, %dma_wait3A_1143] : memref<1024x76800xf32, #tpu.memory_space<hbm>> -> memref<1x15360xf32, #tpu.memory_space<hbm>>
    %dma_wait3A_1145 = tpu.memref_squeeze %dma_wait3A_1144 : memref<1x15360xf32, #tpu.memory_space<hbm>> -> memref<15360xf32, #tpu.memory_space<hbm>>
    %dma_wait3A_1146 = arith.constant 0 : i32
    %dma_wait3A_1147 = tpu.memref_slice %arg4[%dma_wait3A_1139, %dma_wait3A_1146] : memref<4x16640xf32, #tpu.memory_space<vmem>> -> memref<1x15360xf32, #tpu.memory_space<vmem>>
    %dma_wait3A_1148 = tpu.memref_squeeze %dma_wait3A_1147 : memref<1x15360xf32, #tpu.memory_space<vmem>> -> memref<15360xf32, #tpu.memory_space<vmem>>
    %dma_wait3A_1149 = arith.constant 0 : i32
    %dma_wait3A_1150 = tpu.memref_slice %arg3[%dma_wait3A_1138, %dma_wait3A_1149] : memref<1024x76800xf32, #tpu.memory_space<hbm>> -> memref<1x15360xf32, #tpu.memory_space<hbm>>
    %dma_wait3A_1151 = tpu.memref_squeeze %dma_wait3A_1150 : memref<1x15360xf32, #tpu.memory_space<hbm>> -> memref<15360xf32, #tpu.memory_space<hbm>>
    tpu.wait_dma2 semaphore(%arg10 : memref<!tpu.dma_semaphore, #tpu.memory_space<semaphore_mem>>) src(%dma_wait3A_1151 : memref<15360xf32, #tpu.memory_space<hbm>>) dst(%dma_wait3A_1148 : memref<15360xf32, #tpu.memory_space<vmem>>)
    %dma_wait3A_1152 = arith.constant 0 : i32
    %dma_wait3A_1153 = arith.constant 0 : i32
    %dma_wait3A_1154 = arith.constant 0 : i32
    %dma_wait3A_1155 = tpu.memref_slice %arg4[%dma_wait3A_1153, %dma_wait3A_1154] : memref<4x16640xf32, #tpu.memory_space<vmem>> -> memref<1x15360xf32, #tpu.memory_space<vmem>>
    %dma_wait3A_1156 = tpu.memref_squeeze %dma_wait3A_1155 : memref<1x15360xf32, #tpu.memory_space<vmem>> -> memref<15360xf32, #tpu.memory_space<vmem>>
    %dma_wait3A_1157 = arith.constant 0 : i32
    %dma_wait3A_1158 = tpu.memref_slice %arg3[%dma_wait3A_1152, %dma_wait3A_1157] : memref<1024x76800xf32, #tpu.memory_space<hbm>> -> memref<1x15360xf32, #tpu.memory_space<hbm>>
    %dma_wait3A_1159 = tpu.memref_squeeze %dma_wait3A_1158 : memref<1x15360xf32, #tpu.memory_space<hbm>> -> memref<15360xf32, #tpu.memory_space<hbm>>
    %dma_wait3A_1160 = arith.constant 0 : i32
    %dma_wait3A_1161 = tpu.memref_slice %arg4[%dma_wait3A_1153, %dma_wait3A_1160] : memref<4x16640xf32, #tpu.memory_space<vmem>> -> memref<1x15360xf32, #tpu.memory_space<vmem>>
    %dma_wait3A_1162 = tpu.memref_squeeze %dma_wait3A_1161 : memref<1x15360xf32, #tpu.memory_space<vmem>> -> memref<15360xf32, #tpu.memory_space<vmem>>
    %dma_wait3A_1163 = arith.constant 0 : i32
    %dma_wait3A_1164 = tpu.memref_slice %arg3[%dma_wait3A_1152, %dma_wait3A_1163] : memref<1024x76800xf32, #tpu.memory_space<hbm>> -> memref<1x15360xf32, #tpu.memory_space<hbm>>
    %dma_wait3A_1165 = tpu.memref_squeeze %dma_wait3A_1164 : memref<1x15360xf32, #tpu.memory_space<hbm>> -> memref<15360xf32, #tpu.memory_space<hbm>>
    tpu.wait_dma2 semaphore(%arg11 : memref<!tpu.dma_semaphore, #tpu.memory_space<semaphore_mem>>) src(%dma_wait3A_1165 : memref<15360xf32, #tpu.memory_space<hbm>>) dst(%dma_wait3A_1162 : memref<15360xf32, #tpu.memory_space<vmem>>)
    %dma_wait3A_1166 = arith.constant 0 : i32
    %dma_wait3A_1167 = arith.constant 0 : i32
    %dma_wait3A_1168 = arith.constant 0 : i32
    %dma_wait3A_1169 = tpu.memref_slice %arg4[%dma_wait3A_1167, %dma_wait3A_1168] : memref<4x16640xf32, #tpu.memory_space<vmem>> -> memref<1x15360xf32, #tpu.memory_space<vmem>>
    %dma_wait3A_1170 = tpu.memref_squeeze %dma_wait3A_1169 : memref<1x15360xf32, #tpu.memory_space<vmem>> -> memref<15360xf32, #tpu.memory_space<vmem>>
    %dma_wait3A_1171 = arith.constant 0 : i32
    %dma_wait3A_1172 = tpu.memref_slice %arg3[%dma_wait3A_1166, %dma_wait3A_1171] : memref<1024x76800xf32, #tpu.memory_space<hbm>> -> memref<1x15360xf32, #tpu.memory_space<hbm>>
    %dma_wait3A_1173 = tpu.memref_squeeze %dma_wait3A_1172 : memref<1x15360xf32, #tpu.memory_space<hbm>> -> memref<15360xf32, #tpu.memory_space<hbm>>
    %dma_wait3A_1174 = arith.constant 0 : i32
    %dma_wait3A_1175 = tpu.memref_slice %arg4[%dma_wait3A_1167, %dma_wait3A_1174] : memref<4x16640xf32, #tpu.memory_space<vmem>> -> memref<1x15360xf32, #tpu.memory_space<vmem>>
    %dma_wait3A_1176 = tpu.memref_squeeze %dma_wait3A_1175 : memref<1x15360xf32, #tpu.memory_space<vmem>> -> memref<15360xf32, #tpu.memory_space<vmem>>
    %dma_wait3A_1177 = arith.constant 0 : i32
    %dma_wait3A_1178 = tpu.memref_slice %arg3[%dma_wait3A_1166, %dma_wait3A_1177] : memref<1024x76800xf32, #tpu.memory_space<hbm>> -> memref<1x15360xf32, #tpu.memory_space<hbm>>
    %dma_wait3A_1179 = tpu.memref_squeeze %dma_wait3A_1178 : memref<1x15360xf32, #tpu.memory_space<hbm>> -> memref<15360xf32, #tpu.memory_space<hbm>>
    tpu.wait_dma2 semaphore(%arg11 : memref<!tpu.dma_semaphore, #tpu.memory_space<semaphore_mem>>) src(%dma_wait3A_1179 : memref<15360xf32, #tpu.memory_space<hbm>>) dst(%dma_wait3A_1176 : memref<15360xf32, #tpu.memory_space<vmem>>)
    %dma_wait3A_1180 = arith.constant 0 : i32
    %dma_wait3A_1181 = arith.constant 0 : i32
    %dma_wait3A_1182 = arith.constant 0 : i32
    %dma_wait3A_1183 = tpu.memref_slice %arg4[%dma_wait3A_1181, %dma_wait3A_1182] : memref<4x16640xf32, #tpu.memory_space<vmem>> -> memref<1x15360xf32, #tpu.memory_space<vmem>>
    %dma_wait3A_1184 = tpu.memref_squeeze %dma_wait3A_1183 : memref<1x15360xf32, #tpu.memory_space<vmem>> -> memref<15360xf32, #tpu.memory_space<vmem>>
    %dma_wait3A_1185 = arith.constant 0 : i32
    %dma_wait3A_1186 = tpu.memref_slice %arg3[%dma_wait3A_1180, %dma_wait3A_1185] : memref<1024x76800xf32, #tpu.memory_space<hbm>> -> memref<1x15360xf32, #tpu.memory_space<hbm>>
    %dma_wait3A_1187 = tpu.memref_squeeze %dma_wait3A_1186 : memref<1x15360xf32, #tpu.memory_space<hbm>> -> memref<15360xf32, #tpu.memory_space<hbm>>
    %dma_wait3A_1188 = arith.constant 0 : i32
    %dma_wait3A_1189 = tpu.memref_slice %arg4[%dma_wait3A_1181, %dma_wait3A_1188] : memref<4x16640xf32, #tpu.memory_space<vmem>> -> memref<1x15360xf32, #tpu.memory_space<vmem>>
    %dma_wait3A_1190 = tpu.memref_squeeze %dma_wait3A_1189 : memref<1x15360xf32, #tpu.memory_space<vmem>> -> memref<15360xf32, #tpu.memory_space<vmem>>
    %dma_wait3A_1191 = arith.constant 0 : i32
    %dma_wait3A_1192 = tpu.memref_slice %arg3[%dma_wait3A_1180, %dma_wait3A_1191] : memref<1024x76800xf32, #tpu.memory_space<hbm>> -> memref<1x15360xf32, #tpu.memory_space<hbm>>
    %dma_wait3A_1193 = tpu.memref_squeeze %dma_wait3A_1192 : memref<1x15360xf32, #tpu.memory_space<hbm>> -> memref<15360xf32, #tpu.memory_space<hbm>>
    tpu.wait_dma2 semaphore(%arg11 : memref<!tpu.dma_semaphore, #tpu.memory_space<semaphore_mem>>) src(%dma_wait3A_1193 : memref<15360xf32, #tpu.memory_space<hbm>>) dst(%dma_wait3A_1190 : memref<15360xf32, #tpu.memory_space<vmem>>)
    %dma_wait3A_1194 = arith.constant 0 : i32
    %dma_wait3A_1195 = arith.constant 0 : i32
    %dma_wait3A_1196 = arith.constant 0 : i32
    %dma_wait3A_1197 = tpu.memref_slice %arg4[%dma_wait3A_1195, %dma_wait3A_1196] : memref<4x16640xf32, #tpu.memory_space<vmem>> -> memref<1x15360xf32, #tpu.memory_space<vmem>>
    %dma_wait3A_1198 = tpu.memref_squeeze %dma_wait3A_1197 : memref<1x15360xf32, #tpu.memory_space<vmem>> -> memref<15360xf32, #tpu.memory_space<vmem>>
    %dma_wait3A_1199 = arith.constant 0 : i32
    %dma_wait3A_1200 = tpu.memref_slice %arg3[%dma_wait3A_1194, %dma_wait3A_1199] : memref<1024x76800xf32, #tpu.memory_space<hbm>> -> memref<1x15360xf32, #tpu.memory_space<hbm>>
    %dma_wait3A_1201 = tpu.memref_squeeze %dma_wait3A_1200 : memref<1x15360xf32, #tpu.memory_space<hbm>> -> memref<15360xf32, #tpu.memory_space<hbm>>
    %dma_wait3A_1202 = arith.constant 0 : i32
    %dma_wait3A_1203 = tpu.memref_slice %arg4[%dma_wait3A_1195, %dma_wait3A_1202] : memref<4x16640xf32, #tpu.memory_space<vmem>> -> memref<1x15360xf32, #tpu.memory_space<vmem>>
    %dma_wait3A_1204 = tpu.memref_squeeze %dma_wait3A_1203 : memref<1x15360xf32, #tpu.memory_space<vmem>> -> memref<15360xf32, #tpu.memory_space<vmem>>
    %dma_wait3A_1205 = arith.constant 0 : i32
    %dma_wait3A_1206 = tpu.memref_slice %arg3[%dma_wait3A_1194, %dma_wait3A_1205] : memref<1024x76800xf32, #tpu.memory_space<hbm>> -> memref<1x15360xf32, #tpu.memory_space<hbm>>
    %dma_wait3A_1207 = tpu.memref_squeeze %dma_wait3A_1206 : memref<1x15360xf32, #tpu.memory_space<hbm>> -> memref<15360xf32, #tpu.memory_space<hbm>>
    tpu.wait_dma2 semaphore(%arg11 : memref<!tpu.dma_semaphore, #tpu.memory_space<semaphore_mem>>) src(%dma_wait3A_1207 : memref<15360xf32, #tpu.memory_space<hbm>>) dst(%dma_wait3A_1204 : memref<15360xf32, #tpu.memory_space<vmem>>)
    %dma_wait3A_1208 = arith.constant 0 : i32
    %dma_wait3A_1209 = arith.constant 0 : i32
    %dma_wait3A_1210 = arith.constant 0 : i32
    %dma_wait3A_1211 = tpu.memref_slice %arg4[%dma_wait3A_1209, %dma_wait3A_1210] : memref<4x16640xf32, #tpu.memory_space<vmem>> -> memref<1x15360xf32, #tpu.memory_space<vmem>>
    %dma_wait3A_1212 = tpu.memref_squeeze %dma_wait3A_1211 : memref<1x15360xf32, #tpu.memory_space<vmem>> -> memref<15360xf32, #tpu.memory_space<vmem>>
    %dma_wait3A_1213 = arith.constant 0 : i32
    %dma_wait3A_1214 = tpu.memref_slice %arg3[%dma_wait3A_1208, %dma_wait3A_1213] : memref<1024x76800xf32, #tpu.memory_space<hbm>> -> memref<1x15360xf32, #tpu.memory_space<hbm>>
    %dma_wait3A_1215 = tpu.memref_squeeze %dma_wait3A_1214 : memref<1x15360xf32, #tpu.memory_space<hbm>> -> memref<15360xf32, #tpu.memory_space<hbm>>
    %dma_wait3A_1216 = arith.constant 0 : i32
    %dma_wait3A_1217 = tpu.memref_slice %arg4[%dma_wait3A_1209, %dma_wait3A_1216] : memref<4x16640xf32, #tpu.memory_space<vmem>> -> memref<1x15360xf32, #tpu.memory_space<vmem>>
    %dma_wait3A_1218 = tpu.memref_squeeze %dma_wait3A_1217 : memref<1x15360xf32, #tpu.memory_space<vmem>> -> memref<15360xf32, #tpu.memory_space<vmem>>
    %dma_wait3A_1219 = arith.constant 0 : i32
    %dma_wait3A_1220 = tpu.memref_slice %arg3[%dma_wait3A_1208, %dma_wait3A_1219] : memref<1024x76800xf32, #tpu.memory_space<hbm>> -> memref<1x15360xf32, #tpu.memory_space<hbm>>
    %dma_wait3A_1221 = tpu.memref_squeeze %dma_wait3A_1220 : memref<1x15360xf32, #tpu.memory_space<hbm>> -> memref<15360xf32, #tpu.memory_space<hbm>>
    tpu.wait_dma2 semaphore(%arg11 : memref<!tpu.dma_semaphore, #tpu.memory_space<semaphore_mem>>) src(%dma_wait3A_1221 : memref<15360xf32, #tpu.memory_space<hbm>>) dst(%dma_wait3A_1218 : memref<15360xf32, #tpu.memory_space<vmem>>)
    %dma_wait3A_1222 = arith.constant 0 : i32
    %dma_wait3A_1223 = arith.constant 0 : i32
    %dma_wait3A_1224 = arith.constant 0 : i32
    %dma_wait3A_1225 = tpu.memref_slice %arg4[%dma_wait3A_1223, %dma_wait3A_1224] : memref<4x16640xf32, #tpu.memory_space<vmem>> -> memref<1x15360xf32, #tpu.memory_space<vmem>>
    %dma_wait3A_1226 = tpu.memref_squeeze %dma_wait3A_1225 : memref<1x15360xf32, #tpu.memory_space<vmem>> -> memref<15360xf32, #tpu.memory_space<vmem>>
    %dma_wait3A_1227 = arith.constant 0 : i32
    %dma_wait3A_1228 = tpu.memref_slice %arg3[%dma_wait3A_1222, %dma_wait3A_1227] : memref<1024x76800xf32, #tpu.memory_space<hbm>> -> memref<1x15360xf32, #tpu.memory_space<hbm>>
    %dma_wait3A_1229 = tpu.memref_squeeze %dma_wait3A_1228 : memref<1x15360xf32, #tpu.memory_space<hbm>> -> memref<15360xf32, #tpu.memory_space<hbm>>
    %dma_wait3A_1230 = arith.constant 0 : i32
    %dma_wait3A_1231 = tpu.memref_slice %arg4[%dma_wait3A_1223, %dma_wait3A_1230] : memref<4x16640xf32, #tpu.memory_space<vmem>> -> memref<1x15360xf32, #tpu.memory_space<vmem>>
    %dma_wait3A_1232 = tpu.memref_squeeze %dma_wait3A_1231 : memref<1x15360xf32, #tpu.memory_space<vmem>> -> memref<15360xf32, #tpu.memory_space<vmem>>
    %dma_wait3A_1233 = arith.constant 0 : i32
    %dma_wait3A_1234 = tpu.memref_slice %arg3[%dma_wait3A_1222, %dma_wait3A_1233] : memref<1024x76800xf32, #tpu.memory_space<hbm>> -> memref<1x15360xf32, #tpu.memory_space<hbm>>
    %dma_wait3A_1235 = tpu.memref_squeeze %dma_wait3A_1234 : memref<1x15360xf32, #tpu.memory_space<hbm>> -> memref<15360xf32, #tpu.memory_space<hbm>>
    tpu.wait_dma2 semaphore(%arg11 : memref<!tpu.dma_semaphore, #tpu.memory_space<semaphore_mem>>) src(%dma_wait3A_1235 : memref<15360xf32, #tpu.memory_space<hbm>>) dst(%dma_wait3A_1232 : memref<15360xf32, #tpu.memory_space<vmem>>)
    %dma_wait3A_1236 = arith.constant 0 : i32
    %dma_wait3A_1237 = arith.constant 0 : i32
    %dma_wait3A_1238 = arith.constant 0 : i32
    %dma_wait3A_1239 = tpu.memref_slice %arg4[%dma_wait3A_1237, %dma_wait3A_1238] : memref<4x16640xf32, #tpu.memory_space<vmem>> -> memref<1x15360xf32, #tpu.memory_space<vmem>>
    %dma_wait3A_1240 = tpu.memref_squeeze %dma_wait3A_1239 : memref<1x15360xf32, #tpu.memory_space<vmem>> -> memref<15360xf32, #tpu.memory_space<vmem>>
    %dma_wait3A_1241 = arith.constant 0 : i32
    %dma_wait3A_1242 = tpu.memref_slice %arg3[%dma_wait3A_1236, %dma_wait3A_1241] : memref<1024x76800xf32, #tpu.memory_space<hbm>> -> memref<1x15360xf32, #tpu.memory_space<hbm>>
    %dma_wait3A_1243 = tpu.memref_squeeze %dma_wait3A_1242 : memref<1x15360xf32, #tpu.memory_space<hbm>> -> memref<15360xf32, #tpu.memory_space<hbm>>
    %dma_wait3A_1244 = arith.constant 0 : i32
    %dma_wait3A_1245 = tpu.memref_slice %arg4[%dma_wait3A_1237, %dma_wait3A_1244] : memref<4x16640xf32, #tpu.memory_space<vmem>> -> memref<1x15360xf32, #tpu.memory_space<vmem>>
    %dma_wait3A_1246 = tpu.memref_squeeze %dma_wait3A_1245 : memref<1x15360xf32, #tpu.memory_space<vmem>> -> memref<15360xf32, #tpu.memory_space<vmem>>
    %dma_wait3A_1247 = arith.constant 0 : i32
    %dma_wait3A_1248 = tpu.memref_slice %arg3[%dma_wait3A_1236, %dma_wait3A_1247] : memref<1024x76800xf32, #tpu.memory_space<hbm>> -> memref<1x15360xf32, #tpu.memory_space<hbm>>
    %dma_wait3A_1249 = tpu.memref_squeeze %dma_wait3A_1248 : memref<1x15360xf32, #tpu.memory_space<hbm>> -> memref<15360xf32, #tpu.memory_space<hbm>>
    tpu.wait_dma2 semaphore(%arg11 : memref<!tpu.dma_semaphore, #tpu.memory_space<semaphore_mem>>) src(%dma_wait3A_1249 : memref<15360xf32, #tpu.memory_space<hbm>>) dst(%dma_wait3A_1246 : memref<15360xf32, #tpu.memory_space<vmem>>)
    %dma_wait3A_1250 = arith.constant 0 : i32
    %dma_wait3A_1251 = arith.constant 0 : i32
    %dma_wait3A_1252 = arith.constant 0 : i32
    %dma_wait3A_1253 = tpu.memref_slice %arg4[%dma_wait3A_1251, %dma_wait3A_1252] : memref<4x16640xf32, #tpu.memory_space<vmem>> -> memref<1x15360xf32, #tpu.memory_space<vmem>>
    %dma_wait3A_1254 = tpu.memref_squeeze %dma_wait3A_1253 : memref<1x15360xf32, #tpu.memory_space<vmem>> -> memref<15360xf32, #tpu.memory_space<vmem>>
    %dma_wait3A_1255 = arith.constant 0 : i32
    %dma_wait3A_1256 = tpu.memref_slice %arg3[%dma_wait3A_1250, %dma_wait3A_1255] : memref<1024x76800xf32, #tpu.memory_space<hbm>> -> memref<1x15360xf32, #tpu.memory_space<hbm>>
    %dma_wait3A_1257 = tpu.memref_squeeze %dma_wait3A_1256 : memref<1x15360xf32, #tpu.memory_space<hbm>> -> memref<15360xf32, #tpu.memory_space<hbm>>
    %dma_wait3A_1258 = arith.constant 0 : i32
    %dma_wait3A_1259 = tpu.memref_slice %arg4[%dma_wait3A_1251, %dma_wait3A_1258] : memref<4x16640xf32, #tpu.memory_space<vmem>> -> memref<1x15360xf32, #tpu.memory_space<vmem>>
    %dma_wait3A_1260 = tpu.memref_squeeze %dma_wait3A_1259 : memref<1x15360xf32, #tpu.memory_space<vmem>> -> memref<15360xf32, #tpu.memory_space<vmem>>
    %dma_wait3A_1261 = arith.constant 0 : i32
    %dma_wait3A_1262 = tpu.memref_slice %arg3[%dma_wait3A_1250, %dma_wait3A_1261] : memref<1024x76800xf32, #tpu.memory_space<hbm>> -> memref<1x15360xf32, #tpu.memory_space<hbm>>
    %dma_wait3A_1263 = tpu.memref_squeeze %dma_wait3A_1262 : memref<1x15360xf32, #tpu.memory_space<hbm>> -> memref<15360xf32, #tpu.memory_space<hbm>>
    tpu.wait_dma2 semaphore(%arg11 : memref<!tpu.dma_semaphore, #tpu.memory_space<semaphore_mem>>) src(%dma_wait3A_1263 : memref<15360xf32, #tpu.memory_space<hbm>>) dst(%dma_wait3A_1260 : memref<15360xf32, #tpu.memory_space<vmem>>)
    %dma_wait3A_1264 = arith.constant 0 : i32
    %dma_wait3A_1265 = arith.constant 0 : i32
    %dma_wait3A_1266 = arith.constant 0 : i32
    %dma_wait3A_1267 = tpu.memref_slice %arg4[%dma_wait3A_1265, %dma_wait3A_1266] : memref<4x16640xf32, #tpu.memory_space<vmem>> -> memref<1x15360xf32, #tpu.memory_space<vmem>>
    %dma_wait3A_1268 = tpu.memref_squeeze %dma_wait3A_1267 : memref<1x15360xf32, #tpu.memory_space<vmem>> -> memref<15360xf32, #tpu.memory_space<vmem>>
    %dma_wait3A_1269 = arith.constant 0 : i32
    %dma_wait3A_1270 = tpu.memref_slice %arg3[%dma_wait3A_1264, %dma_wait3A_1269] : memref<1024x76800xf32, #tpu.memory_space<hbm>> -> memref<1x15360xf32, #tpu.memory_space<hbm>>
    %dma_wait3A_1271 = tpu.memref_squeeze %dma_wait3A_1270 : memref<1x15360xf32, #tpu.memory_space<hbm>> -> memref<15360xf32, #tpu.memory_space<hbm>>
    %dma_wait3A_1272 = arith.constant 0 : i32
    %dma_wait3A_1273 = tpu.memref_slice %arg4[%dma_wait3A_1265, %dma_wait3A_1272] : memref<4x16640xf32, #tpu.memory_space<vmem>> -> memref<1x15360xf32, #tpu.memory_space<vmem>>
    %dma_wait3A_1274 = tpu.memref_squeeze %dma_wait3A_1273 : memref<1x15360xf32, #tpu.memory_space<vmem>> -> memref<15360xf32, #tpu.memory_space<vmem>>
    %dma_wait3A_1275 = arith.constant 0 : i32
    %dma_wait3A_1276 = tpu.memref_slice %arg3[%dma_wait3A_1264, %dma_wait3A_1275] : memref<1024x76800xf32, #tpu.memory_space<hbm>> -> memref<1x15360xf32, #tpu.memory_space<hbm>>
    %dma_wait3A_1277 = tpu.memref_squeeze %dma_wait3A_1276 : memref<1x15360xf32, #tpu.memory_space<hbm>> -> memref<15360xf32, #tpu.memory_space<hbm>>
    tpu.wait_dma2 semaphore(%arg11 : memref<!tpu.dma_semaphore, #tpu.memory_space<semaphore_mem>>) src(%dma_wait3A_1277 : memref<15360xf32, #tpu.memory_space<hbm>>) dst(%dma_wait3A_1274 : memref<15360xf32, #tpu.memory_space<vmem>>)
    %dma_wait3A_1278 = arith.constant 0 : i32
    %dma_wait3A_1279 = arith.constant 0 : i32
    %dma_wait3A_1280 = arith.constant 0 : i32
    %dma_wait3A_1281 = tpu.memref_slice %arg4[%dma_wait3A_1279, %dma_wait3A_1280] : memref<4x16640xf32, #tpu.memory_space<vmem>> -> memref<1x15360xf32, #tpu.memory_space<vmem>>
    %dma_wait3A_1282 = tpu.memref_squeeze %dma_wait3A_1281 : memref<1x15360xf32, #tpu.memory_space<vmem>> -> memref<15360xf32, #tpu.memory_space<vmem>>
    %dma_wait3A_1283 = arith.constant 0 : i32
    %dma_wait3A_1284 = tpu.memref_slice %arg3[%dma_wait3A_1278, %dma_wait3A_1283] : memref<1024x76800xf32, #tpu.memory_space<hbm>> -> memref<1x15360xf32, #tpu.memory_space<hbm>>
    %dma_wait3A_1285 = tpu.memref_squeeze %dma_wait3A_1284 : memref<1x15360xf32, #tpu.memory_space<hbm>> -> memref<15360xf32, #tpu.memory_space<hbm>>
    %dma_wait3A_1286 = arith.constant 0 : i32
    %dma_wait3A_1287 = tpu.memref_slice %arg4[%dma_wait3A_1279, %dma_wait3A_1286] : memref<4x16640xf32, #tpu.memory_space<vmem>> -> memref<1x15360xf32, #tpu.memory_space<vmem>>
    %dma_wait3A_1288 = tpu.memref_squeeze %dma_wait3A_1287 : memref<1x15360xf32, #tpu.memory_space<vmem>> -> memref<15360xf32, #tpu.memory_space<vmem>>
    %dma_wait3A_1289 = arith.constant 0 : i32
    %dma_wait3A_1290 = tpu.memref_slice %arg3[%dma_wait3A_1278, %dma_wait3A_1289] : memref<1024x76800xf32, #tpu.memory_space<hbm>> -> memref<1x15360xf32, #tpu.memory_space<hbm>>
    %dma_wait3A_1291 = tpu.memref_squeeze %dma_wait3A_1290 : memref<1x15360xf32, #tpu.memory_space<hbm>> -> memref<15360xf32, #tpu.memory_space<hbm>>
    tpu.wait_dma2 semaphore(%arg11 : memref<!tpu.dma_semaphore, #tpu.memory_space<semaphore_mem>>) src(%dma_wait3A_1291 : memref<15360xf32, #tpu.memory_space<hbm>>) dst(%dma_wait3A_1288 : memref<15360xf32, #tpu.memory_space<vmem>>)
    %dma_wait3A_1292 = arith.constant 0 : i32
    %dma_wait3A_1293 = arith.constant 0 : i32
    %dma_wait3A_1294 = arith.constant 0 : i32
    %dma_wait3A_1295 = tpu.memref_slice %arg4[%dma_wait3A_1293, %dma_wait3A_1294] : memref<4x16640xf32, #tpu.memory_space<vmem>> -> memref<1x15360xf32, #tpu.memory_space<vmem>>
    %dma_wait3A_1296 = tpu.memref_squeeze %dma_wait3A_1295 : memref<1x15360xf32, #tpu.memory_space<vmem>> -> memref<15360xf32, #tpu.memory_space<vmem>>
    %dma_wait3A_1297 = arith.constant 0 : i32
    %dma_wait3A_1298 = tpu.memref_slice %arg3[%dma_wait3A_1292, %dma_wait3A_1297] : memref<1024x76800xf32, #tpu.memory_space<hbm>> -> memref<1x15360xf32, #tpu.memory_space<hbm>>
    %dma_wait3A_1299 = tpu.memref_squeeze %dma_wait3A_1298 : memref<1x15360xf32, #tpu.memory_space<hbm>> -> memref<15360xf32, #tpu.memory_space<hbm>>
    %dma_wait3A_1300 = arith.constant 0 : i32
    %dma_wait3A_1301 = tpu.memref_slice %arg4[%dma_wait3A_1293, %dma_wait3A_1300] : memref<4x16640xf32, #tpu.memory_space<vmem>> -> memref<1x15360xf32, #tpu.memory_space<vmem>>
    %dma_wait3A_1302 = tpu.memref_squeeze %dma_wait3A_1301 : memref<1x15360xf32, #tpu.memory_space<vmem>> -> memref<15360xf32, #tpu.memory_space<vmem>>
    %dma_wait3A_1303 = arith.constant 0 : i32
    %dma_wait3A_1304 = tpu.memref_slice %arg3[%dma_wait3A_1292, %dma_wait3A_1303] : memref<1024x76800xf32, #tpu.memory_space<hbm>> -> memref<1x15360xf32, #tpu.memory_space<hbm>>
    %dma_wait3A_1305 = tpu.memref_squeeze %dma_wait3A_1304 : memref<1x15360xf32, #tpu.memory_space<hbm>> -> memref<15360xf32, #tpu.memory_space<hbm>>
    tpu.wait_dma2 semaphore(%arg11 : memref<!tpu.dma_semaphore, #tpu.memory_space<semaphore_mem>>) src(%dma_wait3A_1305 : memref<15360xf32, #tpu.memory_space<hbm>>) dst(%dma_wait3A_1302 : memref<15360xf32, #tpu.memory_space<vmem>>)
    %dma_wait3A_1306 = arith.constant 0 : i32
    %dma_wait3A_1307 = arith.constant 0 : i32
    %dma_wait3A_1308 = arith.constant 0 : i32
    %dma_wait3A_1309 = tpu.memref_slice %arg4[%dma_wait3A_1307, %dma_wait3A_1308] : memref<4x16640xf32, #tpu.memory_space<vmem>> -> memref<1x15360xf32, #tpu.memory_space<vmem>>
    %dma_wait3A_1310 = tpu.memref_squeeze %dma_wait3A_1309 : memref<1x15360xf32, #tpu.memory_space<vmem>> -> memref<15360xf32, #tpu.memory_space<vmem>>
    %dma_wait3A_1311 = arith.constant 0 : i32
    %dma_wait3A_1312 = tpu.memref_slice %arg3[%dma_wait3A_1306, %dma_wait3A_1311] : memref<1024x76800xf32, #tpu.memory_space<hbm>> -> memref<1x15360xf32, #tpu.memory_space<hbm>>
    %dma_wait3A_1313 = tpu.memref_squeeze %dma_wait3A_1312 : memref<1x15360xf32, #tpu.memory_space<hbm>> -> memref<15360xf32, #tpu.memory_space<hbm>>
    %dma_wait3A_1314 = arith.constant 0 : i32
    %dma_wait3A_1315 = tpu.memref_slice %arg4[%dma_wait3A_1307, %dma_wait3A_1314] : memref<4x16640xf32, #tpu.memory_space<vmem>> -> memref<1x15360xf32, #tpu.memory_space<vmem>>
    %dma_wait3A_1316 = tpu.memref_squeeze %dma_wait3A_1315 : memref<1x15360xf32, #tpu.memory_space<vmem>> -> memref<15360xf32, #tpu.memory_space<vmem>>
    %dma_wait3A_1317 = arith.constant 0 : i32
    %dma_wait3A_1318 = tpu.memref_slice %arg3[%dma_wait3A_1306, %dma_wait3A_1317] : memref<1024x76800xf32, #tpu.memory_space<hbm>> -> memref<1x15360xf32, #tpu.memory_space<hbm>>
    %dma_wait3A_1319 = tpu.memref_squeeze %dma_wait3A_1318 : memref<1x15360xf32, #tpu.memory_space<hbm>> -> memref<15360xf32, #tpu.memory_space<hbm>>
    tpu.wait_dma2 semaphore(%arg11 : memref<!tpu.dma_semaphore, #tpu.memory_space<semaphore_mem>>) src(%dma_wait3A_1319 : memref<15360xf32, #tpu.memory_space<hbm>>) dst(%dma_wait3A_1316 : memref<15360xf32, #tpu.memory_space<vmem>>)
    %dma_wait3A_1320 = arith.constant 0 : i32
    %dma_wait3A_1321 = arith.constant 0 : i32
    %dma_wait3A_1322 = arith.constant 0 : i32
    %dma_wait3A_1323 = tpu.memref_slice %arg4[%dma_wait3A_1321, %dma_wait3A_1322] : memref<4x16640xf32, #tpu.memory_space<vmem>> -> memref<1x15360xf32, #tpu.memory_space<vmem>>
    %dma_wait3A_1324 = tpu.memref_squeeze %dma_wait3A_1323 : memref<1x15360xf32, #tpu.memory_space<vmem>> -> memref<15360xf32, #tpu.memory_space<vmem>>
    %dma_wait3A_1325 = arith.constant 0 : i32
    %dma_wait3A_1326 = tpu.memref_slice %arg3[%dma_wait3A_1320, %dma_wait3A_1325] : memref<1024x76800xf32, #tpu.memory_space<hbm>> -> memref<1x15360xf32, #tpu.memory_space<hbm>>
    %dma_wait3A_1327 = tpu.memref_squeeze %dma_wait3A_1326 : memref<1x15360xf32, #tpu.memory_space<hbm>> -> memref<15360xf32, #tpu.memory_space<hbm>>
    %dma_wait3A_1328 = arith.constant 0 : i32
    %dma_wait3A_1329 = tpu.memref_slice %arg4[%dma_wait3A_1321, %dma_wait3A_1328] : memref<4x16640xf32, #tpu.memory_space<vmem>> -> memref<1x15360xf32, #tpu.memory_space<vmem>>
    %dma_wait3A_1330 = tpu.memref_squeeze %dma_wait3A_1329 : memref<1x15360xf32, #tpu.memory_space<vmem>> -> memref<15360xf32, #tpu.memory_space<vmem>>
    %dma_wait3A_1331 = arith.constant 0 : i32
    %dma_wait3A_1332 = tpu.memref_slice %arg3[%dma_wait3A_1320, %dma_wait3A_1331] : memref<1024x76800xf32, #tpu.memory_space<hbm>> -> memref<1x15360xf32, #tpu.memory_space<hbm>>
    %dma_wait3A_1333 = tpu.memref_squeeze %dma_wait3A_1332 : memref<1x15360xf32, #tpu.memory_space<hbm>> -> memref<15360xf32, #tpu.memory_space<hbm>>
    tpu.wait_dma2 semaphore(%arg11 : memref<!tpu.dma_semaphore, #tpu.memory_space<semaphore_mem>>) src(%dma_wait3A_1333 : memref<15360xf32, #tpu.memory_space<hbm>>) dst(%dma_wait3A_1330 : memref<15360xf32, #tpu.memory_space<vmem>>)
    %dma_wait3A_1334 = arith.constant 0 : i32
    %dma_wait3A_1335 = arith.constant 0 : i32
    %dma_wait3A_1336 = arith.constant 0 : i32
    %dma_wait3A_1337 = tpu.memref_slice %arg4[%dma_wait3A_1335, %dma_wait3A_1336] : memref<4x16640xf32, #tpu.memory_space<vmem>> -> memref<1x15360xf32, #tpu.memory_space<vmem>>
    %dma_wait3A_1338 = tpu.memref_squeeze %dma_wait3A_1337 : memref<1x15360xf32, #tpu.memory_space<vmem>> -> memref<15360xf32, #tpu.memory_space<vmem>>
    %dma_wait3A_1339 = arith.constant 0 : i32
    %dma_wait3A_1340 = tpu.memref_slice %arg3[%dma_wait3A_1334, %dma_wait3A_1339] : memref<1024x76800xf32, #tpu.memory_space<hbm>> -> memref<1x15360xf32, #tpu.memory_space<hbm>>
    %dma_wait3A_1341 = tpu.memref_squeeze %dma_wait3A_1340 : memref<1x15360xf32, #tpu.memory_space<hbm>> -> memref<15360xf32, #tpu.memory_space<hbm>>
    %dma_wait3A_1342 = arith.constant 0 : i32
    %dma_wait3A_1343 = tpu.memref_slice %arg4[%dma_wait3A_1335, %dma_wait3A_1342] : memref<4x16640xf32, #tpu.memory_space<vmem>> -> memref<1x15360xf32, #tpu.memory_space<vmem>>
    %dma_wait3A_1344 = tpu.memref_squeeze %dma_wait3A_1343 : memref<1x15360xf32, #tpu.memory_space<vmem>> -> memref<15360xf32, #tpu.memory_space<vmem>>
    %dma_wait3A_1345 = arith.constant 0 : i32
    %dma_wait3A_1346 = tpu.memref_slice %arg3[%dma_wait3A_1334, %dma_wait3A_1345] : memref<1024x76800xf32, #tpu.memory_space<hbm>> -> memref<1x15360xf32, #tpu.memory_space<hbm>>
    %dma_wait3A_1347 = tpu.memref_squeeze %dma_wait3A_1346 : memref<1x15360xf32, #tpu.memory_space<hbm>> -> memref<15360xf32, #tpu.memory_space<hbm>>
    tpu.wait_dma2 semaphore(%arg11 : memref<!tpu.dma_semaphore, #tpu.memory_space<semaphore_mem>>) src(%dma_wait3A_1347 : memref<15360xf32, #tpu.memory_space<hbm>>) dst(%dma_wait3A_1344 : memref<15360xf32, #tpu.memory_space<vmem>>)
    %dma_wait3A_1348 = arith.constant 0 : i32
    %dma_wait3A_1349 = arith.constant 0 : i32
    %dma_wait3A_1350 = arith.constant 0 : i32
    %dma_wait3A_1351 = tpu.memref_slice %arg4[%dma_wait3A_1349, %dma_wait3A_1350] : memref<4x16640xf32, #tpu.memory_space<vmem>> -> memref<1x15360xf32, #tpu.memory_space<vmem>>
    %dma_wait3A_1352 = tpu.memref_squeeze %dma_wait3A_1351 : memref<1x15360xf32, #tpu.memory_space<vmem>> -> memref<15360xf32, #tpu.memory_space<vmem>>
    %dma_wait3A_1353 = arith.constant 0 : i32
    %dma_wait3A_1354 = tpu.memref_slice %arg3[%dma_wait3A_1348, %dma_wait3A_1353] : memref<1024x76800xf32, #tpu.memory_space<hbm>> -> memref<1x15360xf32, #tpu.memory_space<hbm>>
    %dma_wait3A_1355 = tpu.memref_squeeze %dma_wait3A_1354 : memref<1x15360xf32, #tpu.memory_space<hbm>> -> memref<15360xf32, #tpu.memory_space<hbm>>
    %dma_wait3A_1356 = arith.constant 0 : i32
    %dma_wait3A_1357 = tpu.memref_slice %arg4[%dma_wait3A_1349, %dma_wait3A_1356] : memref<4x16640xf32, #tpu.memory_space<vmem>> -> memref<1x15360xf32, #tpu.memory_space<vmem>>
    %dma_wait3A_1358 = tpu.memref_squeeze %dma_wait3A_1357 : memref<1x15360xf32, #tpu.memory_space<vmem>> -> memref<15360xf32, #tpu.memory_space<vmem>>
    %dma_wait3A_1359 = arith.constant 0 : i32
    %dma_wait3A_1360 = tpu.memref_slice %arg3[%dma_wait3A_1348, %dma_wait3A_1359] : memref<1024x76800xf32, #tpu.memory_space<hbm>> -> memref<1x15360xf32, #tpu.memory_space<hbm>>
    %dma_wait3A_1361 = tpu.memref_squeeze %dma_wait3A_1360 : memref<1x15360xf32, #tpu.memory_space<hbm>> -> memref<15360xf32, #tpu.memory_space<hbm>>
    tpu.wait_dma2 semaphore(%arg11 : memref<!tpu.dma_semaphore, #tpu.memory_space<semaphore_mem>>) src(%dma_wait3A_1361 : memref<15360xf32, #tpu.memory_space<hbm>>) dst(%dma_wait3A_1358 : memref<15360xf32, #tpu.memory_space<vmem>>)
    %dma_wait3A_1362 = arith.constant 0 : i32
    %dma_wait3A_1363 = arith.constant 0 : i32
    %dma_wait3A_1364 = arith.constant 0 : i32
    %dma_wait3A_1365 = tpu.memref_slice %arg4[%dma_wait3A_1363, %dma_wait3A_1364] : memref<4x16640xf32, #tpu.memory_space<vmem>> -> memref<1x15360xf32, #tpu.memory_space<vmem>>
    %dma_wait3A_1366 = tpu.memref_squeeze %dma_wait3A_1365 : memref<1x15360xf32, #tpu.memory_space<vmem>> -> memref<15360xf32, #tpu.memory_space<vmem>>
    %dma_wait3A_1367 = arith.constant 0 : i32
    %dma_wait3A_1368 = tpu.memref_slice %arg3[%dma_wait3A_1362, %dma_wait3A_1367] : memref<1024x76800xf32, #tpu.memory_space<hbm>> -> memref<1x15360xf32, #tpu.memory_space<hbm>>
    %dma_wait3A_1369 = tpu.memref_squeeze %dma_wait3A_1368 : memref<1x15360xf32, #tpu.memory_space<hbm>> -> memref<15360xf32, #tpu.memory_space<hbm>>
    %dma_wait3A_1370 = arith.constant 0 : i32
    %dma_wait3A_1371 = tpu.memref_slice %arg4[%dma_wait3A_1363, %dma_wait3A_1370] : memref<4x16640xf32, #tpu.memory_space<vmem>> -> memref<1x15360xf32, #tpu.memory_space<vmem>>
    %dma_wait3A_1372 = tpu.memref_squeeze %dma_wait3A_1371 : memref<1x15360xf32, #tpu.memory_space<vmem>> -> memref<15360xf32, #tpu.memory_space<vmem>>
    %dma_wait3A_1373 = arith.constant 0 : i32
    %dma_wait3A_1374 = tpu.memref_slice %arg3[%dma_wait3A_1362, %dma_wait3A_1373] : memref<1024x76800xf32, #tpu.memory_space<hbm>> -> memref<1x15360xf32, #tpu.memory_space<hbm>>
    %dma_wait3A_1375 = tpu.memref_squeeze %dma_wait3A_1374 : memref<1x15360xf32, #tpu.memory_space<hbm>> -> memref<15360xf32, #tpu.memory_space<hbm>>
    tpu.wait_dma2 semaphore(%arg11 : memref<!tpu.dma_semaphore, #tpu.memory_space<semaphore_mem>>) src(%dma_wait3A_1375 : memref<15360xf32, #tpu.memory_space<hbm>>) dst(%dma_wait3A_1372 : memref<15360xf32, #tpu.memory_space<vmem>>)
    %dma_wait3A_1376 = arith.constant 0 : i32
    %dma_wait3A_1377 = arith.constant 0 : i32
    %dma_wait3A_1378 = arith.constant 0 : i32
    %dma_wait3A_1379 = tpu.memref_slice %arg4[%dma_wait3A_1377, %dma_wait3A_1378] : memref<4x16640xf32, #tpu.memory_space<vmem>> -> memref<1x15360xf32, #tpu.memory_space<vmem>>
    %dma_wait3A_1380 = tpu.memref_squeeze %dma_wait3A_1379 : memref<1x15360xf32, #tpu.memory_space<vmem>> -> memref<15360xf32, #tpu.memory_space<vmem>>
    %dma_wait3A_1381 = arith.constant 0 : i32
    %dma_wait3A_1382 = tpu.memref_slice %arg3[%dma_wait3A_1376, %dma_wait3A_1381] : memref<1024x76800xf32, #tpu.memory_space<hbm>> -> memref<1x15360xf32, #tpu.memory_space<hbm>>
    %dma_wait3A_1383 = tpu.memref_squeeze %dma_wait3A_1382 : memref<1x15360xf32, #tpu.memory_space<hbm>> -> memref<15360xf32, #tpu.memory_space<hbm>>
    %dma_wait3A_1384 = arith.constant 0 : i32
    %dma_wait3A_1385 = tpu.memref_slice %arg4[%dma_wait3A_1377, %dma_wait3A_1384] : memref<4x16640xf32, #tpu.memory_space<vmem>> -> memref<1x15360xf32, #tpu.memory_space<vmem>>
    %dma_wait3A_1386 = tpu.memref_squeeze %dma_wait3A_1385 : memref<1x15360xf32, #tpu.memory_space<vmem>> -> memref<15360xf32, #tpu.memory_space<vmem>>
    %dma_wait3A_1387 = arith.constant 0 : i32
    %dma_wait3A_1388 = tpu.memref_slice %arg3[%dma_wait3A_1376, %dma_wait3A_1387] : memref<1024x76800xf32, #tpu.memory_space<hbm>> -> memref<1x15360xf32, #tpu.memory_space<hbm>>
    %dma_wait3A_1389 = tpu.memref_squeeze %dma_wait3A_1388 : memref<1x15360xf32, #tpu.memory_space<hbm>> -> memref<15360xf32, #tpu.memory_space<hbm>>
    tpu.wait_dma2 semaphore(%arg11 : memref<!tpu.dma_semaphore, #tpu.memory_space<semaphore_mem>>) src(%dma_wait3A_1389 : memref<15360xf32, #tpu.memory_space<hbm>>) dst(%dma_wait3A_1386 : memref<15360xf32, #tpu.memory_space<vmem>>)
    %dma_wait3A_1390 = arith.constant 0 : i32
    %dma_wait3A_1391 = arith.constant 0 : i32
    %dma_wait3A_1392 = arith.constant 0 : i32
    %dma_wait3A_1393 = tpu.memref_slice %arg4[%dma_wait3A_1391, %dma_wait3A_1392] : memref<4x16640xf32, #tpu.memory_space<vmem>> -> memref<1x15360xf32, #tpu.memory_space<vmem>>
    %dma_wait3A_1394 = tpu.memref_squeeze %dma_wait3A_1393 : memref<1x15360xf32, #tpu.memory_space<vmem>> -> memref<15360xf32, #tpu.memory_space<vmem>>
    %dma_wait3A_1395 = arith.constant 0 : i32
    %dma_wait3A_1396 = tpu.memref_slice %arg3[%dma_wait3A_1390, %dma_wait3A_1395] : memref<1024x76800xf32, #tpu.memory_space<hbm>> -> memref<1x15360xf32, #tpu.memory_space<hbm>>
    %dma_wait3A_1397 = tpu.memref_squeeze %dma_wait3A_1396 : memref<1x15360xf32, #tpu.memory_space<hbm>> -> memref<15360xf32, #tpu.memory_space<hbm>>
    %dma_wait3A_1398 = arith.constant 0 : i32
    %dma_wait3A_1399 = tpu.memref_slice %arg4[%dma_wait3A_1391, %dma_wait3A_1398] : memref<4x16640xf32, #tpu.memory_space<vmem>> -> memref<1x15360xf32, #tpu.memory_space<vmem>>
    %dma_wait3A_1400 = tpu.memref_squeeze %dma_wait3A_1399 : memref<1x15360xf32, #tpu.memory_space<vmem>> -> memref<15360xf32, #tpu.memory_space<vmem>>
    %dma_wait3A_1401 = arith.constant 0 : i32
    %dma_wait3A_1402 = tpu.memref_slice %arg3[%dma_wait3A_1390, %dma_wait3A_1401] : memref<1024x76800xf32, #tpu.memory_space<hbm>> -> memref<1x15360xf32, #tpu.memory_space<hbm>>
    %dma_wait3A_1403 = tpu.memref_squeeze %dma_wait3A_1402 : memref<1x15360xf32, #tpu.memory_space<hbm>> -> memref<15360xf32, #tpu.memory_space<hbm>>
    tpu.wait_dma2 semaphore(%arg11 : memref<!tpu.dma_semaphore, #tpu.memory_space<semaphore_mem>>) src(%dma_wait3A_1403 : memref<15360xf32, #tpu.memory_space<hbm>>) dst(%dma_wait3A_1400 : memref<15360xf32, #tpu.memory_space<vmem>>)
    %dma_wait3A_1404 = arith.constant 0 : i32
    %dma_wait3A_1405 = arith.constant 0 : i32
    %dma_wait3A_1406 = arith.constant 0 : i32
    %dma_wait3A_1407 = tpu.memref_slice %arg4[%dma_wait3A_1405, %dma_wait3A_1406] : memref<4x16640xf32, #tpu.memory_space<vmem>> -> memref<1x15360xf32, #tpu.memory_space<vmem>>
    %dma_wait3A_1408 = tpu.memref_squeeze %dma_wait3A_1407 : memref<1x15360xf32, #tpu.memory_space<vmem>> -> memref<15360xf32, #tpu.memory_space<vmem>>
    %dma_wait3A_1409 = arith.constant 0 : i32
    %dma_wait3A_1410 = tpu.memref_slice %arg3[%dma_wait3A_1404, %dma_wait3A_1409] : memref<1024x76800xf32, #tpu.memory_space<hbm>> -> memref<1x15360xf32, #tpu.memory_space<hbm>>
    %dma_wait3A_1411 = tpu.memref_squeeze %dma_wait3A_1410 : memref<1x15360xf32, #tpu.memory_space<hbm>> -> memref<15360xf32, #tpu.memory_space<hbm>>
    %dma_wait3A_1412 = arith.constant 0 : i32
    %dma_wait3A_1413 = tpu.memref_slice %arg4[%dma_wait3A_1405, %dma_wait3A_1412] : memref<4x16640xf32, #tpu.memory_space<vmem>> -> memref<1x15360xf32, #tpu.memory_space<vmem>>
    %dma_wait3A_1414 = tpu.memref_squeeze %dma_wait3A_1413 : memref<1x15360xf32, #tpu.memory_space<vmem>> -> memref<15360xf32, #tpu.memory_space<vmem>>
    %dma_wait3A_1415 = arith.constant 0 : i32
    %dma_wait3A_1416 = tpu.memref_slice %arg3[%dma_wait3A_1404, %dma_wait3A_1415] : memref<1024x76800xf32, #tpu.memory_space<hbm>> -> memref<1x15360xf32, #tpu.memory_space<hbm>>
    %dma_wait3A_1417 = tpu.memref_squeeze %dma_wait3A_1416 : memref<1x15360xf32, #tpu.memory_space<hbm>> -> memref<15360xf32, #tpu.memory_space<hbm>>
    tpu.wait_dma2 semaphore(%arg11 : memref<!tpu.dma_semaphore, #tpu.memory_space<semaphore_mem>>) src(%dma_wait3A_1417 : memref<15360xf32, #tpu.memory_space<hbm>>) dst(%dma_wait3A_1414 : memref<15360xf32, #tpu.memory_space<vmem>>)
    %dma_wait3A_1418 = arith.constant 0 : i32
    %dma_wait3A_1419 = arith.constant 0 : i32
    %dma_wait3A_1420 = arith.constant 0 : i32
    %dma_wait3A_1421 = tpu.memref_slice %arg4[%dma_wait3A_1419, %dma_wait3A_1420] : memref<4x16640xf32, #tpu.memory_space<vmem>> -> memref<1x15360xf32, #tpu.memory_space<vmem>>
    %dma_wait3A_1422 = tpu.memref_squeeze %dma_wait3A_1421 : memref<1x15360xf32, #tpu.memory_space<vmem>> -> memref<15360xf32, #tpu.memory_space<vmem>>
    %dma_wait3A_1423 = arith.constant 0 : i32
    %dma_wait3A_1424 = tpu.memref_slice %arg3[%dma_wait3A_1418, %dma_wait3A_1423] : memref<1024x76800xf32, #tpu.memory_space<hbm>> -> memref<1x15360xf32, #tpu.memory_space<hbm>>
    %dma_wait3A_1425 = tpu.memref_squeeze %dma_wait3A_1424 : memref<1x15360xf32, #tpu.memory_space<hbm>> -> memref<15360xf32, #tpu.memory_space<hbm>>
    %dma_wait3A_1426 = arith.constant 0 : i32
    %dma_wait3A_1427 = tpu.memref_slice %arg4[%dma_wait3A_1419, %dma_wait3A_1426] : memref<4x16640xf32, #tpu.memory_space<vmem>> -> memref<1x15360xf32, #tpu.memory_space<vmem>>
    %dma_wait3A_1428 = tpu.memref_squeeze %dma_wait3A_1427 : memref<1x15360xf32, #tpu.memory_space<vmem>> -> memref<15360xf32, #tpu.memory_space<vmem>>
    %dma_wait3A_1429 = arith.constant 0 : i32
    %dma_wait3A_1430 = tpu.memref_slice %arg3[%dma_wait3A_1418, %dma_wait3A_1429] : memref<1024x76800xf32, #tpu.memory_space<hbm>> -> memref<1x15360xf32, #tpu.memory_space<hbm>>
    %dma_wait3A_1431 = tpu.memref_squeeze %dma_wait3A_1430 : memref<1x15360xf32, #tpu.memory_space<hbm>> -> memref<15360xf32, #tpu.memory_space<hbm>>
    tpu.wait_dma2 semaphore(%arg11 : memref<!tpu.dma_semaphore, #tpu.memory_space<semaphore_mem>>) src(%dma_wait3A_1431 : memref<15360xf32, #tpu.memory_space<hbm>>) dst(%dma_wait3A_1428 : memref<15360xf32, #tpu.memory_space<vmem>>)
    %dma_wait3A_1432 = arith.constant 0 : i32
    %dma_wait3A_1433 = arith.constant 0 : i32
    %dma_wait3A_1434 = arith.constant 0 : i32
    %dma_wait3A_1435 = tpu.memref_slice %arg4[%dma_wait3A_1433, %dma_wait3A_1434] : memref<4x16640xf32, #tpu.memory_space<vmem>> -> memref<1x15360xf32, #tpu.memory_space<vmem>>
    %dma_wait3A_1436 = tpu.memref_squeeze %dma_wait3A_1435 : memref<1x15360xf32, #tpu.memory_space<vmem>> -> memref<15360xf32, #tpu.memory_space<vmem>>
    %dma_wait3A_1437 = arith.constant 0 : i32
    %dma_wait3A_1438 = tpu.memref_slice %arg3[%dma_wait3A_1432, %dma_wait3A_1437] : memref<1024x76800xf32, #tpu.memory_space<hbm>> -> memref<1x15360xf32, #tpu.memory_space<hbm>>
    %dma_wait3A_1439 = tpu.memref_squeeze %dma_wait3A_1438 : memref<1x15360xf32, #tpu.memory_space<hbm>> -> memref<15360xf32, #tpu.memory_space<hbm>>
    %dma_wait3A_1440 = arith.constant 0 : i32
    %dma_wait3A_1441 = tpu.memref_slice %arg4[%dma_wait3A_1433, %dma_wait3A_1440] : memref<4x16640xf32, #tpu.memory_space<vmem>> -> memref<1x15360xf32, #tpu.memory_space<vmem>>
    %dma_wait3A_1442 = tpu.memref_squeeze %dma_wait3A_1441 : memref<1x15360xf32, #tpu.memory_space<vmem>> -> memref<15360xf32, #tpu.memory_space<vmem>>
    %dma_wait3A_1443 = arith.constant 0 : i32
    %dma_wait3A_1444 = tpu.memref_slice %arg3[%dma_wait3A_1432, %dma_wait3A_1443] : memref<1024x76800xf32, #tpu.memory_space<hbm>> -> memref<1x15360xf32, #tpu.memory_space<hbm>>
    %dma_wait3A_1445 = tpu.memref_squeeze %dma_wait3A_1444 : memref<1x15360xf32, #tpu.memory_space<hbm>> -> memref<15360xf32, #tpu.memory_space<hbm>>
    tpu.wait_dma2 semaphore(%arg11 : memref<!tpu.dma_semaphore, #tpu.memory_space<semaphore_mem>>) src(%dma_wait3A_1445 : memref<15360xf32, #tpu.memory_space<hbm>>) dst(%dma_wait3A_1442 : memref<15360xf32, #tpu.memory_space<vmem>>)
    %dma_wait3A_1446 = arith.constant 0 : i32
    %dma_wait3A_1447 = arith.constant 0 : i32
    %dma_wait3A_1448 = arith.constant 0 : i32
    %dma_wait3A_1449 = tpu.memref_slice %arg4[%dma_wait3A_1447, %dma_wait3A_1448] : memref<4x16640xf32, #tpu.memory_space<vmem>> -> memref<1x15360xf32, #tpu.memory_space<vmem>>
    %dma_wait3A_1450 = tpu.memref_squeeze %dma_wait3A_1449 : memref<1x15360xf32, #tpu.memory_space<vmem>> -> memref<15360xf32, #tpu.memory_space<vmem>>
    %dma_wait3A_1451 = arith.constant 0 : i32
    %dma_wait3A_1452 = tpu.memref_slice %arg3[%dma_wait3A_1446, %dma_wait3A_1451] : memref<1024x76800xf32, #tpu.memory_space<hbm>> -> memref<1x15360xf32, #tpu.memory_space<hbm>>
    %dma_wait3A_1453 = tpu.memref_squeeze %dma_wait3A_1452 : memref<1x15360xf32, #tpu.memory_space<hbm>> -> memref<15360xf32, #tpu.memory_space<hbm>>
    %dma_wait3A_1454 = arith.constant 0 : i32
    %dma_wait3A_1455 = tpu.memref_slice %arg4[%dma_wait3A_1447, %dma_wait3A_1454] : memref<4x16640xf32, #tpu.memory_space<vmem>> -> memref<1x15360xf32, #tpu.memory_space<vmem>>
    %dma_wait3A_1456 = tpu.memref_squeeze %dma_wait3A_1455 : memref<1x15360xf32, #tpu.memory_space<vmem>> -> memref<15360xf32, #tpu.memory_space<vmem>>
    %dma_wait3A_1457 = arith.constant 0 : i32
    %dma_wait3A_1458 = tpu.memref_slice %arg3[%dma_wait3A_1446, %dma_wait3A_1457] : memref<1024x76800xf32, #tpu.memory_space<hbm>> -> memref<1x15360xf32, #tpu.memory_space<hbm>>
    %dma_wait3A_1459 = tpu.memref_squeeze %dma_wait3A_1458 : memref<1x15360xf32, #tpu.memory_space<hbm>> -> memref<15360xf32, #tpu.memory_space<hbm>>
    tpu.wait_dma2 semaphore(%arg11 : memref<!tpu.dma_semaphore, #tpu.memory_space<semaphore_mem>>) src(%dma_wait3A_1459 : memref<15360xf32, #tpu.memory_space<hbm>>) dst(%dma_wait3A_1456 : memref<15360xf32, #tpu.memory_space<vmem>>)
    %dma_wait3A_1460 = arith.constant 0 : i32
    %dma_wait3A_1461 = arith.constant 0 : i32
    %dma_wait3A_1462 = arith.constant 0 : i32
    %dma_wait3A_1463 = tpu.memref_slice %arg4[%dma_wait3A_1461, %dma_wait3A_1462] : memref<4x16640xf32, #tpu.memory_space<vmem>> -> memref<1x15360xf32, #tpu.memory_space<vmem>>
    %dma_wait3A_1464 = tpu.memref_squeeze %dma_wait3A_1463 : memref<1x15360xf32, #tpu.memory_space<vmem>> -> memref<15360xf32, #tpu.memory_space<vmem>>
    %dma_wait3A_1465 = arith.constant 0 : i32
    %dma_wait3A_1466 = tpu.memref_slice %arg3[%dma_wait3A_1460, %dma_wait3A_1465] : memref<1024x76800xf32, #tpu.memory_space<hbm>> -> memref<1x15360xf32, #tpu.memory_space<hbm>>
    %dma_wait3A_1467 = tpu.memref_squeeze %dma_wait3A_1466 : memref<1x15360xf32, #tpu.memory_space<hbm>> -> memref<15360xf32, #tpu.memory_space<hbm>>
    %dma_wait3A_1468 = arith.constant 0 : i32
    %dma_wait3A_1469 = tpu.memref_slice %arg4[%dma_wait3A_1461, %dma_wait3A_1468] : memref<4x16640xf32, #tpu.memory_space<vmem>> -> memref<1x15360xf32, #tpu.memory_space<vmem>>
    %dma_wait3A_1470 = tpu.memref_squeeze %dma_wait3A_1469 : memref<1x15360xf32, #tpu.memory_space<vmem>> -> memref<15360xf32, #tpu.memory_space<vmem>>
    %dma_wait3A_1471 = arith.constant 0 : i32
    %dma_wait3A_1472 = tpu.memref_slice %arg3[%dma_wait3A_1460, %dma_wait3A_1471] : memref<1024x76800xf32, #tpu.memory_space<hbm>> -> memref<1x15360xf32, #tpu.memory_space<hbm>>
    %dma_wait3A_1473 = tpu.memref_squeeze %dma_wait3A_1472 : memref<1x15360xf32, #tpu.memory_space<hbm>> -> memref<15360xf32, #tpu.memory_space<hbm>>
    tpu.wait_dma2 semaphore(%arg11 : memref<!tpu.dma_semaphore, #tpu.memory_space<semaphore_mem>>) src(%dma_wait3A_1473 : memref<15360xf32, #tpu.memory_space<hbm>>) dst(%dma_wait3A_1470 : memref<15360xf32, #tpu.memory_space<vmem>>)
    %dma_wait3A_1474 = arith.constant 0 : i32
    %dma_wait3A_1475 = arith.constant 0 : i32
    %dma_wait3A_1476 = arith.constant 0 : i32
    %dma_wait3A_1477 = tpu.memref_slice %arg4[%dma_wait3A_1475, %dma_wait3A_1476] : memref<4x16640xf32, #tpu.memory_space<vmem>> -> memref<1x15360xf32, #tpu.memory_space<vmem>>
    %dma_wait3A_1478 = tpu.memref_squeeze %dma_wait3A_1477 : memref<1x15360xf32, #tpu.memory_space<vmem>> -> memref<15360xf32, #tpu.memory_space<vmem>>
    %dma_wait3A_1479 = arith.constant 0 : i32
    %dma_wait3A_1480 = tpu.memref_slice %arg3[%dma_wait3A_1474, %dma_wait3A_1479] : memref<1024x76800xf32, #tpu.memory_space<hbm>> -> memref<1x15360xf32, #tpu.memory_space<hbm>>
    %dma_wait3A_1481 = tpu.memref_squeeze %dma_wait3A_1480 : memref<1x15360xf32, #tpu.memory_space<hbm>> -> memref<15360xf32, #tpu.memory_space<hbm>>
    %dma_wait3A_1482 = arith.constant 0 : i32
    %dma_wait3A_1483 = tpu.memref_slice %arg4[%dma_wait3A_1475, %dma_wait3A_1482] : memref<4x16640xf32, #tpu.memory_space<vmem>> -> memref<1x15360xf32, #tpu.memory_space<vmem>>
    %dma_wait3A_1484 = tpu.memref_squeeze %dma_wait3A_1483 : memref<1x15360xf32, #tpu.memory_space<vmem>> -> memref<15360xf32, #tpu.memory_space<vmem>>
    %dma_wait3A_1485 = arith.constant 0 : i32
    %dma_wait3A_1486 = tpu.memref_slice %arg3[%dma_wait3A_1474, %dma_wait3A_1485] : memref<1024x76800xf32, #tpu.memory_space<hbm>> -> memref<1x15360xf32, #tpu.memory_space<hbm>>
    %dma_wait3A_1487 = tpu.memref_squeeze %dma_wait3A_1486 : memref<1x15360xf32, #tpu.memory_space<hbm>> -> memref<15360xf32, #tpu.memory_space<hbm>>
    tpu.wait_dma2 semaphore(%arg11 : memref<!tpu.dma_semaphore, #tpu.memory_space<semaphore_mem>>) src(%dma_wait3A_1487 : memref<15360xf32, #tpu.memory_space<hbm>>) dst(%dma_wait3A_1484 : memref<15360xf32, #tpu.memory_space<vmem>>)
    %dma_wait3A_1488 = arith.constant 0 : i32
    %dma_wait3A_1489 = arith.constant 0 : i32
    %dma_wait3A_1490 = arith.constant 0 : i32
    %dma_wait3A_1491 = tpu.memref_slice %arg4[%dma_wait3A_1489, %dma_wait3A_1490] : memref<4x16640xf32, #tpu.memory_space<vmem>> -> memref<1x15360xf32, #tpu.memory_space<vmem>>
    %dma_wait3A_1492 = tpu.memref_squeeze %dma_wait3A_1491 : memref<1x15360xf32, #tpu.memory_space<vmem>> -> memref<15360xf32, #tpu.memory_space<vmem>>
    %dma_wait3A_1493 = arith.constant 0 : i32
    %dma_wait3A_1494 = tpu.memref_slice %arg3[%dma_wait3A_1488, %dma_wait3A_1493] : memref<1024x76800xf32, #tpu.memory_space<hbm>> -> memref<1x15360xf32, #tpu.memory_space<hbm>>
    %dma_wait3A_1495 = tpu.memref_squeeze %dma_wait3A_1494 : memref<1x15360xf32, #tpu.memory_space<hbm>> -> memref<15360xf32, #tpu.memory_space<hbm>>
    %dma_wait3A_1496 = arith.constant 0 : i32
    %dma_wait3A_1497 = tpu.memref_slice %arg4[%dma_wait3A_1489, %dma_wait3A_1496] : memref<4x16640xf32, #tpu.memory_space<vmem>> -> memref<1x15360xf32, #tpu.memory_space<vmem>>
    %dma_wait3A_1498 = tpu.memref_squeeze %dma_wait3A_1497 : memref<1x15360xf32, #tpu.memory_space<vmem>> -> memref<15360xf32, #tpu.memory_space<vmem>>
    %dma_wait3A_1499 = arith.constant 0 : i32
    %dma_wait3A_1500 = tpu.memref_slice %arg3[%dma_wait3A_1488, %dma_wait3A_1499] : memref<1024x76800xf32, #tpu.memory_space<hbm>> -> memref<1x15360xf32, #tpu.memory_space<hbm>>
    %dma_wait3A_1501 = tpu.memref_squeeze %dma_wait3A_1500 : memref<1x15360xf32, #tpu.memory_space<hbm>> -> memref<15360xf32, #tpu.memory_space<hbm>>
    tpu.wait_dma2 semaphore(%arg11 : memref<!tpu.dma_semaphore, #tpu.memory_space<semaphore_mem>>) src(%dma_wait3A_1501 : memref<15360xf32, #tpu.memory_space<hbm>>) dst(%dma_wait3A_1498 : memref<15360xf32, #tpu.memory_space<vmem>>)
    %dma_wait3A_1502 = arith.constant 0 : i32
    %dma_wait3A_1503 = arith.constant 0 : i32
    %dma_wait3A_1504 = arith.constant 0 : i32
    %dma_wait3A_1505 = tpu.memref_slice %arg4[%dma_wait3A_1503, %dma_wait3A_1504] : memref<4x16640xf32, #tpu.memory_space<vmem>> -> memref<1x15360xf32, #tpu.memory_space<vmem>>
    %dma_wait3A_1506 = tpu.memref_squeeze %dma_wait3A_1505 : memref<1x15360xf32, #tpu.memory_space<vmem>> -> memref<15360xf32, #tpu.memory_space<vmem>>
    %dma_wait3A_1507 = arith.constant 0 : i32
    %dma_wait3A_1508 = tpu.memref_slice %arg3[%dma_wait3A_1502, %dma_wait3A_1507] : memref<1024x76800xf32, #tpu.memory_space<hbm>> -> memref<1x15360xf32, #tpu.memory_space<hbm>>
    %dma_wait3A_1509 = tpu.memref_squeeze %dma_wait3A_1508 : memref<1x15360xf32, #tpu.memory_space<hbm>> -> memref<15360xf32, #tpu.memory_space<hbm>>
    %dma_wait3A_1510 = arith.constant 0 : i32
    %dma_wait3A_1511 = tpu.memref_slice %arg4[%dma_wait3A_1503, %dma_wait3A_1510] : memref<4x16640xf32, #tpu.memory_space<vmem>> -> memref<1x15360xf32, #tpu.memory_space<vmem>>
    %dma_wait3A_1512 = tpu.memref_squeeze %dma_wait3A_1511 : memref<1x15360xf32, #tpu.memory_space<vmem>> -> memref<15360xf32, #tpu.memory_space<vmem>>
    %dma_wait3A_1513 = arith.constant 0 : i32
    %dma_wait3A_1514 = tpu.memref_slice %arg3[%dma_wait3A_1502, %dma_wait3A_1513] : memref<1024x76800xf32, #tpu.memory_space<hbm>> -> memref<1x15360xf32, #tpu.memory_space<hbm>>
    %dma_wait3A_1515 = tpu.memref_squeeze %dma_wait3A_1514 : memref<1x15360xf32, #tpu.memory_space<hbm>> -> memref<15360xf32, #tpu.memory_space<hbm>>
    tpu.wait_dma2 semaphore(%arg11 : memref<!tpu.dma_semaphore, #tpu.memory_space<semaphore_mem>>) src(%dma_wait3A_1515 : memref<15360xf32, #tpu.memory_space<hbm>>) dst(%dma_wait3A_1512 : memref<15360xf32, #tpu.memory_space<vmem>>)
    %dma_wait3A_1516 = arith.constant 0 : i32
    %dma_wait3A_1517 = arith.constant 0 : i32
    %dma_wait3A_1518 = arith.constant 0 : i32
    %dma_wait3A_1519 = tpu.memref_slice %arg4[%dma_wait3A_1517, %dma_wait3A_1518] : memref<4x16640xf32, #tpu.memory_space<vmem>> -> memref<1x15360xf32, #tpu.memory_space<vmem>>
    %dma_wait3A_1520 = tpu.memref_squeeze %dma_wait3A_1519 : memref<1x15360xf32, #tpu.memory_space<vmem>> -> memref<15360xf32, #tpu.memory_space<vmem>>
    %dma_wait3A_1521 = arith.constant 0 : i32
    %dma_wait3A_1522 = tpu.memref_slice %arg3[%dma_wait3A_1516, %dma_wait3A_1521] : memref<1024x76800xf32, #tpu.memory_space<hbm>> -> memref<1x15360xf32, #tpu.memory_space<hbm>>
    %dma_wait3A_1523 = tpu.memref_squeeze %dma_wait3A_1522 : memref<1x15360xf32, #tpu.memory_space<hbm>> -> memref<15360xf32, #tpu.memory_space<hbm>>
    %dma_wait3A_1524 = arith.constant 0 : i32
    %dma_wait3A_1525 = tpu.memref_slice %arg4[%dma_wait3A_1517, %dma_wait3A_1524] : memref<4x16640xf32, #tpu.memory_space<vmem>> -> memref<1x15360xf32, #tpu.memory_space<vmem>>
    %dma_wait3A_1526 = tpu.memref_squeeze %dma_wait3A_1525 : memref<1x15360xf32, #tpu.memory_space<vmem>> -> memref<15360xf32, #tpu.memory_space<vmem>>
    %dma_wait3A_1527 = arith.constant 0 : i32
    %dma_wait3A_1528 = tpu.memref_slice %arg3[%dma_wait3A_1516, %dma_wait3A_1527] : memref<1024x76800xf32, #tpu.memory_space<hbm>> -> memref<1x15360xf32, #tpu.memory_space<hbm>>
    %dma_wait3A_1529 = tpu.memref_squeeze %dma_wait3A_1528 : memref<1x15360xf32, #tpu.memory_space<hbm>> -> memref<15360xf32, #tpu.memory_space<hbm>>
    tpu.wait_dma2 semaphore(%arg11 : memref<!tpu.dma_semaphore, #tpu.memory_space<semaphore_mem>>) src(%dma_wait3A_1529 : memref<15360xf32, #tpu.memory_space<hbm>>) dst(%dma_wait3A_1526 : memref<15360xf32, #tpu.memory_space<vmem>>)
    %dma_wait3A_1530 = arith.constant 0 : i32
    %dma_wait3A_1531 = arith.constant 0 : i32
    %dma_wait3A_1532 = arith.constant 0 : i32
    %dma_wait3A_1533 = tpu.memref_slice %arg4[%dma_wait3A_1531, %dma_wait3A_1532] : memref<4x16640xf32, #tpu.memory_space<vmem>> -> memref<1x15360xf32, #tpu.memory_space<vmem>>
    %dma_wait3A_1534 = tpu.memref_squeeze %dma_wait3A_1533 : memref<1x15360xf32, #tpu.memory_space<vmem>> -> memref<15360xf32, #tpu.memory_space<vmem>>
    %dma_wait3A_1535 = arith.constant 0 : i32
    %dma_wait3A_1536 = tpu.memref_slice %arg3[%dma_wait3A_1530, %dma_wait3A_1535] : memref<1024x76800xf32, #tpu.memory_space<hbm>> -> memref<1x15360xf32, #tpu.memory_space<hbm>>
    %dma_wait3A_1537 = tpu.memref_squeeze %dma_wait3A_1536 : memref<1x15360xf32, #tpu.memory_space<hbm>> -> memref<15360xf32, #tpu.memory_space<hbm>>
    %dma_wait3A_1538 = arith.constant 0 : i32
    %dma_wait3A_1539 = tpu.memref_slice %arg4[%dma_wait3A_1531, %dma_wait3A_1538] : memref<4x16640xf32, #tpu.memory_space<vmem>> -> memref<1x15360xf32, #tpu.memory_space<vmem>>
    %dma_wait3A_1540 = tpu.memref_squeeze %dma_wait3A_1539 : memref<1x15360xf32, #tpu.memory_space<vmem>> -> memref<15360xf32, #tpu.memory_space<vmem>>
    %dma_wait3A_1541 = arith.constant 0 : i32
    %dma_wait3A_1542 = tpu.memref_slice %arg3[%dma_wait3A_1530, %dma_wait3A_1541] : memref<1024x76800xf32, #tpu.memory_space<hbm>> -> memref<1x15360xf32, #tpu.memory_space<hbm>>
    %dma_wait3A_1543 = tpu.memref_squeeze %dma_wait3A_1542 : memref<1x15360xf32, #tpu.memory_space<hbm>> -> memref<15360xf32, #tpu.memory_space<hbm>>
    tpu.wait_dma2 semaphore(%arg11 : memref<!tpu.dma_semaphore, #tpu.memory_space<semaphore_mem>>) src(%dma_wait3A_1543 : memref<15360xf32, #tpu.memory_space<hbm>>) dst(%dma_wait3A_1540 : memref<15360xf32, #tpu.memory_space<vmem>>)
    %dma_wait3A_1544 = arith.constant 0 : i32
    %dma_wait3A_1545 = arith.constant 0 : i32
    %dma_wait3A_1546 = arith.constant 0 : i32
    %dma_wait3A_1547 = tpu.memref_slice %arg4[%dma_wait3A_1545, %dma_wait3A_1546] : memref<4x16640xf32, #tpu.memory_space<vmem>> -> memref<1x15360xf32, #tpu.memory_space<vmem>>
    %dma_wait3A_1548 = tpu.memref_squeeze %dma_wait3A_1547 : memref<1x15360xf32, #tpu.memory_space<vmem>> -> memref<15360xf32, #tpu.memory_space<vmem>>
    %dma_wait3A_1549 = arith.constant 0 : i32
    %dma_wait3A_1550 = tpu.memref_slice %arg3[%dma_wait3A_1544, %dma_wait3A_1549] : memref<1024x76800xf32, #tpu.memory_space<hbm>> -> memref<1x15360xf32, #tpu.memory_space<hbm>>
    %dma_wait3A_1551 = tpu.memref_squeeze %dma_wait3A_1550 : memref<1x15360xf32, #tpu.memory_space<hbm>> -> memref<15360xf32, #tpu.memory_space<hbm>>
    %dma_wait3A_1552 = arith.constant 0 : i32
    %dma_wait3A_1553 = tpu.memref_slice %arg4[%dma_wait3A_1545, %dma_wait3A_1552] : memref<4x16640xf32, #tpu.memory_space<vmem>> -> memref<1x15360xf32, #tpu.memory_space<vmem>>
    %dma_wait3A_1554 = tpu.memref_squeeze %dma_wait3A_1553 : memref<1x15360xf32, #tpu.memory_space<vmem>> -> memref<15360xf32, #tpu.memory_space<vmem>>
    %dma_wait3A_1555 = arith.constant 0 : i32
    %dma_wait3A_1556 = tpu.memref_slice %arg3[%dma_wait3A_1544, %dma_wait3A_1555] : memref<1024x76800xf32, #tpu.memory_space<hbm>> -> memref<1x15360xf32, #tpu.memory_space<hbm>>
    %dma_wait3A_1557 = tpu.memref_squeeze %dma_wait3A_1556 : memref<1x15360xf32, #tpu.memory_space<hbm>> -> memref<15360xf32, #tpu.memory_space<hbm>>
    tpu.wait_dma2 semaphore(%arg11 : memref<!tpu.dma_semaphore, #tpu.memory_space<semaphore_mem>>) src(%dma_wait3A_1557 : memref<15360xf32, #tpu.memory_space<hbm>>) dst(%dma_wait3A_1554 : memref<15360xf32, #tpu.memory_space<vmem>>)
    %dma_wait3A_1558 = arith.constant 0 : i32
    %dma_wait3A_1559 = arith.constant 0 : i32
    %dma_wait3A_1560 = arith.constant 0 : i32
    %dma_wait3A_1561 = tpu.memref_slice %arg4[%dma_wait3A_1559, %dma_wait3A_1560] : memref<4x16640xf32, #tpu.memory_space<vmem>> -> memref<1x15360xf32, #tpu.memory_space<vmem>>
    %dma_wait3A_1562 = tpu.memref_squeeze %dma_wait3A_1561 : memref<1x15360xf32, #tpu.memory_space<vmem>> -> memref<15360xf32, #tpu.memory_space<vmem>>
    %dma_wait3A_1563 = arith.constant 0 : i32
    %dma_wait3A_1564 = tpu.memref_slice %arg3[%dma_wait3A_1558, %dma_wait3A_1563] : memref<1024x76800xf32, #tpu.memory_space<hbm>> -> memref<1x15360xf32, #tpu.memory_space<hbm>>
    %dma_wait3A_1565 = tpu.memref_squeeze %dma_wait3A_1564 : memref<1x15360xf32, #tpu.memory_space<hbm>> -> memref<15360xf32, #tpu.memory_space<hbm>>
    %dma_wait3A_1566 = arith.constant 0 : i32
    %dma_wait3A_1567 = tpu.memref_slice %arg4[%dma_wait3A_1559, %dma_wait3A_1566] : memref<4x16640xf32, #tpu.memory_space<vmem>> -> memref<1x15360xf32, #tpu.memory_space<vmem>>
    %dma_wait3A_1568 = tpu.memref_squeeze %dma_wait3A_1567 : memref<1x15360xf32, #tpu.memory_space<vmem>> -> memref<15360xf32, #tpu.memory_space<vmem>>
    %dma_wait3A_1569 = arith.constant 0 : i32
    %dma_wait3A_1570 = tpu.memref_slice %arg3[%dma_wait3A_1558, %dma_wait3A_1569] : memref<1024x76800xf32, #tpu.memory_space<hbm>> -> memref<1x15360xf32, #tpu.memory_space<hbm>>
    %dma_wait3A_1571 = tpu.memref_squeeze %dma_wait3A_1570 : memref<1x15360xf32, #tpu.memory_space<hbm>> -> memref<15360xf32, #tpu.memory_space<hbm>>
    tpu.wait_dma2 semaphore(%arg11 : memref<!tpu.dma_semaphore, #tpu.memory_space<semaphore_mem>>) src(%dma_wait3A_1571 : memref<15360xf32, #tpu.memory_space<hbm>>) dst(%dma_wait3A_1568 : memref<15360xf32, #tpu.memory_space<vmem>>)
    %dma_wait3A_1572 = arith.constant 0 : i32
    %dma_wait3A_1573 = arith.constant 0 : i32
    %dma_wait3A_1574 = arith.constant 0 : i32
    %dma_wait3A_1575 = tpu.memref_slice %arg4[%dma_wait3A_1573, %dma_wait3A_1574] : memref<4x16640xf32, #tpu.memory_space<vmem>> -> memref<1x15360xf32, #tpu.memory_space<vmem>>
    %dma_wait3A_1576 = tpu.memref_squeeze %dma_wait3A_1575 : memref<1x15360xf32, #tpu.memory_space<vmem>> -> memref<15360xf32, #tpu.memory_space<vmem>>
    %dma_wait3A_1577 = arith.constant 0 : i32
    %dma_wait3A_1578 = tpu.memref_slice %arg3[%dma_wait3A_1572, %dma_wait3A_1577] : memref<1024x76800xf32, #tpu.memory_space<hbm>> -> memref<1x15360xf32, #tpu.memory_space<hbm>>
    %dma_wait3A_1579 = tpu.memref_squeeze %dma_wait3A_1578 : memref<1x15360xf32, #tpu.memory_space<hbm>> -> memref<15360xf32, #tpu.memory_space<hbm>>
    %dma_wait3A_1580 = arith.constant 0 : i32
    %dma_wait3A_1581 = tpu.memref_slice %arg4[%dma_wait3A_1573, %dma_wait3A_1580] : memref<4x16640xf32, #tpu.memory_space<vmem>> -> memref<1x15360xf32, #tpu.memory_space<vmem>>
    %dma_wait3A_1582 = tpu.memref_squeeze %dma_wait3A_1581 : memref<1x15360xf32, #tpu.memory_space<vmem>> -> memref<15360xf32, #tpu.memory_space<vmem>>
    %dma_wait3A_1583 = arith.constant 0 : i32
    %dma_wait3A_1584 = tpu.memref_slice %arg3[%dma_wait3A_1572, %dma_wait3A_1583] : memref<1024x76800xf32, #tpu.memory_space<hbm>> -> memref<1x15360xf32, #tpu.memory_space<hbm>>
    %dma_wait3A_1585 = tpu.memref_squeeze %dma_wait3A_1584 : memref<1x15360xf32, #tpu.memory_space<hbm>> -> memref<15360xf32, #tpu.memory_space<hbm>>
    tpu.wait_dma2 semaphore(%arg11 : memref<!tpu.dma_semaphore, #tpu.memory_space<semaphore_mem>>) src(%dma_wait3A_1585 : memref<15360xf32, #tpu.memory_space<hbm>>) dst(%dma_wait3A_1582 : memref<15360xf32, #tpu.memory_space<vmem>>)
    %dma_wait3A_1586 = arith.constant 0 : i32
    %dma_wait3A_1587 = arith.constant 0 : i32
    %dma_wait3A_1588 = arith.constant 0 : i32
    %dma_wait3A_1589 = tpu.memref_slice %arg4[%dma_wait3A_1587, %dma_wait3A_1588] : memref<4x16640xf32, #tpu.memory_space<vmem>> -> memref<1x15360xf32, #tpu.memory_space<vmem>>
    %dma_wait3A_1590 = tpu.memref_squeeze %dma_wait3A_1589 : memref<1x15360xf32, #tpu.memory_space<vmem>> -> memref<15360xf32, #tpu.memory_space<vmem>>
    %dma_wait3A_1591 = arith.constant 0 : i32
    %dma_wait3A_1592 = tpu.memref_slice %arg3[%dma_wait3A_1586, %dma_wait3A_1591] : memref<1024x76800xf32, #tpu.memory_space<hbm>> -> memref<1x15360xf32, #tpu.memory_space<hbm>>
    %dma_wait3A_1593 = tpu.memref_squeeze %dma_wait3A_1592 : memref<1x15360xf32, #tpu.memory_space<hbm>> -> memref<15360xf32, #tpu.memory_space<hbm>>
    %dma_wait3A_1594 = arith.constant 0 : i32
    %dma_wait3A_1595 = tpu.memref_slice %arg4[%dma_wait3A_1587, %dma_wait3A_1594] : memref<4x16640xf32, #tpu.memory_space<vmem>> -> memref<1x15360xf32, #tpu.memory_space<vmem>>
    %dma_wait3A_1596 = tpu.memref_squeeze %dma_wait3A_1595 : memref<1x15360xf32, #tpu.memory_space<vmem>> -> memref<15360xf32, #tpu.memory_space<vmem>>
    %dma_wait3A_1597 = arith.constant 0 : i32
    %dma_wait3A_1598 = tpu.memref_slice %arg3[%dma_wait3A_1586, %dma_wait3A_1597] : memref<1024x76800xf32, #tpu.memory_space<hbm>> -> memref<1x15360xf32, #tpu.memory_space<hbm>>
    %dma_wait3A_1599 = tpu.memref_squeeze %dma_wait3A_1598 : memref<1x15360xf32, #tpu.memory_space<hbm>> -> memref<15360xf32, #tpu.memory_space<hbm>>
    tpu.wait_dma2 semaphore(%arg11 : memref<!tpu.dma_semaphore, #tpu.memory_space<semaphore_mem>>) src(%dma_wait3A_1599 : memref<15360xf32, #tpu.memory_space<hbm>>) dst(%dma_wait3A_1596 : memref<15360xf32, #tpu.memory_space<vmem>>)
    %dma_wait3A_1600 = arith.constant 0 : i32
    %dma_wait3A_1601 = arith.constant 0 : i32
    %dma_wait3A_1602 = arith.constant 0 : i32
    %dma_wait3A_1603 = tpu.memref_slice %arg4[%dma_wait3A_1601, %dma_wait3A_1602] : memref<4x16640xf32, #tpu.memory_space<vmem>> -> memref<1x15360xf32, #tpu.memory_space<vmem>>
    %dma_wait3A_1604 = tpu.memref_squeeze %dma_wait3A_1603 : memref<1x15360xf32, #tpu.memory_space<vmem>> -> memref<15360xf32, #tpu.memory_space<vmem>>
    %dma_wait3A_1605 = arith.constant 0 : i32
    %dma_wait3A_1606 = tpu.memref_slice %arg3[%dma_wait3A_1600, %dma_wait3A_1605] : memref<1024x76800xf32, #tpu.memory_space<hbm>> -> memref<1x15360xf32, #tpu.memory_space<hbm>>
    %dma_wait3A_1607 = tpu.memref_squeeze %dma_wait3A_1606 : memref<1x15360xf32, #tpu.memory_space<hbm>> -> memref<15360xf32, #tpu.memory_space<hbm>>
    %dma_wait3A_1608 = arith.constant 0 : i32
    %dma_wait3A_1609 = tpu.memref_slice %arg4[%dma_wait3A_1601, %dma_wait3A_1608] : memref<4x16640xf32, #tpu.memory_space<vmem>> -> memref<1x15360xf32, #tpu.memory_space<vmem>>
    %dma_wait3A_1610 = tpu.memref_squeeze %dma_wait3A_1609 : memref<1x15360xf32, #tpu.memory_space<vmem>> -> memref<15360xf32, #tpu.memory_space<vmem>>
    %dma_wait3A_1611 = arith.constant 0 : i32
    %dma_wait3A_1612 = tpu.memref_slice %arg3[%dma_wait3A_1600, %dma_wait3A_1611] : memref<1024x76800xf32, #tpu.memory_space<hbm>> -> memref<1x15360xf32, #tpu.memory_space<hbm>>
    %dma_wait3A_1613 = tpu.memref_squeeze %dma_wait3A_1612 : memref<1x15360xf32, #tpu.memory_space<hbm>> -> memref<15360xf32, #tpu.memory_space<hbm>>
    tpu.wait_dma2 semaphore(%arg11 : memref<!tpu.dma_semaphore, #tpu.memory_space<semaphore_mem>>) src(%dma_wait3A_1613 : memref<15360xf32, #tpu.memory_space<hbm>>) dst(%dma_wait3A_1610 : memref<15360xf32, #tpu.memory_space<vmem>>)
    %dma_wait3A_1614 = arith.constant 0 : i32
    %dma_wait3A_1615 = arith.constant 0 : i32
    %dma_wait3A_1616 = arith.constant 0 : i32
    %dma_wait3A_1617 = tpu.memref_slice %arg4[%dma_wait3A_1615, %dma_wait3A_1616] : memref<4x16640xf32, #tpu.memory_space<vmem>> -> memref<1x15360xf32, #tpu.memory_space<vmem>>
    %dma_wait3A_1618 = tpu.memref_squeeze %dma_wait3A_1617 : memref<1x15360xf32, #tpu.memory_space<vmem>> -> memref<15360xf32, #tpu.memory_space<vmem>>
    %dma_wait3A_1619 = arith.constant 0 : i32
    %dma_wait3A_1620 = tpu.memref_slice %arg3[%dma_wait3A_1614, %dma_wait3A_1619] : memref<1024x76800xf32, #tpu.memory_space<hbm>> -> memref<1x15360xf32, #tpu.memory_space<hbm>>
    %dma_wait3A_1621 = tpu.memref_squeeze %dma_wait3A_1620 : memref<1x15360xf32, #tpu.memory_space<hbm>> -> memref<15360xf32, #tpu.memory_space<hbm>>
    %dma_wait3A_1622 = arith.constant 0 : i32
    %dma_wait3A_1623 = tpu.memref_slice %arg4[%dma_wait3A_1615, %dma_wait3A_1622] : memref<4x16640xf32, #tpu.memory_space<vmem>> -> memref<1x15360xf32, #tpu.memory_space<vmem>>
    %dma_wait3A_1624 = tpu.memref_squeeze %dma_wait3A_1623 : memref<1x15360xf32, #tpu.memory_space<vmem>> -> memref<15360xf32, #tpu.memory_space<vmem>>
    %dma_wait3A_1625 = arith.constant 0 : i32
    %dma_wait3A_1626 = tpu.memref_slice %arg3[%dma_wait3A_1614, %dma_wait3A_1625] : memref<1024x76800xf32, #tpu.memory_space<hbm>> -> memref<1x15360xf32, #tpu.memory_space<hbm>>
    %dma_wait3A_1627 = tpu.memref_squeeze %dma_wait3A_1626 : memref<1x15360xf32, #tpu.memory_space<hbm>> -> memref<15360xf32, #tpu.memory_space<hbm>>
    tpu.wait_dma2 semaphore(%arg11 : memref<!tpu.dma_semaphore, #tpu.memory_space<semaphore_mem>>) src(%dma_wait3A_1627 : memref<15360xf32, #tpu.memory_space<hbm>>) dst(%dma_wait3A_1624 : memref<15360xf32, #tpu.memory_space<vmem>>)
    %dma_wait3A_1628 = arith.constant 0 : i32
    %dma_wait3A_1629 = arith.constant 0 : i32
    %dma_wait3A_1630 = arith.constant 0 : i32
    %dma_wait3A_1631 = tpu.memref_slice %arg4[%dma_wait3A_1629, %dma_wait3A_1630] : memref<4x16640xf32, #tpu.memory_space<vmem>> -> memref<1x15360xf32, #tpu.memory_space<vmem>>
    %dma_wait3A_1632 = tpu.memref_squeeze %dma_wait3A_1631 : memref<1x15360xf32, #tpu.memory_space<vmem>> -> memref<15360xf32, #tpu.memory_space<vmem>>
    %dma_wait3A_1633 = arith.constant 0 : i32
    %dma_wait3A_1634 = tpu.memref_slice %arg3[%dma_wait3A_1628, %dma_wait3A_1633] : memref<1024x76800xf32, #tpu.memory_space<hbm>> -> memref<1x15360xf32, #tpu.memory_space<hbm>>
    %dma_wait3A_1635 = tpu.memref_squeeze %dma_wait3A_1634 : memref<1x15360xf32, #tpu.memory_space<hbm>> -> memref<15360xf32, #tpu.memory_space<hbm>>
    %dma_wait3A_1636 = arith.constant 0 : i32
    %dma_wait3A_1637 = tpu.memref_slice %arg4[%dma_wait3A_1629, %dma_wait3A_1636] : memref<4x16640xf32, #tpu.memory_space<vmem>> -> memref<1x15360xf32, #tpu.memory_space<vmem>>
    %dma_wait3A_1638 = tpu.memref_squeeze %dma_wait3A_1637 : memref<1x15360xf32, #tpu.memory_space<vmem>> -> memref<15360xf32, #tpu.memory_space<vmem>>
    %dma_wait3A_1639 = arith.constant 0 : i32
    %dma_wait3A_1640 = tpu.memref_slice %arg3[%dma_wait3A_1628, %dma_wait3A_1639] : memref<1024x76800xf32, #tpu.memory_space<hbm>> -> memref<1x15360xf32, #tpu.memory_space<hbm>>
    %dma_wait3A_1641 = tpu.memref_squeeze %dma_wait3A_1640 : memref<1x15360xf32, #tpu.memory_space<hbm>> -> memref<15360xf32, #tpu.memory_space<hbm>>
    tpu.wait_dma2 semaphore(%arg11 : memref<!tpu.dma_semaphore, #tpu.memory_space<semaphore_mem>>) src(%dma_wait3A_1641 : memref<15360xf32, #tpu.memory_space<hbm>>) dst(%dma_wait3A_1638 : memref<15360xf32, #tpu.memory_space<vmem>>)
    %dma_wait3A_1642 = arith.constant 0 : i32
    %dma_wait3A_1643 = arith.constant 0 : i32
    %dma_wait3A_1644 = arith.constant 0 : i32
    %dma_wait3A_1645 = tpu.memref_slice %arg4[%dma_wait3A_1643, %dma_wait3A_1644] : memref<4x16640xf32, #tpu.memory_space<vmem>> -> memref<1x15360xf32, #tpu.memory_space<vmem>>
    %dma_wait3A_1646 = tpu.memref_squeeze %dma_wait3A_1645 : memref<1x15360xf32, #tpu.memory_space<vmem>> -> memref<15360xf32, #tpu.memory_space<vmem>>
    %dma_wait3A_1647 = arith.constant 0 : i32
    %dma_wait3A_1648 = tpu.memref_slice %arg3[%dma_wait3A_1642, %dma_wait3A_1647] : memref<1024x76800xf32, #tpu.memory_space<hbm>> -> memref<1x15360xf32, #tpu.memory_space<hbm>>
    %dma_wait3A_1649 = tpu.memref_squeeze %dma_wait3A_1648 : memref<1x15360xf32, #tpu.memory_space<hbm>> -> memref<15360xf32, #tpu.memory_space<hbm>>
    %dma_wait3A_1650 = arith.constant 0 : i32
    %dma_wait3A_1651 = tpu.memref_slice %arg4[%dma_wait3A_1643, %dma_wait3A_1650] : memref<4x16640xf32, #tpu.memory_space<vmem>> -> memref<1x15360xf32, #tpu.memory_space<vmem>>
    %dma_wait3A_1652 = tpu.memref_squeeze %dma_wait3A_1651 : memref<1x15360xf32, #tpu.memory_space<vmem>> -> memref<15360xf32, #tpu.memory_space<vmem>>
    %dma_wait3A_1653 = arith.constant 0 : i32
    %dma_wait3A_1654 = tpu.memref_slice %arg3[%dma_wait3A_1642, %dma_wait3A_1653] : memref<1024x76800xf32, #tpu.memory_space<hbm>> -> memref<1x15360xf32, #tpu.memory_space<hbm>>
    %dma_wait3A_1655 = tpu.memref_squeeze %dma_wait3A_1654 : memref<1x15360xf32, #tpu.memory_space<hbm>> -> memref<15360xf32, #tpu.memory_space<hbm>>
    tpu.wait_dma2 semaphore(%arg11 : memref<!tpu.dma_semaphore, #tpu.memory_space<semaphore_mem>>) src(%dma_wait3A_1655 : memref<15360xf32, #tpu.memory_space<hbm>>) dst(%dma_wait3A_1652 : memref<15360xf32, #tpu.memory_space<vmem>>)
    %dma_wait3A_1656 = arith.constant 0 : i32
    %dma_wait3A_1657 = arith.constant 0 : i32
    %dma_wait3A_1658 = arith.constant 0 : i32
    %dma_wait3A_1659 = tpu.memref_slice %arg4[%dma_wait3A_1657, %dma_wait3A_1658] : memref<4x16640xf32, #tpu.memory_space<vmem>> -> memref<1x15360xf32, #tpu.memory_space<vmem>>
    %dma_wait3A_1660 = tpu.memref_squeeze %dma_wait3A_1659 : memref<1x15360xf32, #tpu.memory_space<vmem>> -> memref<15360xf32, #tpu.memory_space<vmem>>
    %dma_wait3A_1661 = arith.constant 0 : i32
    %dma_wait3A_1662 = tpu.memref_slice %arg3[%dma_wait3A_1656, %dma_wait3A_1661] : memref<1024x76800xf32, #tpu.memory_space<hbm>> -> memref<1x15360xf32, #tpu.memory_space<hbm>>
    %dma_wait3A_1663 = tpu.memref_squeeze %dma_wait3A_1662 : memref<1x15360xf32, #tpu.memory_space<hbm>> -> memref<15360xf32, #tpu.memory_space<hbm>>
    %dma_wait3A_1664 = arith.constant 0 : i32
    %dma_wait3A_1665 = tpu.memref_slice %arg4[%dma_wait3A_1657, %dma_wait3A_1664] : memref<4x16640xf32, #tpu.memory_space<vmem>> -> memref<1x15360xf32, #tpu.memory_space<vmem>>
    %dma_wait3A_1666 = tpu.memref_squeeze %dma_wait3A_1665 : memref<1x15360xf32, #tpu.memory_space<vmem>> -> memref<15360xf32, #tpu.memory_space<vmem>>
    %dma_wait3A_1667 = arith.constant 0 : i32
    %dma_wait3A_1668 = tpu.memref_slice %arg3[%dma_wait3A_1656, %dma_wait3A_1667] : memref<1024x76800xf32, #tpu.memory_space<hbm>> -> memref<1x15360xf32, #tpu.memory_space<hbm>>
    %dma_wait3A_1669 = tpu.memref_squeeze %dma_wait3A_1668 : memref<1x15360xf32, #tpu.memory_space<hbm>> -> memref<15360xf32, #tpu.memory_space<hbm>>
    tpu.wait_dma2 semaphore(%arg11 : memref<!tpu.dma_semaphore, #tpu.memory_space<semaphore_mem>>) src(%dma_wait3A_1669 : memref<15360xf32, #tpu.memory_space<hbm>>) dst(%dma_wait3A_1666 : memref<15360xf32, #tpu.memory_space<vmem>>)
    %dma_wait3A_1670 = arith.constant 0 : i32
    %dma_wait3A_1671 = arith.constant 0 : i32
    %dma_wait3A_1672 = arith.constant 0 : i32
    %dma_wait3A_1673 = tpu.memref_slice %arg4[%dma_wait3A_1671, %dma_wait3A_1672] : memref<4x16640xf32, #tpu.memory_space<vmem>> -> memref<1x15360xf32, #tpu.memory_space<vmem>>
    %dma_wait3A_1674 = tpu.memref_squeeze %dma_wait3A_1673 : memref<1x15360xf32, #tpu.memory_space<vmem>> -> memref<15360xf32, #tpu.memory_space<vmem>>
    %dma_wait3A_1675 = arith.constant 0 : i32
    %dma_wait3A_1676 = tpu.memref_slice %arg3[%dma_wait3A_1670, %dma_wait3A_1675] : memref<1024x76800xf32, #tpu.memory_space<hbm>> -> memref<1x15360xf32, #tpu.memory_space<hbm>>
    %dma_wait3A_1677 = tpu.memref_squeeze %dma_wait3A_1676 : memref<1x15360xf32, #tpu.memory_space<hbm>> -> memref<15360xf32, #tpu.memory_space<hbm>>
    %dma_wait3A_1678 = arith.constant 0 : i32
    %dma_wait3A_1679 = tpu.memref_slice %arg4[%dma_wait3A_1671, %dma_wait3A_1678] : memref<4x16640xf32, #tpu.memory_space<vmem>> -> memref<1x15360xf32, #tpu.memory_space<vmem>>
    %dma_wait3A_1680 = tpu.memref_squeeze %dma_wait3A_1679 : memref<1x15360xf32, #tpu.memory_space<vmem>> -> memref<15360xf32, #tpu.memory_space<vmem>>
    %dma_wait3A_1681 = arith.constant 0 : i32
    %dma_wait3A_1682 = tpu.memref_slice %arg3[%dma_wait3A_1670, %dma_wait3A_1681] : memref<1024x76800xf32, #tpu.memory_space<hbm>> -> memref<1x15360xf32, #tpu.memory_space<hbm>>
    %dma_wait3A_1683 = tpu.memref_squeeze %dma_wait3A_1682 : memref<1x15360xf32, #tpu.memory_space<hbm>> -> memref<15360xf32, #tpu.memory_space<hbm>>
    tpu.wait_dma2 semaphore(%arg11 : memref<!tpu.dma_semaphore, #tpu.memory_space<semaphore_mem>>) src(%dma_wait3A_1683 : memref<15360xf32, #tpu.memory_space<hbm>>) dst(%dma_wait3A_1680 : memref<15360xf32, #tpu.memory_space<vmem>>)
    %dma_wait3A_1684 = arith.constant 0 : i32
    %dma_wait3A_1685 = arith.constant 0 : i32
    %dma_wait3A_1686 = arith.constant 0 : i32
    %dma_wait3A_1687 = tpu.memref_slice %arg4[%dma_wait3A_1685, %dma_wait3A_1686] : memref<4x16640xf32, #tpu.memory_space<vmem>> -> memref<1x15360xf32, #tpu.memory_space<vmem>>
    %dma_wait3A_1688 = tpu.memref_squeeze %dma_wait3A_1687 : memref<1x15360xf32, #tpu.memory_space<vmem>> -> memref<15360xf32, #tpu.memory_space<vmem>>
    %dma_wait3A_1689 = arith.constant 0 : i32
    %dma_wait3A_1690 = tpu.memref_slice %arg3[%dma_wait3A_1684, %dma_wait3A_1689] : memref<1024x76800xf32, #tpu.memory_space<hbm>> -> memref<1x15360xf32, #tpu.memory_space<hbm>>
    %dma_wait3A_1691 = tpu.memref_squeeze %dma_wait3A_1690 : memref<1x15360xf32, #tpu.memory_space<hbm>> -> memref<15360xf32, #tpu.memory_space<hbm>>
    %dma_wait3A_1692 = arith.constant 0 : i32
    %dma_wait3A_1693 = tpu.memref_slice %arg4[%dma_wait3A_1685, %dma_wait3A_1692] : memref<4x16640xf32, #tpu.memory_space<vmem>> -> memref<1x15360xf32, #tpu.memory_space<vmem>>
    %dma_wait3A_1694 = tpu.memref_squeeze %dma_wait3A_1693 : memref<1x15360xf32, #tpu.memory_space<vmem>> -> memref<15360xf32, #tpu.memory_space<vmem>>
    %dma_wait3A_1695 = arith.constant 0 : i32
    %dma_wait3A_1696 = tpu.memref_slice %arg3[%dma_wait3A_1684, %dma_wait3A_1695] : memref<1024x76800xf32, #tpu.memory_space<hbm>> -> memref<1x15360xf32, #tpu.memory_space<hbm>>
    %dma_wait3A_1697 = tpu.memref_squeeze %dma_wait3A_1696 : memref<1x15360xf32, #tpu.memory_space<hbm>> -> memref<15360xf32, #tpu.memory_space<hbm>>
    tpu.wait_dma2 semaphore(%arg11 : memref<!tpu.dma_semaphore, #tpu.memory_space<semaphore_mem>>) src(%dma_wait3A_1697 : memref<15360xf32, #tpu.memory_space<hbm>>) dst(%dma_wait3A_1694 : memref<15360xf32, #tpu.memory_space<vmem>>)
    %dma_wait3A_1698 = arith.constant 0 : i32
    %dma_wait3A_1699 = arith.constant 0 : i32
    %dma_wait3A_1700 = arith.constant 0 : i32
    %dma_wait3A_1701 = tpu.memref_slice %arg4[%dma_wait3A_1699, %dma_wait3A_1700] : memref<4x16640xf32, #tpu.memory_space<vmem>> -> memref<1x15360xf32, #tpu.memory_space<vmem>>
    %dma_wait3A_1702 = tpu.memref_squeeze %dma_wait3A_1701 : memref<1x15360xf32, #tpu.memory_space<vmem>> -> memref<15360xf32, #tpu.memory_space<vmem>>
    %dma_wait3A_1703 = arith.constant 0 : i32
    %dma_wait3A_1704 = tpu.memref_slice %arg3[%dma_wait3A_1698, %dma_wait3A_1703] : memref<1024x76800xf32, #tpu.memory_space<hbm>> -> memref<1x15360xf32, #tpu.memory_space<hbm>>
    %dma_wait3A_1705 = tpu.memref_squeeze %dma_wait3A_1704 : memref<1x15360xf32, #tpu.memory_space<hbm>> -> memref<15360xf32, #tpu.memory_space<hbm>>
    %dma_wait3A_1706 = arith.constant 0 : i32
    %dma_wait3A_1707 = tpu.memref_slice %arg4[%dma_wait3A_1699, %dma_wait3A_1706] : memref<4x16640xf32, #tpu.memory_space<vmem>> -> memref<1x15360xf32, #tpu.memory_space<vmem>>
    %dma_wait3A_1708 = tpu.memref_squeeze %dma_wait3A_1707 : memref<1x15360xf32, #tpu.memory_space<vmem>> -> memref<15360xf32, #tpu.memory_space<vmem>>
    %dma_wait3A_1709 = arith.constant 0 : i32
    %dma_wait3A_1710 = tpu.memref_slice %arg3[%dma_wait3A_1698, %dma_wait3A_1709] : memref<1024x76800xf32, #tpu.memory_space<hbm>> -> memref<1x15360xf32, #tpu.memory_space<hbm>>
    %dma_wait3A_1711 = tpu.memref_squeeze %dma_wait3A_1710 : memref<1x15360xf32, #tpu.memory_space<hbm>> -> memref<15360xf32, #tpu.memory_space<hbm>>
    tpu.wait_dma2 semaphore(%arg11 : memref<!tpu.dma_semaphore, #tpu.memory_space<semaphore_mem>>) src(%dma_wait3A_1711 : memref<15360xf32, #tpu.memory_space<hbm>>) dst(%dma_wait3A_1708 : memref<15360xf32, #tpu.memory_space<vmem>>)
    %dma_wait3A_1712 = arith.constant 0 : i32
    %dma_wait3A_1713 = arith.constant 0 : i32
    %dma_wait3A_1714 = arith.constant 0 : i32
    %dma_wait3A_1715 = tpu.memref_slice %arg4[%dma_wait3A_1713, %dma_wait3A_1714] : memref<4x16640xf32, #tpu.memory_space<vmem>> -> memref<1x15360xf32, #tpu.memory_space<vmem>>
    %dma_wait3A_1716 = tpu.memref_squeeze %dma_wait3A_1715 : memref<1x15360xf32, #tpu.memory_space<vmem>> -> memref<15360xf32, #tpu.memory_space<vmem>>
    %dma_wait3A_1717 = arith.constant 0 : i32
    %dma_wait3A_1718 = tpu.memref_slice %arg3[%dma_wait3A_1712, %dma_wait3A_1717] : memref<1024x76800xf32, #tpu.memory_space<hbm>> -> memref<1x15360xf32, #tpu.memory_space<hbm>>
    %dma_wait3A_1719 = tpu.memref_squeeze %dma_wait3A_1718 : memref<1x15360xf32, #tpu.memory_space<hbm>> -> memref<15360xf32, #tpu.memory_space<hbm>>
    %dma_wait3A_1720 = arith.constant 0 : i32
    %dma_wait3A_1721 = tpu.memref_slice %arg4[%dma_wait3A_1713, %dma_wait3A_1720] : memref<4x16640xf32, #tpu.memory_space<vmem>> -> memref<1x15360xf32, #tpu.memory_space<vmem>>
    %dma_wait3A_1722 = tpu.memref_squeeze %dma_wait3A_1721 : memref<1x15360xf32, #tpu.memory_space<vmem>> -> memref<15360xf32, #tpu.memory_space<vmem>>
    %dma_wait3A_1723 = arith.constant 0 : i32
    %dma_wait3A_1724 = tpu.memref_slice %arg3[%dma_wait3A_1712, %dma_wait3A_1723] : memref<1024x76800xf32, #tpu.memory_space<hbm>> -> memref<1x15360xf32, #tpu.memory_space<hbm>>
    %dma_wait3A_1725 = tpu.memref_squeeze %dma_wait3A_1724 : memref<1x15360xf32, #tpu.memory_space<hbm>> -> memref<15360xf32, #tpu.memory_space<hbm>>
    tpu.wait_dma2 semaphore(%arg12 : memref<!tpu.dma_semaphore, #tpu.memory_space<semaphore_mem>>) src(%dma_wait3A_1725 : memref<15360xf32, #tpu.memory_space<hbm>>) dst(%dma_wait3A_1722 : memref<15360xf32, #tpu.memory_space<vmem>>)
    %dma_wait3A_1726 = arith.constant 0 : i32
    %dma_wait3A_1727 = arith.constant 0 : i32
    %dma_wait3A_1728 = arith.constant 0 : i32
    %dma_wait3A_1729 = tpu.memref_slice %arg4[%dma_wait3A_1727, %dma_wait3A_1728] : memref<4x16640xf32, #tpu.memory_space<vmem>> -> memref<1x15360xf32, #tpu.memory_space<vmem>>
    %dma_wait3A_1730 = tpu.memref_squeeze %dma_wait3A_1729 : memref<1x15360xf32, #tpu.memory_space<vmem>> -> memref<15360xf32, #tpu.memory_space<vmem>>
    %dma_wait3A_1731 = arith.constant 0 : i32
    %dma_wait3A_1732 = tpu.memref_slice %arg3[%dma_wait3A_1726, %dma_wait3A_1731] : memref<1024x76800xf32, #tpu.memory_space<hbm>> -> memref<1x15360xf32, #tpu.memory_space<hbm>>
    %dma_wait3A_1733 = tpu.memref_squeeze %dma_wait3A_1732 : memref<1x15360xf32, #tpu.memory_space<hbm>> -> memref<15360xf32, #tpu.memory_space<hbm>>
    %dma_wait3A_1734 = arith.constant 0 : i32
    %dma_wait3A_1735 = tpu.memref_slice %arg4[%dma_wait3A_1727, %dma_wait3A_1734] : memref<4x16640xf32, #tpu.memory_space<vmem>> -> memref<1x15360xf32, #tpu.memory_space<vmem>>
    %dma_wait3A_1736 = tpu.memref_squeeze %dma_wait3A_1735 : memref<1x15360xf32, #tpu.memory_space<vmem>> -> memref<15360xf32, #tpu.memory_space<vmem>>
    %dma_wait3A_1737 = arith.constant 0 : i32
    %dma_wait3A_1738 = tpu.memref_slice %arg3[%dma_wait3A_1726, %dma_wait3A_1737] : memref<1024x76800xf32, #tpu.memory_space<hbm>> -> memref<1x15360xf32, #tpu.memory_space<hbm>>
    %dma_wait3A_1739 = tpu.memref_squeeze %dma_wait3A_1738 : memref<1x15360xf32, #tpu.memory_space<hbm>> -> memref<15360xf32, #tpu.memory_space<hbm>>
    tpu.wait_dma2 semaphore(%arg12 : memref<!tpu.dma_semaphore, #tpu.memory_space<semaphore_mem>>) src(%dma_wait3A_1739 : memref<15360xf32, #tpu.memory_space<hbm>>) dst(%dma_wait3A_1736 : memref<15360xf32, #tpu.memory_space<vmem>>)
    %dma_wait3A_1740 = arith.constant 0 : i32
    %dma_wait3A_1741 = arith.constant 0 : i32
    %dma_wait3A_1742 = arith.constant 0 : i32
    %dma_wait3A_1743 = tpu.memref_slice %arg4[%dma_wait3A_1741, %dma_wait3A_1742] : memref<4x16640xf32, #tpu.memory_space<vmem>> -> memref<1x15360xf32, #tpu.memory_space<vmem>>
    %dma_wait3A_1744 = tpu.memref_squeeze %dma_wait3A_1743 : memref<1x15360xf32, #tpu.memory_space<vmem>> -> memref<15360xf32, #tpu.memory_space<vmem>>
    %dma_wait3A_1745 = arith.constant 0 : i32
    %dma_wait3A_1746 = tpu.memref_slice %arg3[%dma_wait3A_1740, %dma_wait3A_1745] : memref<1024x76800xf32, #tpu.memory_space<hbm>> -> memref<1x15360xf32, #tpu.memory_space<hbm>>
    %dma_wait3A_1747 = tpu.memref_squeeze %dma_wait3A_1746 : memref<1x15360xf32, #tpu.memory_space<hbm>> -> memref<15360xf32, #tpu.memory_space<hbm>>
    %dma_wait3A_1748 = arith.constant 0 : i32
    %dma_wait3A_1749 = tpu.memref_slice %arg4[%dma_wait3A_1741, %dma_wait3A_1748] : memref<4x16640xf32, #tpu.memory_space<vmem>> -> memref<1x15360xf32, #tpu.memory_space<vmem>>
    %dma_wait3A_1750 = tpu.memref_squeeze %dma_wait3A_1749 : memref<1x15360xf32, #tpu.memory_space<vmem>> -> memref<15360xf32, #tpu.memory_space<vmem>>
    %dma_wait3A_1751 = arith.constant 0 : i32
    %dma_wait3A_1752 = tpu.memref_slice %arg3[%dma_wait3A_1740, %dma_wait3A_1751] : memref<1024x76800xf32, #tpu.memory_space<hbm>> -> memref<1x15360xf32, #tpu.memory_space<hbm>>
    %dma_wait3A_1753 = tpu.memref_squeeze %dma_wait3A_1752 : memref<1x15360xf32, #tpu.memory_space<hbm>> -> memref<15360xf32, #tpu.memory_space<hbm>>
    tpu.wait_dma2 semaphore(%arg12 : memref<!tpu.dma_semaphore, #tpu.memory_space<semaphore_mem>>) src(%dma_wait3A_1753 : memref<15360xf32, #tpu.memory_space<hbm>>) dst(%dma_wait3A_1750 : memref<15360xf32, #tpu.memory_space<vmem>>)
    %dma_wait3A_1754 = arith.constant 0 : i32
    %dma_wait3A_1755 = arith.constant 0 : i32
    %dma_wait3A_1756 = arith.constant 0 : i32
    %dma_wait3A_1757 = tpu.memref_slice %arg4[%dma_wait3A_1755, %dma_wait3A_1756] : memref<4x16640xf32, #tpu.memory_space<vmem>> -> memref<1x15360xf32, #tpu.memory_space<vmem>>
    %dma_wait3A_1758 = tpu.memref_squeeze %dma_wait3A_1757 : memref<1x15360xf32, #tpu.memory_space<vmem>> -> memref<15360xf32, #tpu.memory_space<vmem>>
    %dma_wait3A_1759 = arith.constant 0 : i32
    %dma_wait3A_1760 = tpu.memref_slice %arg3[%dma_wait3A_1754, %dma_wait3A_1759] : memref<1024x76800xf32, #tpu.memory_space<hbm>> -> memref<1x15360xf32, #tpu.memory_space<hbm>>
    %dma_wait3A_1761 = tpu.memref_squeeze %dma_wait3A_1760 : memref<1x15360xf32, #tpu.memory_space<hbm>> -> memref<15360xf32, #tpu.memory_space<hbm>>
    %dma_wait3A_1762 = arith.constant 0 : i32
    %dma_wait3A_1763 = tpu.memref_slice %arg4[%dma_wait3A_1755, %dma_wait3A_1762] : memref<4x16640xf32, #tpu.memory_space<vmem>> -> memref<1x15360xf32, #tpu.memory_space<vmem>>
    %dma_wait3A_1764 = tpu.memref_squeeze %dma_wait3A_1763 : memref<1x15360xf32, #tpu.memory_space<vmem>> -> memref<15360xf32, #tpu.memory_space<vmem>>
    %dma_wait3A_1765 = arith.constant 0 : i32
    %dma_wait3A_1766 = tpu.memref_slice %arg3[%dma_wait3A_1754, %dma_wait3A_1765] : memref<1024x76800xf32, #tpu.memory_space<hbm>> -> memref<1x15360xf32, #tpu.memory_space<hbm>>
    %dma_wait3A_1767 = tpu.memref_squeeze %dma_wait3A_1766 : memref<1x15360xf32, #tpu.memory_space<hbm>> -> memref<15360xf32, #tpu.memory_space<hbm>>
    tpu.wait_dma2 semaphore(%arg12 : memref<!tpu.dma_semaphore, #tpu.memory_space<semaphore_mem>>) src(%dma_wait3A_1767 : memref<15360xf32, #tpu.memory_space<hbm>>) dst(%dma_wait3A_1764 : memref<15360xf32, #tpu.memory_space<vmem>>)
    %dma_wait3A_1768 = arith.constant 0 : i32
    %dma_wait3A_1769 = arith.constant 0 : i32
    %dma_wait3A_1770 = arith.constant 0 : i32
    %dma_wait3A_1771 = tpu.memref_slice %arg4[%dma_wait3A_1769, %dma_wait3A_1770] : memref<4x16640xf32, #tpu.memory_space<vmem>> -> memref<1x15360xf32, #tpu.memory_space<vmem>>
    %dma_wait3A_1772 = tpu.memref_squeeze %dma_wait3A_1771 : memref<1x15360xf32, #tpu.memory_space<vmem>> -> memref<15360xf32, #tpu.memory_space<vmem>>
    %dma_wait3A_1773 = arith.constant 0 : i32
    %dma_wait3A_1774 = tpu.memref_slice %arg3[%dma_wait3A_1768, %dma_wait3A_1773] : memref<1024x76800xf32, #tpu.memory_space<hbm>> -> memref<1x15360xf32, #tpu.memory_space<hbm>>
    %dma_wait3A_1775 = tpu.memref_squeeze %dma_wait3A_1774 : memref<1x15360xf32, #tpu.memory_space<hbm>> -> memref<15360xf32, #tpu.memory_space<hbm>>
    %dma_wait3A_1776 = arith.constant 0 : i32
    %dma_wait3A_1777 = tpu.memref_slice %arg4[%dma_wait3A_1769, %dma_wait3A_1776] : memref<4x16640xf32, #tpu.memory_space<vmem>> -> memref<1x15360xf32, #tpu.memory_space<vmem>>
    %dma_wait3A_1778 = tpu.memref_squeeze %dma_wait3A_1777 : memref<1x15360xf32, #tpu.memory_space<vmem>> -> memref<15360xf32, #tpu.memory_space<vmem>>
    %dma_wait3A_1779 = arith.constant 0 : i32
    %dma_wait3A_1780 = tpu.memref_slice %arg3[%dma_wait3A_1768, %dma_wait3A_1779] : memref<1024x76800xf32, #tpu.memory_space<hbm>> -> memref<1x15360xf32, #tpu.memory_space<hbm>>
    %dma_wait3A_1781 = tpu.memref_squeeze %dma_wait3A_1780 : memref<1x15360xf32, #tpu.memory_space<hbm>> -> memref<15360xf32, #tpu.memory_space<hbm>>
    tpu.wait_dma2 semaphore(%arg12 : memref<!tpu.dma_semaphore, #tpu.memory_space<semaphore_mem>>) src(%dma_wait3A_1781 : memref<15360xf32, #tpu.memory_space<hbm>>) dst(%dma_wait3A_1778 : memref<15360xf32, #tpu.memory_space<vmem>>)
    %dma_wait3A_1782 = arith.constant 0 : i32
    %dma_wait3A_1783 = arith.constant 0 : i32
    %dma_wait3A_1784 = arith.constant 0 : i32
    %dma_wait3A_1785 = tpu.memref_slice %arg4[%dma_wait3A_1783, %dma_wait3A_1784] : memref<4x16640xf32, #tpu.memory_space<vmem>> -> memref<1x15360xf32, #tpu.memory_space<vmem>>
    %dma_wait3A_1786 = tpu.memref_squeeze %dma_wait3A_1785 : memref<1x15360xf32, #tpu.memory_space<vmem>> -> memref<15360xf32, #tpu.memory_space<vmem>>
    %dma_wait3A_1787 = arith.constant 0 : i32
    %dma_wait3A_1788 = tpu.memref_slice %arg3[%dma_wait3A_1782, %dma_wait3A_1787] : memref<1024x76800xf32, #tpu.memory_space<hbm>> -> memref<1x15360xf32, #tpu.memory_space<hbm>>
    %dma_wait3A_1789 = tpu.memref_squeeze %dma_wait3A_1788 : memref<1x15360xf32, #tpu.memory_space<hbm>> -> memref<15360xf32, #tpu.memory_space<hbm>>
    %dma_wait3A_1790 = arith.constant 0 : i32
    %dma_wait3A_1791 = tpu.memref_slice %arg4[%dma_wait3A_1783, %dma_wait3A_1790] : memref<4x16640xf32, #tpu.memory_space<vmem>> -> memref<1x15360xf32, #tpu.memory_space<vmem>>
    %dma_wait3A_1792 = tpu.memref_squeeze %dma_wait3A_1791 : memref<1x15360xf32, #tpu.memory_space<vmem>> -> memref<15360xf32, #tpu.memory_space<vmem>>
    %dma_wait3A_1793 = arith.constant 0 : i32
    %dma_wait3A_1794 = tpu.memref_slice %arg3[%dma_wait3A_1782, %dma_wait3A_1793] : memref<1024x76800xf32, #tpu.memory_space<hbm>> -> memref<1x15360xf32, #tpu.memory_space<hbm>>
    %dma_wait3A_1795 = tpu.memref_squeeze %dma_wait3A_1794 : memref<1x15360xf32, #tpu.memory_space<hbm>> -> memref<15360xf32, #tpu.memory_space<hbm>>
    tpu.wait_dma2 semaphore(%arg12 : memref<!tpu.dma_semaphore, #tpu.memory_space<semaphore_mem>>) src(%dma_wait3A_1795 : memref<15360xf32, #tpu.memory_space<hbm>>) dst(%dma_wait3A_1792 : memref<15360xf32, #tpu.memory_space<vmem>>)
    %dma_wait3A_1796 = arith.constant 0 : i32
    %dma_wait3A_1797 = arith.constant 0 : i32
    %dma_wait3A_1798 = arith.constant 0 : i32
    %dma_wait3A_1799 = tpu.memref_slice %arg4[%dma_wait3A_1797, %dma_wait3A_1798] : memref<4x16640xf32, #tpu.memory_space<vmem>> -> memref<1x15360xf32, #tpu.memory_space<vmem>>
    %dma_wait3A_1800 = tpu.memref_squeeze %dma_wait3A_1799 : memref<1x15360xf32, #tpu.memory_space<vmem>> -> memref<15360xf32, #tpu.memory_space<vmem>>
    %dma_wait3A_1801 = arith.constant 0 : i32
    %dma_wait3A_1802 = tpu.memref_slice %arg3[%dma_wait3A_1796, %dma_wait3A_1801] : memref<1024x76800xf32, #tpu.memory_space<hbm>> -> memref<1x15360xf32, #tpu.memory_space<hbm>>
    %dma_wait3A_1803 = tpu.memref_squeeze %dma_wait3A_1802 : memref<1x15360xf32, #tpu.memory_space<hbm>> -> memref<15360xf32, #tpu.memory_space<hbm>>
    %dma_wait3A_1804 = arith.constant 0 : i32
    %dma_wait3A_1805 = tpu.memref_slice %arg4[%dma_wait3A_1797, %dma_wait3A_1804] : memref<4x16640xf32, #tpu.memory_space<vmem>> -> memref<1x15360xf32, #tpu.memory_space<vmem>>
    %dma_wait3A_1806 = tpu.memref_squeeze %dma_wait3A_1805 : memref<1x15360xf32, #tpu.memory_space<vmem>> -> memref<15360xf32, #tpu.memory_space<vmem>>
    %dma_wait3A_1807 = arith.constant 0 : i32
    %dma_wait3A_1808 = tpu.memref_slice %arg3[%dma_wait3A_1796, %dma_wait3A_1807] : memref<1024x76800xf32, #tpu.memory_space<hbm>> -> memref<1x15360xf32, #tpu.memory_space<hbm>>
    %dma_wait3A_1809 = tpu.memref_squeeze %dma_wait3A_1808 : memref<1x15360xf32, #tpu.memory_space<hbm>> -> memref<15360xf32, #tpu.memory_space<hbm>>
    tpu.wait_dma2 semaphore(%arg12 : memref<!tpu.dma_semaphore, #tpu.memory_space<semaphore_mem>>) src(%dma_wait3A_1809 : memref<15360xf32, #tpu.memory_space<hbm>>) dst(%dma_wait3A_1806 : memref<15360xf32, #tpu.memory_space<vmem>>)
    %dma_wait3A_1810 = arith.constant 0 : i32
    %dma_wait3A_1811 = arith.constant 0 : i32
    %dma_wait3A_1812 = arith.constant 0 : i32
    %dma_wait3A_1813 = tpu.memref_slice %arg4[%dma_wait3A_1811, %dma_wait3A_1812] : memref<4x16640xf32, #tpu.memory_space<vmem>> -> memref<1x15360xf32, #tpu.memory_space<vmem>>
    %dma_wait3A_1814 = tpu.memref_squeeze %dma_wait3A_1813 : memref<1x15360xf32, #tpu.memory_space<vmem>> -> memref<15360xf32, #tpu.memory_space<vmem>>
    %dma_wait3A_1815 = arith.constant 0 : i32
    %dma_wait3A_1816 = tpu.memref_slice %arg3[%dma_wait3A_1810, %dma_wait3A_1815] : memref<1024x76800xf32, #tpu.memory_space<hbm>> -> memref<1x15360xf32, #tpu.memory_space<hbm>>
    %dma_wait3A_1817 = tpu.memref_squeeze %dma_wait3A_1816 : memref<1x15360xf32, #tpu.memory_space<hbm>> -> memref<15360xf32, #tpu.memory_space<hbm>>
    %dma_wait3A_1818 = arith.constant 0 : i32
    %dma_wait3A_1819 = tpu.memref_slice %arg4[%dma_wait3A_1811, %dma_wait3A_1818] : memref<4x16640xf32, #tpu.memory_space<vmem>> -> memref<1x15360xf32, #tpu.memory_space<vmem>>
    %dma_wait3A_1820 = tpu.memref_squeeze %dma_wait3A_1819 : memref<1x15360xf32, #tpu.memory_space<vmem>> -> memref<15360xf32, #tpu.memory_space<vmem>>
    %dma_wait3A_1821 = arith.constant 0 : i32
    %dma_wait3A_1822 = tpu.memref_slice %arg3[%dma_wait3A_1810, %dma_wait3A_1821] : memref<1024x76800xf32, #tpu.memory_space<hbm>> -> memref<1x15360xf32, #tpu.memory_space<hbm>>
    %dma_wait3A_1823 = tpu.memref_squeeze %dma_wait3A_1822 : memref<1x15360xf32, #tpu.memory_space<hbm>> -> memref<15360xf32, #tpu.memory_space<hbm>>
    tpu.wait_dma2 semaphore(%arg12 : memref<!tpu.dma_semaphore, #tpu.memory_space<semaphore_mem>>) src(%dma_wait3A_1823 : memref<15360xf32, #tpu.memory_space<hbm>>) dst(%dma_wait3A_1820 : memref<15360xf32, #tpu.memory_space<vmem>>)
    %dma_wait3A_1824 = arith.constant 0 : i32
    %dma_wait3A_1825 = arith.constant 0 : i32
    %dma_wait3A_1826 = arith.constant 0 : i32
    %dma_wait3A_1827 = tpu.memref_slice %arg4[%dma_wait3A_1825, %dma_wait3A_1826] : memref<4x16640xf32, #tpu.memory_space<vmem>> -> memref<1x15360xf32, #tpu.memory_space<vmem>>
    %dma_wait3A_1828 = tpu.memref_squeeze %dma_wait3A_1827 : memref<1x15360xf32, #tpu.memory_space<vmem>> -> memref<15360xf32, #tpu.memory_space<vmem>>
    %dma_wait3A_1829 = arith.constant 0 : i32
    %dma_wait3A_1830 = tpu.memref_slice %arg3[%dma_wait3A_1824, %dma_wait3A_1829] : memref<1024x76800xf32, #tpu.memory_space<hbm>> -> memref<1x15360xf32, #tpu.memory_space<hbm>>
    %dma_wait3A_1831 = tpu.memref_squeeze %dma_wait3A_1830 : memref<1x15360xf32, #tpu.memory_space<hbm>> -> memref<15360xf32, #tpu.memory_space<hbm>>
    %dma_wait3A_1832 = arith.constant 0 : i32
    %dma_wait3A_1833 = tpu.memref_slice %arg4[%dma_wait3A_1825, %dma_wait3A_1832] : memref<4x16640xf32, #tpu.memory_space<vmem>> -> memref<1x15360xf32, #tpu.memory_space<vmem>>
    %dma_wait3A_1834 = tpu.memref_squeeze %dma_wait3A_1833 : memref<1x15360xf32, #tpu.memory_space<vmem>> -> memref<15360xf32, #tpu.memory_space<vmem>>
    %dma_wait3A_1835 = arith.constant 0 : i32
    %dma_wait3A_1836 = tpu.memref_slice %arg3[%dma_wait3A_1824, %dma_wait3A_1835] : memref<1024x76800xf32, #tpu.memory_space<hbm>> -> memref<1x15360xf32, #tpu.memory_space<hbm>>
    %dma_wait3A_1837 = tpu.memref_squeeze %dma_wait3A_1836 : memref<1x15360xf32, #tpu.memory_space<hbm>> -> memref<15360xf32, #tpu.memory_space<hbm>>
    tpu.wait_dma2 semaphore(%arg12 : memref<!tpu.dma_semaphore, #tpu.memory_space<semaphore_mem>>) src(%dma_wait3A_1837 : memref<15360xf32, #tpu.memory_space<hbm>>) dst(%dma_wait3A_1834 : memref<15360xf32, #tpu.memory_space<vmem>>)
    %dma_wait3A_1838 = arith.constant 0 : i32
    %dma_wait3A_1839 = arith.constant 0 : i32
    %dma_wait3A_1840 = arith.constant 0 : i32
    %dma_wait3A_1841 = tpu.memref_slice %arg4[%dma_wait3A_1839, %dma_wait3A_1840] : memref<4x16640xf32, #tpu.memory_space<vmem>> -> memref<1x15360xf32, #tpu.memory_space<vmem>>
    %dma_wait3A_1842 = tpu.memref_squeeze %dma_wait3A_1841 : memref<1x15360xf32, #tpu.memory_space<vmem>> -> memref<15360xf32, #tpu.memory_space<vmem>>
    %dma_wait3A_1843 = arith.constant 0 : i32
    %dma_wait3A_1844 = tpu.memref_slice %arg3[%dma_wait3A_1838, %dma_wait3A_1843] : memref<1024x76800xf32, #tpu.memory_space<hbm>> -> memref<1x15360xf32, #tpu.memory_space<hbm>>
    %dma_wait3A_1845 = tpu.memref_squeeze %dma_wait3A_1844 : memref<1x15360xf32, #tpu.memory_space<hbm>> -> memref<15360xf32, #tpu.memory_space<hbm>>
    %dma_wait3A_1846 = arith.constant 0 : i32
    %dma_wait3A_1847 = tpu.memref_slice %arg4[%dma_wait3A_1839, %dma_wait3A_1846] : memref<4x16640xf32, #tpu.memory_space<vmem>> -> memref<1x15360xf32, #tpu.memory_space<vmem>>
    %dma_wait3A_1848 = tpu.memref_squeeze %dma_wait3A_1847 : memref<1x15360xf32, #tpu.memory_space<vmem>> -> memref<15360xf32, #tpu.memory_space<vmem>>
    %dma_wait3A_1849 = arith.constant 0 : i32
    %dma_wait3A_1850 = tpu.memref_slice %arg3[%dma_wait3A_1838, %dma_wait3A_1849] : memref<1024x76800xf32, #tpu.memory_space<hbm>> -> memref<1x15360xf32, #tpu.memory_space<hbm>>
    %dma_wait3A_1851 = tpu.memref_squeeze %dma_wait3A_1850 : memref<1x15360xf32, #tpu.memory_space<hbm>> -> memref<15360xf32, #tpu.memory_space<hbm>>
    tpu.wait_dma2 semaphore(%arg12 : memref<!tpu.dma_semaphore, #tpu.memory_space<semaphore_mem>>) src(%dma_wait3A_1851 : memref<15360xf32, #tpu.memory_space<hbm>>) dst(%dma_wait3A_1848 : memref<15360xf32, #tpu.memory_space<vmem>>)
    %dma_wait3A_1852 = arith.constant 0 : i32
    %dma_wait3A_1853 = arith.constant 0 : i32
    %dma_wait3A_1854 = arith.constant 0 : i32
    %dma_wait3A_1855 = tpu.memref_slice %arg4[%dma_wait3A_1853, %dma_wait3A_1854] : memref<4x16640xf32, #tpu.memory_space<vmem>> -> memref<1x15360xf32, #tpu.memory_space<vmem>>
    %dma_wait3A_1856 = tpu.memref_squeeze %dma_wait3A_1855 : memref<1x15360xf32, #tpu.memory_space<vmem>> -> memref<15360xf32, #tpu.memory_space<vmem>>
    %dma_wait3A_1857 = arith.constant 0 : i32
    %dma_wait3A_1858 = tpu.memref_slice %arg3[%dma_wait3A_1852, %dma_wait3A_1857] : memref<1024x76800xf32, #tpu.memory_space<hbm>> -> memref<1x15360xf32, #tpu.memory_space<hbm>>
    %dma_wait3A_1859 = tpu.memref_squeeze %dma_wait3A_1858 : memref<1x15360xf32, #tpu.memory_space<hbm>> -> memref<15360xf32, #tpu.memory_space<hbm>>
    %dma_wait3A_1860 = arith.constant 0 : i32
    %dma_wait3A_1861 = tpu.memref_slice %arg4[%dma_wait3A_1853, %dma_wait3A_1860] : memref<4x16640xf32, #tpu.memory_space<vmem>> -> memref<1x15360xf32, #tpu.memory_space<vmem>>
    %dma_wait3A_1862 = tpu.memref_squeeze %dma_wait3A_1861 : memref<1x15360xf32, #tpu.memory_space<vmem>> -> memref<15360xf32, #tpu.memory_space<vmem>>
    %dma_wait3A_1863 = arith.constant 0 : i32
    %dma_wait3A_1864 = tpu.memref_slice %arg3[%dma_wait3A_1852, %dma_wait3A_1863] : memref<1024x76800xf32, #tpu.memory_space<hbm>> -> memref<1x15360xf32, #tpu.memory_space<hbm>>
    %dma_wait3A_1865 = tpu.memref_squeeze %dma_wait3A_1864 : memref<1x15360xf32, #tpu.memory_space<hbm>> -> memref<15360xf32, #tpu.memory_space<hbm>>
    tpu.wait_dma2 semaphore(%arg12 : memref<!tpu.dma_semaphore, #tpu.memory_space<semaphore_mem>>) src(%dma_wait3A_1865 : memref<15360xf32, #tpu.memory_space<hbm>>) dst(%dma_wait3A_1862 : memref<15360xf32, #tpu.memory_space<vmem>>)
    %dma_wait3A_1866 = arith.constant 0 : i32
    %dma_wait3A_1867 = arith.constant 0 : i32
    %dma_wait3A_1868 = arith.constant 0 : i32
    %dma_wait3A_1869 = tpu.memref_slice %arg4[%dma_wait3A_1867, %dma_wait3A_1868] : memref<4x16640xf32, #tpu.memory_space<vmem>> -> memref<1x15360xf32, #tpu.memory_space<vmem>>
    %dma_wait3A_1870 = tpu.memref_squeeze %dma_wait3A_1869 : memref<1x15360xf32, #tpu.memory_space<vmem>> -> memref<15360xf32, #tpu.memory_space<vmem>>
    %dma_wait3A_1871 = arith.constant 0 : i32
    %dma_wait3A_1872 = tpu.memref_slice %arg3[%dma_wait3A_1866, %dma_wait3A_1871] : memref<1024x76800xf32, #tpu.memory_space<hbm>> -> memref<1x15360xf32, #tpu.memory_space<hbm>>
    %dma_wait3A_1873 = tpu.memref_squeeze %dma_wait3A_1872 : memref<1x15360xf32, #tpu.memory_space<hbm>> -> memref<15360xf32, #tpu.memory_space<hbm>>
    %dma_wait3A_1874 = arith.constant 0 : i32
    %dma_wait3A_1875 = tpu.memref_slice %arg4[%dma_wait3A_1867, %dma_wait3A_1874] : memref<4x16640xf32, #tpu.memory_space<vmem>> -> memref<1x15360xf32, #tpu.memory_space<vmem>>
    %dma_wait3A_1876 = tpu.memref_squeeze %dma_wait3A_1875 : memref<1x15360xf32, #tpu.memory_space<vmem>> -> memref<15360xf32, #tpu.memory_space<vmem>>
    %dma_wait3A_1877 = arith.constant 0 : i32
    %dma_wait3A_1878 = tpu.memref_slice %arg3[%dma_wait3A_1866, %dma_wait3A_1877] : memref<1024x76800xf32, #tpu.memory_space<hbm>> -> memref<1x15360xf32, #tpu.memory_space<hbm>>
    %dma_wait3A_1879 = tpu.memref_squeeze %dma_wait3A_1878 : memref<1x15360xf32, #tpu.memory_space<hbm>> -> memref<15360xf32, #tpu.memory_space<hbm>>
    tpu.wait_dma2 semaphore(%arg12 : memref<!tpu.dma_semaphore, #tpu.memory_space<semaphore_mem>>) src(%dma_wait3A_1879 : memref<15360xf32, #tpu.memory_space<hbm>>) dst(%dma_wait3A_1876 : memref<15360xf32, #tpu.memory_space<vmem>>)
    %dma_wait3A_1880 = arith.constant 0 : i32
    %dma_wait3A_1881 = arith.constant 0 : i32
    %dma_wait3A_1882 = arith.constant 0 : i32
    %dma_wait3A_1883 = tpu.memref_slice %arg4[%dma_wait3A_1881, %dma_wait3A_1882] : memref<4x16640xf32, #tpu.memory_space<vmem>> -> memref<1x15360xf32, #tpu.memory_space<vmem>>
    %dma_wait3A_1884 = tpu.memref_squeeze %dma_wait3A_1883 : memref<1x15360xf32, #tpu.memory_space<vmem>> -> memref<15360xf32, #tpu.memory_space<vmem>>
    %dma_wait3A_1885 = arith.constant 0 : i32
    %dma_wait3A_1886 = tpu.memref_slice %arg3[%dma_wait3A_1880, %dma_wait3A_1885] : memref<1024x76800xf32, #tpu.memory_space<hbm>> -> memref<1x15360xf32, #tpu.memory_space<hbm>>
    %dma_wait3A_1887 = tpu.memref_squeeze %dma_wait3A_1886 : memref<1x15360xf32, #tpu.memory_space<hbm>> -> memref<15360xf32, #tpu.memory_space<hbm>>
    %dma_wait3A_1888 = arith.constant 0 : i32
    %dma_wait3A_1889 = tpu.memref_slice %arg4[%dma_wait3A_1881, %dma_wait3A_1888] : memref<4x16640xf32, #tpu.memory_space<vmem>> -> memref<1x15360xf32, #tpu.memory_space<vmem>>
    %dma_wait3A_1890 = tpu.memref_squeeze %dma_wait3A_1889 : memref<1x15360xf32, #tpu.memory_space<vmem>> -> memref<15360xf32, #tpu.memory_space<vmem>>
    %dma_wait3A_1891 = arith.constant 0 : i32
    %dma_wait3A_1892 = tpu.memref_slice %arg3[%dma_wait3A_1880, %dma_wait3A_1891] : memref<1024x76800xf32, #tpu.memory_space<hbm>> -> memref<1x15360xf32, #tpu.memory_space<hbm>>
    %dma_wait3A_1893 = tpu.memref_squeeze %dma_wait3A_1892 : memref<1x15360xf32, #tpu.memory_space<hbm>> -> memref<15360xf32, #tpu.memory_space<hbm>>
    tpu.wait_dma2 semaphore(%arg12 : memref<!tpu.dma_semaphore, #tpu.memory_space<semaphore_mem>>) src(%dma_wait3A_1893 : memref<15360xf32, #tpu.memory_space<hbm>>) dst(%dma_wait3A_1890 : memref<15360xf32, #tpu.memory_space<vmem>>)
    %dma_wait3A_1894 = arith.constant 0 : i32
    %dma_wait3A_1895 = arith.constant 0 : i32
    %dma_wait3A_1896 = arith.constant 0 : i32
    %dma_wait3A_1897 = tpu.memref_slice %arg4[%dma_wait3A_1895, %dma_wait3A_1896] : memref<4x16640xf32, #tpu.memory_space<vmem>> -> memref<1x15360xf32, #tpu.memory_space<vmem>>
    %dma_wait3A_1898 = tpu.memref_squeeze %dma_wait3A_1897 : memref<1x15360xf32, #tpu.memory_space<vmem>> -> memref<15360xf32, #tpu.memory_space<vmem>>
    %dma_wait3A_1899 = arith.constant 0 : i32
    %dma_wait3A_1900 = tpu.memref_slice %arg3[%dma_wait3A_1894, %dma_wait3A_1899] : memref<1024x76800xf32, #tpu.memory_space<hbm>> -> memref<1x15360xf32, #tpu.memory_space<hbm>>
    %dma_wait3A_1901 = tpu.memref_squeeze %dma_wait3A_1900 : memref<1x15360xf32, #tpu.memory_space<hbm>> -> memref<15360xf32, #tpu.memory_space<hbm>>
    %dma_wait3A_1902 = arith.constant 0 : i32
    %dma_wait3A_1903 = tpu.memref_slice %arg4[%dma_wait3A_1895, %dma_wait3A_1902] : memref<4x16640xf32, #tpu.memory_space<vmem>> -> memref<1x15360xf32, #tpu.memory_space<vmem>>
    %dma_wait3A_1904 = tpu.memref_squeeze %dma_wait3A_1903 : memref<1x15360xf32, #tpu.memory_space<vmem>> -> memref<15360xf32, #tpu.memory_space<vmem>>
    %dma_wait3A_1905 = arith.constant 0 : i32
    %dma_wait3A_1906 = tpu.memref_slice %arg3[%dma_wait3A_1894, %dma_wait3A_1905] : memref<1024x76800xf32, #tpu.memory_space<hbm>> -> memref<1x15360xf32, #tpu.memory_space<hbm>>
    %dma_wait3A_1907 = tpu.memref_squeeze %dma_wait3A_1906 : memref<1x15360xf32, #tpu.memory_space<hbm>> -> memref<15360xf32, #tpu.memory_space<hbm>>
    tpu.wait_dma2 semaphore(%arg12 : memref<!tpu.dma_semaphore, #tpu.memory_space<semaphore_mem>>) src(%dma_wait3A_1907 : memref<15360xf32, #tpu.memory_space<hbm>>) dst(%dma_wait3A_1904 : memref<15360xf32, #tpu.memory_space<vmem>>)
    %dma_wait3A_1908 = arith.constant 0 : i32
    %dma_wait3A_1909 = arith.constant 0 : i32
    %dma_wait3A_1910 = arith.constant 0 : i32
    %dma_wait3A_1911 = tpu.memref_slice %arg4[%dma_wait3A_1909, %dma_wait3A_1910] : memref<4x16640xf32, #tpu.memory_space<vmem>> -> memref<1x15360xf32, #tpu.memory_space<vmem>>
    %dma_wait3A_1912 = tpu.memref_squeeze %dma_wait3A_1911 : memref<1x15360xf32, #tpu.memory_space<vmem>> -> memref<15360xf32, #tpu.memory_space<vmem>>
    %dma_wait3A_1913 = arith.constant 0 : i32
    %dma_wait3A_1914 = tpu.memref_slice %arg3[%dma_wait3A_1908, %dma_wait3A_1913] : memref<1024x76800xf32, #tpu.memory_space<hbm>> -> memref<1x15360xf32, #tpu.memory_space<hbm>>
    %dma_wait3A_1915 = tpu.memref_squeeze %dma_wait3A_1914 : memref<1x15360xf32, #tpu.memory_space<hbm>> -> memref<15360xf32, #tpu.memory_space<hbm>>
    %dma_wait3A_1916 = arith.constant 0 : i32
    %dma_wait3A_1917 = tpu.memref_slice %arg4[%dma_wait3A_1909, %dma_wait3A_1916] : memref<4x16640xf32, #tpu.memory_space<vmem>> -> memref<1x15360xf32, #tpu.memory_space<vmem>>
    %dma_wait3A_1918 = tpu.memref_squeeze %dma_wait3A_1917 : memref<1x15360xf32, #tpu.memory_space<vmem>> -> memref<15360xf32, #tpu.memory_space<vmem>>
    %dma_wait3A_1919 = arith.constant 0 : i32
    %dma_wait3A_1920 = tpu.memref_slice %arg3[%dma_wait3A_1908, %dma_wait3A_1919] : memref<1024x76800xf32, #tpu.memory_space<hbm>> -> memref<1x15360xf32, #tpu.memory_space<hbm>>
    %dma_wait3A_1921 = tpu.memref_squeeze %dma_wait3A_1920 : memref<1x15360xf32, #tpu.memory_space<hbm>> -> memref<15360xf32, #tpu.memory_space<hbm>>
    tpu.wait_dma2 semaphore(%arg12 : memref<!tpu.dma_semaphore, #tpu.memory_space<semaphore_mem>>) src(%dma_wait3A_1921 : memref<15360xf32, #tpu.memory_space<hbm>>) dst(%dma_wait3A_1918 : memref<15360xf32, #tpu.memory_space<vmem>>)
    %dma_wait3A_1922 = arith.constant 0 : i32
    %dma_wait3A_1923 = arith.constant 0 : i32
    %dma_wait3A_1924 = arith.constant 0 : i32
    %dma_wait3A_1925 = tpu.memref_slice %arg4[%dma_wait3A_1923, %dma_wait3A_1924] : memref<4x16640xf32, #tpu.memory_space<vmem>> -> memref<1x15360xf32, #tpu.memory_space<vmem>>
    %dma_wait3A_1926 = tpu.memref_squeeze %dma_wait3A_1925 : memref<1x15360xf32, #tpu.memory_space<vmem>> -> memref<15360xf32, #tpu.memory_space<vmem>>
    %dma_wait3A_1927 = arith.constant 0 : i32
    %dma_wait3A_1928 = tpu.memref_slice %arg3[%dma_wait3A_1922, %dma_wait3A_1927] : memref<1024x76800xf32, #tpu.memory_space<hbm>> -> memref<1x15360xf32, #tpu.memory_space<hbm>>
    %dma_wait3A_1929 = tpu.memref_squeeze %dma_wait3A_1928 : memref<1x15360xf32, #tpu.memory_space<hbm>> -> memref<15360xf32, #tpu.memory_space<hbm>>
    %dma_wait3A_1930 = arith.constant 0 : i32
    %dma_wait3A_1931 = tpu.memref_slice %arg4[%dma_wait3A_1923, %dma_wait3A_1930] : memref<4x16640xf32, #tpu.memory_space<vmem>> -> memref<1x15360xf32, #tpu.memory_space<vmem>>
    %dma_wait3A_1932 = tpu.memref_squeeze %dma_wait3A_1931 : memref<1x15360xf32, #tpu.memory_space<vmem>> -> memref<15360xf32, #tpu.memory_space<vmem>>
    %dma_wait3A_1933 = arith.constant 0 : i32
    %dma_wait3A_1934 = tpu.memref_slice %arg3[%dma_wait3A_1922, %dma_wait3A_1933] : memref<1024x76800xf32, #tpu.memory_space<hbm>> -> memref<1x15360xf32, #tpu.memory_space<hbm>>
    %dma_wait3A_1935 = tpu.memref_squeeze %dma_wait3A_1934 : memref<1x15360xf32, #tpu.memory_space<hbm>> -> memref<15360xf32, #tpu.memory_space<hbm>>
    tpu.wait_dma2 semaphore(%arg12 : memref<!tpu.dma_semaphore, #tpu.memory_space<semaphore_mem>>) src(%dma_wait3A_1935 : memref<15360xf32, #tpu.memory_space<hbm>>) dst(%dma_wait3A_1932 : memref<15360xf32, #tpu.memory_space<vmem>>)
    %dma_wait3A_1936 = arith.constant 0 : i32
    %dma_wait3A_1937 = arith.constant 0 : i32
    %dma_wait3A_1938 = arith.constant 0 : i32
    %dma_wait3A_1939 = tpu.memref_slice %arg4[%dma_wait3A_1937, %dma_wait3A_1938] : memref<4x16640xf32, #tpu.memory_space<vmem>> -> memref<1x15360xf32, #tpu.memory_space<vmem>>
    %dma_wait3A_1940 = tpu.memref_squeeze %dma_wait3A_1939 : memref<1x15360xf32, #tpu.memory_space<vmem>> -> memref<15360xf32, #tpu.memory_space<vmem>>
    %dma_wait3A_1941 = arith.constant 0 : i32
    %dma_wait3A_1942 = tpu.memref_slice %arg3[%dma_wait3A_1936, %dma_wait3A_1941] : memref<1024x76800xf32, #tpu.memory_space<hbm>> -> memref<1x15360xf32, #tpu.memory_space<hbm>>
    %dma_wait3A_1943 = tpu.memref_squeeze %dma_wait3A_1942 : memref<1x15360xf32, #tpu.memory_space<hbm>> -> memref<15360xf32, #tpu.memory_space<hbm>>
    %dma_wait3A_1944 = arith.constant 0 : i32
    %dma_wait3A_1945 = tpu.memref_slice %arg4[%dma_wait3A_1937, %dma_wait3A_1944] : memref<4x16640xf32, #tpu.memory_space<vmem>> -> memref<1x15360xf32, #tpu.memory_space<vmem>>
    %dma_wait3A_1946 = tpu.memref_squeeze %dma_wait3A_1945 : memref<1x15360xf32, #tpu.memory_space<vmem>> -> memref<15360xf32, #tpu.memory_space<vmem>>
    %dma_wait3A_1947 = arith.constant 0 : i32
    %dma_wait3A_1948 = tpu.memref_slice %arg3[%dma_wait3A_1936, %dma_wait3A_1947] : memref<1024x76800xf32, #tpu.memory_space<hbm>> -> memref<1x15360xf32, #tpu.memory_space<hbm>>
    %dma_wait3A_1949 = tpu.memref_squeeze %dma_wait3A_1948 : memref<1x15360xf32, #tpu.memory_space<hbm>> -> memref<15360xf32, #tpu.memory_space<hbm>>
    tpu.wait_dma2 semaphore(%arg12 : memref<!tpu.dma_semaphore, #tpu.memory_space<semaphore_mem>>) src(%dma_wait3A_1949 : memref<15360xf32, #tpu.memory_space<hbm>>) dst(%dma_wait3A_1946 : memref<15360xf32, #tpu.memory_space<vmem>>)
    %dma_wait3A_1950 = arith.constant 0 : i32
    %dma_wait3A_1951 = arith.constant 0 : i32
    %dma_wait3A_1952 = arith.constant 0 : i32
    %dma_wait3A_1953 = tpu.memref_slice %arg4[%dma_wait3A_1951, %dma_wait3A_1952] : memref<4x16640xf32, #tpu.memory_space<vmem>> -> memref<1x15360xf32, #tpu.memory_space<vmem>>
    %dma_wait3A_1954 = tpu.memref_squeeze %dma_wait3A_1953 : memref<1x15360xf32, #tpu.memory_space<vmem>> -> memref<15360xf32, #tpu.memory_space<vmem>>
    %dma_wait3A_1955 = arith.constant 0 : i32
    %dma_wait3A_1956 = tpu.memref_slice %arg3[%dma_wait3A_1950, %dma_wait3A_1955] : memref<1024x76800xf32, #tpu.memory_space<hbm>> -> memref<1x15360xf32, #tpu.memory_space<hbm>>
    %dma_wait3A_1957 = tpu.memref_squeeze %dma_wait3A_1956 : memref<1x15360xf32, #tpu.memory_space<hbm>> -> memref<15360xf32, #tpu.memory_space<hbm>>
    %dma_wait3A_1958 = arith.constant 0 : i32
    %dma_wait3A_1959 = tpu.memref_slice %arg4[%dma_wait3A_1951, %dma_wait3A_1958] : memref<4x16640xf32, #tpu.memory_space<vmem>> -> memref<1x15360xf32, #tpu.memory_space<vmem>>
    %dma_wait3A_1960 = tpu.memref_squeeze %dma_wait3A_1959 : memref<1x15360xf32, #tpu.memory_space<vmem>> -> memref<15360xf32, #tpu.memory_space<vmem>>
    %dma_wait3A_1961 = arith.constant 0 : i32
    %dma_wait3A_1962 = tpu.memref_slice %arg3[%dma_wait3A_1950, %dma_wait3A_1961] : memref<1024x76800xf32, #tpu.memory_space<hbm>> -> memref<1x15360xf32, #tpu.memory_space<hbm>>
    %dma_wait3A_1963 = tpu.memref_squeeze %dma_wait3A_1962 : memref<1x15360xf32, #tpu.memory_space<hbm>> -> memref<15360xf32, #tpu.memory_space<hbm>>
    tpu.wait_dma2 semaphore(%arg12 : memref<!tpu.dma_semaphore, #tpu.memory_space<semaphore_mem>>) src(%dma_wait3A_1963 : memref<15360xf32, #tpu.memory_space<hbm>>) dst(%dma_wait3A_1960 : memref<15360xf32, #tpu.memory_space<vmem>>)
    %dma_wait3A_1964 = arith.constant 0 : i32
    %dma_wait3A_1965 = arith.constant 0 : i32
    %dma_wait3A_1966 = arith.constant 0 : i32
    %dma_wait3A_1967 = tpu.memref_slice %arg4[%dma_wait3A_1965, %dma_wait3A_1966] : memref<4x16640xf32, #tpu.memory_space<vmem>> -> memref<1x15360xf32, #tpu.memory_space<vmem>>
    %dma_wait3A_1968 = tpu.memref_squeeze %dma_wait3A_1967 : memref<1x15360xf32, #tpu.memory_space<vmem>> -> memref<15360xf32, #tpu.memory_space<vmem>>
    %dma_wait3A_1969 = arith.constant 0 : i32
    %dma_wait3A_1970 = tpu.memref_slice %arg3[%dma_wait3A_1964, %dma_wait3A_1969] : memref<1024x76800xf32, #tpu.memory_space<hbm>> -> memref<1x15360xf32, #tpu.memory_space<hbm>>
    %dma_wait3A_1971 = tpu.memref_squeeze %dma_wait3A_1970 : memref<1x15360xf32, #tpu.memory_space<hbm>> -> memref<15360xf32, #tpu.memory_space<hbm>>
    %dma_wait3A_1972 = arith.constant 0 : i32
    %dma_wait3A_1973 = tpu.memref_slice %arg4[%dma_wait3A_1965, %dma_wait3A_1972] : memref<4x16640xf32, #tpu.memory_space<vmem>> -> memref<1x15360xf32, #tpu.memory_space<vmem>>
    %dma_wait3A_1974 = tpu.memref_squeeze %dma_wait3A_1973 : memref<1x15360xf32, #tpu.memory_space<vmem>> -> memref<15360xf32, #tpu.memory_space<vmem>>
    %dma_wait3A_1975 = arith.constant 0 : i32
    %dma_wait3A_1976 = tpu.memref_slice %arg3[%dma_wait3A_1964, %dma_wait3A_1975] : memref<1024x76800xf32, #tpu.memory_space<hbm>> -> memref<1x15360xf32, #tpu.memory_space<hbm>>
    %dma_wait3A_1977 = tpu.memref_squeeze %dma_wait3A_1976 : memref<1x15360xf32, #tpu.memory_space<hbm>> -> memref<15360xf32, #tpu.memory_space<hbm>>
    tpu.wait_dma2 semaphore(%arg12 : memref<!tpu.dma_semaphore, #tpu.memory_space<semaphore_mem>>) src(%dma_wait3A_1977 : memref<15360xf32, #tpu.memory_space<hbm>>) dst(%dma_wait3A_1974 : memref<15360xf32, #tpu.memory_space<vmem>>)
    %dma_wait3A_1978 = arith.constant 0 : i32
    %dma_wait3A_1979 = arith.constant 0 : i32
    %dma_wait3A_1980 = arith.constant 0 : i32
    %dma_wait3A_1981 = tpu.memref_slice %arg4[%dma_wait3A_1979, %dma_wait3A_1980] : memref<4x16640xf32, #tpu.memory_space<vmem>> -> memref<1x15360xf32, #tpu.memory_space<vmem>>
    %dma_wait3A_1982 = tpu.memref_squeeze %dma_wait3A_1981 : memref<1x15360xf32, #tpu.memory_space<vmem>> -> memref<15360xf32, #tpu.memory_space<vmem>>
    %dma_wait3A_1983 = arith.constant 0 : i32
    %dma_wait3A_1984 = tpu.memref_slice %arg3[%dma_wait3A_1978, %dma_wait3A_1983] : memref<1024x76800xf32, #tpu.memory_space<hbm>> -> memref<1x15360xf32, #tpu.memory_space<hbm>>
    %dma_wait3A_1985 = tpu.memref_squeeze %dma_wait3A_1984 : memref<1x15360xf32, #tpu.memory_space<hbm>> -> memref<15360xf32, #tpu.memory_space<hbm>>
    %dma_wait3A_1986 = arith.constant 0 : i32
    %dma_wait3A_1987 = tpu.memref_slice %arg4[%dma_wait3A_1979, %dma_wait3A_1986] : memref<4x16640xf32, #tpu.memory_space<vmem>> -> memref<1x15360xf32, #tpu.memory_space<vmem>>
    %dma_wait3A_1988 = tpu.memref_squeeze %dma_wait3A_1987 : memref<1x15360xf32, #tpu.memory_space<vmem>> -> memref<15360xf32, #tpu.memory_space<vmem>>
    %dma_wait3A_1989 = arith.constant 0 : i32
    %dma_wait3A_1990 = tpu.memref_slice %arg3[%dma_wait3A_1978, %dma_wait3A_1989] : memref<1024x76800xf32, #tpu.memory_space<hbm>> -> memref<1x15360xf32, #tpu.memory_space<hbm>>
    %dma_wait3A_1991 = tpu.memref_squeeze %dma_wait3A_1990 : memref<1x15360xf32, #tpu.memory_space<hbm>> -> memref<15360xf32, #tpu.memory_space<hbm>>
    tpu.wait_dma2 semaphore(%arg12 : memref<!tpu.dma_semaphore, #tpu.memory_space<semaphore_mem>>) src(%dma_wait3A_1991 : memref<15360xf32, #tpu.memory_space<hbm>>) dst(%dma_wait3A_1988 : memref<15360xf32, #tpu.memory_space<vmem>>)
    %dma_wait3A_1992 = arith.constant 0 : i32
    %dma_wait3A_1993 = arith.constant 0 : i32
    %dma_wait3A_1994 = arith.constant 0 : i32
    %dma_wait3A_1995 = tpu.memref_slice %arg4[%dma_wait3A_1993, %dma_wait3A_1994] : memref<4x16640xf32, #tpu.memory_space<vmem>> -> memref<1x15360xf32, #tpu.memory_space<vmem>>
    %dma_wait3A_1996 = tpu.memref_squeeze %dma_wait3A_1995 : memref<1x15360xf32, #tpu.memory_space<vmem>> -> memref<15360xf32, #tpu.memory_space<vmem>>
    %dma_wait3A_1997 = arith.constant 0 : i32
    %dma_wait3A_1998 = tpu.memref_slice %arg3[%dma_wait3A_1992, %dma_wait3A_1997] : memref<1024x76800xf32, #tpu.memory_space<hbm>> -> memref<1x15360xf32, #tpu.memory_space<hbm>>
    %dma_wait3A_1999 = tpu.memref_squeeze %dma_wait3A_1998 : memref<1x15360xf32, #tpu.memory_space<hbm>> -> memref<15360xf32, #tpu.memory_space<hbm>>
    %dma_wait3A_2000 = arith.constant 0 : i32
    %dma_wait3A_2001 = tpu.memref_slice %arg4[%dma_wait3A_1993, %dma_wait3A_2000] : memref<4x16640xf32, #tpu.memory_space<vmem>> -> memref<1x15360xf32, #tpu.memory_space<vmem>>
    %dma_wait3A_2002 = tpu.memref_squeeze %dma_wait3A_2001 : memref<1x15360xf32, #tpu.memory_space<vmem>> -> memref<15360xf32, #tpu.memory_space<vmem>>
    %dma_wait3A_2003 = arith.constant 0 : i32
    %dma_wait3A_2004 = tpu.memref_slice %arg3[%dma_wait3A_1992, %dma_wait3A_2003] : memref<1024x76800xf32, #tpu.memory_space<hbm>> -> memref<1x15360xf32, #tpu.memory_space<hbm>>
    %dma_wait3A_2005 = tpu.memref_squeeze %dma_wait3A_2004 : memref<1x15360xf32, #tpu.memory_space<hbm>> -> memref<15360xf32, #tpu.memory_space<hbm>>
    tpu.wait_dma2 semaphore(%arg12 : memref<!tpu.dma_semaphore, #tpu.memory_space<semaphore_mem>>) src(%dma_wait3A_2005 : memref<15360xf32, #tpu.memory_space<hbm>>) dst(%dma_wait3A_2002 : memref<15360xf32, #tpu.memory_space<vmem>>)
    %dma_wait3A_2006 = arith.constant 0 : i32
    %dma_wait3A_2007 = arith.constant 0 : i32
    %dma_wait3A_2008 = arith.constant 0 : i32
    %dma_wait3A_2009 = tpu.memref_slice %arg4[%dma_wait3A_2007, %dma_wait3A_2008] : memref<4x16640xf32, #tpu.memory_space<vmem>> -> memref<1x15360xf32, #tpu.memory_space<vmem>>
    %dma_wait3A_2010 = tpu.memref_squeeze %dma_wait3A_2009 : memref<1x15360xf32, #tpu.memory_space<vmem>> -> memref<15360xf32, #tpu.memory_space<vmem>>
    %dma_wait3A_2011 = arith.constant 0 : i32
    %dma_wait3A_2012 = tpu.memref_slice %arg3[%dma_wait3A_2006, %dma_wait3A_2011] : memref<1024x76800xf32, #tpu.memory_space<hbm>> -> memref<1x15360xf32, #tpu.memory_space<hbm>>
    %dma_wait3A_2013 = tpu.memref_squeeze %dma_wait3A_2012 : memref<1x15360xf32, #tpu.memory_space<hbm>> -> memref<15360xf32, #tpu.memory_space<hbm>>
    %dma_wait3A_2014 = arith.constant 0 : i32
    %dma_wait3A_2015 = tpu.memref_slice %arg4[%dma_wait3A_2007, %dma_wait3A_2014] : memref<4x16640xf32, #tpu.memory_space<vmem>> -> memref<1x15360xf32, #tpu.memory_space<vmem>>
    %dma_wait3A_2016 = tpu.memref_squeeze %dma_wait3A_2015 : memref<1x15360xf32, #tpu.memory_space<vmem>> -> memref<15360xf32, #tpu.memory_space<vmem>>
    %dma_wait3A_2017 = arith.constant 0 : i32
    %dma_wait3A_2018 = tpu.memref_slice %arg3[%dma_wait3A_2006, %dma_wait3A_2017] : memref<1024x76800xf32, #tpu.memory_space<hbm>> -> memref<1x15360xf32, #tpu.memory_space<hbm>>
    %dma_wait3A_2019 = tpu.memref_squeeze %dma_wait3A_2018 : memref<1x15360xf32, #tpu.memory_space<hbm>> -> memref<15360xf32, #tpu.memory_space<hbm>>
    tpu.wait_dma2 semaphore(%arg12 : memref<!tpu.dma_semaphore, #tpu.memory_space<semaphore_mem>>) src(%dma_wait3A_2019 : memref<15360xf32, #tpu.memory_space<hbm>>) dst(%dma_wait3A_2016 : memref<15360xf32, #tpu.memory_space<vmem>>)
    %dma_wait3A_2020 = arith.constant 0 : i32
    %dma_wait3A_2021 = arith.constant 0 : i32
    %dma_wait3A_2022 = arith.constant 0 : i32
    %dma_wait3A_2023 = tpu.memref_slice %arg4[%dma_wait3A_2021, %dma_wait3A_2022] : memref<4x16640xf32, #tpu.memory_space<vmem>> -> memref<1x15360xf32, #tpu.memory_space<vmem>>
    %dma_wait3A_2024 = tpu.memref_squeeze %dma_wait3A_2023 : memref<1x15360xf32, #tpu.memory_space<vmem>> -> memref<15360xf32, #tpu.memory_space<vmem>>
    %dma_wait3A_2025 = arith.constant 0 : i32
    %dma_wait3A_2026 = tpu.memref_slice %arg3[%dma_wait3A_2020, %dma_wait3A_2025] : memref<1024x76800xf32, #tpu.memory_space<hbm>> -> memref<1x15360xf32, #tpu.memory_space<hbm>>
    %dma_wait3A_2027 = tpu.memref_squeeze %dma_wait3A_2026 : memref<1x15360xf32, #tpu.memory_space<hbm>> -> memref<15360xf32, #tpu.memory_space<hbm>>
    %dma_wait3A_2028 = arith.constant 0 : i32
    %dma_wait3A_2029 = tpu.memref_slice %arg4[%dma_wait3A_2021, %dma_wait3A_2028] : memref<4x16640xf32, #tpu.memory_space<vmem>> -> memref<1x15360xf32, #tpu.memory_space<vmem>>
    %dma_wait3A_2030 = tpu.memref_squeeze %dma_wait3A_2029 : memref<1x15360xf32, #tpu.memory_space<vmem>> -> memref<15360xf32, #tpu.memory_space<vmem>>
    %dma_wait3A_2031 = arith.constant 0 : i32
    %dma_wait3A_2032 = tpu.memref_slice %arg3[%dma_wait3A_2020, %dma_wait3A_2031] : memref<1024x76800xf32, #tpu.memory_space<hbm>> -> memref<1x15360xf32, #tpu.memory_space<hbm>>
    %dma_wait3A_2033 = tpu.memref_squeeze %dma_wait3A_2032 : memref<1x15360xf32, #tpu.memory_space<hbm>> -> memref<15360xf32, #tpu.memory_space<hbm>>
    tpu.wait_dma2 semaphore(%arg12 : memref<!tpu.dma_semaphore, #tpu.memory_space<semaphore_mem>>) src(%dma_wait3A_2033 : memref<15360xf32, #tpu.memory_space<hbm>>) dst(%dma_wait3A_2030 : memref<15360xf32, #tpu.memory_space<vmem>>)
    %dma_wait3A_2034 = arith.constant 0 : i32
    %dma_wait3A_2035 = arith.constant 0 : i32
    %dma_wait3A_2036 = arith.constant 0 : i32
    %dma_wait3A_2037 = tpu.memref_slice %arg4[%dma_wait3A_2035, %dma_wait3A_2036] : memref<4x16640xf32, #tpu.memory_space<vmem>> -> memref<1x15360xf32, #tpu.memory_space<vmem>>
    %dma_wait3A_2038 = tpu.memref_squeeze %dma_wait3A_2037 : memref<1x15360xf32, #tpu.memory_space<vmem>> -> memref<15360xf32, #tpu.memory_space<vmem>>
    %dma_wait3A_2039 = arith.constant 0 : i32
    %dma_wait3A_2040 = tpu.memref_slice %arg3[%dma_wait3A_2034, %dma_wait3A_2039] : memref<1024x76800xf32, #tpu.memory_space<hbm>> -> memref<1x15360xf32, #tpu.memory_space<hbm>>
    %dma_wait3A_2041 = tpu.memref_squeeze %dma_wait3A_2040 : memref<1x15360xf32, #tpu.memory_space<hbm>> -> memref<15360xf32, #tpu.memory_space<hbm>>
    %dma_wait3A_2042 = arith.constant 0 : i32
    %dma_wait3A_2043 = tpu.memref_slice %arg4[%dma_wait3A_2035, %dma_wait3A_2042] : memref<4x16640xf32, #tpu.memory_space<vmem>> -> memref<1x15360xf32, #tpu.memory_space<vmem>>
    %dma_wait3A_2044 = tpu.memref_squeeze %dma_wait3A_2043 : memref<1x15360xf32, #tpu.memory_space<vmem>> -> memref<15360xf32, #tpu.memory_space<vmem>>
    %dma_wait3A_2045 = arith.constant 0 : i32
    %dma_wait3A_2046 = tpu.memref_slice %arg3[%dma_wait3A_2034, %dma_wait3A_2045] : memref<1024x76800xf32, #tpu.memory_space<hbm>> -> memref<1x15360xf32, #tpu.memory_space<hbm>>
    %dma_wait3A_2047 = tpu.memref_squeeze %dma_wait3A_2046 : memref<1x15360xf32, #tpu.memory_space<hbm>> -> memref<15360xf32, #tpu.memory_space<hbm>>
    tpu.wait_dma2 semaphore(%arg12 : memref<!tpu.dma_semaphore, #tpu.memory_space<semaphore_mem>>) src(%dma_wait3A_2047 : memref<15360xf32, #tpu.memory_space<hbm>>) dst(%dma_wait3A_2044 : memref<15360xf32, #tpu.memory_space<vmem>>)
    %dma_wait3A_2048 = arith.constant 0 : i32
    %dma_wait3A_2049 = arith.constant 0 : i32
    %dma_wait3A_2050 = arith.constant 0 : i32
    %dma_wait3A_2051 = tpu.memref_slice %arg4[%dma_wait3A_2049, %dma_wait3A_2050] : memref<4x16640xf32, #tpu.memory_space<vmem>> -> memref<1x15360xf32, #tpu.memory_space<vmem>>
    %dma_wait3A_2052 = tpu.memref_squeeze %dma_wait3A_2051 : memref<1x15360xf32, #tpu.memory_space<vmem>> -> memref<15360xf32, #tpu.memory_space<vmem>>
    %dma_wait3A_2053 = arith.constant 0 : i32
    %dma_wait3A_2054 = tpu.memref_slice %arg3[%dma_wait3A_2048, %dma_wait3A_2053] : memref<1024x76800xf32, #tpu.memory_space<hbm>> -> memref<1x15360xf32, #tpu.memory_space<hbm>>
    %dma_wait3A_2055 = tpu.memref_squeeze %dma_wait3A_2054 : memref<1x15360xf32, #tpu.memory_space<hbm>> -> memref<15360xf32, #tpu.memory_space<hbm>>
    %dma_wait3A_2056 = arith.constant 0 : i32
    %dma_wait3A_2057 = tpu.memref_slice %arg4[%dma_wait3A_2049, %dma_wait3A_2056] : memref<4x16640xf32, #tpu.memory_space<vmem>> -> memref<1x15360xf32, #tpu.memory_space<vmem>>
    %dma_wait3A_2058 = tpu.memref_squeeze %dma_wait3A_2057 : memref<1x15360xf32, #tpu.memory_space<vmem>> -> memref<15360xf32, #tpu.memory_space<vmem>>
    %dma_wait3A_2059 = arith.constant 0 : i32
    %dma_wait3A_2060 = tpu.memref_slice %arg3[%dma_wait3A_2048, %dma_wait3A_2059] : memref<1024x76800xf32, #tpu.memory_space<hbm>> -> memref<1x15360xf32, #tpu.memory_space<hbm>>
    %dma_wait3A_2061 = tpu.memref_squeeze %dma_wait3A_2060 : memref<1x15360xf32, #tpu.memory_space<hbm>> -> memref<15360xf32, #tpu.memory_space<hbm>>
    tpu.wait_dma2 semaphore(%arg12 : memref<!tpu.dma_semaphore, #tpu.memory_space<semaphore_mem>>) src(%dma_wait3A_2061 : memref<15360xf32, #tpu.memory_space<hbm>>) dst(%dma_wait3A_2058 : memref<15360xf32, #tpu.memory_space<vmem>>)
    %dma_wait3A_2062 = arith.constant 0 : i32
    %dma_wait3A_2063 = arith.constant 0 : i32
    %dma_wait3A_2064 = arith.constant 0 : i32
    %dma_wait3A_2065 = tpu.memref_slice %arg4[%dma_wait3A_2063, %dma_wait3A_2064] : memref<4x16640xf32, #tpu.memory_space<vmem>> -> memref<1x15360xf32, #tpu.memory_space<vmem>>
    %dma_wait3A_2066 = tpu.memref_squeeze %dma_wait3A_2065 : memref<1x15360xf32, #tpu.memory_space<vmem>> -> memref<15360xf32, #tpu.memory_space<vmem>>
    %dma_wait3A_2067 = arith.constant 0 : i32
    %dma_wait3A_2068 = tpu.memref_slice %arg3[%dma_wait3A_2062, %dma_wait3A_2067] : memref<1024x76800xf32, #tpu.memory_space<hbm>> -> memref<1x15360xf32, #tpu.memory_space<hbm>>
    %dma_wait3A_2069 = tpu.memref_squeeze %dma_wait3A_2068 : memref<1x15360xf32, #tpu.memory_space<hbm>> -> memref<15360xf32, #tpu.memory_space<hbm>>
    %dma_wait3A_2070 = arith.constant 0 : i32
    %dma_wait3A_2071 = tpu.memref_slice %arg4[%dma_wait3A_2063, %dma_wait3A_2070] : memref<4x16640xf32, #tpu.memory_space<vmem>> -> memref<1x15360xf32, #tpu.memory_space<vmem>>
    %dma_wait3A_2072 = tpu.memref_squeeze %dma_wait3A_2071 : memref<1x15360xf32, #tpu.memory_space<vmem>> -> memref<15360xf32, #tpu.memory_space<vmem>>
    %dma_wait3A_2073 = arith.constant 0 : i32
    %dma_wait3A_2074 = tpu.memref_slice %arg3[%dma_wait3A_2062, %dma_wait3A_2073] : memref<1024x76800xf32, #tpu.memory_space<hbm>> -> memref<1x15360xf32, #tpu.memory_space<hbm>>
    %dma_wait3A_2075 = tpu.memref_squeeze %dma_wait3A_2074 : memref<1x15360xf32, #tpu.memory_space<hbm>> -> memref<15360xf32, #tpu.memory_space<hbm>>
    tpu.wait_dma2 semaphore(%arg12 : memref<!tpu.dma_semaphore, #tpu.memory_space<semaphore_mem>>) src(%dma_wait3A_2075 : memref<15360xf32, #tpu.memory_space<hbm>>) dst(%dma_wait3A_2072 : memref<15360xf32, #tpu.memory_space<vmem>>)
    %dma_wait3A_2076 = arith.constant 0 : i32
    %dma_wait3A_2077 = arith.constant 0 : i32
    %dma_wait3A_2078 = arith.constant 0 : i32
    %dma_wait3A_2079 = tpu.memref_slice %arg4[%dma_wait3A_2077, %dma_wait3A_2078] : memref<4x16640xf32, #tpu.memory_space<vmem>> -> memref<1x15360xf32, #tpu.memory_space<vmem>>
    %dma_wait3A_2080 = tpu.memref_squeeze %dma_wait3A_2079 : memref<1x15360xf32, #tpu.memory_space<vmem>> -> memref<15360xf32, #tpu.memory_space<vmem>>
    %dma_wait3A_2081 = arith.constant 0 : i32
    %dma_wait3A_2082 = tpu.memref_slice %arg3[%dma_wait3A_2076, %dma_wait3A_2081] : memref<1024x76800xf32, #tpu.memory_space<hbm>> -> memref<1x15360xf32, #tpu.memory_space<hbm>>
    %dma_wait3A_2083 = tpu.memref_squeeze %dma_wait3A_2082 : memref<1x15360xf32, #tpu.memory_space<hbm>> -> memref<15360xf32, #tpu.memory_space<hbm>>
    %dma_wait3A_2084 = arith.constant 0 : i32
    %dma_wait3A_2085 = tpu.memref_slice %arg4[%dma_wait3A_2077, %dma_wait3A_2084] : memref<4x16640xf32, #tpu.memory_space<vmem>> -> memref<1x15360xf32, #tpu.memory_space<vmem>>
    %dma_wait3A_2086 = tpu.memref_squeeze %dma_wait3A_2085 : memref<1x15360xf32, #tpu.memory_space<vmem>> -> memref<15360xf32, #tpu.memory_space<vmem>>
    %dma_wait3A_2087 = arith.constant 0 : i32
    %dma_wait3A_2088 = tpu.memref_slice %arg3[%dma_wait3A_2076, %dma_wait3A_2087] : memref<1024x76800xf32, #tpu.memory_space<hbm>> -> memref<1x15360xf32, #tpu.memory_space<hbm>>
    %dma_wait3A_2089 = tpu.memref_squeeze %dma_wait3A_2088 : memref<1x15360xf32, #tpu.memory_space<hbm>> -> memref<15360xf32, #tpu.memory_space<hbm>>
    tpu.wait_dma2 semaphore(%arg12 : memref<!tpu.dma_semaphore, #tpu.memory_space<semaphore_mem>>) src(%dma_wait3A_2089 : memref<15360xf32, #tpu.memory_space<hbm>>) dst(%dma_wait3A_2086 : memref<15360xf32, #tpu.memory_space<vmem>>)
    %dma_wait3A_2090 = arith.constant 0 : i32
    %dma_wait3A_2091 = arith.constant 0 : i32
    %dma_wait3A_2092 = arith.constant 0 : i32
    %dma_wait3A_2093 = tpu.memref_slice %arg4[%dma_wait3A_2091, %dma_wait3A_2092] : memref<4x16640xf32, #tpu.memory_space<vmem>> -> memref<1x15360xf32, #tpu.memory_space<vmem>>
    %dma_wait3A_2094 = tpu.memref_squeeze %dma_wait3A_2093 : memref<1x15360xf32, #tpu.memory_space<vmem>> -> memref<15360xf32, #tpu.memory_space<vmem>>
    %dma_wait3A_2095 = arith.constant 0 : i32
    %dma_wait3A_2096 = tpu.memref_slice %arg3[%dma_wait3A_2090, %dma_wait3A_2095] : memref<1024x76800xf32, #tpu.memory_space<hbm>> -> memref<1x15360xf32, #tpu.memory_space<hbm>>
    %dma_wait3A_2097 = tpu.memref_squeeze %dma_wait3A_2096 : memref<1x15360xf32, #tpu.memory_space<hbm>> -> memref<15360xf32, #tpu.memory_space<hbm>>
    %dma_wait3A_2098 = arith.constant 0 : i32
    %dma_wait3A_2099 = tpu.memref_slice %arg4[%dma_wait3A_2091, %dma_wait3A_2098] : memref<4x16640xf32, #tpu.memory_space<vmem>> -> memref<1x15360xf32, #tpu.memory_space<vmem>>
    %dma_wait3A_2100 = tpu.memref_squeeze %dma_wait3A_2099 : memref<1x15360xf32, #tpu.memory_space<vmem>> -> memref<15360xf32, #tpu.memory_space<vmem>>
    %dma_wait3A_2101 = arith.constant 0 : i32
    %dma_wait3A_2102 = tpu.memref_slice %arg3[%dma_wait3A_2090, %dma_wait3A_2101] : memref<1024x76800xf32, #tpu.memory_space<hbm>> -> memref<1x15360xf32, #tpu.memory_space<hbm>>
    %dma_wait3A_2103 = tpu.memref_squeeze %dma_wait3A_2102 : memref<1x15360xf32, #tpu.memory_space<hbm>> -> memref<15360xf32, #tpu.memory_space<hbm>>
    tpu.wait_dma2 semaphore(%arg12 : memref<!tpu.dma_semaphore, #tpu.memory_space<semaphore_mem>>) src(%dma_wait3A_2103 : memref<15360xf32, #tpu.memory_space<hbm>>) dst(%dma_wait3A_2100 : memref<15360xf32, #tpu.memory_space<vmem>>)
    %dma_wait3A_2104 = arith.constant 0 : i32
    %dma_wait3A_2105 = arith.constant 0 : i32
    %dma_wait3A_2106 = arith.constant 0 : i32
    %dma_wait3A_2107 = tpu.memref_slice %arg4[%dma_wait3A_2105, %dma_wait3A_2106] : memref<4x16640xf32, #tpu.memory_space<vmem>> -> memref<1x15360xf32, #tpu.memory_space<vmem>>
    %dma_wait3A_2108 = tpu.memref_squeeze %dma_wait3A_2107 : memref<1x15360xf32, #tpu.memory_space<vmem>> -> memref<15360xf32, #tpu.memory_space<vmem>>
    %dma_wait3A_2109 = arith.constant 0 : i32
    %dma_wait3A_2110 = tpu.memref_slice %arg3[%dma_wait3A_2104, %dma_wait3A_2109] : memref<1024x76800xf32, #tpu.memory_space<hbm>> -> memref<1x15360xf32, #tpu.memory_space<hbm>>
    %dma_wait3A_2111 = tpu.memref_squeeze %dma_wait3A_2110 : memref<1x15360xf32, #tpu.memory_space<hbm>> -> memref<15360xf32, #tpu.memory_space<hbm>>
    %dma_wait3A_2112 = arith.constant 0 : i32
    %dma_wait3A_2113 = tpu.memref_slice %arg4[%dma_wait3A_2105, %dma_wait3A_2112] : memref<4x16640xf32, #tpu.memory_space<vmem>> -> memref<1x15360xf32, #tpu.memory_space<vmem>>
    %dma_wait3A_2114 = tpu.memref_squeeze %dma_wait3A_2113 : memref<1x15360xf32, #tpu.memory_space<vmem>> -> memref<15360xf32, #tpu.memory_space<vmem>>
    %dma_wait3A_2115 = arith.constant 0 : i32
    %dma_wait3A_2116 = tpu.memref_slice %arg3[%dma_wait3A_2104, %dma_wait3A_2115] : memref<1024x76800xf32, #tpu.memory_space<hbm>> -> memref<1x15360xf32, #tpu.memory_space<hbm>>
    %dma_wait3A_2117 = tpu.memref_squeeze %dma_wait3A_2116 : memref<1x15360xf32, #tpu.memory_space<hbm>> -> memref<15360xf32, #tpu.memory_space<hbm>>
    tpu.wait_dma2 semaphore(%arg12 : memref<!tpu.dma_semaphore, #tpu.memory_space<semaphore_mem>>) src(%dma_wait3A_2117 : memref<15360xf32, #tpu.memory_space<hbm>>) dst(%dma_wait3A_2114 : memref<15360xf32, #tpu.memory_space<vmem>>)
    %dma_wait3A_2118 = arith.constant 0 : i32
    %dma_wait3A_2119 = arith.constant 0 : i32
    %dma_wait3A_2120 = arith.constant 0 : i32
    %dma_wait3A_2121 = tpu.memref_slice %arg4[%dma_wait3A_2119, %dma_wait3A_2120] : memref<4x16640xf32, #tpu.memory_space<vmem>> -> memref<1x15360xf32, #tpu.memory_space<vmem>>
    %dma_wait3A_2122 = tpu.memref_squeeze %dma_wait3A_2121 : memref<1x15360xf32, #tpu.memory_space<vmem>> -> memref<15360xf32, #tpu.memory_space<vmem>>
    %dma_wait3A_2123 = arith.constant 0 : i32
    %dma_wait3A_2124 = tpu.memref_slice %arg3[%dma_wait3A_2118, %dma_wait3A_2123] : memref<1024x76800xf32, #tpu.memory_space<hbm>> -> memref<1x15360xf32, #tpu.memory_space<hbm>>
    %dma_wait3A_2125 = tpu.memref_squeeze %dma_wait3A_2124 : memref<1x15360xf32, #tpu.memory_space<hbm>> -> memref<15360xf32, #tpu.memory_space<hbm>>
    %dma_wait3A_2126 = arith.constant 0 : i32
    %dma_wait3A_2127 = tpu.memref_slice %arg4[%dma_wait3A_2119, %dma_wait3A_2126] : memref<4x16640xf32, #tpu.memory_space<vmem>> -> memref<1x15360xf32, #tpu.memory_space<vmem>>
    %dma_wait3A_2128 = tpu.memref_squeeze %dma_wait3A_2127 : memref<1x15360xf32, #tpu.memory_space<vmem>> -> memref<15360xf32, #tpu.memory_space<vmem>>
    %dma_wait3A_2129 = arith.constant 0 : i32
    %dma_wait3A_2130 = tpu.memref_slice %arg3[%dma_wait3A_2118, %dma_wait3A_2129] : memref<1024x76800xf32, #tpu.memory_space<hbm>> -> memref<1x15360xf32, #tpu.memory_space<hbm>>
    %dma_wait3A_2131 = tpu.memref_squeeze %dma_wait3A_2130 : memref<1x15360xf32, #tpu.memory_space<hbm>> -> memref<15360xf32, #tpu.memory_space<hbm>>
    tpu.wait_dma2 semaphore(%arg12 : memref<!tpu.dma_semaphore, #tpu.memory_space<semaphore_mem>>) src(%dma_wait3A_2131 : memref<15360xf32, #tpu.memory_space<hbm>>) dst(%dma_wait3A_2128 : memref<15360xf32, #tpu.memory_space<vmem>>)
    %dma_wait3A_2132 = arith.constant 0 : i32
    %dma_wait3A_2133 = arith.constant 0 : i32
    %dma_wait3A_2134 = arith.constant 0 : i32
    %dma_wait3A_2135 = tpu.memref_slice %arg4[%dma_wait3A_2133, %dma_wait3A_2134] : memref<4x16640xf32, #tpu.memory_space<vmem>> -> memref<1x15360xf32, #tpu.memory_space<vmem>>
    %dma_wait3A_2136 = tpu.memref_squeeze %dma_wait3A_2135 : memref<1x15360xf32, #tpu.memory_space<vmem>> -> memref<15360xf32, #tpu.memory_space<vmem>>
    %dma_wait3A_2137 = arith.constant 0 : i32
    %dma_wait3A_2138 = tpu.memref_slice %arg3[%dma_wait3A_2132, %dma_wait3A_2137] : memref<1024x76800xf32, #tpu.memory_space<hbm>> -> memref<1x15360xf32, #tpu.memory_space<hbm>>
    %dma_wait3A_2139 = tpu.memref_squeeze %dma_wait3A_2138 : memref<1x15360xf32, #tpu.memory_space<hbm>> -> memref<15360xf32, #tpu.memory_space<hbm>>
    %dma_wait3A_2140 = arith.constant 0 : i32
    %dma_wait3A_2141 = tpu.memref_slice %arg4[%dma_wait3A_2133, %dma_wait3A_2140] : memref<4x16640xf32, #tpu.memory_space<vmem>> -> memref<1x15360xf32, #tpu.memory_space<vmem>>
    %dma_wait3A_2142 = tpu.memref_squeeze %dma_wait3A_2141 : memref<1x15360xf32, #tpu.memory_space<vmem>> -> memref<15360xf32, #tpu.memory_space<vmem>>
    %dma_wait3A_2143 = arith.constant 0 : i32
    %dma_wait3A_2144 = tpu.memref_slice %arg3[%dma_wait3A_2132, %dma_wait3A_2143] : memref<1024x76800xf32, #tpu.memory_space<hbm>> -> memref<1x15360xf32, #tpu.memory_space<hbm>>
    %dma_wait3A_2145 = tpu.memref_squeeze %dma_wait3A_2144 : memref<1x15360xf32, #tpu.memory_space<hbm>> -> memref<15360xf32, #tpu.memory_space<hbm>>
    tpu.wait_dma2 semaphore(%arg12 : memref<!tpu.dma_semaphore, #tpu.memory_space<semaphore_mem>>) src(%dma_wait3A_2145 : memref<15360xf32, #tpu.memory_space<hbm>>) dst(%dma_wait3A_2142 : memref<15360xf32, #tpu.memory_space<vmem>>)
    %dma_wait3A_2146 = arith.constant 0 : i32
    %dma_wait3A_2147 = arith.constant 0 : i32
    %dma_wait3A_2148 = arith.constant 0 : i32
    %dma_wait3A_2149 = tpu.memref_slice %arg4[%dma_wait3A_2147, %dma_wait3A_2148] : memref<4x16640xf32, #tpu.memory_space<vmem>> -> memref<1x15360xf32, #tpu.memory_space<vmem>>
    %dma_wait3A_2150 = tpu.memref_squeeze %dma_wait3A_2149 : memref<1x15360xf32, #tpu.memory_space<vmem>> -> memref<15360xf32, #tpu.memory_space<vmem>>
    %dma_wait3A_2151 = arith.constant 0 : i32
    %dma_wait3A_2152 = tpu.memref_slice %arg3[%dma_wait3A_2146, %dma_wait3A_2151] : memref<1024x76800xf32, #tpu.memory_space<hbm>> -> memref<1x15360xf32, #tpu.memory_space<hbm>>
    %dma_wait3A_2153 = tpu.memref_squeeze %dma_wait3A_2152 : memref<1x15360xf32, #tpu.memory_space<hbm>> -> memref<15360xf32, #tpu.memory_space<hbm>>
    %dma_wait3A_2154 = arith.constant 0 : i32
    %dma_wait3A_2155 = tpu.memref_slice %arg4[%dma_wait3A_2147, %dma_wait3A_2154] : memref<4x16640xf32, #tpu.memory_space<vmem>> -> memref<1x15360xf32, #tpu.memory_space<vmem>>
    %dma_wait3A_2156 = tpu.memref_squeeze %dma_wait3A_2155 : memref<1x15360xf32, #tpu.memory_space<vmem>> -> memref<15360xf32, #tpu.memory_space<vmem>>
    %dma_wait3A_2157 = arith.constant 0 : i32
    %dma_wait3A_2158 = tpu.memref_slice %arg3[%dma_wait3A_2146, %dma_wait3A_2157] : memref<1024x76800xf32, #tpu.memory_space<hbm>> -> memref<1x15360xf32, #tpu.memory_space<hbm>>
    %dma_wait3A_2159 = tpu.memref_squeeze %dma_wait3A_2158 : memref<1x15360xf32, #tpu.memory_space<hbm>> -> memref<15360xf32, #tpu.memory_space<hbm>>
    tpu.wait_dma2 semaphore(%arg12 : memref<!tpu.dma_semaphore, #tpu.memory_space<semaphore_mem>>) src(%dma_wait3A_2159 : memref<15360xf32, #tpu.memory_space<hbm>>) dst(%dma_wait3A_2156 : memref<15360xf32, #tpu.memory_space<vmem>>)
    %dma_wait3A_2160 = arith.constant 0 : i32
    %dma_wait3A_2161 = arith.constant 0 : i32
    %dma_wait3A_2162 = arith.constant 0 : i32
    %dma_wait3A_2163 = tpu.memref_slice %arg4[%dma_wait3A_2161, %dma_wait3A_2162] : memref<4x16640xf32, #tpu.memory_space<vmem>> -> memref<1x15360xf32, #tpu.memory_space<vmem>>
    %dma_wait3A_2164 = tpu.memref_squeeze %dma_wait3A_2163 : memref<1x15360xf32, #tpu.memory_space<vmem>> -> memref<15360xf32, #tpu.memory_space<vmem>>
    %dma_wait3A_2165 = arith.constant 0 : i32
    %dma_wait3A_2166 = tpu.memref_slice %arg3[%dma_wait3A_2160, %dma_wait3A_2165] : memref<1024x76800xf32, #tpu.memory_space<hbm>> -> memref<1x15360xf32, #tpu.memory_space<hbm>>
    %dma_wait3A_2167 = tpu.memref_squeeze %dma_wait3A_2166 : memref<1x15360xf32, #tpu.memory_space<hbm>> -> memref<15360xf32, #tpu.memory_space<hbm>>
    %dma_wait3A_2168 = arith.constant 0 : i32
    %dma_wait3A_2169 = tpu.memref_slice %arg4[%dma_wait3A_2161, %dma_wait3A_2168] : memref<4x16640xf32, #tpu.memory_space<vmem>> -> memref<1x15360xf32, #tpu.memory_space<vmem>>
    %dma_wait3A_2170 = tpu.memref_squeeze %dma_wait3A_2169 : memref<1x15360xf32, #tpu.memory_space<vmem>> -> memref<15360xf32, #tpu.memory_space<vmem>>
    %dma_wait3A_2171 = arith.constant 0 : i32
    %dma_wait3A_2172 = tpu.memref_slice %arg3[%dma_wait3A_2160, %dma_wait3A_2171] : memref<1024x76800xf32, #tpu.memory_space<hbm>> -> memref<1x15360xf32, #tpu.memory_space<hbm>>
    %dma_wait3A_2173 = tpu.memref_squeeze %dma_wait3A_2172 : memref<1x15360xf32, #tpu.memory_space<hbm>> -> memref<15360xf32, #tpu.memory_space<hbm>>
    tpu.wait_dma2 semaphore(%arg12 : memref<!tpu.dma_semaphore, #tpu.memory_space<semaphore_mem>>) src(%dma_wait3A_2173 : memref<15360xf32, #tpu.memory_space<hbm>>) dst(%dma_wait3A_2170 : memref<15360xf32, #tpu.memory_space<vmem>>)
    %dma_wait3A_2174 = arith.constant 0 : i32
    %dma_wait3A_2175 = arith.constant 0 : i32
    %dma_wait3A_2176 = arith.constant 0 : i32
    %dma_wait3A_2177 = tpu.memref_slice %arg4[%dma_wait3A_2175, %dma_wait3A_2176] : memref<4x16640xf32, #tpu.memory_space<vmem>> -> memref<1x15360xf32, #tpu.memory_space<vmem>>
    %dma_wait3A_2178 = tpu.memref_squeeze %dma_wait3A_2177 : memref<1x15360xf32, #tpu.memory_space<vmem>> -> memref<15360xf32, #tpu.memory_space<vmem>>
    %dma_wait3A_2179 = arith.constant 0 : i32
    %dma_wait3A_2180 = tpu.memref_slice %arg3[%dma_wait3A_2174, %dma_wait3A_2179] : memref<1024x76800xf32, #tpu.memory_space<hbm>> -> memref<1x15360xf32, #tpu.memory_space<hbm>>
    %dma_wait3A_2181 = tpu.memref_squeeze %dma_wait3A_2180 : memref<1x15360xf32, #tpu.memory_space<hbm>> -> memref<15360xf32, #tpu.memory_space<hbm>>
    %dma_wait3A_2182 = arith.constant 0 : i32
    %dma_wait3A_2183 = tpu.memref_slice %arg4[%dma_wait3A_2175, %dma_wait3A_2182] : memref<4x16640xf32, #tpu.memory_space<vmem>> -> memref<1x15360xf32, #tpu.memory_space<vmem>>
    %dma_wait3A_2184 = tpu.memref_squeeze %dma_wait3A_2183 : memref<1x15360xf32, #tpu.memory_space<vmem>> -> memref<15360xf32, #tpu.memory_space<vmem>>
    %dma_wait3A_2185 = arith.constant 0 : i32
    %dma_wait3A_2186 = tpu.memref_slice %arg3[%dma_wait3A_2174, %dma_wait3A_2185] : memref<1024x76800xf32, #tpu.memory_space<hbm>> -> memref<1x15360xf32, #tpu.memory_space<hbm>>
    %dma_wait3A_2187 = tpu.memref_squeeze %dma_wait3A_2186 : memref<1x15360xf32, #tpu.memory_space<hbm>> -> memref<15360xf32, #tpu.memory_space<hbm>>
    tpu.wait_dma2 semaphore(%arg12 : memref<!tpu.dma_semaphore, #tpu.memory_space<semaphore_mem>>) src(%dma_wait3A_2187 : memref<15360xf32, #tpu.memory_space<hbm>>) dst(%dma_wait3A_2184 : memref<15360xf32, #tpu.memory_space<vmem>>)
    %dma_wait3A_2188 = arith.constant 0 : i32
    %dma_wait3A_2189 = arith.constant 0 : i32
    %dma_wait3A_2190 = arith.constant 0 : i32
    %dma_wait3A_2191 = tpu.memref_slice %arg4[%dma_wait3A_2189, %dma_wait3A_2190] : memref<4x16640xf32, #tpu.memory_space<vmem>> -> memref<1x15360xf32, #tpu.memory_space<vmem>>
    %dma_wait3A_2192 = tpu.memref_squeeze %dma_wait3A_2191 : memref<1x15360xf32, #tpu.memory_space<vmem>> -> memref<15360xf32, #tpu.memory_space<vmem>>
    %dma_wait3A_2193 = arith.constant 0 : i32
    %dma_wait3A_2194 = tpu.memref_slice %arg3[%dma_wait3A_2188, %dma_wait3A_2193] : memref<1024x76800xf32, #tpu.memory_space<hbm>> -> memref<1x15360xf32, #tpu.memory_space<hbm>>
    %dma_wait3A_2195 = tpu.memref_squeeze %dma_wait3A_2194 : memref<1x15360xf32, #tpu.memory_space<hbm>> -> memref<15360xf32, #tpu.memory_space<hbm>>
    %dma_wait3A_2196 = arith.constant 0 : i32
    %dma_wait3A_2197 = tpu.memref_slice %arg4[%dma_wait3A_2189, %dma_wait3A_2196] : memref<4x16640xf32, #tpu.memory_space<vmem>> -> memref<1x15360xf32, #tpu.memory_space<vmem>>
    %dma_wait3A_2198 = tpu.memref_squeeze %dma_wait3A_2197 : memref<1x15360xf32, #tpu.memory_space<vmem>> -> memref<15360xf32, #tpu.memory_space<vmem>>
    %dma_wait3A_2199 = arith.constant 0 : i32
    %dma_wait3A_2200 = tpu.memref_slice %arg3[%dma_wait3A_2188, %dma_wait3A_2199] : memref<1024x76800xf32, #tpu.memory_space<hbm>> -> memref<1x15360xf32, #tpu.memory_space<hbm>>
    %dma_wait3A_2201 = tpu.memref_squeeze %dma_wait3A_2200 : memref<1x15360xf32, #tpu.memory_space<hbm>> -> memref<15360xf32, #tpu.memory_space<hbm>>
    tpu.wait_dma2 semaphore(%arg12 : memref<!tpu.dma_semaphore, #tpu.memory_space<semaphore_mem>>) src(%dma_wait3A_2201 : memref<15360xf32, #tpu.memory_space<hbm>>) dst(%dma_wait3A_2198 : memref<15360xf32, #tpu.memory_space<vmem>>)
    %dma_wait3A_2202 = arith.constant 0 : i32
    %dma_wait3A_2203 = arith.constant 0 : i32
    %dma_wait3A_2204 = arith.constant 0 : i32
    %dma_wait3A_2205 = tpu.memref_slice %arg4[%dma_wait3A_2203, %dma_wait3A_2204] : memref<4x16640xf32, #tpu.memory_space<vmem>> -> memref<1x15360xf32, #tpu.memory_space<vmem>>
    %dma_wait3A_2206 = tpu.memref_squeeze %dma_wait3A_2205 : memref<1x15360xf32, #tpu.memory_space<vmem>> -> memref<15360xf32, #tpu.memory_space<vmem>>
    %dma_wait3A_2207 = arith.constant 0 : i32
    %dma_wait3A_2208 = tpu.memref_slice %arg3[%dma_wait3A_2202, %dma_wait3A_2207] : memref<1024x76800xf32, #tpu.memory_space<hbm>> -> memref<1x15360xf32, #tpu.memory_space<hbm>>
    %dma_wait3A_2209 = tpu.memref_squeeze %dma_wait3A_2208 : memref<1x15360xf32, #tpu.memory_space<hbm>> -> memref<15360xf32, #tpu.memory_space<hbm>>
    %dma_wait3A_2210 = arith.constant 0 : i32
    %dma_wait3A_2211 = tpu.memref_slice %arg4[%dma_wait3A_2203, %dma_wait3A_2210] : memref<4x16640xf32, #tpu.memory_space<vmem>> -> memref<1x15360xf32, #tpu.memory_space<vmem>>
    %dma_wait3A_2212 = tpu.memref_squeeze %dma_wait3A_2211 : memref<1x15360xf32, #tpu.memory_space<vmem>> -> memref<15360xf32, #tpu.memory_space<vmem>>
    %dma_wait3A_2213 = arith.constant 0 : i32
    %dma_wait3A_2214 = tpu.memref_slice %arg3[%dma_wait3A_2202, %dma_wait3A_2213] : memref<1024x76800xf32, #tpu.memory_space<hbm>> -> memref<1x15360xf32, #tpu.memory_space<hbm>>
    %dma_wait3A_2215 = tpu.memref_squeeze %dma_wait3A_2214 : memref<1x15360xf32, #tpu.memory_space<hbm>> -> memref<15360xf32, #tpu.memory_space<hbm>>
    tpu.wait_dma2 semaphore(%arg12 : memref<!tpu.dma_semaphore, #tpu.memory_space<semaphore_mem>>) src(%dma_wait3A_2215 : memref<15360xf32, #tpu.memory_space<hbm>>) dst(%dma_wait3A_2212 : memref<15360xf32, #tpu.memory_space<vmem>>)
    %dma_wait3A_2216 = arith.constant 0 : i32
    %dma_wait3A_2217 = arith.constant 0 : i32
    %dma_wait3A_2218 = arith.constant 0 : i32
    %dma_wait3A_2219 = tpu.memref_slice %arg4[%dma_wait3A_2217, %dma_wait3A_2218] : memref<4x16640xf32, #tpu.memory_space<vmem>> -> memref<1x15360xf32, #tpu.memory_space<vmem>>
    %dma_wait3A_2220 = tpu.memref_squeeze %dma_wait3A_2219 : memref<1x15360xf32, #tpu.memory_space<vmem>> -> memref<15360xf32, #tpu.memory_space<vmem>>
    %dma_wait3A_2221 = arith.constant 0 : i32
    %dma_wait3A_2222 = tpu.memref_slice %arg3[%dma_wait3A_2216, %dma_wait3A_2221] : memref<1024x76800xf32, #tpu.memory_space<hbm>> -> memref<1x15360xf32, #tpu.memory_space<hbm>>
    %dma_wait3A_2223 = tpu.memref_squeeze %dma_wait3A_2222 : memref<1x15360xf32, #tpu.memory_space<hbm>> -> memref<15360xf32, #tpu.memory_space<hbm>>
    %dma_wait3A_2224 = arith.constant 0 : i32
    %dma_wait3A_2225 = tpu.memref_slice %arg4[%dma_wait3A_2217, %dma_wait3A_2224] : memref<4x16640xf32, #tpu.memory_space<vmem>> -> memref<1x15360xf32, #tpu.memory_space<vmem>>
    %dma_wait3A_2226 = tpu.memref_squeeze %dma_wait3A_2225 : memref<1x15360xf32, #tpu.memory_space<vmem>> -> memref<15360xf32, #tpu.memory_space<vmem>>
    %dma_wait3A_2227 = arith.constant 0 : i32
    %dma_wait3A_2228 = tpu.memref_slice %arg3[%dma_wait3A_2216, %dma_wait3A_2227] : memref<1024x76800xf32, #tpu.memory_space<hbm>> -> memref<1x15360xf32, #tpu.memory_space<hbm>>
    %dma_wait3A_2229 = tpu.memref_squeeze %dma_wait3A_2228 : memref<1x15360xf32, #tpu.memory_space<hbm>> -> memref<15360xf32, #tpu.memory_space<hbm>>
    tpu.wait_dma2 semaphore(%arg12 : memref<!tpu.dma_semaphore, #tpu.memory_space<semaphore_mem>>) src(%dma_wait3A_2229 : memref<15360xf32, #tpu.memory_space<hbm>>) dst(%dma_wait3A_2226 : memref<15360xf32, #tpu.memory_space<vmem>>)
    %dma_wait3A_2230 = arith.constant 0 : i32
    %dma_wait3A_2231 = arith.constant 0 : i32
    %dma_wait3A_2232 = arith.constant 0 : i32
    %dma_wait3A_2233 = tpu.memref_slice %arg4[%dma_wait3A_2231, %dma_wait3A_2232] : memref<4x16640xf32, #tpu.memory_space<vmem>> -> memref<1x15360xf32, #tpu.memory_space<vmem>>
    %dma_wait3A_2234 = tpu.memref_squeeze %dma_wait3A_2233 : memref<1x15360xf32, #tpu.memory_space<vmem>> -> memref<15360xf32, #tpu.memory_space<vmem>>
    %dma_wait3A_2235 = arith.constant 0 : i32
    %dma_wait3A_2236 = tpu.memref_slice %arg3[%dma_wait3A_2230, %dma_wait3A_2235] : memref<1024x76800xf32, #tpu.memory_space<hbm>> -> memref<1x15360xf32, #tpu.memory_space<hbm>>
    %dma_wait3A_2237 = tpu.memref_squeeze %dma_wait3A_2236 : memref<1x15360xf32, #tpu.memory_space<hbm>> -> memref<15360xf32, #tpu.memory_space<hbm>>
    %dma_wait3A_2238 = arith.constant 0 : i32
    %dma_wait3A_2239 = tpu.memref_slice %arg4[%dma_wait3A_2231, %dma_wait3A_2238] : memref<4x16640xf32, #tpu.memory_space<vmem>> -> memref<1x15360xf32, #tpu.memory_space<vmem>>
    %dma_wait3A_2240 = tpu.memref_squeeze %dma_wait3A_2239 : memref<1x15360xf32, #tpu.memory_space<vmem>> -> memref<15360xf32, #tpu.memory_space<vmem>>
    %dma_wait3A_2241 = arith.constant 0 : i32
    %dma_wait3A_2242 = tpu.memref_slice %arg3[%dma_wait3A_2230, %dma_wait3A_2241] : memref<1024x76800xf32, #tpu.memory_space<hbm>> -> memref<1x15360xf32, #tpu.memory_space<hbm>>
    %dma_wait3A_2243 = tpu.memref_squeeze %dma_wait3A_2242 : memref<1x15360xf32, #tpu.memory_space<hbm>> -> memref<15360xf32, #tpu.memory_space<hbm>>
    tpu.wait_dma2 semaphore(%arg12 : memref<!tpu.dma_semaphore, #tpu.memory_space<semaphore_mem>>) src(%dma_wait3A_2243 : memref<15360xf32, #tpu.memory_space<hbm>>) dst(%dma_wait3A_2240 : memref<15360xf32, #tpu.memory_space<vmem>>)
    %dma_wait3A_2244 = arith.constant 0 : i32
    %dma_wait3A_2245 = arith.constant 0 : i32
    %dma_wait3A_2246 = arith.constant 0 : i32
    %dma_wait3A_2247 = tpu.memref_slice %arg4[%dma_wait3A_2245, %dma_wait3A_2246] : memref<4x16640xf32, #tpu.memory_space<vmem>> -> memref<1x15360xf32, #tpu.memory_space<vmem>>
    %dma_wait3A_2248 = tpu.memref_squeeze %dma_wait3A_2247 : memref<1x15360xf32, #tpu.memory_space<vmem>> -> memref<15360xf32, #tpu.memory_space<vmem>>
    %dma_wait3A_2249 = arith.constant 0 : i32
    %dma_wait3A_2250 = tpu.memref_slice %arg3[%dma_wait3A_2244, %dma_wait3A_2249] : memref<1024x76800xf32, #tpu.memory_space<hbm>> -> memref<1x15360xf32, #tpu.memory_space<hbm>>
    %dma_wait3A_2251 = tpu.memref_squeeze %dma_wait3A_2250 : memref<1x15360xf32, #tpu.memory_space<hbm>> -> memref<15360xf32, #tpu.memory_space<hbm>>
    %dma_wait3A_2252 = arith.constant 0 : i32
    %dma_wait3A_2253 = tpu.memref_slice %arg4[%dma_wait3A_2245, %dma_wait3A_2252] : memref<4x16640xf32, #tpu.memory_space<vmem>> -> memref<1x15360xf32, #tpu.memory_space<vmem>>
    %dma_wait3A_2254 = tpu.memref_squeeze %dma_wait3A_2253 : memref<1x15360xf32, #tpu.memory_space<vmem>> -> memref<15360xf32, #tpu.memory_space<vmem>>
    %dma_wait3A_2255 = arith.constant 0 : i32
    %dma_wait3A_2256 = tpu.memref_slice %arg3[%dma_wait3A_2244, %dma_wait3A_2255] : memref<1024x76800xf32, #tpu.memory_space<hbm>> -> memref<1x15360xf32, #tpu.memory_space<hbm>>
    %dma_wait3A_2257 = tpu.memref_squeeze %dma_wait3A_2256 : memref<1x15360xf32, #tpu.memory_space<hbm>> -> memref<15360xf32, #tpu.memory_space<hbm>>
    tpu.wait_dma2 semaphore(%arg12 : memref<!tpu.dma_semaphore, #tpu.memory_space<semaphore_mem>>) src(%dma_wait3A_2257 : memref<15360xf32, #tpu.memory_space<hbm>>) dst(%dma_wait3A_2254 : memref<15360xf32, #tpu.memory_space<vmem>>)
    %dma_wait3A_2258 = arith.constant 0 : i32
    %dma_wait3A_2259 = arith.constant 0 : i32
    %dma_wait3A_2260 = arith.constant 0 : i32
    %dma_wait3A_2261 = tpu.memref_slice %arg4[%dma_wait3A_2259, %dma_wait3A_2260] : memref<4x16640xf32, #tpu.memory_space<vmem>> -> memref<1x15360xf32, #tpu.memory_space<vmem>>
    %dma_wait3A_2262 = tpu.memref_squeeze %dma_wait3A_2261 : memref<1x15360xf32, #tpu.memory_space<vmem>> -> memref<15360xf32, #tpu.memory_space<vmem>>
    %dma_wait3A_2263 = arith.constant 0 : i32
    %dma_wait3A_2264 = tpu.memref_slice %arg3[%dma_wait3A_2258, %dma_wait3A_2263] : memref<1024x76800xf32, #tpu.memory_space<hbm>> -> memref<1x15360xf32, #tpu.memory_space<hbm>>
    %dma_wait3A_2265 = tpu.memref_squeeze %dma_wait3A_2264 : memref<1x15360xf32, #tpu.memory_space<hbm>> -> memref<15360xf32, #tpu.memory_space<hbm>>
    %dma_wait3A_2266 = arith.constant 0 : i32
    %dma_wait3A_2267 = tpu.memref_slice %arg4[%dma_wait3A_2259, %dma_wait3A_2266] : memref<4x16640xf32, #tpu.memory_space<vmem>> -> memref<1x15360xf32, #tpu.memory_space<vmem>>
    %dma_wait3A_2268 = tpu.memref_squeeze %dma_wait3A_2267 : memref<1x15360xf32, #tpu.memory_space<vmem>> -> memref<15360xf32, #tpu.memory_space<vmem>>
    %dma_wait3A_2269 = arith.constant 0 : i32
    %dma_wait3A_2270 = tpu.memref_slice %arg3[%dma_wait3A_2258, %dma_wait3A_2269] : memref<1024x76800xf32, #tpu.memory_space<hbm>> -> memref<1x15360xf32, #tpu.memory_space<hbm>>
    %dma_wait3A_2271 = tpu.memref_squeeze %dma_wait3A_2270 : memref<1x15360xf32, #tpu.memory_space<hbm>> -> memref<15360xf32, #tpu.memory_space<hbm>>
    tpu.wait_dma2 semaphore(%arg12 : memref<!tpu.dma_semaphore, #tpu.memory_space<semaphore_mem>>) src(%dma_wait3A_2271 : memref<15360xf32, #tpu.memory_space<hbm>>) dst(%dma_wait3A_2268 : memref<15360xf32, #tpu.memory_space<vmem>>)
    return
  }
}

</mosaic_0001>

<sc_bundles>
// kernel: kernel.3.cloned.1.call-start
scs
__scs_entry_jumppad:
0x0: {  	(pc) =	sbr.rel $0x88, $3  }
0x1: {  	(tag) =	ssettag $0x0;
	lr =	simm.s32 $0x1  }
0x2: {  	[smem:$0x3FA0] =	sst lr;
	_ =	strace $0xD0000000  }
0x3: {  	_ = 	snop  }
0x4: {  	_ = 	snop  }
0x5: {  	_ = 	snop  }
0x6: {  	_ = 	snop  }
0x7: {  	_ = 	snop  }
__scs_overlays_trampoline_lowered:
0x8: {  	[smem:$0x3FAF] =	sst s0  }
0x9: {  	[smem:$0x3FB0] =	sst s1  }
0xa: {  	[smem:$0x3FB1] =	sst s2  }
0xb: {  	[smem:$0x3FB2] =	sst s3  }
0xc: {  	[smem:$0x3FB3] =	sst s4  }
0xd: {  	[smem:$0x3FB4] =	sst s5  }
0xe: {  	[smem:$0x3FB5] =	sst s6  }
0xf: {  	[smem:$0x3FB6] =	sst s7  }
0x10: {  	[smem:$0x3FB7] =	sst s8  }
0x11: {  	[smem:$0x3FB8] =	sst s9;
	s0 =	simm.s32 @!p0 $0x0  }
0x12: {  	s1 =	sld [smem:$0x3F9E];
	s0 =	simm.s32 @p0 $0x1  }
0x13: {  	[smem:$0x3FB9] =	sst s0;
	s0 =	simm.s32 @!p1 $0x0  }
0x14: {  	s2 =	sld [smem:$0x3F9D];
	s0 =	simm.s32 @p1 $0x1  }
0x15: {  	[smem:$0x3FBA] =	sst s0;
	s0 =	simm.s32 @!p2 $0x0  }
0x16: {  	s3 =	sld [smem:$0x3FDB];
	s0 =	simm.s32 @p2 $0x1  }
0x17: {  	s4 =	simm.s32 $0x1BF5;
	[smem:$0x3FBC] =	sst s0  }
0x18: {  	s0 =	sld [smem:$0x3F9F];
	_ =	swait.ge [sflag:s4], $0x0  }
0x19: {  	s7 =	sld [smem:$0x3FA0]  }
0x1a: {  	s8 =	sadd.s32 $0xFFFFE003, lr  }
0x1b: {  	s9 =	sadd.s32 $0xFFFFFEF7, lr;
	s5 =	simm.s32 $0xFFFFFFFF;
	p2 =	slt.u32 s8, $0xFFFFF086  }
0x1c: {  	p1 =	slt.u32 s9, $0xF7A;
	s5 =	simm.s32 @!p2 $0x0  }
0x1d: {  	s5 =	simm.s32 @p1 $0x1;
	p0 =	seq.s32 s7, s2  }
0x1e: {  	s7 =	smul.u32 @!p0 $0xF7A, s2;
	p2 =	seq.s32 @!p0 s5, $0x0  }
0x1f: {  	s9 =	smul.u32 $0xF7A, s1;
	s8 =	simm.s32 @!p0 $0x1BF5;
	p2 =	por !p2, p0  }
0x20: {  	[sflag:s8] =	ssyncset.s32 @!p0 $0xFFFFF086;
	s6 =	sadd.s32 @!p0 s3, s7;
	s7 =	simm.s32 @!p0 $0x108  }
0x21: {  	s3 =	sadd.s32 s3, s9;
	s6 =	sadd.s32 @!p0 $0x88, s6;
	s7 =	simm.s32 @p2 $0x1082  }
0x22: {  	[simem:s7], [sflag:s8] =	dma.local @!p0 [hbm:s6], $0xF7A  }
0x23: {  	s9 =	sor.u32 $0xD0000000, s2;
	s6 =	simm.s32 $0x108;
	_ =	swait.ge @!p0 [sflag:s8], $0x0  }
0x24: {  	s3 =	sadd.s32 $0x88, s3;
	s6 =	simm.s32 @!p1 $0x1082;
	[sflag:s4] =	ssyncset.s32 $0xFFFFF086  }
0x25: {  	[simem:s6], [sflag:s4] =	dma.local [hbm:s3], $0xF7A  }
0x26: {  	[smem:$0x3FA0] =	sst s1;
	(tag) =	ssettag s2;
	_ =	strace s9  }
0x27: {  	s1 =	sld [smem:$0x3FB0]  }
0x28: {  	s2 =	sld [smem:$0x3FB1]  }
0x29: {  	s4 =	sld [smem:$0x3FB3]  }
0x2a: {  	p0 =	seq.s32 s5, $0x0;
	s5 =	sld [smem:$0x3FB4]  }
0x2b: {  	s6 =	sld [smem:$0x3FB5]  }
0x2c: {  	s7 =	sld [smem:$0x3FB6]  }
0x2d: {  	s3 =	simm.s32 $0x108;
	s8 =	sld [smem:$0x3FB7]  }
0x2e: {  	s3 =	simm.s32 @!p0 $0x1082;
	s9 =	sld [smem:$0x3FB8]  }
0x2f: {  	lr =	sadd.s32 s0, s3;
	s0 =	sld [smem:$0x3FAF]  }
0x30: {  	s3 =	sld [smem:$0x3FB2]  }
0x31: {  	[smem:$0x3FBB] =	sst s10  }
0x32: {  	s10 =	sld [smem:$0x3FB9];
	_ =	sdelay $0x3  }
0x33: {  	p0 =	seq.s32 s10, $0x1;
	s10 =	sld [smem:$0x3FBB];
	_ =	sdelay $0x3  }
0x34: {  	[smem:$0x3FBB] =	sst s10  }
0x35: {  	s10 =	sld [smem:$0x3FBA];
	_ =	sdelay $0x3  }
0x36: {  	p1 =	seq.s32 s10, $0x1;
	s10 =	sld [smem:$0x3FBB];
	_ =	sdelay $0x3  }
0x37: {  	[smem:$0x3FBB] =	sst s10  }
0x38: {  	s10 =	sld [smem:$0x3FBC]  }
0x39: {  	_ = 	snop;
	(pc) =	sbr.ind lr, $3  }
0x3a: {  	_ = 	snop  }
0x3b: {  	_ = 	snop  }
0x3c: {  	p2 =	seq.s32 s10, $0x1;
	s10 =	sld [smem:$0x3FBB]  }
0x3d: {  	_ =	shalt  }
0x3e: {  	_ =	shalt  }
0x3f: {  	_ =	shalt  }
0x40: {  	_ =	shalt  }
0x41: {  	_ =	shalt  }
0x42: {  	_ =	shalt  }
0x43: {  	_ =	shalt  }
0x44: {  	_ =	shalt  }
0x45: {  	_ =	shalt  }
0x46: {  	_ =	shalt  }
0x47: {  	_ =	shalt  }
0x48: {  	_ =	shalt  }
0x49: {  	_ =	shalt  }
0x4a: {  	_ =	shalt  }
0x4b: {  	_ =	shalt  }
0x4c: {  	_ =	shalt  }
0x4d: {  	_ =	shalt  }
0x4e: {  	_ =	shalt  }
0x4f: {  	_ =	shalt  }
0x50: {  	_ =	shalt  }
0x51: {  	_ =	shalt  }
0x52: {  	_ =	shalt  }
0x53: {  	_ =	shalt  }
0x54: {  	_ =	shalt  }
0x55: {  	_ =	shalt  }
0x56: {  	_ =	shalt  }
0x57: {  	_ =	shalt  }
0x58: {  	_ =	shalt  }
0x59: {  	_ =	shalt  }
0x5a: {  	_ =	shalt  }
0x5b: {  	_ =	shalt  }
0x5c: {  	_ =	shalt  }
0x5d: {  	_ =	shalt  }
0x5e: {  	_ =	shalt  }
0x5f: {  	_ =	shalt  }
0x60: {  	_ =	shalt  }
0x61: {  	_ =	shalt  }
0x62: {  	_ =	shalt  }
0x63: {  	_ =	shalt  }
0x64: {  	_ =	shalt  }
0x65: {  	_ =	shalt  }
0x66: {  	_ =	shalt  }
0x67: {  	_ =	shalt  }
0x68: {  	_ =	shalt  }
0x69: {  	_ =	shalt  }
0x6a: {  	_ =	shalt  }
0x6b: {  	_ =	shalt  }
0x6c: {  	_ =	shalt  }
0x6d: {  	_ =	shalt  }
0x6e: {  	_ =	shalt  }
0x6f: {  	_ =	shalt  }
0x70: {  	_ =	shalt  }
0x71: {  	_ =	shalt  }
0x72: {  	_ =	shalt  }
0x73: {  	_ =	shalt  }
0x74: {  	_ =	shalt  }
0x75: {  	_ =	shalt  }
0x76: {  	_ =	shalt  }
0x77: {  	_ =	shalt  }
0x78: {  	_ =	shalt  }
0x79: {  	_ =	shalt  }
0x7a: {  	_ =	shalt  }
0x7b: {  	_ =	shalt  }
0x7c: {  	_ =	shalt  }
0x7d: {  	_ =	shalt  }
0x7e: {  	_ =	shalt  }
0x7f: {  	_ =	shalt  }
0x80: {  	_ =	shalt  }
0x81: {  	_ =	shalt  }
0x82: {  	_ =	shalt  }
0x83: {  	_ =	shalt  }
0x84: {  	_ =	shalt  }
0x85: {  	_ =	shalt  }
0x86: {  	_ =	shalt  }
0x87: {  	_ =	shalt  }
.Lfunc_end0:
.L_simem_size_0:
called_computation_lowered:
.L_overlay_start_0:
0x88: {  	s2 =	sld [smem:$0x3FD9]  }
0x89: {  	s3 =	sld [smem:$0x3FFE];
	_ =	sdelay $0x1  }
0x8a: {  	s1 =	srdreg.scid  }
0x8b: {  	s0 =	sand.u32 $0x1, s1  }
0x8c: {  	s17 =	sshll.u32 s0, $0xA;
	s2 =	sadd.s32 s3, s2  }
0x8d: {  	s2 =	sadd.s32 s2, s17  }
0x8e: {  	[smem:$0x3FC7] =	sst s2  }
0x8f: {  	_ = 	snop  }
0x90: {  	s2 =	sld [smem:$0x3FD0];
	(tm) =	ssettm $0x1  }
0x91: {  	s18 =	sld [smem:$0x3FFB];
	_ =	sdelay $0x3  }
0x92: {  	_ =	strace s18  }
0x93: {  	s3 =	sld [smem:$0x3FFC];
	_ =	sdelay $0x3  }
0x94: {  	_ =	strace s3  }
0x95: {  	s3 =	sld [smem:$0x3FFD];
	_ =	sdelay $0x3  }
0x96: {  	_ =	strace s3  }
0x97: {  	_ =	strace $0x8FFFFFFF  }
0x98: {  	s19 =	sld [smem:$0x3FDB];
	_ =	sdelay $0x1  }
0x99: {  	s4 =	simm.s32 $_scs_section_size  }
0x9a: {  	s5 =	simm.s32 $_size__tile_overlayer_lowered;
	s6 =	simm.s32 $_tile_overlayer_lowered  }
0x9b: {  	s22 =	simm.s32 $0x1BFF;
	s21 =	sshll.u32 s6, $0x1;
	s3 =	sadd.s32 s4, s19  }
0x9c: {  	s7 =	simm.s32 $0x0;
	s20 =	sshll.u32 s5, $0x1;
	s5 =	sadd.s32 s21, s3  }
0x9d: {  	[timem:s7], [sflag:s22] =	dma.local [hbm:s5], s20  }
0x9e: {  	_ =	swait.ge [sflag:s22], s20  }
0x9f: {  	s4 =	ssub.s32 $0x0, s20;
	[sflag:s22] =	ssyncset.done $0x0  }
0xa0: {  	[sflag:s22] =	ssyncadd.s32 s4;
	_ =	sdelay $0x1  }
0xa1: {  	s23 =	simm.s32 $0x1B8B  }
0xa2: {  	_ =	swait.ge [sflag:s23], $0x1  }
0xa3: {  	[sflag:s23] =	ssyncset.done $0x0  }
0xa4: {  	s25 =	simm.s32 $0x1B8E;
	s24 =	sld [smem:$0x3FFE];
	[sflag:s23] =	ssyncadd.s32 $0xFFFFFFFF  }
0xa5: {  	s26 =	simm.s32 $execute0_lowered;
	[smem:$0x3FD2] =	sst s25  }
0xa6: {  	s5 =	sshll.u32 s26, $0x1;
	_ =	strace $0x80000046;
	[dreg:$0x1] =	wrdreg $0xFFFFFFFF  }
0xa7: {  	s28 =	simm.s32 $_size_execute0_lowered;
	s3 =	sadd.s32 s3, s5;
	[dreg:$0x0] =	wrdreg $0x0  }
0xa8: {  	s5 =	sshll.u32 s28, $0x1;
	[dreg:$0x2] =	wrdreg s3  }
0xa9: {  	[dreg:$0x3] =	wrdreg s5  }
0xaa: {  	[dreg:$0x4] =	wrdreg $0xC0  }
0xab: {  	_ =	task [dreg:s7], $0x5FFFF  }
0xac: {  	[dreg:$0x1] =	wrdreg $0xFFFFFFFF  }
0xad: {  	[dreg:$0x0] =	wrdreg $0x60  }
0xae: {  	[dreg:$0x2] =	wrdreg s2  }
0xaf: {  	[dreg:$0x3] =	wrdreg s24  }
0xb0: {  	[dreg:$0x4] =	wrdreg $0x9  }
0xb1: {  	_ =	task.clear_ibuf [dreg:s7], $0x5FFFF;
	_ =	strace $0x90000046  }
0xb2: {  	s29 =	simm.s32 $0x9;
	_ =	strace $0x80000048  }
0xb3: {  	_ =	swait.ge [sflag:s29], $0x1  }
0xb4: {  	[sflag:s29] =	ssyncadd.s32 $0xFFFFFFFF  }
0xb5: {  	_ =	strace $0x90000048  }
0xb6: {  	_ =	sfence  }
0xb7: {  	s30 =	sld [smem:$0x0];
	_ =	sdelay $0x2  }
0xb8: {  	s31 =	sshll.u32 s1, $0xD;
	s1 =	sshrl.u32 s1, $0x2  }
0xb9: {  	s3 =	sand.u32 $0x4000, s31;
	s1 =	sadd.s32 s1, s30  }
0xba: {  	s0 =	sor.u32 s3, s0;
	s1 =	sshll.u32 s1, $0x11  }
0xbb: {  	s0 =	sor.u32 s1, s0  }
0xbc: {  	s0 =	sadd.s32 $0x8F2B, s0  }
0xbd: {  	[sflag:s0] =	ssyncadd.remote.s32 $0x1  }
0xbe: {  	_ =	sfence.sel $0xFFFF  }
0xbf: {  	[dreg:$0x0] =	wrdreg $0xFFFFFFFF;
	(pc) =	sbr.abs _section_cstart, $3  }
0xc0: {  	[dreg:$0x1] =	wrdreg $0xFFFFFFFF  }
0xc1: {  	_ =	task.clear_ibuf [dreg:s7], $0x2FFFF;
	_ =	strace $0x9FFFFFFF  }
0xc2: {  	(tm) =	ssettm $0x7FFFFFFF  }
0xc3: {  	_ =	shalt  }
tec
execute0_lowered:
.L_overlay_start_1:
0x0: {  	(tag) =	ssettag $0x1  }
0x1: {  	s1 =	srdreg.scid  }
0x2: {  	s5 =	rddreg [dreg:$0x0];
	s0 =	stileid.u32  }
0x3: {  	s6 =	rddreg [dreg:$0x1];
	s9 =	simm.s32 $0x3;
	s10 =	simm.s32 $0x4  }
0x4: {  	s11 =	simm.s32 $0x5;
	s4 =	sand.u32 $0x1, s1;
	s2 =	sshll.u32 s0, $0x6  }
0x5: {  	s1 =	simm.s32 $0x0;
	s3 =	sshll.u32 s4, $0x5;
	s4 =	ssub.s32 $0x2, s4  }
.Ltmp0:
0x6: {  	s0 =	sor.u32 s3, s2;
	s3 =	simm.s32 $0x0;
	(pc) =	sbr.rel .LBB2_1-.Ltmp0, $4  }
0x7: {  	s8 =	sshrl.u32 s4, $0x1;
	[dreg:$0x3] =	wrdreg s0;
	s7 =	sshrl.u32 s0, $0x3  }
0x8: {  	[smem:$0x7FF] =	sst s3;
	s8 =	ssub.s32 s4, s8;
	s7 =	smul.u32 $0x4100, s7  }
0x9: {  	s4 =	sadd.s32 $0x400, s6;
	_ =	strace $0x80000047;
	s31 =	smax.u32 s8, $0x1  }
0xa: {  	s8 =	simm.s32 $0x2;
	[dreg:$0x4] =	wrdreg s31;
	s5 =	sadd.s32 s5, s7  }
.LBB2_25:
0xb: {  	_ =	swait.ge [sflag:s8], $0x3C00  }
0xc: {  	[sflag:s8] =	ssyncset.done $0x0  }
0xd: {  	[sflag:s8] =	ssyncadd.s32 $0xFFFFC400  }
0xe: {  	_ =	swait.ge [sflag:s8], $0x3C00  }
0xf: {  	[sflag:s8] =	ssyncset.done $0x0  }
0x10: {  	[sflag:s8] =	ssyncadd.s32 $0xFFFFC400  }
0x11: {  	_ =	swait.ge [sflag:s8], $0x3C00  }
0x12: {  	[sflag:s8] =	ssyncset.done $0x0  }
0x13: {  	[sflag:s8] =	ssyncadd.s32 $0xFFFFC400  }
0x14: {  	_ =	swait.ge [sflag:s8], $0x3C00  }
0x15: {  	[sflag:s8] =	ssyncset.done $0x0  }
0x16: {  	[sflag:s8] =	ssyncadd.s32 $0xFFFFC400  }
0x17: {  	_ =	swait.ge [sflag:s8], $0x3C00  }
0x18: {  	[sflag:s8] =	ssyncset.done $0x0  }
0x19: {  	[sflag:s8] =	ssyncadd.s32 $0xFFFFC400  }
0x1a: {  	_ =	swait.ge [sflag:s8], $0x3C00  }
0x1b: {  	[sflag:s8] =	ssyncset.done $0x0  }
0x1c: {  	[sflag:s8] =	ssyncadd.s32 $0xFFFFC400  }
0x1d: {  	_ =	swait.ge [sflag:s8], $0x3C00  }
0x1e: {  	[sflag:s8] =	ssyncset.done $0x0  }
0x1f: {  	[sflag:s8] =	ssyncadd.s32 $0xFFFFC400  }
0x20: {  	_ =	swait.ge [sflag:s8], $0x3C00  }
0x21: {  	[sflag:s8] =	ssyncset.done $0x0  }
0x22: {  	[sflag:s8] =	ssyncadd.s32 $0xFFFFC400  }
0x23: {  	_ =	swait.ge [sflag:s8], $0x3C00  }
0x24: {  	[sflag:s8] =	ssyncset.done $0x0  }
0x25: {  	[sflag:s8] =	ssyncadd.s32 $0xFFFFC400  }
0x26: {  	_ =	swait.ge [sflag:s8], $0x3C00  }
0x27: {  	[sflag:s8] =	ssyncset.done $0x0  }
0x28: {  	[sflag:s8] =	ssyncadd.s32 $0xFFFFC400  }
0x29: {  	_ =	swait.ge [sflag:s8], $0x3C00  }
0x2a: {  	[sflag:s8] =	ssyncset.done $0x0  }
0x2b: {  	[sflag:s8] =	ssyncadd.s32 $0xFFFFC400  }
0x2c: {  	_ =	swait.ge [sflag:s8], $0x3C00  }
0x2d: {  	[sflag:s8] =	ssyncset.done $0x0  }
0x2e: {  	[sflag:s8] =	ssyncadd.s32 $0xFFFFC400  }
0x2f: {  	_ =	swait.ge [sflag:s8], $0x3C00  }
0x30: {  	[sflag:s8] =	ssyncset.done $0x0  }
0x31: {  	[sflag:s8] =	ssyncadd.s32 $0xFFFFC400  }
0x32: {  	_ =	swait.ge [sflag:s8], $0x3C00  }
0x33: {  	[sflag:s8] =	ssyncset.done $0x0  }
0x34: {  	[sflag:s8] =	ssyncadd.s32 $0xFFFFC400  }
0x35: {  	_ =	swait.ge [sflag:s8], $0x3C00  }
0x36: {  	[sflag:s8] =	ssyncset.done $0x0  }
0x37: {  	[sflag:s8] =	ssyncadd.s32 $0xFFFFC400  }
0x38: {  	_ =	swait.ge [sflag:s8], $0x3C00  }
0x39: {  	[sflag:s8] =	ssyncset.done $0x0  }
0x3a: {  	[sflag:s8] =	ssyncadd.s32 $0xFFFFC400  }
0x3b: {  	_ =	swait.ge [sflag:s8], $0x3C00  }
0x3c: {  	[sflag:s8] =	ssyncset.done $0x0  }
0x3d: {  	[sflag:s8] =	ssyncadd.s32 $0xFFFFC400  }
0x3e: {  	_ =	swait.ge [sflag:s8], $0x3C00  }
0x3f: {  	[sflag:s8] =	ssyncset.done $0x0  }
0x40: {  	[sflag:s8] =	ssyncadd.s32 $0xFFFFC400  }
0x41: {  	_ =	swait.ge [sflag:s8], $0x3C00  }
0x42: {  	[sflag:s8] =	ssyncset.done $0x0  }
0x43: {  	[sflag:s8] =	ssyncadd.s32 $0xFFFFC400  }
0x44: {  	_ =	swait.ge [sflag:s8], $0x3C00  }
0x45: {  	[sflag:s8] =	ssyncset.done $0x0  }
0x46: {  	[sflag:s8] =	ssyncadd.s32 $0xFFFFC400  }
0x47: {  	_ =	swait.ge [sflag:s8], $0x3C00  }
0x48: {  	[sflag:s8] =	ssyncset.done $0x0  }
0x49: {  	[sflag:s8] =	ssyncadd.s32 $0xFFFFC400  }
0x4a: {  	_ =	swait.ge [sflag:s8], $0x3C00  }
0x4b: {  	[sflag:s8] =	ssyncset.done $0x0  }
0x4c: {  	[sflag:s8] =	ssyncadd.s32 $0xFFFFC400  }
0x4d: {  	_ =	swait.ge [sflag:s8], $0x3C00  }
0x4e: {  	[sflag:s8] =	ssyncset.done $0x0  }
0x4f: {  	[sflag:s8] =	ssyncadd.s32 $0xFFFFC400  }
0x50: {  	_ =	swait.ge [sflag:s8], $0x3C00  }
0x51: {  	[sflag:s8] =	ssyncset.done $0x0  }
0x52: {  	[sflag:s8] =	ssyncadd.s32 $0xFFFFC400  }
0x53: {  	_ =	swait.ge [sflag:s8], $0x3C00  }
0x54: {  	[sflag:s8] =	ssyncset.done $0x0  }
0x55: {  	[sflag:s8] =	ssyncadd.s32 $0xFFFFC400  }
0x56: {  	_ =	swait.ge [sflag:s8], $0x3C00  }
0x57: {  	[sflag:s8] =	ssyncset.done $0x0  }
0x58: {  	[sflag:s8] =	ssyncadd.s32 $0xFFFFC400  }
0x59: {  	_ =	swait.ge [sflag:s8], $0x3C00  }
0x5a: {  	[sflag:s8] =	ssyncset.done $0x0  }
0x5b: {  	[sflag:s8] =	ssyncadd.s32 $0xFFFFC400  }
0x5c: {  	_ =	swait.ge [sflag:s8], $0x3C00  }
0x5d: {  	[sflag:s8] =	ssyncset.done $0x0  }
0x5e: {  	[sflag:s8] =	ssyncadd.s32 $0xFFFFC400  }
0x5f: {  	_ =	swait.ge [sflag:s8], $0x3C00  }
0x60: {  	[sflag:s8] =	ssyncset.done $0x0  }
0x61: {  	[sflag:s8] =	ssyncadd.s32 $0xFFFFC400  }
0x62: {  	_ =	swait.ge [sflag:s8], $0x3C00  }
0x63: {  	[sflag:s8] =	ssyncset.done $0x0  }
0x64: {  	[sflag:s8] =	ssyncadd.s32 $0xFFFFC400  }
0x65: {  	_ =	swait.ge [sflag:s8], $0x3C00  }
0x66: {  	[sflag:s8] =	ssyncset.done $0x0  }
0x67: {  	[sflag:s8] =	ssyncadd.s32 $0xFFFFC400  }
0x68: {  	_ =	swait.ge [sflag:s8], $0x3C00  }
0x69: {  	[sflag:s8] =	ssyncset.done $0x0  }
0x6a: {  	[sflag:s8] =	ssyncadd.s32 $0xFFFFC400  }
0x6b: {  	_ =	swait.ge [sflag:s8], $0x3C00  }
0x6c: {  	[sflag:s8] =	ssyncset.done $0x0  }
0x6d: {  	[sflag:s8] =	ssyncadd.s32 $0xFFFFC400  }
0x6e: {  	_ =	swait.ge [sflag:s8], $0x3C00  }
0x6f: {  	[sflag:s8] =	ssyncset.done $0x0  }
0x70: {  	[sflag:s8] =	ssyncadd.s32 $0xFFFFC400  }
0x71: {  	_ =	swait.ge [sflag:s8], $0x3C00  }
0x72: {  	[sflag:s8] =	ssyncset.done $0x0  }
0x73: {  	[sflag:s8] =	ssyncadd.s32 $0xFFFFC400  }
0x74: {  	_ =	swait.ge [sflag:s8], $0x3C00  }
0x75: {  	[sflag:s8] =	ssyncset.done $0x0  }
0x76: {  	[sflag:s8] =	ssyncadd.s32 $0xFFFFC400  }
0x77: {  	_ =	swait.ge [sflag:s8], $0x3C00  }
0x78: {  	[sflag:s8] =	ssyncset.done $0x0  }
0x79: {  	[sflag:s8] =	ssyncadd.s32 $0xFFFFC400  }
0x7a: {  	_ =	swait.ge [sflag:s8], $0x3C00  }
0x7b: {  	[sflag:s8] =	ssyncset.done $0x0  }
0x7c: {  	[sflag:s8] =	ssyncadd.s32 $0xFFFFC400  }
0x7d: {  	_ =	swait.ge [sflag:s8], $0x3C00  }
0x7e: {  	[sflag:s8] =	ssyncset.done $0x0  }
0x7f: {  	[sflag:s8] =	ssyncadd.s32 $0xFFFFC400  }
0x80: {  	_ =	swait.ge [sflag:s8], $0x3C00  }
0x81: {  	[sflag:s8] =	ssyncset.done $0x0  }
0x82: {  	[sflag:s8] =	ssyncadd.s32 $0xFFFFC400  }
0x83: {  	_ =	swait.ge [sflag:s9], $0x3C00  }
0x84: {  	[sflag:s9] =	ssyncset.done $0x0  }
0x85: {  	[sflag:s9] =	ssyncadd.s32 $0xFFFFC400  }
0x86: {  	_ =	swait.ge [sflag:s9], $0x3C00  }
0x87: {  	[sflag:s9] =	ssyncset.done $0x0  }
0x88: {  	[sflag:s9] =	ssyncadd.s32 $0xFFFFC400  }
0x89: {  	_ =	swait.ge [sflag:s9], $0x3C00  }
0x8a: {  	[sflag:s9] =	ssyncset.done $0x0  }
0x8b: {  	[sflag:s9] =	ssyncadd.s32 $0xFFFFC400  }
0x8c: {  	_ =	swait.ge [sflag:s9], $0x3C00  }
0x8d: {  	[sflag:s9] =	ssyncset.done $0x0  }
0x8e: {  	[sflag:s9] =	ssyncadd.s32 $0xFFFFC400  }
0x8f: {  	_ =	swait.ge [sflag:s9], $0x3C00  }
0x90: {  	[sflag:s9] =	ssyncset.done $0x0  }
0x91: {  	[sflag:s9] =	ssyncadd.s32 $0xFFFFC400  }
0x92: {  	_ =	swait.ge [sflag:s9], $0x3C00  }
0x93: {  	[sflag:s9] =	ssyncset.done $0x0  }
0x94: {  	[sflag:s9] =	ssyncadd.s32 $0xFFFFC400  }
0x95: {  	_ =	swait.ge [sflag:s9], $0x3C00  }
0x96: {  	[sflag:s9] =	ssyncset.done $0x0  }
0x97: {  	[sflag:s9] =	ssyncadd.s32 $0xFFFFC400  }
0x98: {  	_ =	swait.ge [sflag:s9], $0x3C00  }
0x99: {  	[sflag:s9] =	ssyncset.done $0x0  }
0x9a: {  	[sflag:s9] =	ssyncadd.s32 $0xFFFFC400  }
0x9b: {  	_ =	swait.ge [sflag:s9], $0x3C00  }
0x9c: {  	[sflag:s9] =	ssyncset.done $0x0  }
0x9d: {  	[sflag:s9] =	ssyncadd.s32 $0xFFFFC400  }
0x9e: {  	_ =	swait.ge [sflag:s9], $0x3C00  }
0x9f: {  	[sflag:s9] =	ssyncset.done $0x0  }
0xa0: {  	[sflag:s9] =	ssyncadd.s32 $0xFFFFC400  }
0xa1: {  	_ =	swait.ge [sflag:s9], $0x3C00  }
0xa2: {  	[sflag:s9] =	ssyncset.done $0x0  }
0xa3: {  	[sflag:s9] =	ssyncadd.s32 $0xFFFFC400  }
0xa4: {  	_ =	swait.ge [sflag:s9], $0x3C00  }
0xa5: {  	[sflag:s9] =	ssyncset.done $0x0  }
0xa6: {  	[sflag:s9] =	ssyncadd.s32 $0xFFFFC400  }
0xa7: {  	_ =	swait.ge [sflag:s9], $0x3C00  }
0xa8: {  	[sflag:s9] =	ssyncset.done $0x0  }
0xa9: {  	[sflag:s9] =	ssyncadd.s32 $0xFFFFC400  }
0xaa: {  	_ =	swait.ge [sflag:s9], $0x3C00  }
0xab: {  	[sflag:s9] =	ssyncset.done $0x0  }
0xac: {  	[sflag:s9] =	ssyncadd.s32 $0xFFFFC400  }
0xad: {  	_ =	swait.ge [sflag:s9], $0x3C00  }
0xae: {  	[sflag:s9] =	ssyncset.done $0x0  }
0xaf: {  	[sflag:s9] =	ssyncadd.s32 $0xFFFFC400  }
0xb0: {  	_ =	swait.ge [sflag:s9], $0x3C00  }
0xb1: {  	[sflag:s9] =	ssyncset.done $0x0  }
0xb2: {  	[sflag:s9] =	ssyncadd.s32 $0xFFFFC400  }
0xb3: {  	_ =	swait.ge [sflag:s9], $0x3C00  }
0xb4: {  	[sflag:s9] =	ssyncset.done $0x0  }
0xb5: {  	[sflag:s9] =	ssyncadd.s32 $0xFFFFC400  }
0xb6: {  	_ =	swait.ge [sflag:s9], $0x3C00  }
0xb7: {  	[sflag:s9] =	ssyncset.done $0x0  }
0xb8: {  	[sflag:s9] =	ssyncadd.s32 $0xFFFFC400  }
0xb9: {  	_ =	swait.ge [sflag:s9], $0x3C00  }
0xba: {  	[sflag:s9] =	ssyncset.done $0x0  }
0xbb: {  	[sflag:s9] =	ssyncadd.s32 $0xFFFFC400  }
0xbc: {  	_ =	swait.ge [sflag:s9], $0x3C00  }
0xbd: {  	[sflag:s9] =	ssyncset.done $0x0  }
0xbe: {  	[sflag:s9] =	ssyncadd.s32 $0xFFFFC400  }
0xbf: {  	_ =	swait.ge [sflag:s9], $0x3C00  }
0xc0: {  	[sflag:s9] =	ssyncset.done $0x0  }
0xc1: {  	[sflag:s9] =	ssyncadd.s32 $0xFFFFC400  }
0xc2: {  	_ =	swait.ge [sflag:s9], $0x3C00  }
0xc3: {  	[sflag:s9] =	ssyncset.done $0x0  }
0xc4: {  	[sflag:s9] =	ssyncadd.s32 $0xFFFFC400  }
0xc5: {  	_ =	swait.ge [sflag:s9], $0x3C00  }
0xc6: {  	[sflag:s9] =	ssyncset.done $0x0  }
0xc7: {  	[sflag:s9] =	ssyncadd.s32 $0xFFFFC400  }
0xc8: {  	_ =	swait.ge [sflag:s9], $0x3C00  }
0xc9: {  	[sflag:s9] =	ssyncset.done $0x0  }
0xca: {  	[sflag:s9] =	ssyncadd.s32 $0xFFFFC400  }
0xcb: {  	_ =	swait.ge [sflag:s9], $0x3C00  }
0xcc: {  	[sflag:s9] =	ssyncset.done $0x0  }
0xcd: {  	[sflag:s9] =	ssyncadd.s32 $0xFFFFC400  }
0xce: {  	_ =	swait.ge [sflag:s9], $0x3C00  }
0xcf: {  	[sflag:s9] =	ssyncset.done $0x0  }
0xd0: {  	[sflag:s9] =	ssyncadd.s32 $0xFFFFC400  }
0xd1: {  	_ =	swait.ge [sflag:s9], $0x3C00  }
0xd2: {  	[sflag:s9] =	ssyncset.done $0x0  }
0xd3: {  	[sflag:s9] =	ssyncadd.s32 $0xFFFFC400  }
0xd4: {  	_ =	swait.ge [sflag:s9], $0x3C00  }
0xd5: {  	[sflag:s9] =	ssyncset.done $0x0  }
0xd6: {  	[sflag:s9] =	ssyncadd.s32 $0xFFFFC400  }
0xd7: {  	_ =	swait.ge [sflag:s9], $0x3C00  }
0xd8: {  	[sflag:s9] =	ssyncset.done $0x0  }
0xd9: {  	[sflag:s9] =	ssyncadd.s32 $0xFFFFC400  }
0xda: {  	_ =	swait.ge [sflag:s9], $0x3C00  }
0xdb: {  	[sflag:s9] =	ssyncset.done $0x0  }
0xdc: {  	[sflag:s9] =	ssyncadd.s32 $0xFFFFC400  }
0xdd: {  	_ =	swait.ge [sflag:s9], $0x3C00  }
0xde: {  	[sflag:s9] =	ssyncset.done $0x0  }
0xdf: {  	[sflag:s9] =	ssyncadd.s32 $0xFFFFC400  }
0xe0: {  	_ =	swait.ge [sflag:s9], $0x3C00  }
0xe1: {  	[sflag:s9] =	ssyncset.done $0x0  }
0xe2: {  	[sflag:s9] =	ssyncadd.s32 $0xFFFFC400  }
0xe3: {  	_ =	swait.ge [sflag:s9], $0x3C00  }
0xe4: {  	[sflag:s9] =	ssyncset.done $0x0  }
0xe5: {  	[sflag:s9] =	ssyncadd.s32 $0xFFFFC400  }
0xe6: {  	_ =	swait.ge [sflag:s9], $0x3C00  }
0xe7: {  	[sflag:s9] =	ssyncset.done $0x0  }
0xe8: {  	[sflag:s9] =	ssyncadd.s32 $0xFFFFC400  }
0xe9: {  	_ =	swait.ge [sflag:s9], $0x3C00  }
0xea: {  	[sflag:s9] =	ssyncset.done $0x0  }
0xeb: {  	[sflag:s9] =	ssyncadd.s32 $0xFFFFC400  }
0xec: {  	_ =	swait.ge [sflag:s9], $0x3C00  }
0xed: {  	[sflag:s9] =	ssyncset.done $0x0  }
0xee: {  	[sflag:s9] =	ssyncadd.s32 $0xFFFFC400  }
0xef: {  	_ =	swait.ge [sflag:s9], $0x3C00  }
0xf0: {  	[sflag:s9] =	ssyncset.done $0x0  }
0xf1: {  	[sflag:s9] =	ssyncadd.s32 $0xFFFFC400  }
0xf2: {  	_ =	swait.ge [sflag:s9], $0x3C00  }
0xf3: {  	[sflag:s9] =	ssyncset.done $0x0  }
0xf4: {  	[sflag:s9] =	ssyncadd.s32 $0xFFFFC400  }
0xf5: {  	_ =	swait.ge [sflag:s9], $0x3C00  }
0xf6: {  	[sflag:s9] =	ssyncset.done $0x0  }
0xf7: {  	[sflag:s9] =	ssyncadd.s32 $0xFFFFC400  }
0xf8: {  	_ =	swait.ge [sflag:s9], $0x3C00  }
0xf9: {  	[sflag:s9] =	ssyncset.done $0x0  }
0xfa: {  	[sflag:s9] =	ssyncadd.s32 $0xFFFFC400  }
0xfb: {  	_ =	swait.ge [sflag:s10], $0x3C00  }
0xfc: {  	[sflag:s10] =	ssyncset.done $0x0  }
0xfd: {  	[sflag:s10] =	ssyncadd.s32 $0xFFFFC400  }
0xfe: {  	_ =	swait.ge [sflag:s10], $0x3C00  }
0xff: {  	[sflag:s10] =	ssyncset.done $0x0  }
0x100: {  	[sflag:s10] =	ssyncadd.s32 $0xFFFFC400  }
0x101: {  	_ =	swait.ge [sflag:s10], $0x3C00  }
0x102: {  	[sflag:s10] =	ssyncset.done $0x0  }
0x103: {  	[sflag:s10] =	ssyncadd.s32 $0xFFFFC400  }
0x104: {  	_ =	swait.ge [sflag:s10], $0x3C00  }
0x105: {  	[sflag:s10] =	ssyncset.done $0x0  }
0x106: {  	[sflag:s10] =	ssyncadd.s32 $0xFFFFC400  }
0x107: {  	_ =	swait.ge [sflag:s10], $0x3C00  }
0x108: {  	[sflag:s10] =	ssyncset.done $0x0  }
0x109: {  	[sflag:s10] =	ssyncadd.s32 $0xFFFFC400  }
0x10a: {  	_ =	swait.ge [sflag:s10], $0x3C00  }
0x10b: {  	[sflag:s10] =	ssyncset.done $0x0  }
0x10c: {  	[sflag:s10] =	ssyncadd.s32 $0xFFFFC400  }
0x10d: {  	_ =	swait.ge [sflag:s10], $0x3C00  }
0x10e: {  	[sflag:s10] =	ssyncset.done $0x0  }
0x10f: {  	[sflag:s10] =	ssyncadd.s32 $0xFFFFC400  }
0x110: {  	_ =	swait.ge [sflag:s10], $0x3C00  }
0x111: {  	[sflag:s10] =	ssyncset.done $0x0  }
0x112: {  	[sflag:s10] =	ssyncadd.s32 $0xFFFFC400  }
0x113: {  	_ =	swait.ge [sflag:s10], $0x3C00  }
0x114: {  	[sflag:s10] =	ssyncset.done $0x0  }
0x115: {  	[sflag:s10] =	ssyncadd.s32 $0xFFFFC400  }
0x116: {  	_ =	swait.ge [sflag:s10], $0x3C00  }
0x117: {  	[sflag:s10] =	ssyncset.done $0x0  }
0x118: {  	[sflag:s10] =	ssyncadd.s32 $0xFFFFC400  }
0x119: {  	_ =	swait.ge [sflag:s10], $0x3C00  }
0x11a: {  	[sflag:s10] =	ssyncset.done $0x0  }
0x11b: {  	[sflag:s10] =	ssyncadd.s32 $0xFFFFC400  }
0x11c: {  	_ =	swait.ge [sflag:s10], $0x3C00  }
0x11d: {  	[sflag:s10] =	ssyncset.done $0x0  }
0x11e: {  	[sflag:s10] =	ssyncadd.s32 $0xFFFFC400  }
0x11f: {  	_ =	swait.ge [sflag:s10], $0x3C00  }
0x120: {  	[sflag:s10] =	ssyncset.done $0x0  }
0x121: {  	[sflag:s10] =	ssyncadd.s32 $0xFFFFC400  }
0x122: {  	_ =	swait.ge [sflag:s10], $0x3C00  }
0x123: {  	[sflag:s10] =	ssyncset.done $0x0  }
0x124: {  	[sflag:s10] =	ssyncadd.s32 $0xFFFFC400  }
0x125: {  	_ =	swait.ge [sflag:s10], $0x3C00  }
0x126: {  	[sflag:s10] =	ssyncset.done $0x0  }
0x127: {  	[sflag:s10] =	ssyncadd.s32 $0xFFFFC400  }
0x128: {  	_ =	swait.ge [sflag:s10], $0x3C00  }
0x129: {  	[sflag:s10] =	ssyncset.done $0x0  }
0x12a: {  	[sflag:s10] =	ssyncadd.s32 $0xFFFFC400  }
0x12b: {  	_ =	swait.ge [sflag:s10], $0x3C00  }
0x12c: {  	[sflag:s10] =	ssyncset.done $0x0  }
0x12d: {  	[sflag:s10] =	ssyncadd.s32 $0xFFFFC400  }
0x12e: {  	_ =	swait.ge [sflag:s10], $0x3C00  }
0x12f: {  	[sflag:s10] =	ssyncset.done $0x0  }
0x130: {  	[sflag:s10] =	ssyncadd.s32 $0xFFFFC400  }
0x131: {  	_ =	swait.ge [sflag:s10], $0x3C00  }
0x132: {  	[sflag:s10] =	ssyncset.done $0x0  }
0x133: {  	[sflag:s10] =	ssyncadd.s32 $0xFFFFC400  }
0x134: {  	_ =	swait.ge [sflag:s10], $0x3C00  }
0x135: {  	[sflag:s10] =	ssyncset.done $0x0  }
0x136: {  	[sflag:s10] =	ssyncadd.s32 $0xFFFFC400  }
0x137: {  	_ =	swait.ge [sflag:s10], $0x3C00  }
0x138: {  	[sflag:s10] =	ssyncset.done $0x0  }
0x139: {  	[sflag:s10] =	ssyncadd.s32 $0xFFFFC400  }
0x13a: {  	_ =	swait.ge [sflag:s10], $0x3C00  }
0x13b: {  	[sflag:s10] =	ssyncset.done $0x0  }
0x13c: {  	[sflag:s10] =	ssyncadd.s32 $0xFFFFC400  }
0x13d: {  	_ =	swait.ge [sflag:s10], $0x3C00  }
0x13e: {  	[sflag:s10] =	ssyncset.done $0x0  }
0x13f: {  	[sflag:s10] =	ssyncadd.s32 $0xFFFFC400  }
0x140: {  	_ =	swait.ge [sflag:s10], $0x3C00  }
0x141: {  	[sflag:s10] =	ssyncset.done $0x0  }
0x142: {  	[sflag:s10] =	ssyncadd.s32 $0xFFFFC400  }
0x143: {  	_ =	swait.ge [sflag:s10], $0x3C00  }
0x144: {  	[sflag:s10] =	ssyncset.done $0x0  }
0x145: {  	[sflag:s10] =	ssyncadd.s32 $0xFFFFC400  }
0x146: {  	_ =	swait.ge [sflag:s10], $0x3C00  }
0x147: {  	[sflag:s10] =	ssyncset.done $0x0  }
0x148: {  	[sflag:s10] =	ssyncadd.s32 $0xFFFFC400  }
0x149: {  	_ =	swait.ge [sflag:s10], $0x3C00  }
0x14a: {  	[sflag:s10] =	ssyncset.done $0x0  }
0x14b: {  	[sflag:s10] =	ssyncadd.s32 $0xFFFFC400  }
0x14c: {  	_ =	swait.ge [sflag:s10], $0x3C00  }
0x14d: {  	[sflag:s10] =	ssyncset.done $0x0  }
0x14e: {  	[sflag:s10] =	ssyncadd.s32 $0xFFFFC400  }
0x14f: {  	_ =	swait.ge [sflag:s10], $0x3C00  }
0x150: {  	[sflag:s10] =	ssyncset.done $0x0  }
0x151: {  	[sflag:s10] =	ssyncadd.s32 $0xFFFFC400  }
0x152: {  	_ =	swait.ge [sflag:s10], $0x3C00  }
0x153: {  	[sflag:s10] =	ssyncset.done $0x0  }
0x154: {  	[sflag:s10] =	ssyncadd.s32 $0xFFFFC400  }
0x155: {  	_ =	swait.ge [sflag:s10], $0x3C00  }
0x156: {  	[sflag:s10] =	ssyncset.done $0x0  }
0x157: {  	[sflag:s10] =	ssyncadd.s32 $0xFFFFC400  }
0x158: {  	_ =	swait.ge [sflag:s10], $0x3C00  }
0x159: {  	[sflag:s10] =	ssyncset.done $0x0  }
0x15a: {  	[sflag:s10] =	ssyncadd.s32 $0xFFFFC400  }
0x15b: {  	_ =	swait.ge [sflag:s10], $0x3C00  }
0x15c: {  	[sflag:s10] =	ssyncset.done $0x0  }
0x15d: {  	[sflag:s10] =	ssyncadd.s32 $0xFFFFC400  }
0x15e: {  	_ =	swait.ge [sflag:s10], $0x3C00  }
0x15f: {  	[sflag:s10] =	ssyncset.done $0x0  }
0x160: {  	[sflag:s10] =	ssyncadd.s32 $0xFFFFC400  }
0x161: {  	_ =	swait.ge [sflag:s10], $0x3C00  }
0x162: {  	[sflag:s10] =	ssyncset.done $0x0  }
0x163: {  	[sflag:s10] =	ssyncadd.s32 $0xFFFFC400  }
0x164: {  	_ =	swait.ge [sflag:s10], $0x3C00  }
0x165: {  	[sflag:s10] =	ssyncset.done $0x0  }
0x166: {  	[sflag:s10] =	ssyncadd.s32 $0xFFFFC400  }
0x167: {  	_ =	swait.ge [sflag:s10], $0x3C00  }
0x168: {  	[sflag:s10] =	ssyncset.done $0x0  }
0x169: {  	[sflag:s10] =	ssyncadd.s32 $0xFFFFC400  }
0x16a: {  	_ =	swait.ge [sflag:s10], $0x3C00  }
0x16b: {  	[sflag:s10] =	ssyncset.done $0x0  }
0x16c: {  	[sflag:s10] =	ssyncadd.s32 $0xFFFFC400  }
0x16d: {  	_ =	swait.ge [sflag:s10], $0x3C00  }
0x16e: {  	[sflag:s10] =	ssyncset.done $0x0  }
0x16f: {  	[sflag:s10] =	ssyncadd.s32 $0xFFFFC400  }
0x170: {  	_ =	swait.ge [sflag:s10], $0x3C00  }
0x171: {  	[sflag:s10] =	ssyncset.done $0x0  }
0x172: {  	[sflag:s10] =	ssyncadd.s32 $0xFFFFC400  }
0x173: {  	_ =	swait.ge [sflag:s11], $0x3C00  }
0x174: {  	[sflag:s11] =	ssyncset.done $0x0  }
0x175: {  	[sflag:s11] =	ssyncadd.s32 $0xFFFFC400  }
0x176: {  	_ =	swait.ge [sflag:s11], $0x3C00  }
0x177: {  	[sflag:s11] =	ssyncset.done $0x0  }
0x178: {  	[sflag:s11] =	ssyncadd.s32 $0xFFFFC400  }
0x179: {  	_ =	swait.ge [sflag:s11], $0x3C00  }
0x17a: {  	[sflag:s11] =	ssyncset.done $0x0  }
0x17b: {  	[sflag:s11] =	ssyncadd.s32 $0xFFFFC400  }
0x17c: {  	_ =	swait.ge [sflag:s11], $0x3C00  }
0x17d: {  	[sflag:s11] =	ssyncset.done $0x0  }
0x17e: {  	[sflag:s11] =	ssyncadd.s32 $0xFFFFC400  }
0x17f: {  	_ =	swait.ge [sflag:s11], $0x3C00  }
0x180: {  	[sflag:s11] =	ssyncset.done $0x0  }
0x181: {  	[sflag:s11] =	ssyncadd.s32 $0xFFFFC400  }
0x182: {  	_ =	swait.ge [sflag:s11], $0x3C00  }
0x183: {  	[sflag:s11] =	ssyncset.done $0x0  }
0x184: {  	[sflag:s11] =	ssyncadd.s32 $0xFFFFC400  }
0x185: {  	_ =	swait.ge [sflag:s11], $0x3C00  }
0x186: {  	[sflag:s11] =	ssyncset.done $0x0  }
0x187: {  	[sflag:s11] =	ssyncadd.s32 $0xFFFFC400  }
0x188: {  	_ =	swait.ge [sflag:s11], $0x3C00  }
0x189: {  	[sflag:s11] =	ssyncset.done $0x0  }
0x18a: {  	[sflag:s11] =	ssyncadd.s32 $0xFFFFC400  }
0x18b: {  	_ =	swait.ge [sflag:s11], $0x3C00  }
0x18c: {  	[sflag:s11] =	ssyncset.done $0x0  }
0x18d: {  	[sflag:s11] =	ssyncadd.s32 $0xFFFFC400  }
0x18e: {  	_ =	swait.ge [sflag:s11], $0x3C00  }
0x18f: {  	[sflag:s11] =	ssyncset.done $0x0  }
0x190: {  	[sflag:s11] =	ssyncadd.s32 $0xFFFFC400  }
0x191: {  	_ =	swait.ge [sflag:s11], $0x3C00  }
0x192: {  	[sflag:s11] =	ssyncset.done $0x0  }
0x193: {  	[sflag:s11] =	ssyncadd.s32 $0xFFFFC400  }
0x194: {  	_ =	swait.ge [sflag:s11], $0x3C00  }
0x195: {  	[sflag:s11] =	ssyncset.done $0x0  }
0x196: {  	[sflag:s11] =	ssyncadd.s32 $0xFFFFC400  }
0x197: {  	_ =	swait.ge [sflag:s11], $0x3C00  }
0x198: {  	[sflag:s11] =	ssyncset.done $0x0  }
0x199: {  	[sflag:s11] =	ssyncadd.s32 $0xFFFFC400  }
0x19a: {  	_ =	swait.ge [sflag:s11], $0x3C00  }
0x19b: {  	[sflag:s11] =	ssyncset.done $0x0  }
0x19c: {  	[sflag:s11] =	ssyncadd.s32 $0xFFFFC400  }
0x19d: {  	_ =	swait.ge [sflag:s11], $0x3C00  }
0x19e: {  	[sflag:s11] =	ssyncset.done $0x0  }
0x19f: {  	[sflag:s11] =	ssyncadd.s32 $0xFFFFC400  }
0x1a0: {  	_ =	swait.ge [sflag:s11], $0x3C00  }
0x1a1: {  	[sflag:s11] =	ssyncset.done $0x0  }
0x1a2: {  	[sflag:s11] =	ssyncadd.s32 $0xFFFFC400  }
0x1a3: {  	_ =	swait.ge [sflag:s11], $0x3C00  }
0x1a4: {  	[sflag:s11] =	ssyncset.done $0x0  }
0x1a5: {  	[sflag:s11] =	ssyncadd.s32 $0xFFFFC400  }
0x1a6: {  	_ =	swait.ge [sflag:s11], $0x3C00  }
0x1a7: {  	[sflag:s11] =	ssyncset.done $0x0  }
0x1a8: {  	[sflag:s11] =	ssyncadd.s32 $0xFFFFC400  }
0x1a9: {  	_ =	swait.ge [sflag:s11], $0x3C00  }
0x1aa: {  	[sflag:s11] =	ssyncset.done $0x0  }
0x1ab: {  	[sflag:s11] =	ssyncadd.s32 $0xFFFFC400  }
0x1ac: {  	_ =	swait.ge [sflag:s11], $0x3C00  }
0x1ad: {  	[sflag:s11] =	ssyncset.done $0x0  }
0x1ae: {  	[sflag:s11] =	ssyncadd.s32 $0xFFFFC400  }
0x1af: {  	_ =	swait.ge [sflag:s11], $0x3C00  }
0x1b0: {  	[sflag:s11] =	ssyncset.done $0x0  }
0x1b1: {  	[sflag:s11] =	ssyncadd.s32 $0xFFFFC400  }
0x1b2: {  	_ =	swait.ge [sflag:s11], $0x3C00  }
0x1b3: {  	[sflag:s11] =	ssyncset.done $0x0  }
0x1b4: {  	[sflag:s11] =	ssyncadd.s32 $0xFFFFC400  }
0x1b5: {  	_ =	swait.ge [sflag:s11], $0x3C00  }
0x1b6: {  	[sflag:s11] =	ssyncset.done $0x0  }
0x1b7: {  	[sflag:s11] =	ssyncadd.s32 $0xFFFFC400  }
0x1b8: {  	_ =	swait.ge [sflag:s11], $0x3C00  }
0x1b9: {  	[sflag:s11] =	ssyncset.done $0x0  }
0x1ba: {  	[sflag:s11] =	ssyncadd.s32 $0xFFFFC400  }
0x1bb: {  	_ =	swait.ge [sflag:s11], $0x3C00  }
0x1bc: {  	[sflag:s11] =	ssyncset.done $0x0  }
0x1bd: {  	[sflag:s11] =	ssyncadd.s32 $0xFFFFC400  }
0x1be: {  	_ =	swait.ge [sflag:s11], $0x3C00  }
0x1bf: {  	[sflag:s11] =	ssyncset.done $0x0  }
0x1c0: {  	[sflag:s11] =	ssyncadd.s32 $0xFFFFC400  }
0x1c1: {  	_ =	swait.ge [sflag:s11], $0x3C00  }
0x1c2: {  	[sflag:s11] =	ssyncset.done $0x0  }
0x1c3: {  	[sflag:s11] =	ssyncadd.s32 $0xFFFFC400  }
0x1c4: {  	_ =	swait.ge [sflag:s11], $0x3C00  }
0x1c5: {  	[sflag:s11] =	ssyncset.done $0x0  }
0x1c6: {  	[sflag:s11] =	ssyncadd.s32 $0xFFFFC400  }
0x1c7: {  	_ =	swait.ge [sflag:s11], $0x3C00  }
0x1c8: {  	[sflag:s11] =	ssyncset.done $0x0  }
0x1c9: {  	[sflag:s11] =	ssyncadd.s32 $0xFFFFC400  }
0x1ca: {  	_ =	swait.ge [sflag:s11], $0x3C00  }
0x1cb: {  	[sflag:s11] =	ssyncset.done $0x0  }
0x1cc: {  	[sflag:s11] =	ssyncadd.s32 $0xFFFFC400  }
0x1cd: {  	_ =	swait.ge [sflag:s11], $0x3C00  }
0x1ce: {  	[sflag:s11] =	ssyncset.done $0x0  }
0x1cf: {  	[sflag:s11] =	ssyncadd.s32 $0xFFFFC400  }
0x1d0: {  	_ =	swait.ge [sflag:s11], $0x3C00  }
0x1d1: {  	[sflag:s11] =	ssyncset.done $0x0  }
0x1d2: {  	[sflag:s11] =	ssyncadd.s32 $0xFFFFC400  }
0x1d3: {  	_ =	swait.ge [sflag:s11], $0x3C00  }
0x1d4: {  	[sflag:s11] =	ssyncset.done $0x0  }
0x1d5: {  	[sflag:s11] =	ssyncadd.s32 $0xFFFFC400  }
0x1d6: {  	_ =	swait.ge [sflag:s11], $0x3C00  }
0x1d7: {  	[sflag:s11] =	ssyncset.done $0x0  }
0x1d8: {  	[sflag:s11] =	ssyncadd.s32 $0xFFFFC400  }
0x1d9: {  	_ =	swait.ge [sflag:s11], $0x3C00  }
0x1da: {  	[sflag:s11] =	ssyncset.done $0x0  }
0x1db: {  	[sflag:s11] =	ssyncadd.s32 $0xFFFFC400  }
0x1dc: {  	_ =	swait.ge [sflag:s11], $0x3C00  }
0x1dd: {  	[sflag:s11] =	ssyncset.done $0x0  }
0x1de: {  	[sflag:s11] =	ssyncadd.s32 $0xFFFFC400  }
0x1df: {  	_ =	swait.ge [sflag:s11], $0x3C00  }
0x1e0: {  	[sflag:s11] =	ssyncset.done $0x0  }
0x1e1: {  	[sflag:s11] =	ssyncadd.s32 $0xFFFFC400  }
0x1e2: {  	_ =	swait.ge [sflag:s11], $0x3C00  }
0x1e3: {  	[sflag:s11] =	ssyncset.done $0x0  }
0x1e4: {  	[sflag:s11] =	ssyncadd.s32 $0xFFFFC400  }
0x1e5: {  	_ =	swait.ge [sflag:s11], $0x3C00  }
0x1e6: {  	[sflag:s11] =	ssyncset.done $0x0  }
0x1e7: {  	[sflag:s11] =	ssyncadd.s32 $0xFFFFC400  }
0x1e8: {  	_ =	swait.ge [sflag:s11], $0x3C00  }
0x1e9: {  	s1 =	rddreg [dreg:$0x5]  }
0x1ea: {  	s0 =	rddreg [dreg:$0x4];
	s1 =	sadd.s32 $0x1, s1  }
0x1eb: {  	p0 =	sne.s32 s1, s0  }
.Ltmp1:
0x1ec: {  	_ = 	snop;
	(pc) =	sbr.rel @!p0 .LBB2_26-.Ltmp1, $3  }
0x1ed: {  	_ =	sdelay $0x1  }
0x1ee: {  	[sflag:s11] =	ssyncset.done $0x0  }
0x1ef: {  	[sflag:s11] =	ssyncadd.s32 $0xFFFFC400  }
.LBB2_1:
0x1f0: {  	[dreg:$0x5] =	wrdreg s1;
	s13 =	simm.s32 $0x80  }
0x1f1: {  	s16 =	sadd.s32 $0x0, s5;
	s14 =	simm.s32 $0x200;
	s15 =	simm.s32 $0x0  }
.LBB2_2:
0x1f2: {  	[tilespmem:s15], [sflag:$0x1] =	stream.linear.gather [hbm4b:s16+s3], $0x80, $0x38;
	[tilespmem:$0x10400] =	vst v63  }
0x1f3: {  	s16 =	smov.u32 s13;
	s15 =	smov.u32 s14;
	p0 =	sne.s32 s13, $0x4080  }
.Ltmp2:
0x1f4: {  	s13 =	sadd.s32 $0x80, s13;
	(pc) =	sbr.rel @p0 .LBB2_2-.Ltmp2, $2  }
0x1f5: {  	_ =	sdelay $0x2  }
0x1f6: {  	s14 =	sadd.s32 $0x200, s14;
	s16 =	sadd.s32 s16, s5  }
0x1f7: {  	[tilespmem:s15], [sflag:$0x1] =	stream.linear.gather [hbm4b:s16+s3], $0x80, $0x38;
	[tilespmem:$0x10400] =	vst v63  }
0x1f8: {  	s0 =	simm.s32 $0x1  }
0x1f9: {  	_ =	swait.ge [sflag:s0], $0x4100  }
0x1fa: {  	s13 =	simm.s32 $0x0;
	p1 =	por $0x0, $0x0;
	[sflag:s0] =	ssyncset.done $0x0  }
0x1fb: {  	s15 =	simm.s32 $0x0;
	s14 =	rddreg [dreg:$0x3];
	[sflag:s0] =	ssyncadd.s32 $0xFFFFBF00  }
.LBB2_4:
0x1fc: {  	s16 =	sshrl.u32 s14, $0x3;
	s17 =	simm.s32 $0x1;
	s18 =	smul.u32 $0xAB, s13  }
0x1fd: {  	s0 =	simm.s32 @!p1 $0x0;
	s19 =	smulhi.u32 $0xAAAAAAAB, s13;
	s20 =	simm.s32 $0xFFFFFFC4  }
0x1fe: {  	p0 =	por $0x1, $0x1;
	s24 =	simm.s32 $0xFFFFFFC5;
	s16 =	smul.u32 $0x96000, s16  }
0x1ff: {  	s0 =	simm.s32 @p1 $0x1;
	s17 =	simm.s32 @!p1 $0x0;
	s31 =	smul.u32 $0x56, s20  }
0x200: {  	s24 =	smul.u32 $0x56, s24;
	[smem:$0x7FD] =	sst s0;
	s17 =	sshll.u32 s17, $0x9  }
0x201: {  	s18 =	sshrl.u32 s18, $0x9;
	s19 =	sshrl.u32 s19, $0x1;
	s17 =	sor.u32 s17, s16  }
0x202: {  	s19 =	smul.u32 $0x3, s19;
	s21 =	sshrl.u32 s31, $0x1F;
	s16 =	sshrl.u32 s31, $0x8  }
0x203: {  	s18 =	sand.u32 $0x7F, s18;
	s25 =	sshrl.u32 s24, $0x1F;
	s24 =	sshrl.u32 s24, $0x8  }
0x204: {  	s0 =	sor.u32 $0x180, s17;
	s16 =	sadd.s32 s21, s16;
	s21 =	sadd.s32 $0x6, s18  }
0x205: {  	s18 =	sadd.s32 $0xFFFFFFF2, s18;
	s2 =	sor.u32 $0x100, s17;
	s6 =	sor.u32 $0x80, s17  }
0x206: {  	s17 =	sshrl.u32 s17, $0x3;
	s24 =	sadd.s32 s25, s24;
	s22 =	sadd.s32 $0x1, s19  }
0x207: {  	s16 =	sshll.u32 s16, $0x18;
	p2 =	seq.s32 s19, $0x0;
	s1 =	sshrl.u32 s0, $0x3  }
0x208: {  	s19 =	sshrl.u32 s2, $0x3;
	s23 =	sshrl.u32 s6, $0x3;
	s20 =	sadd.s32 s17, s4  }
0x209: {  	s24 =	sshll.u32 s24, $0x18;
	p1 =	seq.s32 s22, $0x0;
	s16 =	sshra.s32 s16, $0x18  }
0x20a: {  	s22 =	simm.s32 $0x1;
	s17 =	sadd.s32 s19, s4;
	s26 =	sadd.s32 $0x100, s20  }
0x20b: {  	s29 =	sadd.s32 $0x80, s20;
	s16 =	sshll.u32 s16, $0x3;
	s18 =	simm.s32 @p1 $0x5  }
0x20c: {  	s21 =	simm.s32 @p1 $0x7;
	s16 =	ssub.s32 $0xFFFFFF4C, s16;
	s18 =	simm.s32 @p2 $0x2  }
0x20d: {  	p1 =	por $0x1, $0x1;
	s21 =	simm.s32 @p2 $0x6;
	s18 =	smov.u32 @p0 s16  }
0x20e: {  	s7 =	smul.u32 $0xAB, s22;
	p0 =	por $0x1, $0x1;
	s18 =	smov.u32 @p1 s21  }
0x20f: {  	s24 =	sshra.s32 s24, $0x18;
	s12 =	smulhi.u32 $0xAAAAAAAB, s22;
	s18 =	smov.u32 @p0 s13  }
0x210: {  	s16 =	sadd.s32 s1, s4;
	s19 =	sshrl.u32 s7, $0x9;
	s18 =	smul.u32 $0x2800, s18  }
0x211: {  	p1 =	por $0x1, $0x1;
	s19 =	sand.u32 $0x7F, s19;
	p0 =	por $0x1, $0x1  }
0x212: {  	s21 =	sshra.s32 s18, $0x2;
	s18 =	sadd.s32 s23, s4;
	s23 =	sshrl.u32 s12, $0x1  }
0x213: {  	s28 =	sadd.s32 $0x6, s19;
	s25 =	sadd.s32 $0xFFFFFFF2, s19;
	s23 =	smul.u32 $0x3, s23  }
0x214: {  	[hbm4b:s20+s13] =	stream.linear.scatter [tilespmem:s21], [sflag:$0x2], $0x80, $0x38;
	[tilespmem:$0x10400] =	vst v63  }
0x215: {  	s19 =	sshll.u32 s24, $0x3;
	s24 =	simm.s32 $0x2;
	s30 =	sadd.s32 $0x1, s23  }
0x216: {  	s19 =	ssub.s32 $0xFFFFFF4F, s19;
	s31 =	sadd.s32 $0x400, s21;
	p3 =	seq.s32 s30, $0x1  }
0x217: {  	p2 =	seq.s32 s23, $0x1;
	s30 =	sadd.s32 $0x200, s21;
	s25 =	simm.s32 @p3 $0x5  }
0x218: {  	[hbm4b:s29+s13] =	stream.linear.scatter [tilespmem:s30], [sflag:$0x2], $0x80, $0x38;
	[tilespmem:$0x10400] =	vst v63  }
0x219: {  	s23 =	simm.s32 $0xFFFFFF4F;
	s28 =	simm.s32 @p3 $0x7;
	s25 =	simm.s32 @p2 $0x2  }
0x21a: {  	s28 =	simm.s32 @p2 $0x6;
	p2 =	por $0x1, $0x1;
	s25 =	smov.u32 @p1 s19  }
0x21b: {  	[hbm4b:s26+s13] =	stream.linear.scatter [tilespmem:s31], [sflag:$0x2], $0x80, $0x38;
	[tilespmem:$0x10400] =	vst v63  }
0x21c: {  	s26 =	sadd.s32 $0x180, s20;
	s19 =	simm.s32 $0x0;
	s25 =	smov.u32 @p0 s28  }
.LBB2_5:
0x21d: {  	p1 =	sne.s32 s24, $0x77  }
0x21e: {  	s25 =	smov.u32 @p2 s22;
	s22 =	sadd.s32 $0x600, s21;
	s21 =	sadd.s32 $0x800, s21  }
0x21f: {  	[hbm4b:s26+s19] =	stream.linear.scatter [tilespmem:s22], [sflag:$0x2], $0x80, $0x38;
	[tilespmem:$0x10400] =	vst v63  }
0x220: {  	s23 =	sadd.s32 $0x3, s23;
	s22 =	smul.u32 $0x2800, s25;
	s25 =	sadd.s32 $0x200, s20  }
0x221: {  	[hbm4b:s25+s19] =	stream.linear.scatter [tilespmem:s21], [sflag:$0x2], $0x80, $0x38;
	[tilespmem:$0x10400] =	vst v63  }
0x222: {  	s20 =	sadd.s32 $0x280, s20;
	s21 =	sshra.s32 s22, $0x2;
	s19 =	simm.s32 $0x0  }
0x223: {  	[hbm4b:s20+s19] =	stream.linear.scatter [tilespmem:s21], [sflag:$0x2], $0x80, $0x38;
	[tilespmem:$0x10400] =	vst v63  }
0x224: {  	s28 =	smulhi.u32 $0xAAAAAAAB, s24;
	s25 =	sshll.u32 s24, $0x18;
	s22 =	smov.u32 s24  }
0x225: {  	p2 =	slt.u32 s24, $0x6;
	s26 =	smul.u32 $0xAB, s24;
	s25 =	sadd.s32 $0xC4000000, s25  }
0x226: {  	p3 =	slt.u32 s24, $0x3C;
	p4 =	slt.u32 s24, $0x42;
	s25 =	sshra.s32 s25, $0x18  }
0x227: {  	s28 =	sshrl.u32 s28, $0x1;
	s26 =	sshrl.u32 s26, $0x9;
	s25 =	smul.u32 $0x56, s25  }
0x228: {  	s29 =	sadd.s32 $0x100, s20;
	s28 =	smul.u32 $0x3, s28;
	s26 =	sand.u32 $0x7F, s26  }
0x229: {  	s31 =	sadd.s32 $0x6, s26;
	s30 =	sshrl.u32 s25, $0x1F;
	s25 =	sshrl.u32 s25, $0x8  }
0x22a: {  	s1 =	sadd.s32 $0x1, s28;
	s25 =	sadd.s32 s30, s25;
	s30 =	sadd.s32 $0x80, s20  }
0x22b: {  	p0 =	seq.s32 s28, s24;
	s0 =	sshll.u32 s25, $0x18;
	s25 =	sadd.s32 $0xFFFFFFF2, s26  }
0x22c: {  	p5 =	seq.s32 s1, s24;
	s1 =	sadd.s32 $0x200, s21;
	s0 =	sshra.s32 s0, $0x18  }
0x22d: {  	s31 =	simm.s32 @p5 $0x7;
	s25 =	simm.s32 @p5 $0x5;
	s0 =	sshll.u32 s0, $0x3  }
.Ltmp3:
0x22e: {  	s25 =	simm.s32 @p0 $0x2;
	s0 =	ssub.s32 s23, s0;
	(pc) =	sbr.rel @p1 .LBB2_5-.Ltmp3, $4  }
0x22f: {  	[hbm4b:s30+s19] =	stream.linear.scatter [tilespmem:s1], [sflag:$0x2], $0x80, $0x38;
	[tilespmem:$0x10400] =	vst v63  }
0x230: {  	s31 =	simm.s32 @p0 $0x6;
	s25 =	smov.u32 @p4 s0;
	s0 =	sadd.s32 $0x400, s21  }
0x231: {  	[hbm4b:s29+s19] =	stream.linear.scatter [tilespmem:s0], [sflag:$0x2], $0x80, $0x38;
	[tilespmem:$0x10400] =	vst v63  }
0x232: {  	s24 =	sadd.s32 $0x1, s24;
	s26 =	sadd.s32 $0x180, s20;
	s25 =	smov.u32 @p3 s31  }
0x233: {  	s25 =	smov.u32 @p2 s22;
	s0 =	sadd.s32 $0x600, s21  }
0x234: {  	[hbm4b:s26+s19] =	stream.linear.scatter [tilespmem:s0], [sflag:$0x2], $0x80, $0x38;
	[tilespmem:$0x10400] =	vst v63  }
0x235: {  	s1 =	sadd.s32 $0x800, s21;
	s31 =	sadd.s32 $0x200, s20;
	s30 =	smul.u32 $0x2800, s25  }
0x236: {  	[hbm4b:s31+s19] =	stream.linear.scatter [tilespmem:s1], [sflag:$0x2], $0x80, $0x38;
	[tilespmem:$0x10400] =	vst v63  }
0x237: {  	s2 =	sadd.s32 $0x280, s20;
	s0 =	sshra.s32 s30, $0x2  }
0x238: {  	[hbm4b:s2+s19] =	stream.linear.scatter [tilespmem:s0], [sflag:$0x2], $0x80, $0x38;
	[tilespmem:$0x10400] =	vst v63  }
0x239: {  	s24 =	smulhi.u32 $0xAAAAAAAB, s19;
	s20 =	sadd.s32 $0x80, s2;
	s6 =	sadd.s32 $0x200, s0  }
0x23a: {  	[hbm4b:s20+s19] =	stream.linear.scatter [tilespmem:s6], [sflag:$0x2], $0x80, $0x38;
	[tilespmem:$0x10400] =	vst v63  }
0x23b: {  	p4 =	por $0x1, $0x1;
	s7 =	sadd.s32 $0x100, s2;
	s12 =	sadd.s32 $0x400, s0  }
0x23c: {  	[hbm4b:s7+s19] =	stream.linear.scatter [tilespmem:s12], [sflag:$0x2], $0x80, $0x38;
	[tilespmem:$0x10400] =	vst v63  }
0x23d: {  	s22 =	sadd.s32 $0x180, s2;
	s26 =	simm.s32 $0xFFFFFFC4;
	s23 =	sadd.s32 $0x600, s0  }
0x23e: {  	[hbm4b:s22+s19] =	stream.linear.scatter [tilespmem:s23], [sflag:$0x2], $0x80, $0x38;
	[tilespmem:$0x10400] =	vst v63  }
0x23f: {  	s1 =	sadd.s32 $0x200, s2;
	s0 =	sadd.s32 $0x800, s0;
	s20 =	smul.u32 $0x56, s26  }
0x240: {  	[hbm4b:s1+s19] =	stream.linear.scatter [tilespmem:s0], [sflag:$0x2], $0x80, $0x38;
	[tilespmem:$0x10400] =	vst v63  }
0x241: {  	p1 =	por $0x1, $0x1;
	s25 =	smul.u32 $0xAB, s19;
	s0 =	sshrl.u32 s24, $0x1  }
0x242: {  	s29 =	sshrl.u32 s20, $0x1F;
	s20 =	sshrl.u32 s20, $0x8;
	s0 =	smul.u32 $0x3, s0  }
0x243: {  	p5 =	por $0x1, $0x1;
	s20 =	sadd.s32 s29, s20;
	s1 =	sshrl.u32 s25, $0x9  }
0x244: {  	s20 =	sshll.u32 s20, $0x18;
	s1 =	sand.u32 $0x7F, s1;
	s30 =	sadd.s32 $0x1, s0  }
0x245: {  	s31 =	sshra.s32 s20, $0x18;
	s21 =	sadd.s32 $0xFFFFFFF2, s1;
	p0 =	seq.s32 s30, $0x0  }
.Ltmp4:
0x246: {  	p2 =	seq.s32 s0, $0x0;
	s21 =	simm.s32 @p0 $0x5;
	(pc) =	sbr.rel @!p4 .LBB2_7-.Ltmp4, $4  }
0x247: {  	s23 =	sshll.u32 s31, $0x3;
	s22 =	sadd.s32 $0x6, s1;
	s21 =	simm.s32 @p2 $0x2  }
0x248: {  	s0 =	ssub.s32 $0xFFFFFF4C, s23;
	s22 =	simm.s32 @p0 $0x7;
	s28 =	smov.u32 s21  }
0x249: {  	p0 =	por $0x1, $0x1;
	s22 =	simm.s32 @p2 $0x6;
	s28 =	smov.u32 @p5 s0  }
0x24a: {  	p6 =	por $0x0, $0x0;
	s20 =	simm.s32 $0x1;
	s28 =	smov.u32 @p0 s22  }
0x24b: {  	s28 =	smov.u32 @p1 s19  }
0x24c: {  	p4 =	por $0x1, $0x1;
	s25 =	simm.s32 $0xFFFFFF4F;
	s6 =	smul.u32 $0xAB, s20  }
0x24d: {  	s1 =	smulhi.u32 $0xAAAAAAAB, s20;
	p0 =	por $0x1, $0x1;
	s26 =	simm.s32 $0xFFFFFFC5  }
0x24e: {  	p3 =	por $0x1, $0x1;
	s29 =	sadd.s32 $0x100, s18;
	s0 =	smul.u32 $0x2800, s28  }
0x24f: {  	s31 =	sadd.s32 $0x80, s18;
	s26 =	smul.u32 $0x56, s26;
	s1 =	sshrl.u32 s1, $0x1  }
0x250: {  	s24 =	sshra.s32 s0, $0x2;
	s0 =	sshrl.u32 s6, $0x9;
	s1 =	smul.u32 $0x3, s1  }
0x251: {  	[hbm4b:s18+s19] =	stream.linear.scatter [tilespmem:s24], [sflag:$0x3], $0x80, $0x38;
	[tilespmem:$0x10400] =	vst v63  }
0x252: {  	s28 =	sshrl.u32 s26, $0x1F;
	s26 =	sshrl.u32 s26, $0x8;
	s0 =	sand.u32 $0x7F, s0  }
0x253: {  	s26 =	sadd.s32 s28, s26;
	s12 =	sadd.s32 $0x200, s24;
	s30 =	sadd.s32 $0x6, s0  }
0x254: {  	s6 =	sadd.s32 $0x1, s1;
	s26 =	sshll.u32 s26, $0x18;
	s28 =	sadd.s32 $0xFFFFFFF2, s0  }
0x255: {  	p5 =	seq.s32 s1, $0x1;
	p6 =	seq.s32 s6, $0x1;
	s7 =	sshra.s32 s26, $0x18  }
0x256: {  	[hbm4b:s31+s19] =	stream.linear.scatter [tilespmem:s12], [sflag:$0x3], $0x80, $0x38;
	[tilespmem:$0x10400] =	vst v63  }
0x257: {  	s26 =	sadd.s32 $0x400, s24;
	s31 =	sadd.s32 $0x180, s18;
	s30 =	simm.s32 @p6 $0x7  }
.Ltmp5:
0x258: {  	s0 =	sshll.u32 s7, $0x3;
	s28 =	simm.s32 @p6 $0x5;
	(pc) =	sbr.rel @!p4 .LBB2_9-.Ltmp5, $4  }
0x259: {  	s0 =	ssub.s32 $0xFFFFFF4F, s0;
	s28 =	simm.s32 @p5 $0x2;
	s30 =	simm.s32 @p5 $0x6  }
0x25a: {  	[hbm4b:s29+s19] =	stream.linear.scatter [tilespmem:s26], [sflag:$0x3], $0x80, $0x38;
	[tilespmem:$0x10400] =	vst v63  }
0x25b: {  	s29 =	simm.s32 $0x2;
	s26 =	smov.u32 s18;
	s28 =	smov.u32 @p3 s0  }
0x25c: {  	p3 =	por $0x1, $0x1;
	s28 =	smov.u32 @p0 s30;
	s30 =	simm.s32 $0x1  }
.LBB2_10:
0x25d: {  	p4 =	sne.s32 s29, $0x77;
	s28 =	smov.u32 @p3 s30;
	s0 =	sadd.s32 $0x600, s24  }
0x25e: {  	[hbm4b:s31+s19] =	stream.linear.scatter [tilespmem:s0], [sflag:$0x3], $0x80, $0x38;
	[tilespmem:$0x10400] =	vst v63  }
0x25f: {  	s1 =	sadd.s32 $0x800, s24;
	s6 =	sadd.s32 $0x200, s26;
	s0 =	smul.u32 $0x2800, s28  }
0x260: {  	[hbm4b:s6+s19] =	stream.linear.scatter [tilespmem:s1], [sflag:$0x3], $0x80, $0x38;
	[tilespmem:$0x10400] =	vst v63  }
0x261: {  	s26 =	sadd.s32 $0x280, s26;
	s30 =	smov.u32 s29;
	s24 =	sshra.s32 s0, $0x2  }
0x262: {  	[hbm4b:s26+s19] =	stream.linear.scatter [tilespmem:s24], [sflag:$0x3], $0x80, $0x38;
	[tilespmem:$0x10400] =	vst v63  }
0x263: {  	s25 =	sadd.s32 $0x3, s25;
	s0 =	sshll.u32 s29, $0x18;
	s1 =	smul.u32 $0xAB, s29  }
0x264: {  	p3 =	slt.u32 s29, $0x6;
	s6 =	smulhi.u32 $0xAAAAAAAB, s29;
	s0 =	sadd.s32 $0xC4000000, s0  }
0x265: {  	p5 =	slt.u32 s29, $0x3C;
	p0 =	slt.u32 s29, $0x42;
	s0 =	sshra.s32 s0, $0x18  }
0x266: {  	s1 =	sshrl.u32 s1, $0x9;
	s6 =	sshrl.u32 s6, $0x1;
	s0 =	smul.u32 $0x56, s0  }
0x267: {  	s31 =	sadd.s32 $0x100, s26;
	s1 =	sand.u32 $0x7F, s1;
	s6 =	smul.u32 $0x3, s6  }
0x268: {  	s7 =	sadd.s32 $0x80, s26;
	s28 =	sshrl.u32 s0, $0x1F;
	s0 =	sshrl.u32 s0, $0x8  }
0x269: {  	s2 =	sadd.s32 $0x6, s1;
	s12 =	sadd.s32 $0x1, s6;
	s0 =	sadd.s32 s28, s0  }
0x26a: {  	p2 =	seq.s32 s6, s29;
	s28 =	sadd.s32 $0xFFFFFFF2, s1;
	s0 =	sshll.u32 s0, $0x18  }
0x26b: {  	p6 =	seq.s32 s12, s29;
	s1 =	sadd.s32 $0x200, s24;
	s0 =	sshra.s32 s0, $0x18  }
0x26c: {  	s2 =	simm.s32 @p6 $0x7;
	s28 =	simm.s32 @p6 $0x5;
	s0 =	sshll.u32 s0, $0x3  }
.Ltmp6:
0x26d: {  	s28 =	simm.s32 @p2 $0x2;
	s0 =	ssub.s32 s25, s0;
	(pc) =	sbr.rel @p4 .LBB2_10-.Ltmp6, $4  }
0x26e: {  	[hbm4b:s7+s19] =	stream.linear.scatter [tilespmem:s1], [sflag:$0x3], $0x80, $0x38;
	[tilespmem:$0x10400] =	vst v63  }
0x26f: {  	s2 =	simm.s32 @p2 $0x6;
	s28 =	smov.u32 @p0 s0;
	s0 =	sadd.s32 $0x400, s24  }
0x270: {  	[hbm4b:s31+s19] =	stream.linear.scatter [tilespmem:s0], [sflag:$0x3], $0x80, $0x38;
	[tilespmem:$0x10400] =	vst v63  }
0x271: {  	s29 =	sadd.s32 $0x1, s29;
	s28 =	smov.u32 @p5 s2;
	s31 =	sadd.s32 $0x180, s26  }
0x272: {  	p6 =	por $0x0, $0x0;
	p4 =	por $0x1, $0x1  }
0x273: {  	p5 =	por $0x1, $0x1;
	p0 =	por $0x1, $0x1;
	p2 =	por $0x1, $0x1  }
.LBB2_12:
0x274: {  	s28 =	smov.u32 @p3 s30;
	s0 =	sadd.s32 @p2 $0x600, s24  }
0x275: {  	[hbm4b:s31+s19] =	stream.linear.scatter @p2 [tilespmem:s0], [sflag:$0x3], $0x80, $0x38;
	[tilespmem:$0x10400] =	vst v63  }
0x276: {  	s1 =	sadd.s32 @p2 $0x800, s24;
	s2 =	sadd.s32 @p2 $0x200, s26;
	s12 =	smul.u32 $0x2800, s28  }
0x277: {  	[hbm4b:s2+s19] =	stream.linear.scatter @p2 [tilespmem:s1], [sflag:$0x3], $0x80, $0x38;
	[tilespmem:$0x10400] =	vst v63  }
0x278: {  	s1 =	sadd.s32 @p2 $0x280, s26  }
0x279: {  	s0 =	sshra.s32 s12, $0x2;
	s18 =	smov.u32 @p2 s1  }
0x27a: {  	[hbm4b:s18+s19] =	stream.linear.scatter [tilespmem:s0], [sflag:$0x3], $0x80, $0x38;
	[tilespmem:$0x10400] =	vst v63  }
0x27b: {  	s25 =	sadd.s32 $0x200, s0;
	s1 =	sadd.s32 $0x80, s18  }
0x27c: {  	[hbm4b:s1+s19] =	stream.linear.scatter [tilespmem:s25], [sflag:$0x3], $0x80, $0x38;
	[tilespmem:$0x10400] =	vst v63  }
0x27d: {  	s28 =	sadd.s32 $0x400, s0;
	s26 =	sadd.s32 $0x100, s18  }
0x27e: {  	[hbm4b:s26+s19] =	stream.linear.scatter [tilespmem:s28], [sflag:$0x3], $0x80, $0x38;
	[tilespmem:$0x10400] =	vst v63  }
0x27f: {  	s30 =	sadd.s32 $0x600, s0;
	s29 =	sadd.s32 $0x180, s18  }
0x280: {  	[hbm4b:s29+s19] =	stream.linear.scatter [tilespmem:s30], [sflag:$0x3], $0x80, $0x38;
	[tilespmem:$0x10400] =	vst v63  }
.Ltmp7:
0x281: {  	s0 =	sadd.s32 $0x800, s0;
	s31 =	sadd.s32 $0x200, s18;
	(pc) =	sbr.rel @!p4 .LBB2_13-.Ltmp7, $4  }
0x282: {  	[hbm4b:s31+s19] =	stream.linear.scatter [tilespmem:s0], [sflag:$0x3], $0x80, $0x38;
	[tilespmem:$0x10400] =	vst v63  }
0x283: {  	s0 =	ssub.s32 $0xFFFFFF4C, s23  }
0x284: {  	s21 =	smov.u32 @p5 s0  }
0x285: {  	s21 =	smov.u32 @p0 s22  }
0x286: {  	s21 =	smov.u32 @p1 s19;
	s25 =	smul.u32 $0xAB, s20  }
0x287: {  	s18 =	simm.s32 $0x0;
	p3 =	por $0x1, $0x1;
	s1 =	smulhi.u32 $0xAAAAAAAB, s20  }
0x288: {  	p0 =	por $0x1, $0x1;
	s2 =	simm.s32 $0xFFFFFFC5;
	p1 =	por $0x1, $0x1  }
0x289: {  	s6 =	sadd.s32 $0x100, s17;
	s26 =	sadd.s32 $0x80, s17;
	s0 =	smul.u32 $0x2800, s21  }
0x28a: {  	s19 =	simm.s32 $0xFFFFFF4F;
	s24 =	simm.s32 $0x2;
	s2 =	smul.u32 $0x56, s2  }
0x28b: {  	p6 =	por $0x1, $0x1;
	s1 =	sshrl.u32 s1, $0x1;
	s22 =	sshra.s32 s0, $0x2  }
0x28c: {  	s0 =	sshrl.u32 s25, $0x9;
	s7 =	sshrl.u32 s2, $0x1F;
	s2 =	sshrl.u32 s2, $0x8  }
0x28d: {  	[hbm4b:s17+s18] =	stream.linear.scatter [tilespmem:s22], [sflag:$0x4], $0x80, $0x38;
	[tilespmem:$0x10400] =	vst v63  }
0x28e: {  	s1 =	smul.u32 $0x3, s1;
	s0 =	sand.u32 $0x7F, s0;
	s2 =	sadd.s32 s7, s2  }
0x28f: {  	s30 =	sadd.s32 $0x200, s22;
	s31 =	sadd.s32 $0x400, s22;
	s12 =	sadd.s32 $0x6, s0  }
0x290: {  	s28 =	sadd.s32 $0x1, s1;
	s2 =	sshll.u32 s2, $0x18;
	s21 =	sadd.s32 $0xFFFFFFF2, s0  }
0x291: {  	p2 =	seq.s32 s1, $0x1;
	p4 =	seq.s32 s28, $0x1;
	s29 =	sshra.s32 s2, $0x18  }
0x292: {  	[hbm4b:s26+s18] =	stream.linear.scatter [tilespmem:s30], [sflag:$0x4], $0x80, $0x38;
	[tilespmem:$0x10400] =	vst v63  }
.Ltmp8:
0x293: {  	s0 =	sshll.u32 s29, $0x3;
	s21 =	simm.s32 @p4 $0x5;
	(pc) =	sbr.rel @!p3 .LBB2_15-.Ltmp8, $4  }
0x294: {  	s12 =	simm.s32 @p4 $0x7;
	s0 =	ssub.s32 $0xFFFFFF4F, s0;
	s21 =	simm.s32 @p2 $0x2  }
0x295: {  	[hbm4b:s6+s18] =	stream.linear.scatter [tilespmem:s31], [sflag:$0x4], $0x80, $0x38;
	[tilespmem:$0x10400] =	vst v63  }
0x296: {  	s23 =	smov.u32 s17;
	s12 =	simm.s32 @p2 $0x6;
	s21 =	smov.u32 @p1 s0  }
0x297: {  	s25 =	sadd.s32 $0x180, s17;
	p1 =	por $0x1, $0x1;
	s21 =	smov.u32 @p0 s12  }
.LBB2_16:
0x298: {  	p3 =	sne.s32 s24, $0x77;
	s21 =	smov.u32 @p1 s20;
	s0 =	sadd.s32 $0x600, s22  }
0x299: {  	[hbm4b:s25+s18] =	stream.linear.scatter [tilespmem:s0], [sflag:$0x4], $0x80, $0x38;
	[tilespmem:$0x10400] =	vst v63  }
0x29a: {  	s1 =	sadd.s32 $0x800, s22;
	s2 =	sadd.s32 $0x200, s23;
	s0 =	smul.u32 $0x2800, s21  }
0x29b: {  	[hbm4b:s2+s18] =	stream.linear.scatter [tilespmem:s1], [sflag:$0x4], $0x80, $0x38;
	[tilespmem:$0x10400] =	vst v63  }
0x29c: {  	s23 =	sadd.s32 $0x280, s23;
	s19 =	sadd.s32 $0x3, s19;
	s22 =	sshra.s32 s0, $0x2  }
0x29d: {  	[hbm4b:s23+s18] =	stream.linear.scatter [tilespmem:s22], [sflag:$0x4], $0x80, $0x38;
	[tilespmem:$0x10400] =	vst v63  }
0x29e: {  	s20 =	smov.u32 s24;
	s0 =	sshll.u32 s24, $0x18;
	s1 =	smul.u32 $0xAB, s24  }
0x29f: {  	p1 =	slt.u32 s24, $0x6;
	s2 =	smulhi.u32 $0xAAAAAAAB, s24;
	s0 =	sadd.s32 $0xC4000000, s0  }
0x2a0: {  	p4 =	slt.u32 s24, $0x3C;
	p0 =	slt.u32 s24, $0x42;
	s0 =	sshra.s32 s0, $0x18  }
0x2a1: {  	s1 =	sshrl.u32 s1, $0x9;
	s2 =	sshrl.u32 s2, $0x1;
	s0 =	smul.u32 $0x56, s0  }
0x2a2: {  	s6 =	sadd.s32 $0x100, s23;
	s1 =	sand.u32 $0x7F, s1;
	s2 =	smul.u32 $0x3, s2  }
0x2a3: {  	s12 =	sadd.s32 $0x6, s1;
	s7 =	sshrl.u32 s0, $0x1F;
	s0 =	sshrl.u32 s0, $0x8  }
0x2a4: {  	s21 =	sadd.s32 $0xFFFFFFF2, s1;
	s0 =	sadd.s32 s7, s0;
	s7 =	sadd.s32 $0x80, s23  }
0x2a5: {  	s1 =	sadd.s32 $0x200, s22;
	s25 =	sadd.s32 $0x1, s2;
	s0 =	sshll.u32 s0, $0x18  }
0x2a6: {  	p2 =	seq.s32 s2, s24;
	p5 =	seq.s32 s25, s24;
	s0 =	sshra.s32 s0, $0x18  }
0x2a7: {  	s12 =	simm.s32 @p5 $0x7;
	s21 =	simm.s32 @p5 $0x5;
	s0 =	sshll.u32 s0, $0x3  }
.Ltmp9:
0x2a8: {  	s21 =	simm.s32 @p2 $0x2;
	s0 =	ssub.s32 s19, s0;
	(pc) =	sbr.rel @p3 .LBB2_16-.Ltmp9, $4  }
0x2a9: {  	[hbm4b:s7+s18] =	stream.linear.scatter [tilespmem:s1], [sflag:$0x4], $0x80, $0x38;
	[tilespmem:$0x10400] =	vst v63  }
0x2aa: {  	s12 =	simm.s32 @p2 $0x6;
	s21 =	smov.u32 @p0 s0;
	s0 =	sadd.s32 $0x400, s22  }
0x2ab: {  	[hbm4b:s6+s18] =	stream.linear.scatter [tilespmem:s0], [sflag:$0x4], $0x80, $0x38;
	[tilespmem:$0x10400] =	vst v63  }
0x2ac: {  	s24 =	sadd.s32 $0x1, s24;
	s25 =	sadd.s32 $0x180, s23;
	s21 =	smov.u32 @p4 s12  }
0x2ad: {  	s19 =	smov.u32 s20  }
.LBB2_18:
0x2ae: {  	s21 =	smov.u32 @p1 s19;
	s0 =	sadd.s32 @p6 $0x600, s22  }
0x2af: {  	[hbm4b:s25+s18] =	stream.linear.scatter @p6 [tilespmem:s0], [sflag:$0x4], $0x80, $0x38;
	[tilespmem:$0x10400] =	vst v63  }
0x2b0: {  	s1 =	sadd.s32 @p6 $0x800, s22;
	s19 =	smul.u32 $0x2800, s21;
	s21 =	simm.s32 $0x0  }
0x2b1: {  	s2 =	sadd.s32 @p6 $0x200, s23;
	s30 =	simm.s32 $0xFFFFFFC4;
	s28 =	smul.u32 $0xAB, s21  }
0x2b2: {  	p0 =	por $0x1, $0x1;
	p1 =	por $0x1, $0x1;
	s29 =	smulhi.u32 $0xAAAAAAAB, s21  }
0x2b3: {  	[hbm4b:s2+s18] =	stream.linear.scatter @p6 [tilespmem:s1], [sflag:$0x4], $0x80, $0x38;
	[tilespmem:$0x10400] =	vst v63  }
0x2b4: {  	s1 =	sadd.s32 @p6 $0x280, s23;
	s0 =	sshra.s32 s19, $0x2;
	s2 =	smul.u32 $0x56, s30  }
0x2b5: {  	s17 =	smov.u32 @p6 s1;
	s20 =	sadd.s32 $0x200, s0;
	s23 =	sadd.s32 $0x400, s0  }
0x2b6: {  	[hbm4b:s17+s21] =	stream.linear.scatter [tilespmem:s0], [sflag:$0x4], $0x80, $0x38;
	[tilespmem:$0x10400] =	vst v63  }
0x2b7: {  	s25 =	sadd.s32 $0x600, s0;
	s1 =	sadd.s32 $0x80, s17;
	s22 =	sadd.s32 $0x100, s17  }
0x2b8: {  	[hbm4b:s1+s21] =	stream.linear.scatter [tilespmem:s20], [sflag:$0x4], $0x80, $0x38;
	[tilespmem:$0x10400] =	vst v63  }
0x2b9: {  	s24 =	sadd.s32 $0x180, s17;
	s6 =	sshrl.u32 s2, $0x1F;
	s2 =	sshrl.u32 s2, $0x8  }
0x2ba: {  	[hbm4b:s22+s21] =	stream.linear.scatter [tilespmem:s23], [sflag:$0x4], $0x80, $0x38;
	[tilespmem:$0x10400] =	vst v63  }
0x2bb: {  	s0 =	sadd.s32 $0x800, s0;
	s2 =	sadd.s32 s6, s2;
	s1 =	sshrl.u32 s29, $0x1  }
0x2bc: {  	[hbm4b:s24+s21] =	stream.linear.scatter [tilespmem:s25], [sflag:$0x4], $0x80, $0x38;
	[tilespmem:$0x10400] =	vst v63  }
0x2bd: {  	s26 =	sadd.s32 $0x200, s17;
	s2 =	sshll.u32 s2, $0x18;
	s1 =	smul.u32 $0x3, s1  }
0x2be: {  	[hbm4b:s26+s21] =	stream.linear.scatter [tilespmem:s0], [sflag:$0x4], $0x80, $0x38;
	[tilespmem:$0x10400] =	vst v63  }
0x2bf: {  	p2 =	por $0x1, $0x1;
	s31 =	sshra.s32 s2, $0x18;
	s0 =	sshrl.u32 s28, $0x9  }
0x2c0: {  	s7 =	sadd.s32 $0x1, s1;
	p4 =	seq.s32 s1, $0x0;
	s0 =	sand.u32 $0x7F, s0  }
.Ltmp10:
0x2c1: {  	p3 =	seq.s32 s7, $0x0;
	s20 =	sadd.s32 $0xFFFFFFF2, s0;
	(pc) =	sbr.rel @!p0 .LBB2_19-.Ltmp10, $4  }
0x2c2: {  	s6 =	sadd.s32 $0x6, s0;
	s0 =	sshll.u32 s31, $0x3;
	s20 =	simm.s32 @p3 $0x5  }
0x2c3: {  	s6 =	simm.s32 @p3 $0x7;
	s0 =	ssub.s32 $0xFFFFFF4C, s0;
	s20 =	simm.s32 @p4 $0x2  }
0x2c4: {  	p3 =	por $0x1, $0x1;
	s6 =	simm.s32 @p4 $0x6;
	s20 =	smov.u32 @p2 s0  }
0x2c5: {  	s18 =	simm.s32 $0x1;
	p2 =	por $0x0, $0x0;
	s20 =	smov.u32 @p3 s6  }
0x2c6: {  	s26 =	smul.u32 $0xAB, s18  }
0x2c7: {  	s20 =	smov.u32 @p1 s21;
	p3 =	por $0x1, $0x1;
	s1 =	smulhi.u32 $0xAAAAAAAB, s18  }
0x2c8: {  	p0 =	por $0x1, $0x1;
	s2 =	simm.s32 $0xFFFFFFC5;
	p1 =	por $0x1, $0x1  }
0x2c9: {  	s6 =	sadd.s32 $0x100, s16;
	s28 =	sadd.s32 $0x80, s16;
	s0 =	smul.u32 $0x2800, s20  }
0x2ca: {  	s21 =	simm.s32 $0xFFFFFF4F;
	s22 =	simm.s32 $0x2;
	s2 =	smul.u32 $0x56, s2  }
0x2cb: {  	s23 =	sadd.s32 $0x180, s16;
	s1 =	sshrl.u32 s1, $0x1;
	s17 =	sshra.s32 s0, $0x2  }
0x2cc: {  	s0 =	sshrl.u32 s26, $0x9;
	s7 =	sshrl.u32 s2, $0x1F;
	s2 =	sshrl.u32 s2, $0x8  }
0x2cd: {  	[hbm4b:s16+s3] =	stream.linear.scatter [tilespmem:s17], [sflag:$0x5], $0x80, $0x38;
	[tilespmem:$0x10400] =	vst v63  }
0x2ce: {  	s1 =	smul.u32 $0x3, s1;
	s0 =	sand.u32 $0x7F, s0;
	s2 =	sadd.s32 s7, s2  }
0x2cf: {  	s30 =	sadd.s32 $0x200, s17;
	s31 =	sadd.s32 $0x400, s17;
	s12 =	sadd.s32 $0x6, s0  }
0x2d0: {  	s19 =	sadd.s32 $0x1, s1;
	s2 =	sshll.u32 s2, $0x18;
	s20 =	sadd.s32 $0xFFFFFFF2, s0  }
0x2d1: {  	p2 =	seq.s32 s1, $0x1;
	p4 =	seq.s32 s19, $0x1;
	s29 =	sshra.s32 s2, $0x18  }
0x2d2: {  	[hbm4b:s28+s3] =	stream.linear.scatter [tilespmem:s30], [sflag:$0x5], $0x80, $0x38;
	[tilespmem:$0x10400] =	vst v63  }
.Ltmp11:
0x2d3: {  	s0 =	sshll.u32 s29, $0x3;
	s20 =	simm.s32 @p4 $0x5;
	(pc) =	sbr.rel @!p3 .LBB2_21-.Ltmp11, $4  }
0x2d4: {  	s12 =	simm.s32 @p4 $0x7;
	s0 =	ssub.s32 $0xFFFFFF4F, s0;
	s20 =	simm.s32 @p2 $0x2  }
0x2d5: {  	[hbm4b:s6+s3] =	stream.linear.scatter [tilespmem:s31], [sflag:$0x5], $0x80, $0x38;
	[tilespmem:$0x10400] =	vst v63  }
0x2d6: {  	s19 =	smov.u32 s16;
	s12 =	simm.s32 @p2 $0x6;
	s20 =	smov.u32 @p1 s0  }
0x2d7: {  	p2 =	por $0x1, $0x1;
	p1 =	por $0x1, $0x1;
	s20 =	smov.u32 @p0 s12  }
.LBB2_22:
0x2d8: {  	p3 =	sne.s32 s22, $0x77;
	s20 =	smov.u32 @p1 s18;
	s0 =	sadd.s32 $0x600, s17  }
0x2d9: {  	[hbm4b:s23+s3] =	stream.linear.scatter [tilespmem:s0], [sflag:$0x5], $0x80, $0x38;
	[tilespmem:$0x10400] =	vst v63  }
0x2da: {  	s1 =	sadd.s32 $0x800, s17;
	s2 =	sadd.s32 $0x200, s19;
	s0 =	smul.u32 $0x2800, s20  }
0x2db: {  	[hbm4b:s2+s3] =	stream.linear.scatter [tilespmem:s1], [sflag:$0x5], $0x80, $0x38;
	[tilespmem:$0x10400] =	vst v63  }
0x2dc: {  	s19 =	sadd.s32 $0x280, s19;
	s18 =	smov.u32 s22;
	s17 =	sshra.s32 s0, $0x2  }
0x2dd: {  	[hbm4b:s19+s3] =	stream.linear.scatter [tilespmem:s17], [sflag:$0x5], $0x80, $0x38;
	[tilespmem:$0x10400] =	vst v63  }
0x2de: {  	s21 =	sadd.s32 $0x3, s21;
	s0 =	sshll.u32 s22, $0x18;
	s1 =	smul.u32 $0xAB, s22  }
0x2df: {  	p1 =	slt.u32 s22, $0x6;
	s2 =	smulhi.u32 $0xAAAAAAAB, s22;
	s0 =	sadd.s32 $0xC4000000, s0  }
0x2e0: {  	p4 =	slt.u32 s22, $0x3C;
	p0 =	slt.u32 s22, $0x42;
	s0 =	sshra.s32 s0, $0x18  }
0x2e1: {  	s1 =	sshrl.u32 s1, $0x9;
	s2 =	sshrl.u32 s2, $0x1;
	s0 =	smul.u32 $0x56, s0  }
0x2e2: {  	s6 =	sadd.s32 $0x100, s19;
	s1 =	sand.u32 $0x7F, s1;
	s2 =	smul.u32 $0x3, s2  }
0x2e3: {  	s12 =	sadd.s32 $0x6, s1;
	s7 =	sshrl.u32 s0, $0x1F;
	s0 =	sshrl.u32 s0, $0x8  }
0x2e4: {  	s20 =	sadd.s32 $0xFFFFFFF2, s1;
	s0 =	sadd.s32 s7, s0;
	s7 =	sadd.s32 $0x80, s19  }
0x2e5: {  	s1 =	sadd.s32 $0x200, s17;
	s23 =	sadd.s32 $0x1, s2;
	s0 =	sshll.u32 s0, $0x18  }
0x2e6: {  	p5 =	seq.s32 s2, s22;
	p6 =	seq.s32 s23, s22;
	s0 =	sshra.s32 s0, $0x18  }
0x2e7: {  	s12 =	simm.s32 @p6 $0x7;
	s20 =	simm.s32 @p6 $0x5;
	s0 =	sshll.u32 s0, $0x3  }
.Ltmp12:
0x2e8: {  	s20 =	simm.s32 @p5 $0x2;
	s0 =	ssub.s32 s21, s0;
	(pc) =	sbr.rel @p3 .LBB2_22-.Ltmp12, $4  }
0x2e9: {  	[hbm4b:s7+s3] =	stream.linear.scatter [tilespmem:s1], [sflag:$0x5], $0x80, $0x38;
	[tilespmem:$0x10400] =	vst v63  }
0x2ea: {  	s12 =	simm.s32 @p5 $0x6;
	s20 =	smov.u32 @p0 s0;
	s0 =	sadd.s32 $0x400, s17  }
0x2eb: {  	[hbm4b:s6+s3] =	stream.linear.scatter [tilespmem:s0], [sflag:$0x5], $0x80, $0x38;
	[tilespmem:$0x10400] =	vst v63  }
0x2ec: {  	s22 =	sadd.s32 $0x1, s22;
	s23 =	sadd.s32 $0x180, s19;
	s20 =	smov.u32 @p4 s12  }
0x2ed: {  	s21 =	smov.u32 s18  }
.LBB2_24:
0x2ee: {  	s20 =	smov.u32 @p1 s21;
	s0 =	sadd.s32 @p2 $0x600, s17  }
0x2ef: {  	[hbm4b:s23+s3] =	stream.linear.scatter @p2 [tilespmem:s0], [sflag:$0x5], $0x80, $0x38;
	[tilespmem:$0x10400] =	vst v63  }
0x2f0: {  	s1 =	sadd.s32 @p2 $0x800, s17;
	s2 =	sadd.s32 @p2 $0x200, s19;
	s23 =	smul.u32 $0x2800, s20  }
0x2f1: {  	[hbm4b:s2+s3] =	stream.linear.scatter @p2 [tilespmem:s1], [sflag:$0x5], $0x80, $0x38;
	[tilespmem:$0x10400] =	vst v63  }
0x2f2: {  	s1 =	sadd.s32 @p2 $0x280, s19  }
0x2f3: {  	s15 =	sadd.s32 $0x1, s15;
	s0 =	sshra.s32 s23, $0x2;
	s16 =	smov.u32 @p2 s1  }
0x2f4: {  	[hbm4b:s16+s3] =	stream.linear.scatter [tilespmem:s0], [sflag:$0x5], $0x80, $0x38;
	[tilespmem:$0x10400] =	vst v63  }
0x2f5: {  	s31 =	sld [smem:$0x7FD];
	s24 =	sadd.s32 $0x200, s0;
	s1 =	sadd.s32 $0x80, s16  }
0x2f6: {  	[hbm4b:s1+s3] =	stream.linear.scatter [tilespmem:s24], [sflag:$0x5], $0x80, $0x38;
	[tilespmem:$0x10400] =	vst v63  }
0x2f7: {  	p0 =	sne.s32 s15, $0x8;
	s26 =	sadd.s32 $0x400, s0;
	s25 =	sadd.s32 $0x100, s16  }
0x2f8: {  	[hbm4b:s25+s3] =	stream.linear.scatter [tilespmem:s26], [sflag:$0x5], $0x80, $0x38;
	[tilespmem:$0x10400] =	vst v63  }
.Ltmp13:
0x2f9: {  	s14 =	sadd.s32 $0x4, s14;
	p6 =	seq.s32 s31, $0x1;
	(pc) =	sbr.rel @p0 .LBB2_4-.Ltmp13, $4  }
.Ltmp14:
0x2fa: {  	s29 =	sadd.s32 $0x600, s0;
	s28 =	sadd.s32 $0x180, s16;
	(pc) =	sbr.rel @!p0 .LBB2_25-.Ltmp14, $4  }
0x2fb: {  	[hbm4b:s28+s3] =	stream.linear.scatter [tilespmem:s29], [sflag:$0x5], $0x80, $0x38;
	[tilespmem:$0x10400] =	vst v63  }
0x2fc: {  	p1 =	por !p6, !p6;
	s0 =	sadd.s32 $0x800, s0;
	s30 =	sadd.s32 $0x200, s16  }
0x2fd: {  	[hbm4b:s30+s3] =	stream.linear.scatter [tilespmem:s0], [sflag:$0x5], $0x80, $0x38;
	[tilespmem:$0x10400] =	vst v63  }
0x2fe: {  	_ = 	snop  }
.LBB2_7:
.Ltmp15:
0x2ff: {  	(pc) =	sbr.rel .LBB2_12-.Ltmp15, $3  }
0x300: {  	_ =	sdelay $0x1  }
0x301: {  	p3 =	por $0x1, $0x1  }
0x302: {  	s30 =	simm.s32 $0x0;
	s26 =	smov.u32 s18;
	p2 =	por $0x0, $0x0  }
.LBB2_13:
.Ltmp16:
0x303: {  	(pc) =	sbr.rel .LBB2_18-.Ltmp16, $2  }
0x304: {  	_ =	sdelay $0x2  }
0x305: {  	s23 =	smov.u32 s17  }
.LBB2_19:
.Ltmp17:
0x306: {  	(pc) =	sbr.rel .LBB2_24-.Ltmp17, $2  }
0x307: {  	_ =	sdelay $0x2  }
0x308: {  	s19 =	smov.u32 s16  }
.LBB2_9:
.Ltmp18:
0x309: {  	(pc) =	sbr.rel .LBB2_12-.Ltmp18, $4  }
0x30a: {  	_ = 	snop  }
0x30b: {  	s30 =	simm.s32 $0x1  }
0x30c: {  	s26 =	smov.u32 s18;
	p6 =	por $0x0, $0x0;
	p4 =	por $0x1, $0x1  }
0x30d: {  	p5 =	por $0x1, $0x1;
	p0 =	por $0x1, $0x1;
	p2 =	por $0x1, $0x1  }
.LBB2_15:
.Ltmp19:
0x30e: {  	(pc) =	sbr.rel .LBB2_18-.Ltmp19, $2  }
0x30f: {  	_ =	sdelay $0x2  }
0x310: {  	s19 =	simm.s32 $0x1;
	s23 =	smov.u32 s17  }
.LBB2_21:
.Ltmp20:
0x311: {  	(pc) =	sbr.rel .LBB2_24-.Ltmp20, $2  }
0x312: {  	_ =	sdelay $0x2  }
0x313: {  	s21 =	simm.s32 $0x1;
	s19 =	smov.u32 s16  }
.LBB2_26:
0x314: {  	_ =	sfence.sel $0x180000  }
0x315: {  	[bflag:$0x0] =	sbarrier.arrive $0xFFFF  }
0x316: {  	_ =	strace $0x90000047  }
0x317: {  	s0 =	stileid.u32;
	[bflag:$0x2] =	sbarrier.arrive $0xFFFF  }
0x318: {  	p0 =	sne.s32 s0, $0x0;
	s0 =	rddreg [dreg:$0x2]  }
0x319: {  	s0 =	sadd.s32 @!p0 $0x100000, s0  }
0x31a: {  	[sflag:s0] =	ssyncadd.tile.s32 @!p0 $0x1;
	_ =	shalt  }
.Lfunc_end2:
_tile_overlayer_lowered:
.L_overlay_start_2:
0x31b: {  	(tag) =	ssettag $0x2  }
0x31c: {  	s0 =	rddreg [dreg:$0x0];
	s2 =	stileid.u32  }
0x31d: {  	s1 =	rddreg [dreg:$0x1];
	p0 =	sne.s32 s2, $0x0  }
0x31e: {  	s3 =	rddreg [dreg:$0x2];
	[bflag:$0x3] =	sbarrier.arrive $0xFFFF;
	s2 =	simm.s32 @!p0 $0x1C06  }
0x31f: {  	[timem:s3], [sflag:s2] =	dma.local @!p0 [hbm:s0], s1  }
0x320: {  	s0 =	simm.s32 @!p0 $0x6  }
0x321: {  	_ =	swait.ge @!p0 [sflag:s0], s1  }
0x322: {  	s1 =	ssub.s32 @!p0 $0x0, s1;
	[sflag:s0] =	ssyncset.done @!p0 $0x0  }
0x323: {  	[sflag:s0] =	ssyncadd.s32 @!p0 s1  }
0x324: {  	[bflag:$0x3] =	sbarrier.arrive $0xFFFF  }
0x325: {  	_ =	shalt  }

</sc_bundles>
